<compile_context>
chip_gen: v7x
topology: tpu7x:2x2x1
jax: 0.10.2.dev20260603
libtpu: 0.0.44.dev20260713+nightly
codegen_flags: <defaults>
</compile_context>

<pallas_src>
import functools

import jax
import jax.numpy as jnp
from jax import lax
from jax.experimental import pallas as pl
from jax.experimental.pallas import tpu as pltpu
from jax.experimental.pallas import tpu_sc as plsc

_NSUBQ = 4
_K = 256
_D = 64
_W = 64
_P = 196
_N = _W * _P
_PC = 49
_CHUNK = _PC * _W
_NCHUNK = _N // _CHUNK

_NC = 2
_NS = 16
_NW = _NC * _NS
_CPW = _K // _NW
_WH = _W // 4


def _idx_body(cb2_ref, b2_ref, x_ref, idx_ref):
    cb2 = cb2_ref[0]
    b2 = b2_ref[0]
    for c in range(_NCHUNK):
        xc = x_ref[0, 0, :, c * _CHUNK:(c + 1) * _CHUNK]
        s = lax.dot(cb2, xc, preferred_element_type=jnp.float32,
                    precision=lax.Precision.DEFAULT)
        s = s + b2
        m = jnp.min(s, axis=0, keepdims=True)
        iota = lax.broadcasted_iota(jnp.int32, s.shape, 0)
        idx = jnp.min(jnp.where(s <= m, iota, jnp.int32(1 << 30)),
                      axis=0, keepdims=True)
        idx_ref[0, 0, :, c * _CHUNK:(c + 1) * _CHUNK] = idx


def _indices(xr, cb2, b2, batch):
    return pl.pallas_call(
        _idx_body,
        grid=(batch, _NSUBQ),
        in_specs=[
            pl.BlockSpec((1, _K, _D), lambda b, i: (i, 0, 0)),
            pl.BlockSpec((1, _K, 1), lambda b, i: (i, 0, 0)),
            pl.BlockSpec((1, 1, _D, _N), lambda b, i: (b, i, 0, 0)),
        ],
        out_specs=pl.BlockSpec((1, 1, 1, _N), lambda b, i: (b, i, 0, 0)),
        out_shape=jax.ShapeDtypeStruct((batch, _NSUBQ, 1, _N), jnp.int32),
        compiler_params=pltpu.CompilerParams(
            dimension_semantics=("parallel", "arbitrary")),
    )(cb2, b2, xr)


def _sc_gather(cbt, idx_all, batch):
    mesh = plsc.VectorSubcoreMesh(core_axis_name="c", subcore_axis_name="s")

    @functools.partial(
        pl.kernel, mesh=mesh,
        out_type=jax.ShapeDtypeStruct((batch, _K, _W, _P), jnp.float32),
        compiler_params=pltpu.CompilerParams(needs_layout_passes=False),
        scratch_types=[
            pltpu.VMEM((_CPW * _K,), jnp.float32),
            pltpu.VMEM((_N,), jnp.int32),
            pltpu.VMEM((2, _CPW, _WH, _P), jnp.float32),
            pltpu.SemaphoreType.DMA,
            pltpu.SemaphoreType.DMA,
        ],
    )
    def k(cbt_hbm, idx_hbm, out_hbm, cb_v, idx_v, buf_v, sem0, sem1):
        wid = lax.axis_index("s") * _NC + lax.axis_index("c")
        sq = wid // (_NW // _NSUBQ)
        c0 = (wid % (_NW // _NSUBQ)) * _CPW
        ch0 = sq * _D + c0
        pltpu.sync_copy(cbt_hbm.at[sq, pl.ds(c0 * _K, _CPW * _K)], cb_v)
        iota64 = lax.broadcasted_iota(jnp.int32, (16,), 0) * jnp.int32(_W)

        def step(t, carry):
            b = t // 4
            half = t % 4
            bank = t % 2

            @pl.when(half == 0)
            def _():
                pltpu.sync_copy(idx_hbm.at[b, sq, 0, :], idx_v)

            dst = out_hbm.at[b, pl.ds(ch0, _CPW), pl.ds(half * _WH, _WH), :]

            @pl.when((t >= 2) & (bank == 0))
            def _():
                pltpu.make_async_copy(buf_v.at[0], dst, sem0).wait()

            @pl.when((t >= 2) & (bank == 1))
            def _():
                pltpu.make_async_copy(buf_v.at[1], dst, sem1).wait()

            bbuf = buf_v.at[bank]

            @plsc.parallel_loop(0, _WH, unroll=2)
            def inner(u):
                w = jnp.int32(half * _WH) + u
                for j in range(13):
                    off = 180 if j == 12 else j * 16
                    pos = iota64 + (jnp.int32(off * _W) + w)
                    idxv = plsc.load_gather(idx_v, [pos])
                    for c in range(_CPW):
                        vals = plsc.load_gather(
                            cb_v, [idxv + jnp.int32(c * _K)])
                        bbuf[c, u, pl.ds(off, 16)] = vals

            @pl.when(bank == 0)
            def _():
                pltpu.make_async_copy(buf_v.at[0], dst, sem0).start()

            @pl.when(bank == 1)
            def _():
                pltpu.make_async_copy(buf_v.at[1], dst, sem1).start()

            return carry

        lax.fori_loop(0, batch * 4, step, 0)
        tail = out_hbm.at[0, pl.ds(ch0, _CPW), pl.ds(0, _WH), :]
        pltpu.make_async_copy(buf_v.at[0], tail, sem0).wait()
        pltpu.make_async_copy(buf_v.at[1], tail, sem1).wait()

    return k(cbt, idx_all)


def kernel(x, codebooks):
    batch = x.shape[0]
    xr = x.reshape(batch, _NSUBQ, _D, _N)
    cb2 = -2.0 * codebooks
    b2 = jnp.sum(codebooks * codebooks, axis=2)[:, :, None]
    cbt = jnp.swapaxes(codebooks, 1, 2).reshape(_NSUBQ, _D * _K)
    idx_all = _indices(xr, cb2, b2, batch)
    return _sc_gather(cbt, idx_all, batch)

# --- scband reference (transcript-rebuilt; emitter-appended) ---
"""Pipeline reference for scband-product-quantizer-21964462751905 (READ-ONLY COPY).

The authoritative reference and input builder live on the scoring server;
editing this copy changes nothing except your own understanding.
"""

import jax, jax.numpy as jnp
import numpy as np

NSUBQ = 4
NUM_BITS = 16
CHANNELS = 256
SUB_CHANNELS = CHANNELS // NSUBQ
SUB_BITS = NUM_BITS // 2
CODEBOOK_SIZE = 2 ** SUB_BITS


def setup_inputs(seed: int = 0) -> dict:
    key = jax.random.key(seed)
    k1, k2 = jax.random.split(key)
    x = jax.random.normal(k1, (4, CHANNELS, 64, 196), dtype=jnp.float32)
    codebooks = jax.random.normal(k2, (NSUBQ, CODEBOOK_SIZE, SUB_CHANNELS), dtype=jnp.float32)
    return {"x": x, "codebooks": codebooks}


def _cdist(a, b):
    # faithful euclidean cdist: (N, d) x (K, d) -> (N, K)
    a2 = jnp.sum(a * a, axis=1, keepdims=True)
    b2 = jnp.sum(b * b, axis=1)
    d2 = a2 - 2.0 * (a @ b.T) + b2[None, :]
    return jnp.sqrt(jnp.maximum(d2, 0.0))


def reference(x, codebooks):
    batch, channels, window, n_patches = x.shape
    sub_channels = channels // NSUBQ
    x_sub = x.reshape(batch, NSUBQ, sub_channels, window, n_patches)
    quantized_sub = []
    for i in range(NSUBQ):
        # permute(0, 2, 3, 1): (batch, sub_channels, window, n_patches) -> (batch, window, n_patches, sub_channels)
        x_sub_i = jnp.transpose(x_sub[:, i], (0, 2, 3, 1))
        x_sub_flat = x_sub_i.reshape(batch * n_patches * window, sub_channels)
        distances = _cdist(x_sub_flat, codebooks[i])
        indices = jnp.argmin(distances, axis=1)
        quantized_flat = jnp.take(codebooks[i], indices, axis=0)
        # NOTE: faithful to the original torch code, which reshapes the
        # (batch, window, n_patches, ...) ordered data into
        # (batch, n_patches, window, ...) shape without a permute.
        quantized_i = quantized_flat.reshape(batch, n_patches, window, sub_channels)
        quantized_sub.append(quantized_i)
    quantized = jnp.concatenate(quantized_sub, axis=3)
    quantized = jnp.transpose(quantized, (0, 3, 2, 1))
    return quantized

if __name__ == "__main__":
    import jax
    _d = setup_inputs()
    print(jax.jit(kernel)(*tuple(_d.values())))

</pallas_src>

<mosaic_0001>
#map = affine_map<(d0, d1) -> (0, 0)>
#map1 = affine_map<(d0, d1) -> (0, 0, 0, 0)>
module attributes {stable_mosaic.version = 14 : i64} {
  func.func @k(%arg0: i32, %arg1: i32, %arg2: memref<4x16384xf32, #tpu.memory_space<hbm>>, %arg3: memref<4x4x1x12544xi32, #tpu.memory_space<hbm>>, %arg4: memref<4x256x64x196xf32, #tpu.memory_space<hbm>>, %arg5: memref<2048xf32, #tpu.memory_space<vmem>>, %arg6: memref<12544xi32, #tpu.memory_space<vmem>>, %arg7: memref<2x8x16x196xf32, #tpu.memory_space<vmem>>, %arg8: memref<!tpu.dma_semaphore, #tpu.memory_space<semaphore_mem>>, %arg9: memref<!tpu.dma_semaphore, #tpu.memory_space<semaphore_mem>>) attributes {dimension_semantics = [#tpu.dimension_semantics<core_parallel>, #tpu.dimension_semantics<subcore_parallel>], iteration_bounds = array<i64: 2, 16>, scalar_prefetch = 0 : i64, scratch_operands = 5 : i64, tpu.core_type = #tpu.core_type<sc_vector_subcore>, window_params = [{transform_indices = #map}, {transform_indices = #map1}, {transform_indices = #map1}]} {
    %mul3A = arith.constant 2 : i32
    %mul3A_0 = arith.muli %arg1, %mul3A : i32
    %add3A = arith.addi %mul3A_0, %arg0 : i32
    %jit3A = arith.constant 8 : i32
    %div3A = arith.divsi %add3A, %jit3A : i32
    %sign3A = arith.constant 0 : i32
    %sign3A_1 = arith.cmpi sgt, %add3A, %sign3A : i32
    %sign3A_2 = arith.extui %sign3A_1 : i1 to i32
    %sign3A_3 = arith.constant 0 : i32
    %sign3A_4 = arith.cmpi slt, %add3A, %sign3A_3 : i32
    %sign3A_5 = arith.extui %sign3A_4 : i1 to i32
    %sign3A_6 = arith.subi %sign3A_2, %sign3A_5 : i32
    %sign3A_7 = arith.constant 0 : i32
    %sign3A_8 = arith.cmpi sgt, %jit3A, %sign3A_7 : i32
    %sign3A_9 = arith.extui %sign3A_8 : i1 to i32
    %sign3A_10 = arith.constant 0 : i32
    %sign3A_11 = arith.cmpi slt, %jit3A, %sign3A_10 : i32
    %sign3A_12 = arith.extui %sign3A_11 : i1 to i32
    %sign3A_13 = arith.subi %sign3A_9, %sign3A_12 : i32
    %ne3A = arith.cmpi ne, %sign3A_6, %sign3A_13 : i32
    %rem3A = arith.remsi %add3A, %jit3A : i32
    %ne3A_14 = arith.constant 0 : i32
    %ne3A_15 = arith.cmpi ne, %rem3A, %ne3A_14 : i32
    %and3A = arith.andi %ne3A, %ne3A_15 : i1
    %sub3A = arith.constant 1 : i32
    %sub3A_16 = arith.subi %div3A, %sub3A : i32
    %select_n3A = arith.select %and3A, %sub3A_16, %div3A : i32
    %jit3A_17 = arith.constant 8 : i32
    %eq3A = arith.constant 0 : i32
    %eq3A_18 = arith.cmpi eq, %jit3A_17, %eq3A : i32
    %jit3A_19 = arith.constant 1 : i32
    %select_n3A_20 = arith.select %eq3A_18, %jit3A_19, %jit3A_17 : i32
    %rem3A_21 = arith.remsi %add3A, %select_n3A_20 : i32
    %ne3A_22 = arith.constant 0 : i32
    %ne3A_23 = arith.cmpi ne, %rem3A_21, %ne3A_22 : i32
    %lt3A = arith.constant 0 : i32
    %lt3A_24 = arith.cmpi slt, %rem3A_21, %lt3A : i32
    %lt3A_25 = arith.constant 0 : i32
    %lt3A_26 = arith.cmpi slt, %select_n3A_20, %lt3A_25 : i32
    %ne3A_27 = arith.xori %lt3A_24, %lt3A_26 : i1
    %and3A_28 = arith.andi %ne3A_27, %ne3A_23 : i1
    %add3A_29 = arith.addi %rem3A_21, %select_n3A_20 : i32
    %select_n3A_30 = arith.select %and3A_28, %add3A_29, %rem3A_21 : i32
    %mul3A_31 = arith.constant 8 : i32
    %mul3A_32 = arith.muli %select_n3A_30, %mul3A_31 : i32
    %mul3A_33 = arith.constant 64 : i32
    %mul3A_34 = arith.muli %select_n3A, %mul3A_33 : i32
    %add3A_35 = arith.addi %mul3A_34, %mul3A_32 : i32
    %mul3A_36 = arith.constant 256 : i32
    %mul3A_37 = arith.muli %mul3A_32, %mul3A_36 : i32
    "tpu.region"() ({
      %run_scoped3A = tpu.sem_alloc : memref<!tpu.dma_semaphore, #tpu.memory_space<semaphore_mem>>
      %dma_start3A = tpu.memref_slice %arg2[%select_n3A, %mul3A_37] : memref<4x16384xf32, #tpu.memory_space<hbm>> -> memref<1x2048xf32, #tpu.memory_space<hbm>>
      %dma_start3A_85 = tpu.memref_squeeze %dma_start3A : memref<1x2048xf32, #tpu.memory_space<hbm>> -> memref<2048xf32, #tpu.memory_space<hbm>>
      %dma_start3A_86 = tpu.memref_slice %arg2[%select_n3A, %mul3A_37] : memref<4x16384xf32, #tpu.memory_space<hbm>> -> memref<1x2048xf32, #tpu.memory_space<hbm>>
      %dma_start3A_87 = tpu.memref_squeeze %dma_start3A_86 : memref<1x2048xf32, #tpu.memory_space<hbm>> -> memref<2048xf32, #tpu.memory_space<hbm>>
      tpu.enqueue_dma source(%dma_start3A_87 : memref<2048xf32, #tpu.memory_space<hbm>>) target(%arg5 : memref<2048xf32, #tpu.memory_space<vmem>>) target_semaphore(%run_scoped3A : memref<!tpu.dma_semaphore, #tpu.memory_space<semaphore_mem>>)
      %dma_wait3A_88 = tpu.memref_slice %arg2[%select_n3A, %mul3A_37] : memref<4x16384xf32, #tpu.memory_space<hbm>> -> memref<1x2048xf32, #tpu.memory_space<hbm>>
      %dma_wait3A_89 = tpu.memref_squeeze %dma_wait3A_88 : memref<1x2048xf32, #tpu.memory_space<hbm>> -> memref<2048xf32, #tpu.memory_space<hbm>>
      %dma_wait3A_90 = tpu.memref_slice %arg2[%select_n3A, %mul3A_37] : memref<4x16384xf32, #tpu.memory_space<hbm>> -> memref<1x2048xf32, #tpu.memory_space<hbm>>
      %dma_wait3A_91 = tpu.memref_squeeze %dma_wait3A_90 : memref<1x2048xf32, #tpu.memory_space<hbm>> -> memref<2048xf32, #tpu.memory_space<hbm>>
      tpu.wait_dma2 semaphore(%run_scoped3A : memref<!tpu.dma_semaphore, #tpu.memory_space<semaphore_mem>>) src(%dma_wait3A_91 : memref<2048xf32, #tpu.memory_space<hbm>>) dst(%arg5 : memref<2048xf32, #tpu.memory_space<vmem>>)
      tpu.yield
    }) : () -> ()
    %iota3A = tpu.iota {dimensions = array<i32: 0>} : vector<16xi32>
    %mul3A_38 = arith.constant 64 : i32
    %mul3A_39 = vector.broadcast %mul3A_38 : i32 to vector<16xi32>
    %mul3A_40 = arith.muli %iota3A, %mul3A_39 : vector<16xi32>
    %scan3A = arith.constant 0 : i32
    %scan3A_41 = arith.constant 0 : i32
    %scan3A_42 = arith.constant 16 : i32
    %scan3A_43 = arith.addi %scan3A_41, %scan3A_42 : i32
    %scan3A_44 = arith.constant 1 : i32
    scf.for %scan3A_85 = %scan3A_41 to %scan3A_43 step %scan3A_44  : i32 {
      %jit3A_86 = arith.constant 4 : i32
      %div3A_87 = arith.divsi %scan3A_85, %jit3A_86 : i32
      %sign3A_88 = arith.constant 0 : i32
      %sign3A_89 = arith.cmpi sgt, %scan3A_85, %sign3A_88 : i32
      %sign3A_90 = arith.extui %sign3A_89 : i1 to i32
      %sign3A_91 = arith.constant 0 : i32
      %sign3A_92 = arith.cmpi slt, %scan3A_85, %sign3A_91 : i32
      %sign3A_93 = arith.extui %sign3A_92 : i1 to i32
      %sign3A_94 = arith.subi %sign3A_90, %sign3A_93 : i32
      %sign3A_95 = arith.constant 0 : i32
      %sign3A_96 = arith.cmpi sgt, %jit3A_86, %sign3A_95 : i32
      %sign3A_97 = arith.extui %sign3A_96 : i1 to i32
      %sign3A_98 = arith.constant 0 : i32
      %sign3A_99 = arith.cmpi slt, %jit3A_86, %sign3A_98 : i32
      %sign3A_100 = arith.extui %sign3A_99 : i1 to i32
      %sign3A_101 = arith.subi %sign3A_97, %sign3A_100 : i32
      %ne3A_102 = arith.cmpi ne, %sign3A_94, %sign3A_101 : i32
      %rem3A_103 = arith.remsi %scan3A_85, %jit3A_86 : i32
      %ne3A_104 = arith.constant 0 : i32
      %ne3A_105 = arith.cmpi ne, %rem3A_103, %ne3A_104 : i32
      %and3A_106 = arith.andi %ne3A_102, %ne3A_105 : i1
      %sub3A_107 = arith.constant 1 : i32
      %sub3A_108 = arith.subi %div3A_87, %sub3A_107 : i32
      %select_n3A_109 = arith.select %and3A_106, %sub3A_108, %div3A_87 : i32
      %jit3A_110 = arith.constant 4 : i32
      %eq3A_111 = arith.constant 0 : i32
      %eq3A_112 = arith.cmpi eq, %jit3A_110, %eq3A_111 : i32
      %jit3A_113 = arith.constant 1 : i32
      %select_n3A_114 = arith.select %eq3A_112, %jit3A_113, %jit3A_110 : i32
      %rem3A_115 = arith.remsi %scan3A_85, %select_n3A_114 : i32
      %ne3A_116 = arith.constant 0 : i32
      %ne3A_117 = arith.cmpi ne, %rem3A_115, %ne3A_116 : i32
      %lt3A_118 = arith.constant 0 : i32
      %lt3A_119 = arith.cmpi slt, %rem3A_115, %lt3A_118 : i32
      %lt3A_120 = arith.constant 0 : i32
      %lt3A_121 = arith.cmpi slt, %select_n3A_114, %lt3A_120 : i32
      %ne3A_122 = arith.xori %lt3A_119, %lt3A_121 : i1
      %and3A_123 = arith.andi %ne3A_122, %ne3A_117 : i1
      %add3A_124 = arith.addi %rem3A_115, %select_n3A_114 : i32
      %select_n3A_125 = arith.select %and3A_123, %add3A_124, %rem3A_115 : i32
      %jit3A_126 = arith.constant 2 : i32
      %eq3A_127 = arith.constant 0 : i32
      %eq3A_128 = arith.cmpi eq, %jit3A_126, %eq3A_127 : i32
      %jit3A_129 = arith.constant 1 : i32
      %select_n3A_130 = arith.select %eq3A_128, %jit3A_129, %jit3A_126 : i32
      %rem3A_131 = arith.remsi %scan3A_85, %select_n3A_130 : i32
      %ne3A_132 = arith.constant 0 : i32
      %ne3A_133 = arith.cmpi ne, %rem3A_131, %ne3A_132 : i32
      %lt3A_134 = arith.constant 0 : i32
      %lt3A_135 = arith.cmpi slt, %rem3A_131, %lt3A_134 : i32
      %lt3A_136 = arith.constant 0 : i32
      %lt3A_137 = arith.cmpi slt, %select_n3A_130, %lt3A_136 : i32
      %ne3A_138 = arith.xori %lt3A_135, %lt3A_137 : i1
      %and3A_139 = arith.andi %ne3A_138, %ne3A_133 : i1
      %add3A_140 = arith.addi %rem3A_131, %select_n3A_130 : i32
      %select_n3A_141 = arith.select %and3A_139, %add3A_140, %rem3A_131 : i32
      %eq3A_142 = arith.constant 0 : i32
      %eq3A_143 = arith.cmpi eq, %select_n3A_125, %eq3A_142 : i32
      %convert_element_type3A = arith.extui %eq3A_143 : i1 to i32
      %cond3A = arith.constant 0 : i32
      %cond3A_144 = arith.cmpi ne, %convert_element_type3A, %cond3A : i32
      scf.if %cond3A_144 {
        %run_scoped3A = arith.constant 0 : i32
        "tpu.region"() ({
          %run_scoped3A_174 = tpu.sem_alloc : memref<!tpu.dma_semaphore, #tpu.memory_space<semaphore_mem>>
          %dma_start3A = arith.constant 0 : i32
          %dma_start3A_175 = tpu.memref_slice %arg3[%select_n3A_109, %select_n3A, %run_scoped3A, %dma_start3A] : memref<4x4x1x12544xi32, #tpu.memory_space<hbm>> -> memref<1x1x1x12544xi32, #tpu.memory_space<hbm>>
          %dma_start3A_176 = tpu.memref_squeeze %dma_start3A_175 : memref<1x1x1x12544xi32, #tpu.memory_space<hbm>> -> memref<12544xi32, #tpu.memory_space<hbm>>
          %dma_start3A_177 = arith.constant 0 : i32
          %dma_start3A_178 = tpu.memref_slice %arg3[%select_n3A_109, %select_n3A, %run_scoped3A, %dma_start3A_177] : memref<4x4x1x12544xi32, #tpu.memory_space<hbm>> -> memref<1x1x1x12544xi32, #tpu.memory_space<hbm>>
          %dma_start3A_179 = tpu.memref_squeeze %dma_start3A_178 : memref<1x1x1x12544xi32, #tpu.memory_space<hbm>> -> memref<12544xi32, #tpu.memory_space<hbm>>
          tpu.enqueue_dma source(%dma_start3A_179 : memref<12544xi32, #tpu.memory_space<hbm>>) target(%arg6 : memref<12544xi32, #tpu.memory_space<vmem>>) target_semaphore(%run_scoped3A_174 : memref<!tpu.dma_semaphore, #tpu.memory_space<semaphore_mem>>)
          %dma_wait3A_180 = arith.constant 0 : i32
          %dma_wait3A_181 = tpu.memref_slice %arg3[%select_n3A_109, %select_n3A, %run_scoped3A, %dma_wait3A_180] : memref<4x4x1x12544xi32, #tpu.memory_space<hbm>> -> memref<1x1x1x12544xi32, #tpu.memory_space<hbm>>
          %dma_wait3A_182 = tpu.memref_squeeze %dma_wait3A_181 : memref<1x1x1x12544xi32, #tpu.memory_space<hbm>> -> memref<12544xi32, #tpu.memory_space<hbm>>
          %dma_wait3A_183 = arith.constant 0 : i32
          %dma_wait3A_184 = tpu.memref_slice %arg3[%select_n3A_109, %select_n3A, %run_scoped3A, %dma_wait3A_183] : memref<4x4x1x12544xi32, #tpu.memory_space<hbm>> -> memref<1x1x1x12544xi32, #tpu.memory_space<hbm>>
          %dma_wait3A_185 = tpu.memref_squeeze %dma_wait3A_184 : memref<1x1x1x12544xi32, #tpu.memory_space<hbm>> -> memref<12544xi32, #tpu.memory_space<hbm>>
          tpu.wait_dma2 semaphore(%run_scoped3A_174 : memref<!tpu.dma_semaphore, #tpu.memory_space<semaphore_mem>>) src(%dma_wait3A_185 : memref<12544xi32, #tpu.memory_space<hbm>>) dst(%arg6 : memref<12544xi32, #tpu.memory_space<vmem>>)
          tpu.yield
        }) : () -> ()
      } else {
      }
      %mul3A_145 = arith.constant 16 : i32
      %mul3A_146 = arith.muli %select_n3A_125, %mul3A_145 : i32
      %ge3A = arith.constant 2 : i32
      %ge3A_147 = arith.cmpi sge, %scan3A_85, %ge3A : i32
      %eq3A_148 = arith.constant 0 : i32
      %eq3A_149 = arith.cmpi eq, %select_n3A_141, %eq3A_148 : i32
      %and3A_150 = arith.andi %ge3A_147, %eq3A_149 : i1
      %convert_element_type3A_151 = arith.extui %and3A_150 : i1 to i32
      %cond3A_152 = arith.constant 0 : i32
      %cond3A_153 = arith.cmpi ne, %convert_element_type3A_151, %cond3A_152 : i32
      scf.if %cond3A_153 {
        %dma_wait3A_174 = arith.constant 0 : i32
        %dma_wait3A_175 = arith.constant 0 : i32
        %dma_wait3A_176 = arith.constant 0 : i32
        %dma_wait3A_177 = arith.constant 0 : i32
        %dma_wait3A_178 = tpu.memref_slice %arg7[%dma_wait3A_174, %dma_wait3A_175, %dma_wait3A_176, %dma_wait3A_177] : memref<2x8x16x196xf32, #tpu.memory_space<vmem>> -> memref<1x8x16x196xf32, #tpu.memory_space<vmem>>
        %dma_wait3A_179 = tpu.memref_squeeze %dma_wait3A_178 : memref<1x8x16x196xf32, #tpu.memory_space<vmem>> -> memref<8x16x196xf32, #tpu.memory_space<vmem>>
        %dma_wait3A_180 = arith.constant 0 : i32
        %dma_wait3A_181 = tpu.memref_slice %arg4[%select_n3A_109, %add3A_35, %mul3A_146, %dma_wait3A_180] : memref<4x256x64x196xf32, #tpu.memory_space<hbm>> -> memref<1x8x16x196xf32, #tpu.memory_space<hbm>>
        %dma_wait3A_182 = tpu.memref_squeeze %dma_wait3A_181 : memref<1x8x16x196xf32, #tpu.memory_space<hbm>> -> memref<8x16x196xf32, #tpu.memory_space<hbm>>
        %dma_wait3A_183 = arith.constant 0 : i32
        %dma_wait3A_184 = tpu.memref_slice %arg4[%select_n3A_109, %add3A_35, %mul3A_146, %dma_wait3A_183] : memref<4x256x64x196xf32, #tpu.memory_space<hbm>> -> memref<1x8x16x196xf32, #tpu.memory_space<hbm>>
        %dma_wait3A_185 = tpu.memref_squeeze %dma_wait3A_184 : memref<1x8x16x196xf32, #tpu.memory_space<hbm>> -> memref<8x16x196xf32, #tpu.memory_space<hbm>>
        %dma_wait3A_186 = arith.constant 0 : i32
        %dma_wait3A_187 = arith.constant 0 : i32
        %dma_wait3A_188 = arith.constant 0 : i32
        %dma_wait3A_189 = tpu.memref_slice %arg7[%dma_wait3A_174, %dma_wait3A_186, %dma_wait3A_187, %dma_wait3A_188] : memref<2x8x16x196xf32, #tpu.memory_space<vmem>> -> memref<1x8x16x196xf32, #tpu.memory_space<vmem>>
        %dma_wait3A_190 = tpu.memref_squeeze %dma_wait3A_189 : memref<1x8x16x196xf32, #tpu.memory_space<vmem>> -> memref<8x16x196xf32, #tpu.memory_space<vmem>>
        tpu.wait_dma2 semaphore(%arg8 : memref<!tpu.dma_semaphore, #tpu.memory_space<semaphore_mem>>) src(%dma_wait3A_190 : memref<8x16x196xf32, #tpu.memory_space<vmem>>) dst(%dma_wait3A_185 : memref<8x16x196xf32, #tpu.memory_space<hbm>>)
      } else {
      }
      %ge3A_154 = arith.constant 2 : i32
      %ge3A_155 = arith.cmpi sge, %scan3A_85, %ge3A_154 : i32
      %eq3A_156 = arith.constant 1 : i32
      %eq3A_157 = arith.cmpi eq, %select_n3A_141, %eq3A_156 : i32
      %and3A_158 = arith.andi %ge3A_155, %eq3A_157 : i1
      %convert_element_type3A_159 = arith.extui %and3A_158 : i1 to i32
      %cond3A_160 = arith.constant 0 : i32
      %cond3A_161 = arith.cmpi ne, %convert_element_type3A_159, %cond3A_160 : i32
      scf.if %cond3A_161 {
        %dma_wait3A_174 = arith.constant 1 : i32
        %dma_wait3A_175 = arith.constant 0 : i32
        %dma_wait3A_176 = arith.constant 0 : i32
        %dma_wait3A_177 = arith.constant 0 : i32
        %dma_wait3A_178 = tpu.memref_slice %arg7[%dma_wait3A_174, %dma_wait3A_175, %dma_wait3A_176, %dma_wait3A_177] : memref<2x8x16x196xf32, #tpu.memory_space<vmem>> -> memref<1x8x16x196xf32, #tpu.memory_space<vmem>>
        %dma_wait3A_179 = tpu.memref_squeeze %dma_wait3A_178 : memref<1x8x16x196xf32, #tpu.memory_space<vmem>> -> memref<8x16x196xf32, #tpu.memory_space<vmem>>
        %dma_wait3A_180 = arith.constant 0 : i32
        %dma_wait3A_181 = tpu.memref_slice %arg4[%select_n3A_109, %add3A_35, %mul3A_146, %dma_wait3A_180] : memref<4x256x64x196xf32, #tpu.memory_space<hbm>> -> memref<1x8x16x196xf32, #tpu.memory_space<hbm>>
        %dma_wait3A_182 = tpu.memref_squeeze %dma_wait3A_181 : memref<1x8x16x196xf32, #tpu.memory_space<hbm>> -> memref<8x16x196xf32, #tpu.memory_space<hbm>>
        %dma_wait3A_183 = arith.constant 0 : i32
        %dma_wait3A_184 = tpu.memref_slice %arg4[%select_n3A_109, %add3A_35, %mul3A_146, %dma_wait3A_183] : memref<4x256x64x196xf32, #tpu.memory_space<hbm>> -> memref<1x8x16x196xf32, #tpu.memory_space<hbm>>
        %dma_wait3A_185 = tpu.memref_squeeze %dma_wait3A_184 : memref<1x8x16x196xf32, #tpu.memory_space<hbm>> -> memref<8x16x196xf32, #tpu.memory_space<hbm>>
        %dma_wait3A_186 = arith.constant 0 : i32
        %dma_wait3A_187 = arith.constant 0 : i32
        %dma_wait3A_188 = arith.constant 0 : i32
        %dma_wait3A_189 = tpu.memref_slice %arg7[%dma_wait3A_174, %dma_wait3A_186, %dma_wait3A_187, %dma_wait3A_188] : memref<2x8x16x196xf32, #tpu.memory_space<vmem>> -> memref<1x8x16x196xf32, #tpu.memory_space<vmem>>
        %dma_wait3A_190 = tpu.memref_squeeze %dma_wait3A_189 : memref<1x8x16x196xf32, #tpu.memory_space<vmem>> -> memref<8x16x196xf32, #tpu.memory_space<vmem>>
        tpu.wait_dma2 semaphore(%arg9 : memref<!tpu.dma_semaphore, #tpu.memory_space<semaphore_mem>>) src(%dma_wait3A_190 : memref<8x16x196xf32, #tpu.memory_space<vmem>>) dst(%dma_wait3A_185 : memref<8x16x196xf32, #tpu.memory_space<hbm>>)
      } else {
      }
      %parallel_loop3A = arith.constant 0 : i32
      %parallel_loop3A_162 = arith.constant 16 : i32
      %parallel_loop3A_163 = arith.constant 1 : i32
      scf.for %parallel_loop3A_174 = %parallel_loop3A to %parallel_loop3A_162 step %parallel_loop3A_163  : i32 {
        %parallel_loop3A_175 = arith.constant 16 : i32
        %parallel_loop3A_176 = arith.muli %select_n3A_125, %parallel_loop3A_175 : i32
        %parallel_loop3A_177 = arith.addi %parallel_loop3A_176, %parallel_loop3A_174 : i32
        %parallel_loop3A_178 = arith.constant 0 : i32
        %parallel_loop3A_179 = arith.addi %parallel_loop3A_178, %parallel_loop3A_177 : i32
        %parallel_loop3A_180 = vector.broadcast %parallel_loop3A_179 : i32 to vector<16xi32>
        %parallel_loop3A_181 = arith.addi %mul3A_40, %parallel_loop3A_180 : vector<16xi32>
        %parallel_loop3A_182 = tpu.vector_load_idx %arg6[%parallel_loop3A_181] : memref<12544xi32, #tpu.memory_space<vmem>>[vector<16xi32>], vector<16xi32>,
        %parallel_loop3A_183 = arith.constant 0 : i32
        %parallel_loop3A_184 = vector.broadcast %parallel_loop3A_183 : i32 to vector<16xi32>
        %parallel_loop3A_185 = arith.addi %parallel_loop3A_182, %parallel_loop3A_184 : vector<16xi32>
        %parallel_loop3A_186 = tpu.vector_load_idx %arg5[%parallel_loop3A_185] : memref<2048xf32, #tpu.memory_space<vmem>>[vector<16xi32>], vector<16xf32>,
        %parallel_loop3A_187 = arith.constant 0 : i32
        %parallel_loop3A_188 = arith.constant 0 : i32
        %parallel_loop3A_189 = arith.constant 0 : i32
        %parallel_loop3A_190 = arith.constant 0 : i32
        %parallel_loop3A_191 = tpu.memref_slice %arg7[%select_n3A_141, %parallel_loop3A_188, %parallel_loop3A_189, %parallel_loop3A_190] : memref<2x8x16x196xf32, #tpu.memory_space<vmem>> -> memref<1x8x16x196xf32, #tpu.memory_space<vmem>>
        %parallel_loop3A_192 = tpu.memref_squeeze %parallel_loop3A_191 : memref<1x8x16x196xf32, #tpu.memory_space<vmem>> -> memref<8x16x196xf32, #tpu.memory_space<vmem>>
        %parallel_loop3A_193 = arith.index_cast %parallel_loop3A_187 : i32 to index
        %parallel_loop3A_194 = arith.index_cast %parallel_loop3A_174 : i32 to index
        %parallel_loop3A_195 = arith.constant 0 : index
        %parallel_loop3A_196 = tpu.vector_load %parallel_loop3A_192[%parallel_loop3A_193, %parallel_loop3A_194, %parallel_loop3A_195] {strides = array<i32>} : memref<8x16x196xf32, #tpu.memory_space<vmem>>, vector<16xf32>,
        tpu.vector_store %parallel_loop3A_192[%parallel_loop3A_193, %parallel_loop3A_194, %parallel_loop3A_195], %parallel_loop3A_186 {strides = array<i32>} : memref<8x16x196xf32, #tpu.memory_space<vmem>>, vector<16xf32>,
        %parallel_loop3A_197 = arith.constant 256 : i32
        %parallel_loop3A_198 = vector.broadcast %parallel_loop3A_197 : i32 to vector<16xi32>
        %parallel_loop3A_199 = arith.addi %parallel_loop3A_182, %parallel_loop3A_198 : vector<16xi32>
        %parallel_loop3A_200 = tpu.vector_load_idx %arg5[%parallel_loop3A_199] : memref<2048xf32, #tpu.memory_space<vmem>>[vector<16xi32>], vector<16xf32>,
        %parallel_loop3A_201 = arith.constant 1 : i32
        %parallel_loop3A_202 = arith.constant 0 : i32
        %parallel_loop3A_203 = arith.constant 0 : i32
        %parallel_loop3A_204 = arith.constant 0 : i32
        %parallel_loop3A_205 = tpu.memref_slice %arg7[%select_n3A_141, %parallel_loop3A_202, %parallel_loop3A_203, %parallel_loop3A_204] : memref<2x8x16x196xf32, #tpu.memory_space<vmem>> -> memref<1x8x16x196xf32, #tpu.memory_space<vmem>>
        %parallel_loop3A_206 = tpu.memref_squeeze %parallel_loop3A_205 : memref<1x8x16x196xf32, #tpu.memory_space<vmem>> -> memref<8x16x196xf32, #tpu.memory_space<vmem>>
        %parallel_loop3A_207 = arith.index_cast %parallel_loop3A_201 : i32 to index
        %parallel_loop3A_208 = arith.index_cast %parallel_loop3A_174 : i32 to index
        %parallel_loop3A_209 = arith.constant 0 : index
        %parallel_loop3A_210 = tpu.vector_load %parallel_loop3A_206[%parallel_loop3A_207, %parallel_loop3A_208, %parallel_loop3A_209] {strides = array<i32>} : memref<8x16x196xf32, #tpu.memory_space<vmem>>, vector<16xf32>,
        tpu.vector_store %parallel_loop3A_206[%parallel_loop3A_207, %parallel_loop3A_208, %parallel_loop3A_209], %parallel_loop3A_200 {strides = array<i32>} : memref<8x16x196xf32, #tpu.memory_space<vmem>>, vector<16xf32>,
        %parallel_loop3A_211 = arith.constant 512 : i32
        %parallel_loop3A_212 = vector.broadcast %parallel_loop3A_211 : i32 to vector<16xi32>
        %parallel_loop3A_213 = arith.addi %parallel_loop3A_182, %parallel_loop3A_212 : vector<16xi32>
        %parallel_loop3A_214 = tpu.vector_load_idx %arg5[%parallel_loop3A_213] : memref<2048xf32, #tpu.memory_space<vmem>>[vector<16xi32>], vector<16xf32>,
        %parallel_loop3A_215 = arith.constant 2 : i32
        %parallel_loop3A_216 = arith.constant 0 : i32
        %parallel_loop3A_217 = arith.constant 0 : i32
        %parallel_loop3A_218 = arith.constant 0 : i32
        %parallel_loop3A_219 = tpu.memref_slice %arg7[%select_n3A_141, %parallel_loop3A_216, %parallel_loop3A_217, %parallel_loop3A_218] : memref<2x8x16x196xf32, #tpu.memory_space<vmem>> -> memref<1x8x16x196xf32, #tpu.memory_space<vmem>>
        %parallel_loop3A_220 = tpu.memref_squeeze %parallel_loop3A_219 : memref<1x8x16x196xf32, #tpu.memory_space<vmem>> -> memref<8x16x196xf32, #tpu.memory_space<vmem>>
        %parallel_loop3A_221 = arith.index_cast %parallel_loop3A_215 : i32 to index
        %parallel_loop3A_222 = arith.index_cast %parallel_loop3A_174 : i32 to index
        %parallel_loop3A_223 = arith.constant 0 : index
        %parallel_loop3A_224 = tpu.vector_load %parallel_loop3A_220[%parallel_loop3A_221, %parallel_loop3A_222, %parallel_loop3A_223] {strides = array<i32>} : memref<8x16x196xf32, #tpu.memory_space<vmem>>, vector<16xf32>,
        tpu.vector_store %parallel_loop3A_220[%parallel_loop3A_221, %parallel_loop3A_222, %parallel_loop3A_223], %parallel_loop3A_214 {strides = array<i32>} : memref<8x16x196xf32, #tpu.memory_space<vmem>>, vector<16xf32>,
        %parallel_loop3A_225 = arith.constant 768 : i32
        %parallel_loop3A_226 = vector.broadcast %parallel_loop3A_225 : i32 to vector<16xi32>
        %parallel_loop3A_227 = arith.addi %parallel_loop3A_182, %parallel_loop3A_226 : vector<16xi32>
        %parallel_loop3A_228 = tpu.vector_load_idx %arg5[%parallel_loop3A_227] : memref<2048xf32, #tpu.memory_space<vmem>>[vector<16xi32>], vector<16xf32>,
        %parallel_loop3A_229 = arith.constant 3 : i32
        %parallel_loop3A_230 = arith.constant 0 : i32
        %parallel_loop3A_231 = arith.constant 0 : i32
        %parallel_loop3A_232 = arith.constant 0 : i32
        %parallel_loop3A_233 = tpu.memref_slice %arg7[%select_n3A_141, %parallel_loop3A_230, %parallel_loop3A_231, %parallel_loop3A_232] : memref<2x8x16x196xf32, #tpu.memory_space<vmem>> -> memref<1x8x16x196xf32, #tpu.memory_space<vmem>>
        %parallel_loop3A_234 = tpu.memref_squeeze %parallel_loop3A_233 : memref<1x8x16x196xf32, #tpu.memory_space<vmem>> -> memref<8x16x196xf32, #tpu.memory_space<vmem>>
        %parallel_loop3A_235 = arith.index_cast %parallel_loop3A_229 : i32 to index
        %parallel_loop3A_236 = arith.index_cast %parallel_loop3A_174 : i32 to index
        %parallel_loop3A_237 = arith.constant 0 : index
        %parallel_loop3A_238 = tpu.vector_load %parallel_loop3A_234[%parallel_loop3A_235, %parallel_loop3A_236, %parallel_loop3A_237] {strides = array<i32>} : memref<8x16x196xf32, #tpu.memory_space<vmem>>, vector<16xf32>,
        tpu.vector_store %parallel_loop3A_234[%parallel_loop3A_235, %parallel_loop3A_236, %parallel_loop3A_237], %parallel_loop3A_228 {strides = array<i32>} : memref<8x16x196xf32, #tpu.memory_space<vmem>>, vector<16xf32>,
        %parallel_loop3A_239 = arith.constant 1024 : i32
        %parallel_loop3A_240 = vector.broadcast %parallel_loop3A_239 : i32 to vector<16xi32>
        %parallel_loop3A_241 = arith.addi %parallel_loop3A_182, %parallel_loop3A_240 : vector<16xi32>
        %parallel_loop3A_242 = tpu.vector_load_idx %arg5[%parallel_loop3A_241] : memref<2048xf32, #tpu.memory_space<vmem>>[vector<16xi32>], vector<16xf32>,
        %parallel_loop3A_243 = arith.constant 4 : i32
        %parallel_loop3A_244 = arith.constant 0 : i32
        %parallel_loop3A_245 = arith.constant 0 : i32
        %parallel_loop3A_246 = arith.constant 0 : i32
        %parallel_loop3A_247 = tpu.memref_slice %arg7[%select_n3A_141, %parallel_loop3A_244, %parallel_loop3A_245, %parallel_loop3A_246] : memref<2x8x16x196xf32, #tpu.memory_space<vmem>> -> memref<1x8x16x196xf32, #tpu.memory_space<vmem>>
        %parallel_loop3A_248 = tpu.memref_squeeze %parallel_loop3A_247 : memref<1x8x16x196xf32, #tpu.memory_space<vmem>> -> memref<8x16x196xf32, #tpu.memory_space<vmem>>
        %parallel_loop3A_249 = arith.index_cast %parallel_loop3A_243 : i32 to index
        %parallel_loop3A_250 = arith.index_cast %parallel_loop3A_174 : i32 to index
        %parallel_loop3A_251 = arith.constant 0 : index
        %parallel_loop3A_252 = tpu.vector_load %parallel_loop3A_248[%parallel_loop3A_249, %parallel_loop3A_250, %parallel_loop3A_251] {strides = array<i32>} : memref<8x16x196xf32, #tpu.memory_space<vmem>>, vector<16xf32>,
        tpu.vector_store %parallel_loop3A_248[%parallel_loop3A_249, %parallel_loop3A_250, %parallel_loop3A_251], %parallel_loop3A_242 {strides = array<i32>} : memref<8x16x196xf32, #tpu.memory_space<vmem>>, vector<16xf32>,
        %parallel_loop3A_253 = arith.constant 1280 : i32
        %parallel_loop3A_254 = vector.broadcast %parallel_loop3A_253 : i32 to vector<16xi32>
        %parallel_loop3A_255 = arith.addi %parallel_loop3A_182, %parallel_loop3A_254 : vector<16xi32>
        %parallel_loop3A_256 = tpu.vector_load_idx %arg5[%parallel_loop3A_255] : memref<2048xf32, #tpu.memory_space<vmem>>[vector<16xi32>], vector<16xf32>,
        %parallel_loop3A_257 = arith.constant 5 : i32
        %parallel_loop3A_258 = arith.constant 0 : i32
        %parallel_loop3A_259 = arith.constant 0 : i32
        %parallel_loop3A_260 = arith.constant 0 : i32
        %parallel_loop3A_261 = tpu.memref_slice %arg7[%select_n3A_141, %parallel_loop3A_258, %parallel_loop3A_259, %parallel_loop3A_260] : memref<2x8x16x196xf32, #tpu.memory_space<vmem>> -> memref<1x8x16x196xf32, #tpu.memory_space<vmem>>
        %parallel_loop3A_262 = tpu.memref_squeeze %parallel_loop3A_261 : memref<1x8x16x196xf32, #tpu.memory_space<vmem>> -> memref<8x16x196xf32, #tpu.memory_space<vmem>>
        %parallel_loop3A_263 = arith.index_cast %parallel_loop3A_257 : i32 to index
        %parallel_loop3A_264 = arith.index_cast %parallel_loop3A_174 : i32 to index
        %parallel_loop3A_265 = arith.constant 0 : index
        %parallel_loop3A_266 = tpu.vector_load %parallel_loop3A_262[%parallel_loop3A_263, %parallel_loop3A_264, %parallel_loop3A_265] {strides = array<i32>} : memref<8x16x196xf32, #tpu.memory_space<vmem>>, vector<16xf32>,
        tpu.vector_store %parallel_loop3A_262[%parallel_loop3A_263, %parallel_loop3A_264, %parallel_loop3A_265], %parallel_loop3A_256 {strides = array<i32>} : memref<8x16x196xf32, #tpu.memory_space<vmem>>, vector<16xf32>,
        %parallel_loop3A_267 = arith.constant 1536 : i32
        %parallel_loop3A_268 = vector.broadcast %parallel_loop3A_267 : i32 to vector<16xi32>
        %parallel_loop3A_269 = arith.addi %parallel_loop3A_182, %parallel_loop3A_268 : vector<16xi32>
        %parallel_loop3A_270 = tpu.vector_load_idx %arg5[%parallel_loop3A_269] : memref<2048xf32, #tpu.memory_space<vmem>>[vector<16xi32>], vector<16xf32>,
        %parallel_loop3A_271 = arith.constant 6 : i32
        %parallel_loop3A_272 = arith.constant 0 : i32
        %parallel_loop3A_273 = arith.constant 0 : i32
        %parallel_loop3A_274 = arith.constant 0 : i32
        %parallel_loop3A_275 = tpu.memref_slice %arg7[%select_n3A_141, %parallel_loop3A_272, %parallel_loop3A_273, %parallel_loop3A_274] : memref<2x8x16x196xf32, #tpu.memory_space<vmem>> -> memref<1x8x16x196xf32, #tpu.memory_space<vmem>>
        %parallel_loop3A_276 = tpu.memref_squeeze %parallel_loop3A_275 : memref<1x8x16x196xf32, #tpu.memory_space<vmem>> -> memref<8x16x196xf32, #tpu.memory_space<vmem>>
        %parallel_loop3A_277 = arith.index_cast %parallel_loop3A_271 : i32 to index
        %parallel_loop3A_278 = arith.index_cast %parallel_loop3A_174 : i32 to index
        %parallel_loop3A_279 = arith.constant 0 : index
        %parallel_loop3A_280 = tpu.vector_load %parallel_loop3A_276[%parallel_loop3A_277, %parallel_loop3A_278, %parallel_loop3A_279] {strides = array<i32>} : memref<8x16x196xf32, #tpu.memory_space<vmem>>, vector<16xf32>,
        tpu.vector_store %parallel_loop3A_276[%parallel_loop3A_277, %parallel_loop3A_278, %parallel_loop3A_279], %parallel_loop3A_270 {strides = array<i32>} : memref<8x16x196xf32, #tpu.memory_space<vmem>>, vector<16xf32>,
        %parallel_loop3A_281 = arith.constant 1792 : i32
        %parallel_loop3A_282 = vector.broadcast %parallel_loop3A_281 : i32 to vector<16xi32>
        %parallel_loop3A_283 = arith.addi %parallel_loop3A_182, %parallel_loop3A_282 : vector<16xi32>
        %parallel_loop3A_284 = tpu.vector_load_idx %arg5[%parallel_loop3A_283] : memref<2048xf32, #tpu.memory_space<vmem>>[vector<16xi32>], vector<16xf32>,
        %parallel_loop3A_285 = arith.constant 7 : i32
        %parallel_loop3A_286 = arith.constant 0 : i32
        %parallel_loop3A_287 = arith.constant 0 : i32
        %parallel_loop3A_288 = arith.constant 0 : i32
        %parallel_loop3A_289 = tpu.memref_slice %arg7[%select_n3A_141, %parallel_loop3A_286, %parallel_loop3A_287, %parallel_loop3A_288] : memref<2x8x16x196xf32, #tpu.memory_space<vmem>> -> memref<1x8x16x196xf32, #tpu.memory_space<vmem>>
        %parallel_loop3A_290 = tpu.memref_squeeze %parallel_loop3A_289 : memref<1x8x16x196xf32, #tpu.memory_space<vmem>> -> memref<8x16x196xf32, #tpu.memory_space<vmem>>
        %parallel_loop3A_291 = arith.index_cast %parallel_loop3A_285 : i32 to index
        %parallel_loop3A_292 = arith.index_cast %parallel_loop3A_174 : i32 to index
        %parallel_loop3A_293 = arith.constant 0 : index
        %parallel_loop3A_294 = tpu.vector_load %parallel_loop3A_290[%parallel_loop3A_291, %parallel_loop3A_292, %parallel_loop3A_293] {strides = array<i32>} : memref<8x16x196xf32, #tpu.memory_space<vmem>>, vector<16xf32>,
        tpu.vector_store %parallel_loop3A_290[%parallel_loop3A_291, %parallel_loop3A_292, %parallel_loop3A_293], %parallel_loop3A_284 {strides = array<i32>} : memref<8x16x196xf32, #tpu.memory_space<vmem>>, vector<16xf32>,
        %parallel_loop3A_295 = arith.constant 1024 : i32
        %parallel_loop3A_296 = arith.addi %parallel_loop3A_295, %parallel_loop3A_177 : i32
        %parallel_loop3A_297 = vector.broadcast %parallel_loop3A_296 : i32 to vector<16xi32>
        %parallel_loop3A_298 = arith.addi %mul3A_40, %parallel_loop3A_297 : vector<16xi32>
        %parallel_loop3A_299 = tpu.vector_load_idx %arg6[%parallel_loop3A_298] : memref<12544xi32, #tpu.memory_space<vmem>>[vector<16xi32>], vector<16xi32>,
        %parallel_loop3A_300 = arith.constant 0 : i32
        %parallel_loop3A_301 = vector.broadcast %parallel_loop3A_300 : i32 to vector<16xi32>
        %parallel_loop3A_302 = arith.addi %parallel_loop3A_299, %parallel_loop3A_301 : vector<16xi32>
        %parallel_loop3A_303 = tpu.vector_load_idx %arg5[%parallel_loop3A_302] : memref<2048xf32, #tpu.memory_space<vmem>>[vector<16xi32>], vector<16xf32>,
        %parallel_loop3A_304 = arith.constant 0 : i32
        %parallel_loop3A_305 = arith.constant 0 : i32
        %parallel_loop3A_306 = arith.constant 0 : i32
        %parallel_loop3A_307 = arith.constant 0 : i32
        %parallel_loop3A_308 = tpu.memref_slice %arg7[%select_n3A_141, %parallel_loop3A_305, %parallel_loop3A_306, %parallel_loop3A_307] : memref<2x8x16x196xf32, #tpu.memory_space<vmem>> -> memref<1x8x16x196xf32, #tpu.memory_space<vmem>>
        %parallel_loop3A_309 = tpu.memref_squeeze %parallel_loop3A_308 : memref<1x8x16x196xf32, #tpu.memory_space<vmem>> -> memref<8x16x196xf32, #tpu.memory_space<vmem>>
        %parallel_loop3A_310 = arith.index_cast %parallel_loop3A_304 : i32 to index
        %parallel_loop3A_311 = arith.index_cast %parallel_loop3A_174 : i32 to index
        %parallel_loop3A_312 = arith.constant 16 : index
        %parallel_loop3A_313 = tpu.vector_load %parallel_loop3A_309[%parallel_loop3A_310, %parallel_loop3A_311, %parallel_loop3A_312] {strides = array<i32>} : memref<8x16x196xf32, #tpu.memory_space<vmem>>, vector<16xf32>,
        tpu.vector_store %parallel_loop3A_309[%parallel_loop3A_310, %parallel_loop3A_311, %parallel_loop3A_312], %parallel_loop3A_303 {strides = array<i32>} : memref<8x16x196xf32, #tpu.memory_space<vmem>>, vector<16xf32>,
        %parallel_loop3A_314 = arith.constant 256 : i32
        %parallel_loop3A_315 = vector.broadcast %parallel_loop3A_314 : i32 to vector<16xi32>
        %parallel_loop3A_316 = arith.addi %parallel_loop3A_299, %parallel_loop3A_315 : vector<16xi32>
        %parallel_loop3A_317 = tpu.vector_load_idx %arg5[%parallel_loop3A_316] : memref<2048xf32, #tpu.memory_space<vmem>>[vector<16xi32>], vector<16xf32>,
        %parallel_loop3A_318 = arith.constant 1 : i32
        %parallel_loop3A_319 = arith.constant 0 : i32
        %parallel_loop3A_320 = arith.constant 0 : i32
        %parallel_loop3A_321 = arith.constant 0 : i32
        %parallel_loop3A_322 = tpu.memref_slice %arg7[%select_n3A_141, %parallel_loop3A_319, %parallel_loop3A_320, %parallel_loop3A_321] : memref<2x8x16x196xf32, #tpu.memory_space<vmem>> -> memref<1x8x16x196xf32, #tpu.memory_space<vmem>>
        %parallel_loop3A_323 = tpu.memref_squeeze %parallel_loop3A_322 : memref<1x8x16x196xf32, #tpu.memory_space<vmem>> -> memref<8x16x196xf32, #tpu.memory_space<vmem>>
        %parallel_loop3A_324 = arith.index_cast %parallel_loop3A_318 : i32 to index
        %parallel_loop3A_325 = arith.index_cast %parallel_loop3A_174 : i32 to index
        %parallel_loop3A_326 = arith.constant 16 : index
        %parallel_loop3A_327 = tpu.vector_load %parallel_loop3A_323[%parallel_loop3A_324, %parallel_loop3A_325, %parallel_loop3A_326] {strides = array<i32>} : memref<8x16x196xf32, #tpu.memory_space<vmem>>, vector<16xf32>,
        tpu.vector_store %parallel_loop3A_323[%parallel_loop3A_324, %parallel_loop3A_325, %parallel_loop3A_326], %parallel_loop3A_317 {strides = array<i32>} : memref<8x16x196xf32, #tpu.memory_space<vmem>>, vector<16xf32>,
        %parallel_loop3A_328 = arith.constant 512 : i32
        %parallel_loop3A_329 = vector.broadcast %parallel_loop3A_328 : i32 to vector<16xi32>
        %parallel_loop3A_330 = arith.addi %parallel_loop3A_299, %parallel_loop3A_329 : vector<16xi32>
        %parallel_loop3A_331 = tpu.vector_load_idx %arg5[%parallel_loop3A_330] : memref<2048xf32, #tpu.memory_space<vmem>>[vector<16xi32>], vector<16xf32>,
        %parallel_loop3A_332 = arith.constant 2 : i32
        %parallel_loop3A_333 = arith.constant 0 : i32
        %parallel_loop3A_334 = arith.constant 0 : i32
        %parallel_loop3A_335 = arith.constant 0 : i32
        %parallel_loop3A_336 = tpu.memref_slice %arg7[%select_n3A_141, %parallel_loop3A_333, %parallel_loop3A_334, %parallel_loop3A_335] : memref<2x8x16x196xf32, #tpu.memory_space<vmem>> -> memref<1x8x16x196xf32, #tpu.memory_space<vmem>>
        %parallel_loop3A_337 = tpu.memref_squeeze %parallel_loop3A_336 : memref<1x8x16x196xf32, #tpu.memory_space<vmem>> -> memref<8x16x196xf32, #tpu.memory_space<vmem>>
        %parallel_loop3A_338 = arith.index_cast %parallel_loop3A_332 : i32 to index
        %parallel_loop3A_339 = arith.index_cast %parallel_loop3A_174 : i32 to index
        %parallel_loop3A_340 = arith.constant 16 : index
        %parallel_loop3A_341 = tpu.vector_load %parallel_loop3A_337[%parallel_loop3A_338, %parallel_loop3A_339, %parallel_loop3A_340] {strides = array<i32>} : memref<8x16x196xf32, #tpu.memory_space<vmem>>, vector<16xf32>,
        tpu.vector_store %parallel_loop3A_337[%parallel_loop3A_338, %parallel_loop3A_339, %parallel_loop3A_340], %parallel_loop3A_331 {strides = array<i32>} : memref<8x16x196xf32, #tpu.memory_space<vmem>>, vector<16xf32>,
        %parallel_loop3A_342 = arith.constant 768 : i32
        %parallel_loop3A_343 = vector.broadcast %parallel_loop3A_342 : i32 to vector<16xi32>
        %parallel_loop3A_344 = arith.addi %parallel_loop3A_299, %parallel_loop3A_343 : vector<16xi32>
        %parallel_loop3A_345 = tpu.vector_load_idx %arg5[%parallel_loop3A_344] : memref<2048xf32, #tpu.memory_space<vmem>>[vector<16xi32>], vector<16xf32>,
        %parallel_loop3A_346 = arith.constant 3 : i32
        %parallel_loop3A_347 = arith.constant 0 : i32
        %parallel_loop3A_348 = arith.constant 0 : i32
        %parallel_loop3A_349 = arith.constant 0 : i32
        %parallel_loop3A_350 = tpu.memref_slice %arg7[%select_n3A_141, %parallel_loop3A_347, %parallel_loop3A_348, %parallel_loop3A_349] : memref<2x8x16x196xf32, #tpu.memory_space<vmem>> -> memref<1x8x16x196xf32, #tpu.memory_space<vmem>>
        %parallel_loop3A_351 = tpu.memref_squeeze %parallel_loop3A_350 : memref<1x8x16x196xf32, #tpu.memory_space<vmem>> -> memref<8x16x196xf32, #tpu.memory_space<vmem>>
        %parallel_loop3A_352 = arith.index_cast %parallel_loop3A_346 : i32 to index
        %parallel_loop3A_353 = arith.index_cast %parallel_loop3A_174 : i32 to index
        %parallel_loop3A_354 = arith.constant 16 : index
        %parallel_loop3A_355 = tpu.vector_load %parallel_loop3A_351[%parallel_loop3A_352, %parallel_loop3A_353, %parallel_loop3A_354] {strides = array<i32>} : memref<8x16x196xf32, #tpu.memory_space<vmem>>, vector<16xf32>,
        tpu.vector_store %parallel_loop3A_351[%parallel_loop3A_352, %parallel_loop3A_353, %parallel_loop3A_354], %parallel_loop3A_345 {strides = array<i32>} : memref<8x16x196xf32, #tpu.memory_space<vmem>>, vector<16xf32>,
        %parallel_loop3A_356 = arith.constant 1024 : i32
        %parallel_loop3A_357 = vector.broadcast %parallel_loop3A_356 : i32 to vector<16xi32>
        %parallel_loop3A_358 = arith.addi %parallel_loop3A_299, %parallel_loop3A_357 : vector<16xi32>
        %parallel_loop3A_359 = tpu.vector_load_idx %arg5[%parallel_loop3A_358] : memref<2048xf32, #tpu.memory_space<vmem>>[vector<16xi32>], vector<16xf32>,
        %parallel_loop3A_360 = arith.constant 4 : i32
        %parallel_loop3A_361 = arith.constant 0 : i32
        %parallel_loop3A_362 = arith.constant 0 : i32
        %parallel_loop3A_363 = arith.constant 0 : i32
        %parallel_loop3A_364 = tpu.memref_slice %arg7[%select_n3A_141, %parallel_loop3A_361, %parallel_loop3A_362, %parallel_loop3A_363] : memref<2x8x16x196xf32, #tpu.memory_space<vmem>> -> memref<1x8x16x196xf32, #tpu.memory_space<vmem>>
        %parallel_loop3A_365 = tpu.memref_squeeze %parallel_loop3A_364 : memref<1x8x16x196xf32, #tpu.memory_space<vmem>> -> memref<8x16x196xf32, #tpu.memory_space<vmem>>
        %parallel_loop3A_366 = arith.index_cast %parallel_loop3A_360 : i32 to index
        %parallel_loop3A_367 = arith.index_cast %parallel_loop3A_174 : i32 to index
        %parallel_loop3A_368 = arith.constant 16 : index
        %parallel_loop3A_369 = tpu.vector_load %parallel_loop3A_365[%parallel_loop3A_366, %parallel_loop3A_367, %parallel_loop3A_368] {strides = array<i32>} : memref<8x16x196xf32, #tpu.memory_space<vmem>>, vector<16xf32>,
        tpu.vector_store %parallel_loop3A_365[%parallel_loop3A_366, %parallel_loop3A_367, %parallel_loop3A_368], %parallel_loop3A_359 {strides = array<i32>} : memref<8x16x196xf32, #tpu.memory_space<vmem>>, vector<16xf32>,
        %parallel_loop3A_370 = arith.constant 1280 : i32
        %parallel_loop3A_371 = vector.broadcast %parallel_loop3A_370 : i32 to vector<16xi32>
        %parallel_loop3A_372 = arith.addi %parallel_loop3A_299, %parallel_loop3A_371 : vector<16xi32>
        %parallel_loop3A_373 = tpu.vector_load_idx %arg5[%parallel_loop3A_372] : memref<2048xf32, #tpu.memory_space<vmem>>[vector<16xi32>], vector<16xf32>,
        %parallel_loop3A_374 = arith.constant 5 : i32
        %parallel_loop3A_375 = arith.constant 0 : i32
        %parallel_loop3A_376 = arith.constant 0 : i32
        %parallel_loop3A_377 = arith.constant 0 : i32
        %parallel_loop3A_378 = tpu.memref_slice %arg7[%select_n3A_141, %parallel_loop3A_375, %parallel_loop3A_376, %parallel_loop3A_377] : memref<2x8x16x196xf32, #tpu.memory_space<vmem>> -> memref<1x8x16x196xf32, #tpu.memory_space<vmem>>
        %parallel_loop3A_379 = tpu.memref_squeeze %parallel_loop3A_378 : memref<1x8x16x196xf32, #tpu.memory_space<vmem>> -> memref<8x16x196xf32, #tpu.memory_space<vmem>>
        %parallel_loop3A_380 = arith.index_cast %parallel_loop3A_374 : i32 to index
        %parallel_loop3A_381 = arith.index_cast %parallel_loop3A_174 : i32 to index
        %parallel_loop3A_382 = arith.constant 16 : index
        %parallel_loop3A_383 = tpu.vector_load %parallel_loop3A_379[%parallel_loop3A_380, %parallel_loop3A_381, %parallel_loop3A_382] {strides = array<i32>} : memref<8x16x196xf32, #tpu.memory_space<vmem>>, vector<16xf32>,
        tpu.vector_store %parallel_loop3A_379[%parallel_loop3A_380, %parallel_loop3A_381, %parallel_loop3A_382], %parallel_loop3A_373 {strides = array<i32>} : memref<8x16x196xf32, #tpu.memory_space<vmem>>, vector<16xf32>,
        %parallel_loop3A_384 = arith.constant 1536 : i32
        %parallel_loop3A_385 = vector.broadcast %parallel_loop3A_384 : i32 to vector<16xi32>
        %parallel_loop3A_386 = arith.addi %parallel_loop3A_299, %parallel_loop3A_385 : vector<16xi32>
        %parallel_loop3A_387 = tpu.vector_load_idx %arg5[%parallel_loop3A_386] : memref<2048xf32, #tpu.memory_space<vmem>>[vector<16xi32>], vector<16xf32>,
        %parallel_loop3A_388 = arith.constant 6 : i32
        %parallel_loop3A_389 = arith.constant 0 : i32
        %parallel_loop3A_390 = arith.constant 0 : i32
        %parallel_loop3A_391 = arith.constant 0 : i32
        %parallel_loop3A_392 = tpu.memref_slice %arg7[%select_n3A_141, %parallel_loop3A_389, %parallel_loop3A_390, %parallel_loop3A_391] : memref<2x8x16x196xf32, #tpu.memory_space<vmem>> -> memref<1x8x16x196xf32, #tpu.memory_space<vmem>>
        %parallel_loop3A_393 = tpu.memref_squeeze %parallel_loop3A_392 : memref<1x8x16x196xf32, #tpu.memory_space<vmem>> -> memref<8x16x196xf32, #tpu.memory_space<vmem>>
        %parallel_loop3A_394 = arith.index_cast %parallel_loop3A_388 : i32 to index
        %parallel_loop3A_395 = arith.index_cast %parallel_loop3A_174 : i32 to index
        %parallel_loop3A_396 = arith.constant 16 : index
        %parallel_loop3A_397 = tpu.vector_load %parallel_loop3A_393[%parallel_loop3A_394, %parallel_loop3A_395, %parallel_loop3A_396] {strides = array<i32>} : memref<8x16x196xf32, #tpu.memory_space<vmem>>, vector<16xf32>,
        tpu.vector_store %parallel_loop3A_393[%parallel_loop3A_394, %parallel_loop3A_395, %parallel_loop3A_396], %parallel_loop3A_387 {strides = array<i32>} : memref<8x16x196xf32, #tpu.memory_space<vmem>>, vector<16xf32>,
        %parallel_loop3A_398 = arith.constant 1792 : i32
        %parallel_loop3A_399 = vector.broadcast %parallel_loop3A_398 : i32 to vector<16xi32>
        %parallel_loop3A_400 = arith.addi %parallel_loop3A_299, %parallel_loop3A_399 : vector<16xi32>
        %parallel_loop3A_401 = tpu.vector_load_idx %arg5[%parallel_loop3A_400] : memref<2048xf32, #tpu.memory_space<vmem>>[vector<16xi32>], vector<16xf32>,
        %parallel_loop3A_402 = arith.constant 7 : i32
        %parallel_loop3A_403 = arith.constant 0 : i32
        %parallel_loop3A_404 = arith.constant 0 : i32
        %parallel_loop3A_405 = arith.constant 0 : i32
        %parallel_loop3A_406 = tpu.memref_slice %arg7[%select_n3A_141, %parallel_loop3A_403, %parallel_loop3A_404, %parallel_loop3A_405] : memref<2x8x16x196xf32, #tpu.memory_space<vmem>> -> memref<1x8x16x196xf32, #tpu.memory_space<vmem>>
        %parallel_loop3A_407 = tpu.memref_squeeze %parallel_loop3A_406 : memref<1x8x16x196xf32, #tpu.memory_space<vmem>> -> memref<8x16x196xf32, #tpu.memory_space<vmem>>
        %parallel_loop3A_408 = arith.index_cast %parallel_loop3A_402 : i32 to index
        %parallel_loop3A_409 = arith.index_cast %parallel_loop3A_174 : i32 to index
        %parallel_loop3A_410 = arith.constant 16 : index
        %parallel_loop3A_411 = tpu.vector_load %parallel_loop3A_407[%parallel_loop3A_408, %parallel_loop3A_409, %parallel_loop3A_410] {strides = array<i32>} : memref<8x16x196xf32, #tpu.memory_space<vmem>>, vector<16xf32>,
        tpu.vector_store %parallel_loop3A_407[%parallel_loop3A_408, %parallel_loop3A_409, %parallel_loop3A_410], %parallel_loop3A_401 {strides = array<i32>} : memref<8x16x196xf32, #tpu.memory_space<vmem>>, vector<16xf32>,
        %parallel_loop3A_412 = arith.constant 2048 : i32
        %parallel_loop3A_413 = arith.addi %parallel_loop3A_412, %parallel_loop3A_177 : i32
        %parallel_loop3A_414 = vector.broadcast %parallel_loop3A_413 : i32 to vector<16xi32>
        %parallel_loop3A_415 = arith.addi %mul3A_40, %parallel_loop3A_414 : vector<16xi32>
        %parallel_loop3A_416 = tpu.vector_load_idx %arg6[%parallel_loop3A_415] : memref<12544xi32, #tpu.memory_space<vmem>>[vector<16xi32>], vector<16xi32>,
        %parallel_loop3A_417 = arith.constant 0 : i32
        %parallel_loop3A_418 = vector.broadcast %parallel_loop3A_417 : i32 to vector<16xi32>
        %parallel_loop3A_419 = arith.addi %parallel_loop3A_416, %parallel_loop3A_418 : vector<16xi32>
        %parallel_loop3A_420 = tpu.vector_load_idx %arg5[%parallel_loop3A_419] : memref<2048xf32, #tpu.memory_space<vmem>>[vector<16xi32>], vector<16xf32>,
        %parallel_loop3A_421 = arith.constant 0 : i32
        %parallel_loop3A_422 = arith.constant 0 : i32
        %parallel_loop3A_423 = arith.constant 0 : i32
        %parallel_loop3A_424 = arith.constant 0 : i32
        %parallel_loop3A_425 = tpu.memref_slice %arg7[%select_n3A_141, %parallel_loop3A_422, %parallel_loop3A_423, %parallel_loop3A_424] : memref<2x8x16x196xf32, #tpu.memory_space<vmem>> -> memref<1x8x16x196xf32, #tpu.memory_space<vmem>>
        %parallel_loop3A_426 = tpu.memref_squeeze %parallel_loop3A_425 : memref<1x8x16x196xf32, #tpu.memory_space<vmem>> -> memref<8x16x196xf32, #tpu.memory_space<vmem>>
        %parallel_loop3A_427 = arith.index_cast %parallel_loop3A_421 : i32 to index
        %parallel_loop3A_428 = arith.index_cast %parallel_loop3A_174 : i32 to index
        %parallel_loop3A_429 = arith.constant 32 : index
        %parallel_loop3A_430 = tpu.vector_load %parallel_loop3A_426[%parallel_loop3A_427, %parallel_loop3A_428, %parallel_loop3A_429] {strides = array<i32>} : memref<8x16x196xf32, #tpu.memory_space<vmem>>, vector<16xf32>,
        tpu.vector_store %parallel_loop3A_426[%parallel_loop3A_427, %parallel_loop3A_428, %parallel_loop3A_429], %parallel_loop3A_420 {strides = array<i32>} : memref<8x16x196xf32, #tpu.memory_space<vmem>>, vector<16xf32>,
        %parallel_loop3A_431 = arith.constant 256 : i32
        %parallel_loop3A_432 = vector.broadcast %parallel_loop3A_431 : i32 to vector<16xi32>
        %parallel_loop3A_433 = arith.addi %parallel_loop3A_416, %parallel_loop3A_432 : vector<16xi32>
        %parallel_loop3A_434 = tpu.vector_load_idx %arg5[%parallel_loop3A_433] : memref<2048xf32, #tpu.memory_space<vmem>>[vector<16xi32>], vector<16xf32>,
        %parallel_loop3A_435 = arith.constant 1 : i32
        %parallel_loop3A_436 = arith.constant 0 : i32
        %parallel_loop3A_437 = arith.constant 0 : i32
        %parallel_loop3A_438 = arith.constant 0 : i32
        %parallel_loop3A_439 = tpu.memref_slice %arg7[%select_n3A_141, %parallel_loop3A_436, %parallel_loop3A_437, %parallel_loop3A_438] : memref<2x8x16x196xf32, #tpu.memory_space<vmem>> -> memref<1x8x16x196xf32, #tpu.memory_space<vmem>>
        %parallel_loop3A_440 = tpu.memref_squeeze %parallel_loop3A_439 : memref<1x8x16x196xf32, #tpu.memory_space<vmem>> -> memref<8x16x196xf32, #tpu.memory_space<vmem>>
        %parallel_loop3A_441 = arith.index_cast %parallel_loop3A_435 : i32 to index
        %parallel_loop3A_442 = arith.index_cast %parallel_loop3A_174 : i32 to index
        %parallel_loop3A_443 = arith.constant 32 : index
        %parallel_loop3A_444 = tpu.vector_load %parallel_loop3A_440[%parallel_loop3A_441, %parallel_loop3A_442, %parallel_loop3A_443] {strides = array<i32>} : memref<8x16x196xf32, #tpu.memory_space<vmem>>, vector<16xf32>,
        tpu.vector_store %parallel_loop3A_440[%parallel_loop3A_441, %parallel_loop3A_442, %parallel_loop3A_443], %parallel_loop3A_434 {strides = array<i32>} : memref<8x16x196xf32, #tpu.memory_space<vmem>>, vector<16xf32>,
        %parallel_loop3A_445 = arith.constant 512 : i32
        %parallel_loop3A_446 = vector.broadcast %parallel_loop3A_445 : i32 to vector<16xi32>
        %parallel_loop3A_447 = arith.addi %parallel_loop3A_416, %parallel_loop3A_446 : vector<16xi32>
        %parallel_loop3A_448 = tpu.vector_load_idx %arg5[%parallel_loop3A_447] : memref<2048xf32, #tpu.memory_space<vmem>>[vector<16xi32>], vector<16xf32>,
        %parallel_loop3A_449 = arith.constant 2 : i32
        %parallel_loop3A_450 = arith.constant 0 : i32
        %parallel_loop3A_451 = arith.constant 0 : i32
        %parallel_loop3A_452 = arith.constant 0 : i32
        %parallel_loop3A_453 = tpu.memref_slice %arg7[%select_n3A_141, %parallel_loop3A_450, %parallel_loop3A_451, %parallel_loop3A_452] : memref<2x8x16x196xf32, #tpu.memory_space<vmem>> -> memref<1x8x16x196xf32, #tpu.memory_space<vmem>>
        %parallel_loop3A_454 = tpu.memref_squeeze %parallel_loop3A_453 : memref<1x8x16x196xf32, #tpu.memory_space<vmem>> -> memref<8x16x196xf32, #tpu.memory_space<vmem>>
        %parallel_loop3A_455 = arith.index_cast %parallel_loop3A_449 : i32 to index
        %parallel_loop3A_456 = arith.index_cast %parallel_loop3A_174 : i32 to index
        %parallel_loop3A_457 = arith.constant 32 : index
        %parallel_loop3A_458 = tpu.vector_load %parallel_loop3A_454[%parallel_loop3A_455, %parallel_loop3A_456, %parallel_loop3A_457] {strides = array<i32>} : memref<8x16x196xf32, #tpu.memory_space<vmem>>, vector<16xf32>,
        tpu.vector_store %parallel_loop3A_454[%parallel_loop3A_455, %parallel_loop3A_456, %parallel_loop3A_457], %parallel_loop3A_448 {strides = array<i32>} : memref<8x16x196xf32, #tpu.memory_space<vmem>>, vector<16xf32>,
        %parallel_loop3A_459 = arith.constant 768 : i32
        %parallel_loop3A_460 = vector.broadcast %parallel_loop3A_459 : i32 to vector<16xi32>
        %parallel_loop3A_461 = arith.addi %parallel_loop3A_416, %parallel_loop3A_460 : vector<16xi32>
        %parallel_loop3A_462 = tpu.vector_load_idx %arg5[%parallel_loop3A_461] : memref<2048xf32, #tpu.memory_space<vmem>>[vector<16xi32>], vector<16xf32>,
        %parallel_loop3A_463 = arith.constant 3 : i32
        %parallel_loop3A_464 = arith.constant 0 : i32
        %parallel_loop3A_465 = arith.constant 0 : i32
        %parallel_loop3A_466 = arith.constant 0 : i32
        %parallel_loop3A_467 = tpu.memref_slice %arg7[%select_n3A_141, %parallel_loop3A_464, %parallel_loop3A_465, %parallel_loop3A_466] : memref<2x8x16x196xf32, #tpu.memory_space<vmem>> -> memref<1x8x16x196xf32, #tpu.memory_space<vmem>>
        %parallel_loop3A_468 = tpu.memref_squeeze %parallel_loop3A_467 : memref<1x8x16x196xf32, #tpu.memory_space<vmem>> -> memref<8x16x196xf32, #tpu.memory_space<vmem>>
        %parallel_loop3A_469 = arith.index_cast %parallel_loop3A_463 : i32 to index
        %parallel_loop3A_470 = arith.index_cast %parallel_loop3A_174 : i32 to index
        %parallel_loop3A_471 = arith.constant 32 : index
        %parallel_loop3A_472 = tpu.vector_load %parallel_loop3A_468[%parallel_loop3A_469, %parallel_loop3A_470, %parallel_loop3A_471] {strides = array<i32>} : memref<8x16x196xf32, #tpu.memory_space<vmem>>, vector<16xf32>,
        tpu.vector_store %parallel_loop3A_468[%parallel_loop3A_469, %parallel_loop3A_470, %parallel_loop3A_471], %parallel_loop3A_462 {strides = array<i32>} : memref<8x16x196xf32, #tpu.memory_space<vmem>>, vector<16xf32>,
        %parallel_loop3A_473 = arith.constant 1024 : i32
        %parallel_loop3A_474 = vector.broadcast %parallel_loop3A_473 : i32 to vector<16xi32>
        %parallel_loop3A_475 = arith.addi %parallel_loop3A_416, %parallel_loop3A_474 : vector<16xi32>
        %parallel_loop3A_476 = tpu.vector_load_idx %arg5[%parallel_loop3A_475] : memref<2048xf32, #tpu.memory_space<vmem>>[vector<16xi32>], vector<16xf32>,
        %parallel_loop3A_477 = arith.constant 4 : i32
        %parallel_loop3A_478 = arith.constant 0 : i32
        %parallel_loop3A_479 = arith.constant 0 : i32
        %parallel_loop3A_480 = arith.constant 0 : i32
        %parallel_loop3A_481 = tpu.memref_slice %arg7[%select_n3A_141, %parallel_loop3A_478, %parallel_loop3A_479, %parallel_loop3A_480] : memref<2x8x16x196xf32, #tpu.memory_space<vmem>> -> memref<1x8x16x196xf32, #tpu.memory_space<vmem>>
        %parallel_loop3A_482 = tpu.memref_squeeze %parallel_loop3A_481 : memref<1x8x16x196xf32, #tpu.memory_space<vmem>> -> memref<8x16x196xf32, #tpu.memory_space<vmem>>
        %parallel_loop3A_483 = arith.index_cast %parallel_loop3A_477 : i32 to index
        %parallel_loop3A_484 = arith.index_cast %parallel_loop3A_174 : i32 to index
        %parallel_loop3A_485 = arith.constant 32 : index
        %parallel_loop3A_486 = tpu.vector_load %parallel_loop3A_482[%parallel_loop3A_483, %parallel_loop3A_484, %parallel_loop3A_485] {strides = array<i32>} : memref<8x16x196xf32, #tpu.memory_space<vmem>>, vector<16xf32>,
        tpu.vector_store %parallel_loop3A_482[%parallel_loop3A_483, %parallel_loop3A_484, %parallel_loop3A_485], %parallel_loop3A_476 {strides = array<i32>} : memref<8x16x196xf32, #tpu.memory_space<vmem>>, vector<16xf32>,
        %parallel_loop3A_487 = arith.constant 1280 : i32
        %parallel_loop3A_488 = vector.broadcast %parallel_loop3A_487 : i32 to vector<16xi32>
        %parallel_loop3A_489 = arith.addi %parallel_loop3A_416, %parallel_loop3A_488 : vector<16xi32>
        %parallel_loop3A_490 = tpu.vector_load_idx %arg5[%parallel_loop3A_489] : memref<2048xf32, #tpu.memory_space<vmem>>[vector<16xi32>], vector<16xf32>,
        %parallel_loop3A_491 = arith.constant 5 : i32
        %parallel_loop3A_492 = arith.constant 0 : i32
        %parallel_loop3A_493 = arith.constant 0 : i32
        %parallel_loop3A_494 = arith.constant 0 : i32
        %parallel_loop3A_495 = tpu.memref_slice %arg7[%select_n3A_141, %parallel_loop3A_492, %parallel_loop3A_493, %parallel_loop3A_494] : memref<2x8x16x196xf32, #tpu.memory_space<vmem>> -> memref<1x8x16x196xf32, #tpu.memory_space<vmem>>
        %parallel_loop3A_496 = tpu.memref_squeeze %parallel_loop3A_495 : memref<1x8x16x196xf32, #tpu.memory_space<vmem>> -> memref<8x16x196xf32, #tpu.memory_space<vmem>>
        %parallel_loop3A_497 = arith.index_cast %parallel_loop3A_491 : i32 to index
        %parallel_loop3A_498 = arith.index_cast %parallel_loop3A_174 : i32 to index
        %parallel_loop3A_499 = arith.constant 32 : index
        %parallel_loop3A_500 = tpu.vector_load %parallel_loop3A_496[%parallel_loop3A_497, %parallel_loop3A_498, %parallel_loop3A_499] {strides = array<i32>} : memref<8x16x196xf32, #tpu.memory_space<vmem>>, vector<16xf32>,
        tpu.vector_store %parallel_loop3A_496[%parallel_loop3A_497, %parallel_loop3A_498, %parallel_loop3A_499], %parallel_loop3A_490 {strides = array<i32>} : memref<8x16x196xf32, #tpu.memory_space<vmem>>, vector<16xf32>,
        %parallel_loop3A_501 = arith.constant 1536 : i32
        %parallel_loop3A_502 = vector.broadcast %parallel_loop3A_501 : i32 to vector<16xi32>
        %parallel_loop3A_503 = arith.addi %parallel_loop3A_416, %parallel_loop3A_502 : vector<16xi32>
        %parallel_loop3A_504 = tpu.vector_load_idx %arg5[%parallel_loop3A_503] : memref<2048xf32, #tpu.memory_space<vmem>>[vector<16xi32>], vector<16xf32>,
        %parallel_loop3A_505 = arith.constant 6 : i32
        %parallel_loop3A_506 = arith.constant 0 : i32
        %parallel_loop3A_507 = arith.constant 0 : i32
        %parallel_loop3A_508 = arith.constant 0 : i32
        %parallel_loop3A_509 = tpu.memref_slice %arg7[%select_n3A_141, %parallel_loop3A_506, %parallel_loop3A_507, %parallel_loop3A_508] : memref<2x8x16x196xf32, #tpu.memory_space<vmem>> -> memref<1x8x16x196xf32, #tpu.memory_space<vmem>>
        %parallel_loop3A_510 = tpu.memref_squeeze %parallel_loop3A_509 : memref<1x8x16x196xf32, #tpu.memory_space<vmem>> -> memref<8x16x196xf32, #tpu.memory_space<vmem>>
        %parallel_loop3A_511 = arith.index_cast %parallel_loop3A_505 : i32 to index
        %parallel_loop3A_512 = arith.index_cast %parallel_loop3A_174 : i32 to index
        %parallel_loop3A_513 = arith.constant 32 : index
        %parallel_loop3A_514 = tpu.vector_load %parallel_loop3A_510[%parallel_loop3A_511, %parallel_loop3A_512, %parallel_loop3A_513] {strides = array<i32>} : memref<8x16x196xf32, #tpu.memory_space<vmem>>, vector<16xf32>,
        tpu.vector_store %parallel_loop3A_510[%parallel_loop3A_511, %parallel_loop3A_512, %parallel_loop3A_513], %parallel_loop3A_504 {strides = array<i32>} : memref<8x16x196xf32, #tpu.memory_space<vmem>>, vector<16xf32>,
        %parallel_loop3A_515 = arith.constant 1792 : i32
        %parallel_loop3A_516 = vector.broadcast %parallel_loop3A_515 : i32 to vector<16xi32>
        %parallel_loop3A_517 = arith.addi %parallel_loop3A_416, %parallel_loop3A_516 : vector<16xi32>
        %parallel_loop3A_518 = tpu.vector_load_idx %arg5[%parallel_loop3A_517] : memref<2048xf32, #tpu.memory_space<vmem>>[vector<16xi32>], vector<16xf32>,
        %parallel_loop3A_519 = arith.constant 7 : i32
        %parallel_loop3A_520 = arith.constant 0 : i32
        %parallel_loop3A_521 = arith.constant 0 : i32
        %parallel_loop3A_522 = arith.constant 0 : i32
        %parallel_loop3A_523 = tpu.memref_slice %arg7[%select_n3A_141, %parallel_loop3A_520, %parallel_loop3A_521, %parallel_loop3A_522] : memref<2x8x16x196xf32, #tpu.memory_space<vmem>> -> memref<1x8x16x196xf32, #tpu.memory_space<vmem>>
        %parallel_loop3A_524 = tpu.memref_squeeze %parallel_loop3A_523 : memref<1x8x16x196xf32, #tpu.memory_space<vmem>> -> memref<8x16x196xf32, #tpu.memory_space<vmem>>
        %parallel_loop3A_525 = arith.index_cast %parallel_loop3A_519 : i32 to index
        %parallel_loop3A_526 = arith.index_cast %parallel_loop3A_174 : i32 to index
        %parallel_loop3A_527 = arith.constant 32 : index
        %parallel_loop3A_528 = tpu.vector_load %parallel_loop3A_524[%parallel_loop3A_525, %parallel_loop3A_526, %parallel_loop3A_527] {strides = array<i32>} : memref<8x16x196xf32, #tpu.memory_space<vmem>>, vector<16xf32>,
        tpu.vector_store %parallel_loop3A_524[%parallel_loop3A_525, %parallel_loop3A_526, %parallel_loop3A_527], %parallel_loop3A_518 {strides = array<i32>} : memref<8x16x196xf32, #tpu.memory_space<vmem>>, vector<16xf32>,
        %parallel_loop3A_529 = arith.constant 3072 : i32
        %parallel_loop3A_530 = arith.addi %parallel_loop3A_529, %parallel_loop3A_177 : i32
        %parallel_loop3A_531 = vector.broadcast %parallel_loop3A_530 : i32 to vector<16xi32>
        %parallel_loop3A_532 = arith.addi %mul3A_40, %parallel_loop3A_531 : vector<16xi32>
        %parallel_loop3A_533 = tpu.vector_load_idx %arg6[%parallel_loop3A_532] : memref<12544xi32, #tpu.memory_space<vmem>>[vector<16xi32>], vector<16xi32>,
        %parallel_loop3A_534 = arith.constant 0 : i32
        %parallel_loop3A_535 = vector.broadcast %parallel_loop3A_534 : i32 to vector<16xi32>
        %parallel_loop3A_536 = arith.addi %parallel_loop3A_533, %parallel_loop3A_535 : vector<16xi32>
        %parallel_loop3A_537 = tpu.vector_load_idx %arg5[%parallel_loop3A_536] : memref<2048xf32, #tpu.memory_space<vmem>>[vector<16xi32>], vector<16xf32>,
        %parallel_loop3A_538 = arith.constant 0 : i32
        %parallel_loop3A_539 = arith.constant 0 : i32
        %parallel_loop3A_540 = arith.constant 0 : i32
        %parallel_loop3A_541 = arith.constant 0 : i32
        %parallel_loop3A_542 = tpu.memref_slice %arg7[%select_n3A_141, %parallel_loop3A_539, %parallel_loop3A_540, %parallel_loop3A_541] : memref<2x8x16x196xf32, #tpu.memory_space<vmem>> -> memref<1x8x16x196xf32, #tpu.memory_space<vmem>>
        %parallel_loop3A_543 = tpu.memref_squeeze %parallel_loop3A_542 : memref<1x8x16x196xf32, #tpu.memory_space<vmem>> -> memref<8x16x196xf32, #tpu.memory_space<vmem>>
        %parallel_loop3A_544 = arith.index_cast %parallel_loop3A_538 : i32 to index
        %parallel_loop3A_545 = arith.index_cast %parallel_loop3A_174 : i32 to index
        %parallel_loop3A_546 = arith.constant 48 : index
        %parallel_loop3A_547 = tpu.vector_load %parallel_loop3A_543[%parallel_loop3A_544, %parallel_loop3A_545, %parallel_loop3A_546] {strides = array<i32>} : memref<8x16x196xf32, #tpu.memory_space<vmem>>, vector<16xf32>,
        tpu.vector_store %parallel_loop3A_543[%parallel_loop3A_544, %parallel_loop3A_545, %parallel_loop3A_546], %parallel_loop3A_537 {strides = array<i32>} : memref<8x16x196xf32, #tpu.memory_space<vmem>>, vector<16xf32>,
        %parallel_loop3A_548 = arith.constant 256 : i32
        %parallel_loop3A_549 = vector.broadcast %parallel_loop3A_548 : i32 to vector<16xi32>
        %parallel_loop3A_550 = arith.addi %parallel_loop3A_533, %parallel_loop3A_549 : vector<16xi32>
        %parallel_loop3A_551 = tpu.vector_load_idx %arg5[%parallel_loop3A_550] : memref<2048xf32, #tpu.memory_space<vmem>>[vector<16xi32>], vector<16xf32>,
        %parallel_loop3A_552 = arith.constant 1 : i32
        %parallel_loop3A_553 = arith.constant 0 : i32
        %parallel_loop3A_554 = arith.constant 0 : i32
        %parallel_loop3A_555 = arith.constant 0 : i32
        %parallel_loop3A_556 = tpu.memref_slice %arg7[%select_n3A_141, %parallel_loop3A_553, %parallel_loop3A_554, %parallel_loop3A_555] : memref<2x8x16x196xf32, #tpu.memory_space<vmem>> -> memref<1x8x16x196xf32, #tpu.memory_space<vmem>>
        %parallel_loop3A_557 = tpu.memref_squeeze %parallel_loop3A_556 : memref<1x8x16x196xf32, #tpu.memory_space<vmem>> -> memref<8x16x196xf32, #tpu.memory_space<vmem>>
        %parallel_loop3A_558 = arith.index_cast %parallel_loop3A_552 : i32 to index
        %parallel_loop3A_559 = arith.index_cast %parallel_loop3A_174 : i32 to index
        %parallel_loop3A_560 = arith.constant 48 : index
        %parallel_loop3A_561 = tpu.vector_load %parallel_loop3A_557[%parallel_loop3A_558, %parallel_loop3A_559, %parallel_loop3A_560] {strides = array<i32>} : memref<8x16x196xf32, #tpu.memory_space<vmem>>, vector<16xf32>,
        tpu.vector_store %parallel_loop3A_557[%parallel_loop3A_558, %parallel_loop3A_559, %parallel_loop3A_560], %parallel_loop3A_551 {strides = array<i32>} : memref<8x16x196xf32, #tpu.memory_space<vmem>>, vector<16xf32>,
        %parallel_loop3A_562 = arith.constant 512 : i32
        %parallel_loop3A_563 = vector.broadcast %parallel_loop3A_562 : i32 to vector<16xi32>
        %parallel_loop3A_564 = arith.addi %parallel_loop3A_533, %parallel_loop3A_563 : vector<16xi32>
        %parallel_loop3A_565 = tpu.vector_load_idx %arg5[%parallel_loop3A_564] : memref<2048xf32, #tpu.memory_space<vmem>>[vector<16xi32>], vector<16xf32>,
        %parallel_loop3A_566 = arith.constant 2 : i32
        %parallel_loop3A_567 = arith.constant 0 : i32
        %parallel_loop3A_568 = arith.constant 0 : i32
        %parallel_loop3A_569 = arith.constant 0 : i32
        %parallel_loop3A_570 = tpu.memref_slice %arg7[%select_n3A_141, %parallel_loop3A_567, %parallel_loop3A_568, %parallel_loop3A_569] : memref<2x8x16x196xf32, #tpu.memory_space<vmem>> -> memref<1x8x16x196xf32, #tpu.memory_space<vmem>>
        %parallel_loop3A_571 = tpu.memref_squeeze %parallel_loop3A_570 : memref<1x8x16x196xf32, #tpu.memory_space<vmem>> -> memref<8x16x196xf32, #tpu.memory_space<vmem>>
        %parallel_loop3A_572 = arith.index_cast %parallel_loop3A_566 : i32 to index
        %parallel_loop3A_573 = arith.index_cast %parallel_loop3A_174 : i32 to index
        %parallel_loop3A_574 = arith.constant 48 : index
        %parallel_loop3A_575 = tpu.vector_load %parallel_loop3A_571[%parallel_loop3A_572, %parallel_loop3A_573, %parallel_loop3A_574] {strides = array<i32>} : memref<8x16x196xf32, #tpu.memory_space<vmem>>, vector<16xf32>,
        tpu.vector_store %parallel_loop3A_571[%parallel_loop3A_572, %parallel_loop3A_573, %parallel_loop3A_574], %parallel_loop3A_565 {strides = array<i32>} : memref<8x16x196xf32, #tpu.memory_space<vmem>>, vector<16xf32>,
        %parallel_loop3A_576 = arith.constant 768 : i32
        %parallel_loop3A_577 = vector.broadcast %parallel_loop3A_576 : i32 to vector<16xi32>
        %parallel_loop3A_578 = arith.addi %parallel_loop3A_533, %parallel_loop3A_577 : vector<16xi32>
        %parallel_loop3A_579 = tpu.vector_load_idx %arg5[%parallel_loop3A_578] : memref<2048xf32, #tpu.memory_space<vmem>>[vector<16xi32>], vector<16xf32>,
        %parallel_loop3A_580 = arith.constant 3 : i32
        %parallel_loop3A_581 = arith.constant 0 : i32
        %parallel_loop3A_582 = arith.constant 0 : i32
        %parallel_loop3A_583 = arith.constant 0 : i32
        %parallel_loop3A_584 = tpu.memref_slice %arg7[%select_n3A_141, %parallel_loop3A_581, %parallel_loop3A_582, %parallel_loop3A_583] : memref<2x8x16x196xf32, #tpu.memory_space<vmem>> -> memref<1x8x16x196xf32, #tpu.memory_space<vmem>>
        %parallel_loop3A_585 = tpu.memref_squeeze %parallel_loop3A_584 : memref<1x8x16x196xf32, #tpu.memory_space<vmem>> -> memref<8x16x196xf32, #tpu.memory_space<vmem>>
        %parallel_loop3A_586 = arith.index_cast %parallel_loop3A_580 : i32 to index
        %parallel_loop3A_587 = arith.index_cast %parallel_loop3A_174 : i32 to index
        %parallel_loop3A_588 = arith.constant 48 : index
        %parallel_loop3A_589 = tpu.vector_load %parallel_loop3A_585[%parallel_loop3A_586, %parallel_loop3A_587, %parallel_loop3A_588] {strides = array<i32>} : memref<8x16x196xf32, #tpu.memory_space<vmem>>, vector<16xf32>,
        tpu.vector_store %parallel_loop3A_585[%parallel_loop3A_586, %parallel_loop3A_587, %parallel_loop3A_588], %parallel_loop3A_579 {strides = array<i32>} : memref<8x16x196xf32, #tpu.memory_space<vmem>>, vector<16xf32>,
        %parallel_loop3A_590 = arith.constant 1024 : i32
        %parallel_loop3A_591 = vector.broadcast %parallel_loop3A_590 : i32 to vector<16xi32>
        %parallel_loop3A_592 = arith.addi %parallel_loop3A_533, %parallel_loop3A_591 : vector<16xi32>
        %parallel_loop3A_593 = tpu.vector_load_idx %arg5[%parallel_loop3A_592] : memref<2048xf32, #tpu.memory_space<vmem>>[vector<16xi32>], vector<16xf32>,
        %parallel_loop3A_594 = arith.constant 4 : i32
        %parallel_loop3A_595 = arith.constant 0 : i32
        %parallel_loop3A_596 = arith.constant 0 : i32
        %parallel_loop3A_597 = arith.constant 0 : i32
        %parallel_loop3A_598 = tpu.memref_slice %arg7[%select_n3A_141, %parallel_loop3A_595, %parallel_loop3A_596, %parallel_loop3A_597] : memref<2x8x16x196xf32, #tpu.memory_space<vmem>> -> memref<1x8x16x196xf32, #tpu.memory_space<vmem>>
        %parallel_loop3A_599 = tpu.memref_squeeze %parallel_loop3A_598 : memref<1x8x16x196xf32, #tpu.memory_space<vmem>> -> memref<8x16x196xf32, #tpu.memory_space<vmem>>
        %parallel_loop3A_600 = arith.index_cast %parallel_loop3A_594 : i32 to index
        %parallel_loop3A_601 = arith.index_cast %parallel_loop3A_174 : i32 to index
        %parallel_loop3A_602 = arith.constant 48 : index
        %parallel_loop3A_603 = tpu.vector_load %parallel_loop3A_599[%parallel_loop3A_600, %parallel_loop3A_601, %parallel_loop3A_602] {strides = array<i32>} : memref<8x16x196xf32, #tpu.memory_space<vmem>>, vector<16xf32>,
        tpu.vector_store %parallel_loop3A_599[%parallel_loop3A_600, %parallel_loop3A_601, %parallel_loop3A_602], %parallel_loop3A_593 {strides = array<i32>} : memref<8x16x196xf32, #tpu.memory_space<vmem>>, vector<16xf32>,
        %parallel_loop3A_604 = arith.constant 1280 : i32
        %parallel_loop3A_605 = vector.broadcast %parallel_loop3A_604 : i32 to vector<16xi32>
        %parallel_loop3A_606 = arith.addi %parallel_loop3A_533, %parallel_loop3A_605 : vector<16xi32>
        %parallel_loop3A_607 = tpu.vector_load_idx %arg5[%parallel_loop3A_606] : memref<2048xf32, #tpu.memory_space<vmem>>[vector<16xi32>], vector<16xf32>,
        %parallel_loop3A_608 = arith.constant 5 : i32
        %parallel_loop3A_609 = arith.constant 0 : i32
        %parallel_loop3A_610 = arith.constant 0 : i32
        %parallel_loop3A_611 = arith.constant 0 : i32
        %parallel_loop3A_612 = tpu.memref_slice %arg7[%select_n3A_141, %parallel_loop3A_609, %parallel_loop3A_610, %parallel_loop3A_611] : memref<2x8x16x196xf32, #tpu.memory_space<vmem>> -> memref<1x8x16x196xf32, #tpu.memory_space<vmem>>
        %parallel_loop3A_613 = tpu.memref_squeeze %parallel_loop3A_612 : memref<1x8x16x196xf32, #tpu.memory_space<vmem>> -> memref<8x16x196xf32, #tpu.memory_space<vmem>>
        %parallel_loop3A_614 = arith.index_cast %parallel_loop3A_608 : i32 to index
        %parallel_loop3A_615 = arith.index_cast %parallel_loop3A_174 : i32 to index
        %parallel_loop3A_616 = arith.constant 48 : index
        %parallel_loop3A_617 = tpu.vector_load %parallel_loop3A_613[%parallel_loop3A_614, %parallel_loop3A_615, %parallel_loop3A_616] {strides = array<i32>} : memref<8x16x196xf32, #tpu.memory_space<vmem>>, vector<16xf32>,
        tpu.vector_store %parallel_loop3A_613[%parallel_loop3A_614, %parallel_loop3A_615, %parallel_loop3A_616], %parallel_loop3A_607 {strides = array<i32>} : memref<8x16x196xf32, #tpu.memory_space<vmem>>, vector<16xf32>,
        %parallel_loop3A_618 = arith.constant 1536 : i32
        %parallel_loop3A_619 = vector.broadcast %parallel_loop3A_618 : i32 to vector<16xi32>
        %parallel_loop3A_620 = arith.addi %parallel_loop3A_533, %parallel_loop3A_619 : vector<16xi32>
        %parallel_loop3A_621 = tpu.vector_load_idx %arg5[%parallel_loop3A_620] : memref<2048xf32, #tpu.memory_space<vmem>>[vector<16xi32>], vector<16xf32>,
        %parallel_loop3A_622 = arith.constant 6 : i32
        %parallel_loop3A_623 = arith.constant 0 : i32
        %parallel_loop3A_624 = arith.constant 0 : i32
        %parallel_loop3A_625 = arith.constant 0 : i32
        %parallel_loop3A_626 = tpu.memref_slice %arg7[%select_n3A_141, %parallel_loop3A_623, %parallel_loop3A_624, %parallel_loop3A_625] : memref<2x8x16x196xf32, #tpu.memory_space<vmem>> -> memref<1x8x16x196xf32, #tpu.memory_space<vmem>>
        %parallel_loop3A_627 = tpu.memref_squeeze %parallel_loop3A_626 : memref<1x8x16x196xf32, #tpu.memory_space<vmem>> -> memref<8x16x196xf32, #tpu.memory_space<vmem>>
        %parallel_loop3A_628 = arith.index_cast %parallel_loop3A_622 : i32 to index
        %parallel_loop3A_629 = arith.index_cast %parallel_loop3A_174 : i32 to index
        %parallel_loop3A_630 = arith.constant 48 : index
        %parallel_loop3A_631 = tpu.vector_load %parallel_loop3A_627[%parallel_loop3A_628, %parallel_loop3A_629, %parallel_loop3A_630] {strides = array<i32>} : memref<8x16x196xf32, #tpu.memory_space<vmem>>, vector<16xf32>,
        tpu.vector_store %parallel_loop3A_627[%parallel_loop3A_628, %parallel_loop3A_629, %parallel_loop3A_630], %parallel_loop3A_621 {strides = array<i32>} : memref<8x16x196xf32, #tpu.memory_space<vmem>>, vector<16xf32>,
        %parallel_loop3A_632 = arith.constant 1792 : i32
        %parallel_loop3A_633 = vector.broadcast %parallel_loop3A_632 : i32 to vector<16xi32>
        %parallel_loop3A_634 = arith.addi %parallel_loop3A_533, %parallel_loop3A_633 : vector<16xi32>
        %parallel_loop3A_635 = tpu.vector_load_idx %arg5[%parallel_loop3A_634] : memref<2048xf32, #tpu.memory_space<vmem>>[vector<16xi32>], vector<16xf32>,
        %parallel_loop3A_636 = arith.constant 7 : i32
        %parallel_loop3A_637 = arith.constant 0 : i32
        %parallel_loop3A_638 = arith.constant 0 : i32
        %parallel_loop3A_639 = arith.constant 0 : i32
        %parallel_loop3A_640 = tpu.memref_slice %arg7[%select_n3A_141, %parallel_loop3A_637, %parallel_loop3A_638, %parallel_loop3A_639] : memref<2x8x16x196xf32, #tpu.memory_space<vmem>> -> memref<1x8x16x196xf32, #tpu.memory_space<vmem>>
        %parallel_loop3A_641 = tpu.memref_squeeze %parallel_loop3A_640 : memref<1x8x16x196xf32, #tpu.memory_space<vmem>> -> memref<8x16x196xf32, #tpu.memory_space<vmem>>
        %parallel_loop3A_642 = arith.index_cast %parallel_loop3A_636 : i32 to index
        %parallel_loop3A_643 = arith.index_cast %parallel_loop3A_174 : i32 to index
        %parallel_loop3A_644 = arith.constant 48 : index
        %parallel_loop3A_645 = tpu.vector_load %parallel_loop3A_641[%parallel_loop3A_642, %parallel_loop3A_643, %parallel_loop3A_644] {strides = array<i32>} : memref<8x16x196xf32, #tpu.memory_space<vmem>>, vector<16xf32>,
        tpu.vector_store %parallel_loop3A_641[%parallel_loop3A_642, %parallel_loop3A_643, %parallel_loop3A_644], %parallel_loop3A_635 {strides = array<i32>} : memref<8x16x196xf32, #tpu.memory_space<vmem>>, vector<16xf32>,
        %parallel_loop3A_646 = arith.constant 4096 : i32
        %parallel_loop3A_647 = arith.addi %parallel_loop3A_646, %parallel_loop3A_177 : i32
        %parallel_loop3A_648 = vector.broadcast %parallel_loop3A_647 : i32 to vector<16xi32>
        %parallel_loop3A_649 = arith.addi %mul3A_40, %parallel_loop3A_648 : vector<16xi32>
        %parallel_loop3A_650 = tpu.vector_load_idx %arg6[%parallel_loop3A_649] : memref<12544xi32, #tpu.memory_space<vmem>>[vector<16xi32>], vector<16xi32>,
        %parallel_loop3A_651 = arith.constant 0 : i32
        %parallel_loop3A_652 = vector.broadcast %parallel_loop3A_651 : i32 to vector<16xi32>
        %parallel_loop3A_653 = arith.addi %parallel_loop3A_650, %parallel_loop3A_652 : vector<16xi32>
        %parallel_loop3A_654 = tpu.vector_load_idx %arg5[%parallel_loop3A_653] : memref<2048xf32, #tpu.memory_space<vmem>>[vector<16xi32>], vector<16xf32>,
        %parallel_loop3A_655 = arith.constant 0 : i32
        %parallel_loop3A_656 = arith.constant 0 : i32
        %parallel_loop3A_657 = arith.constant 0 : i32
        %parallel_loop3A_658 = arith.constant 0 : i32
        %parallel_loop3A_659 = tpu.memref_slice %arg7[%select_n3A_141, %parallel_loop3A_656, %parallel_loop3A_657, %parallel_loop3A_658] : memref<2x8x16x196xf32, #tpu.memory_space<vmem>> -> memref<1x8x16x196xf32, #tpu.memory_space<vmem>>
        %parallel_loop3A_660 = tpu.memref_squeeze %parallel_loop3A_659 : memref<1x8x16x196xf32, #tpu.memory_space<vmem>> -> memref<8x16x196xf32, #tpu.memory_space<vmem>>
        %parallel_loop3A_661 = arith.index_cast %parallel_loop3A_655 : i32 to index
        %parallel_loop3A_662 = arith.index_cast %parallel_loop3A_174 : i32 to index
        %parallel_loop3A_663 = arith.constant 64 : index
        %parallel_loop3A_664 = tpu.vector_load %parallel_loop3A_660[%parallel_loop3A_661, %parallel_loop3A_662, %parallel_loop3A_663] {strides = array<i32>} : memref<8x16x196xf32, #tpu.memory_space<vmem>>, vector<16xf32>,
        tpu.vector_store %parallel_loop3A_660[%parallel_loop3A_661, %parallel_loop3A_662, %parallel_loop3A_663], %parallel_loop3A_654 {strides = array<i32>} : memref<8x16x196xf32, #tpu.memory_space<vmem>>, vector<16xf32>,
        %parallel_loop3A_665 = arith.constant 256 : i32
        %parallel_loop3A_666 = vector.broadcast %parallel_loop3A_665 : i32 to vector<16xi32>
        %parallel_loop3A_667 = arith.addi %parallel_loop3A_650, %parallel_loop3A_666 : vector<16xi32>
        %parallel_loop3A_668 = tpu.vector_load_idx %arg5[%parallel_loop3A_667] : memref<2048xf32, #tpu.memory_space<vmem>>[vector<16xi32>], vector<16xf32>,
        %parallel_loop3A_669 = arith.constant 1 : i32
        %parallel_loop3A_670 = arith.constant 0 : i32
        %parallel_loop3A_671 = arith.constant 0 : i32
        %parallel_loop3A_672 = arith.constant 0 : i32
        %parallel_loop3A_673 = tpu.memref_slice %arg7[%select_n3A_141, %parallel_loop3A_670, %parallel_loop3A_671, %parallel_loop3A_672] : memref<2x8x16x196xf32, #tpu.memory_space<vmem>> -> memref<1x8x16x196xf32, #tpu.memory_space<vmem>>
        %parallel_loop3A_674 = tpu.memref_squeeze %parallel_loop3A_673 : memref<1x8x16x196xf32, #tpu.memory_space<vmem>> -> memref<8x16x196xf32, #tpu.memory_space<vmem>>
        %parallel_loop3A_675 = arith.index_cast %parallel_loop3A_669 : i32 to index
        %parallel_loop3A_676 = arith.index_cast %parallel_loop3A_174 : i32 to index
        %parallel_loop3A_677 = arith.constant 64 : index
        %parallel_loop3A_678 = tpu.vector_load %parallel_loop3A_674[%parallel_loop3A_675, %parallel_loop3A_676, %parallel_loop3A_677] {strides = array<i32>} : memref<8x16x196xf32, #tpu.memory_space<vmem>>, vector<16xf32>,
        tpu.vector_store %parallel_loop3A_674[%parallel_loop3A_675, %parallel_loop3A_676, %parallel_loop3A_677], %parallel_loop3A_668 {strides = array<i32>} : memref<8x16x196xf32, #tpu.memory_space<vmem>>, vector<16xf32>,
        %parallel_loop3A_679 = arith.constant 512 : i32
        %parallel_loop3A_680 = vector.broadcast %parallel_loop3A_679 : i32 to vector<16xi32>
        %parallel_loop3A_681 = arith.addi %parallel_loop3A_650, %parallel_loop3A_680 : vector<16xi32>
        %parallel_loop3A_682 = tpu.vector_load_idx %arg5[%parallel_loop3A_681] : memref<2048xf32, #tpu.memory_space<vmem>>[vector<16xi32>], vector<16xf32>,
        %parallel_loop3A_683 = arith.constant 2 : i32
        %parallel_loop3A_684 = arith.constant 0 : i32
        %parallel_loop3A_685 = arith.constant 0 : i32
        %parallel_loop3A_686 = arith.constant 0 : i32
        %parallel_loop3A_687 = tpu.memref_slice %arg7[%select_n3A_141, %parallel_loop3A_684, %parallel_loop3A_685, %parallel_loop3A_686] : memref<2x8x16x196xf32, #tpu.memory_space<vmem>> -> memref<1x8x16x196xf32, #tpu.memory_space<vmem>>
        %parallel_loop3A_688 = tpu.memref_squeeze %parallel_loop3A_687 : memref<1x8x16x196xf32, #tpu.memory_space<vmem>> -> memref<8x16x196xf32, #tpu.memory_space<vmem>>
        %parallel_loop3A_689 = arith.index_cast %parallel_loop3A_683 : i32 to index
        %parallel_loop3A_690 = arith.index_cast %parallel_loop3A_174 : i32 to index
        %parallel_loop3A_691 = arith.constant 64 : index
        %parallel_loop3A_692 = tpu.vector_load %parallel_loop3A_688[%parallel_loop3A_689, %parallel_loop3A_690, %parallel_loop3A_691] {strides = array<i32>} : memref<8x16x196xf32, #tpu.memory_space<vmem>>, vector<16xf32>,
        tpu.vector_store %parallel_loop3A_688[%parallel_loop3A_689, %parallel_loop3A_690, %parallel_loop3A_691], %parallel_loop3A_682 {strides = array<i32>} : memref<8x16x196xf32, #tpu.memory_space<vmem>>, vector<16xf32>,
        %parallel_loop3A_693 = arith.constant 768 : i32
        %parallel_loop3A_694 = vector.broadcast %parallel_loop3A_693 : i32 to vector<16xi32>
        %parallel_loop3A_695 = arith.addi %parallel_loop3A_650, %parallel_loop3A_694 : vector<16xi32>
        %parallel_loop3A_696 = tpu.vector_load_idx %arg5[%parallel_loop3A_695] : memref<2048xf32, #tpu.memory_space<vmem>>[vector<16xi32>], vector<16xf32>,
        %parallel_loop3A_697 = arith.constant 3 : i32
        %parallel_loop3A_698 = arith.constant 0 : i32
        %parallel_loop3A_699 = arith.constant 0 : i32
        %parallel_loop3A_700 = arith.constant 0 : i32
        %parallel_loop3A_701 = tpu.memref_slice %arg7[%select_n3A_141, %parallel_loop3A_698, %parallel_loop3A_699, %parallel_loop3A_700] : memref<2x8x16x196xf32, #tpu.memory_space<vmem>> -> memref<1x8x16x196xf32, #tpu.memory_space<vmem>>
        %parallel_loop3A_702 = tpu.memref_squeeze %parallel_loop3A_701 : memref<1x8x16x196xf32, #tpu.memory_space<vmem>> -> memref<8x16x196xf32, #tpu.memory_space<vmem>>
        %parallel_loop3A_703 = arith.index_cast %parallel_loop3A_697 : i32 to index
        %parallel_loop3A_704 = arith.index_cast %parallel_loop3A_174 : i32 to index
        %parallel_loop3A_705 = arith.constant 64 : index
        %parallel_loop3A_706 = tpu.vector_load %parallel_loop3A_702[%parallel_loop3A_703, %parallel_loop3A_704, %parallel_loop3A_705] {strides = array<i32>} : memref<8x16x196xf32, #tpu.memory_space<vmem>>, vector<16xf32>,
        tpu.vector_store %parallel_loop3A_702[%parallel_loop3A_703, %parallel_loop3A_704, %parallel_loop3A_705], %parallel_loop3A_696 {strides = array<i32>} : memref<8x16x196xf32, #tpu.memory_space<vmem>>, vector<16xf32>,
        %parallel_loop3A_707 = arith.constant 1024 : i32
        %parallel_loop3A_708 = vector.broadcast %parallel_loop3A_707 : i32 to vector<16xi32>
        %parallel_loop3A_709 = arith.addi %parallel_loop3A_650, %parallel_loop3A_708 : vector<16xi32>
        %parallel_loop3A_710 = tpu.vector_load_idx %arg5[%parallel_loop3A_709] : memref<2048xf32, #tpu.memory_space<vmem>>[vector<16xi32>], vector<16xf32>,
        %parallel_loop3A_711 = arith.constant 4 : i32
        %parallel_loop3A_712 = arith.constant 0 : i32
        %parallel_loop3A_713 = arith.constant 0 : i32
        %parallel_loop3A_714 = arith.constant 0 : i32
        %parallel_loop3A_715 = tpu.memref_slice %arg7[%select_n3A_141, %parallel_loop3A_712, %parallel_loop3A_713, %parallel_loop3A_714] : memref<2x8x16x196xf32, #tpu.memory_space<vmem>> -> memref<1x8x16x196xf32, #tpu.memory_space<vmem>>
        %parallel_loop3A_716 = tpu.memref_squeeze %parallel_loop3A_715 : memref<1x8x16x196xf32, #tpu.memory_space<vmem>> -> memref<8x16x196xf32, #tpu.memory_space<vmem>>
        %parallel_loop3A_717 = arith.index_cast %parallel_loop3A_711 : i32 to index
        %parallel_loop3A_718 = arith.index_cast %parallel_loop3A_174 : i32 to index
        %parallel_loop3A_719 = arith.constant 64 : index
        %parallel_loop3A_720 = tpu.vector_load %parallel_loop3A_716[%parallel_loop3A_717, %parallel_loop3A_718, %parallel_loop3A_719] {strides = array<i32>} : memref<8x16x196xf32, #tpu.memory_space<vmem>>, vector<16xf32>,
        tpu.vector_store %parallel_loop3A_716[%parallel_loop3A_717, %parallel_loop3A_718, %parallel_loop3A_719], %parallel_loop3A_710 {strides = array<i32>} : memref<8x16x196xf32, #tpu.memory_space<vmem>>, vector<16xf32>,
        %parallel_loop3A_721 = arith.constant 1280 : i32
        %parallel_loop3A_722 = vector.broadcast %parallel_loop3A_721 : i32 to vector<16xi32>
        %parallel_loop3A_723 = arith.addi %parallel_loop3A_650, %parallel_loop3A_722 : vector<16xi32>
        %parallel_loop3A_724 = tpu.vector_load_idx %arg5[%parallel_loop3A_723] : memref<2048xf32, #tpu.memory_space<vmem>>[vector<16xi32>], vector<16xf32>,
        %parallel_loop3A_725 = arith.constant 5 : i32
        %parallel_loop3A_726 = arith.constant 0 : i32
        %parallel_loop3A_727 = arith.constant 0 : i32
        %parallel_loop3A_728 = arith.constant 0 : i32
        %parallel_loop3A_729 = tpu.memref_slice %arg7[%select_n3A_141, %parallel_loop3A_726, %parallel_loop3A_727, %parallel_loop3A_728] : memref<2x8x16x196xf32, #tpu.memory_space<vmem>> -> memref<1x8x16x196xf32, #tpu.memory_space<vmem>>
        %parallel_loop3A_730 = tpu.memref_squeeze %parallel_loop3A_729 : memref<1x8x16x196xf32, #tpu.memory_space<vmem>> -> memref<8x16x196xf32, #tpu.memory_space<vmem>>
        %parallel_loop3A_731 = arith.index_cast %parallel_loop3A_725 : i32 to index
        %parallel_loop3A_732 = arith.index_cast %parallel_loop3A_174 : i32 to index
        %parallel_loop3A_733 = arith.constant 64 : index
        %parallel_loop3A_734 = tpu.vector_load %parallel_loop3A_730[%parallel_loop3A_731, %parallel_loop3A_732, %parallel_loop3A_733] {strides = array<i32>} : memref<8x16x196xf32, #tpu.memory_space<vmem>>, vector<16xf32>,
        tpu.vector_store %parallel_loop3A_730[%parallel_loop3A_731, %parallel_loop3A_732, %parallel_loop3A_733], %parallel_loop3A_724 {strides = array<i32>} : memref<8x16x196xf32, #tpu.memory_space<vmem>>, vector<16xf32>,
        %parallel_loop3A_735 = arith.constant 1536 : i32
        %parallel_loop3A_736 = vector.broadcast %parallel_loop3A_735 : i32 to vector<16xi32>
        %parallel_loop3A_737 = arith.addi %parallel_loop3A_650, %parallel_loop3A_736 : vector<16xi32>
        %parallel_loop3A_738 = tpu.vector_load_idx %arg5[%parallel_loop3A_737] : memref<2048xf32, #tpu.memory_space<vmem>>[vector<16xi32>], vector<16xf32>,
        %parallel_loop3A_739 = arith.constant 6 : i32
        %parallel_loop3A_740 = arith.constant 0 : i32
        %parallel_loop3A_741 = arith.constant 0 : i32
        %parallel_loop3A_742 = arith.constant 0 : i32
        %parallel_loop3A_743 = tpu.memref_slice %arg7[%select_n3A_141, %parallel_loop3A_740, %parallel_loop3A_741, %parallel_loop3A_742] : memref<2x8x16x196xf32, #tpu.memory_space<vmem>> -> memref<1x8x16x196xf32, #tpu.memory_space<vmem>>
        %parallel_loop3A_744 = tpu.memref_squeeze %parallel_loop3A_743 : memref<1x8x16x196xf32, #tpu.memory_space<vmem>> -> memref<8x16x196xf32, #tpu.memory_space<vmem>>
        %parallel_loop3A_745 = arith.index_cast %parallel_loop3A_739 : i32 to index
        %parallel_loop3A_746 = arith.index_cast %parallel_loop3A_174 : i32 to index
        %parallel_loop3A_747 = arith.constant 64 : index
        %parallel_loop3A_748 = tpu.vector_load %parallel_loop3A_744[%parallel_loop3A_745, %parallel_loop3A_746, %parallel_loop3A_747] {strides = array<i32>} : memref<8x16x196xf32, #tpu.memory_space<vmem>>, vector<16xf32>,
        tpu.vector_store %parallel_loop3A_744[%parallel_loop3A_745, %parallel_loop3A_746, %parallel_loop3A_747], %parallel_loop3A_738 {strides = array<i32>} : memref<8x16x196xf32, #tpu.memory_space<vmem>>, vector<16xf32>,
        %parallel_loop3A_749 = arith.constant 1792 : i32
        %parallel_loop3A_750 = vector.broadcast %parallel_loop3A_749 : i32 to vector<16xi32>
        %parallel_loop3A_751 = arith.addi %parallel_loop3A_650, %parallel_loop3A_750 : vector<16xi32>
        %parallel_loop3A_752 = tpu.vector_load_idx %arg5[%parallel_loop3A_751] : memref<2048xf32, #tpu.memory_space<vmem>>[vector<16xi32>], vector<16xf32>,
        %parallel_loop3A_753 = arith.constant 7 : i32
        %parallel_loop3A_754 = arith.constant 0 : i32
        %parallel_loop3A_755 = arith.constant 0 : i32
        %parallel_loop3A_756 = arith.constant 0 : i32
        %parallel_loop3A_757 = tpu.memref_slice %arg7[%select_n3A_141, %parallel_loop3A_754, %parallel_loop3A_755, %parallel_loop3A_756] : memref<2x8x16x196xf32, #tpu.memory_space<vmem>> -> memref<1x8x16x196xf32, #tpu.memory_space<vmem>>
        %parallel_loop3A_758 = tpu.memref_squeeze %parallel_loop3A_757 : memref<1x8x16x196xf32, #tpu.memory_space<vmem>> -> memref<8x16x196xf32, #tpu.memory_space<vmem>>
        %parallel_loop3A_759 = arith.index_cast %parallel_loop3A_753 : i32 to index
        %parallel_loop3A_760 = arith.index_cast %parallel_loop3A_174 : i32 to index
        %parallel_loop3A_761 = arith.constant 64 : index
        %parallel_loop3A_762 = tpu.vector_load %parallel_loop3A_758[%parallel_loop3A_759, %parallel_loop3A_760, %parallel_loop3A_761] {strides = array<i32>} : memref<8x16x196xf32, #tpu.memory_space<vmem>>, vector<16xf32>,
        tpu.vector_store %parallel_loop3A_758[%parallel_loop3A_759, %parallel_loop3A_760, %parallel_loop3A_761], %parallel_loop3A_752 {strides = array<i32>} : memref<8x16x196xf32, #tpu.memory_space<vmem>>, vector<16xf32>,
        %parallel_loop3A_763 = arith.constant 5120 : i32
        %parallel_loop3A_764 = arith.addi %parallel_loop3A_763, %parallel_loop3A_177 : i32
        %parallel_loop3A_765 = vector.broadcast %parallel_loop3A_764 : i32 to vector<16xi32>
        %parallel_loop3A_766 = arith.addi %mul3A_40, %parallel_loop3A_765 : vector<16xi32>
        %parallel_loop3A_767 = tpu.vector_load_idx %arg6[%parallel_loop3A_766] : memref<12544xi32, #tpu.memory_space<vmem>>[vector<16xi32>], vector<16xi32>,
        %parallel_loop3A_768 = arith.constant 0 : i32
        %parallel_loop3A_769 = vector.broadcast %parallel_loop3A_768 : i32 to vector<16xi32>
        %parallel_loop3A_770 = arith.addi %parallel_loop3A_767, %parallel_loop3A_769 : vector<16xi32>
        %parallel_loop3A_771 = tpu.vector_load_idx %arg5[%parallel_loop3A_770] : memref<2048xf32, #tpu.memory_space<vmem>>[vector<16xi32>], vector<16xf32>,
        %parallel_loop3A_772 = arith.constant 0 : i32
        %parallel_loop3A_773 = arith.constant 0 : i32
        %parallel_loop3A_774 = arith.constant 0 : i32
        %parallel_loop3A_775 = arith.constant 0 : i32
        %parallel_loop3A_776 = tpu.memref_slice %arg7[%select_n3A_141, %parallel_loop3A_773, %parallel_loop3A_774, %parallel_loop3A_775] : memref<2x8x16x196xf32, #tpu.memory_space<vmem>> -> memref<1x8x16x196xf32, #tpu.memory_space<vmem>>
        %parallel_loop3A_777 = tpu.memref_squeeze %parallel_loop3A_776 : memref<1x8x16x196xf32, #tpu.memory_space<vmem>> -> memref<8x16x196xf32, #tpu.memory_space<vmem>>
        %parallel_loop3A_778 = arith.index_cast %parallel_loop3A_772 : i32 to index
        %parallel_loop3A_779 = arith.index_cast %parallel_loop3A_174 : i32 to index
        %parallel_loop3A_780 = arith.constant 80 : index
        %parallel_loop3A_781 = tpu.vector_load %parallel_loop3A_777[%parallel_loop3A_778, %parallel_loop3A_779, %parallel_loop3A_780] {strides = array<i32>} : memref<8x16x196xf32, #tpu.memory_space<vmem>>, vector<16xf32>,
        tpu.vector_store %parallel_loop3A_777[%parallel_loop3A_778, %parallel_loop3A_779, %parallel_loop3A_780], %parallel_loop3A_771 {strides = array<i32>} : memref<8x16x196xf32, #tpu.memory_space<vmem>>, vector<16xf32>,
        %parallel_loop3A_782 = arith.constant 256 : i32
        %parallel_loop3A_783 = vector.broadcast %parallel_loop3A_782 : i32 to vector<16xi32>
        %parallel_loop3A_784 = arith.addi %parallel_loop3A_767, %parallel_loop3A_783 : vector<16xi32>
        %parallel_loop3A_785 = tpu.vector_load_idx %arg5[%parallel_loop3A_784] : memref<2048xf32, #tpu.memory_space<vmem>>[vector<16xi32>], vector<16xf32>,
        %parallel_loop3A_786 = arith.constant 1 : i32
        %parallel_loop3A_787 = arith.constant 0 : i32
        %parallel_loop3A_788 = arith.constant 0 : i32
        %parallel_loop3A_789 = arith.constant 0 : i32
        %parallel_loop3A_790 = tpu.memref_slice %arg7[%select_n3A_141, %parallel_loop3A_787, %parallel_loop3A_788, %parallel_loop3A_789] : memref<2x8x16x196xf32, #tpu.memory_space<vmem>> -> memref<1x8x16x196xf32, #tpu.memory_space<vmem>>
        %parallel_loop3A_791 = tpu.memref_squeeze %parallel_loop3A_790 : memref<1x8x16x196xf32, #tpu.memory_space<vmem>> -> memref<8x16x196xf32, #tpu.memory_space<vmem>>
        %parallel_loop3A_792 = arith.index_cast %parallel_loop3A_786 : i32 to index
        %parallel_loop3A_793 = arith.index_cast %parallel_loop3A_174 : i32 to index
        %parallel_loop3A_794 = arith.constant 80 : index
        %parallel_loop3A_795 = tpu.vector_load %parallel_loop3A_791[%parallel_loop3A_792, %parallel_loop3A_793, %parallel_loop3A_794] {strides = array<i32>} : memref<8x16x196xf32, #tpu.memory_space<vmem>>, vector<16xf32>,
        tpu.vector_store %parallel_loop3A_791[%parallel_loop3A_792, %parallel_loop3A_793, %parallel_loop3A_794], %parallel_loop3A_785 {strides = array<i32>} : memref<8x16x196xf32, #tpu.memory_space<vmem>>, vector<16xf32>,
        %parallel_loop3A_796 = arith.constant 512 : i32
        %parallel_loop3A_797 = vector.broadcast %parallel_loop3A_796 : i32 to vector<16xi32>
        %parallel_loop3A_798 = arith.addi %parallel_loop3A_767, %parallel_loop3A_797 : vector<16xi32>
        %parallel_loop3A_799 = tpu.vector_load_idx %arg5[%parallel_loop3A_798] : memref<2048xf32, #tpu.memory_space<vmem>>[vector<16xi32>], vector<16xf32>,
        %parallel_loop3A_800 = arith.constant 2 : i32
        %parallel_loop3A_801 = arith.constant 0 : i32
        %parallel_loop3A_802 = arith.constant 0 : i32
        %parallel_loop3A_803 = arith.constant 0 : i32
        %parallel_loop3A_804 = tpu.memref_slice %arg7[%select_n3A_141, %parallel_loop3A_801, %parallel_loop3A_802, %parallel_loop3A_803] : memref<2x8x16x196xf32, #tpu.memory_space<vmem>> -> memref<1x8x16x196xf32, #tpu.memory_space<vmem>>
        %parallel_loop3A_805 = tpu.memref_squeeze %parallel_loop3A_804 : memref<1x8x16x196xf32, #tpu.memory_space<vmem>> -> memref<8x16x196xf32, #tpu.memory_space<vmem>>
        %parallel_loop3A_806 = arith.index_cast %parallel_loop3A_800 : i32 to index
        %parallel_loop3A_807 = arith.index_cast %parallel_loop3A_174 : i32 to index
        %parallel_loop3A_808 = arith.constant 80 : index
        %parallel_loop3A_809 = tpu.vector_load %parallel_loop3A_805[%parallel_loop3A_806, %parallel_loop3A_807, %parallel_loop3A_808] {strides = array<i32>} : memref<8x16x196xf32, #tpu.memory_space<vmem>>, vector<16xf32>,
        tpu.vector_store %parallel_loop3A_805[%parallel_loop3A_806, %parallel_loop3A_807, %parallel_loop3A_808], %parallel_loop3A_799 {strides = array<i32>} : memref<8x16x196xf32, #tpu.memory_space<vmem>>, vector<16xf32>,
        %parallel_loop3A_810 = arith.constant 768 : i32
        %parallel_loop3A_811 = vector.broadcast %parallel_loop3A_810 : i32 to vector<16xi32>
        %parallel_loop3A_812 = arith.addi %parallel_loop3A_767, %parallel_loop3A_811 : vector<16xi32>
        %parallel_loop3A_813 = tpu.vector_load_idx %arg5[%parallel_loop3A_812] : memref<2048xf32, #tpu.memory_space<vmem>>[vector<16xi32>], vector<16xf32>,
        %parallel_loop3A_814 = arith.constant 3 : i32
        %parallel_loop3A_815 = arith.constant 0 : i32
        %parallel_loop3A_816 = arith.constant 0 : i32
        %parallel_loop3A_817 = arith.constant 0 : i32
        %parallel_loop3A_818 = tpu.memref_slice %arg7[%select_n3A_141, %parallel_loop3A_815, %parallel_loop3A_816, %parallel_loop3A_817] : memref<2x8x16x196xf32, #tpu.memory_space<vmem>> -> memref<1x8x16x196xf32, #tpu.memory_space<vmem>>
        %parallel_loop3A_819 = tpu.memref_squeeze %parallel_loop3A_818 : memref<1x8x16x196xf32, #tpu.memory_space<vmem>> -> memref<8x16x196xf32, #tpu.memory_space<vmem>>
        %parallel_loop3A_820 = arith.index_cast %parallel_loop3A_814 : i32 to index
        %parallel_loop3A_821 = arith.index_cast %parallel_loop3A_174 : i32 to index
        %parallel_loop3A_822 = arith.constant 80 : index
        %parallel_loop3A_823 = tpu.vector_load %parallel_loop3A_819[%parallel_loop3A_820, %parallel_loop3A_821, %parallel_loop3A_822] {strides = array<i32>} : memref<8x16x196xf32, #tpu.memory_space<vmem>>, vector<16xf32>,
        tpu.vector_store %parallel_loop3A_819[%parallel_loop3A_820, %parallel_loop3A_821, %parallel_loop3A_822], %parallel_loop3A_813 {strides = array<i32>} : memref<8x16x196xf32, #tpu.memory_space<vmem>>, vector<16xf32>,
        %parallel_loop3A_824 = arith.constant 1024 : i32
        %parallel_loop3A_825 = vector.broadcast %parallel_loop3A_824 : i32 to vector<16xi32>
        %parallel_loop3A_826 = arith.addi %parallel_loop3A_767, %parallel_loop3A_825 : vector<16xi32>
        %parallel_loop3A_827 = tpu.vector_load_idx %arg5[%parallel_loop3A_826] : memref<2048xf32, #tpu.memory_space<vmem>>[vector<16xi32>], vector<16xf32>,
        %parallel_loop3A_828 = arith.constant 4 : i32
        %parallel_loop3A_829 = arith.constant 0 : i32
        %parallel_loop3A_830 = arith.constant 0 : i32
        %parallel_loop3A_831 = arith.constant 0 : i32
        %parallel_loop3A_832 = tpu.memref_slice %arg7[%select_n3A_141, %parallel_loop3A_829, %parallel_loop3A_830, %parallel_loop3A_831] : memref<2x8x16x196xf32, #tpu.memory_space<vmem>> -> memref<1x8x16x196xf32, #tpu.memory_space<vmem>>
        %parallel_loop3A_833 = tpu.memref_squeeze %parallel_loop3A_832 : memref<1x8x16x196xf32, #tpu.memory_space<vmem>> -> memref<8x16x196xf32, #tpu.memory_space<vmem>>
        %parallel_loop3A_834 = arith.index_cast %parallel_loop3A_828 : i32 to index
        %parallel_loop3A_835 = arith.index_cast %parallel_loop3A_174 : i32 to index
        %parallel_loop3A_836 = arith.constant 80 : index
        %parallel_loop3A_837 = tpu.vector_load %parallel_loop3A_833[%parallel_loop3A_834, %parallel_loop3A_835, %parallel_loop3A_836] {strides = array<i32>} : memref<8x16x196xf32, #tpu.memory_space<vmem>>, vector<16xf32>,
        tpu.vector_store %parallel_loop3A_833[%parallel_loop3A_834, %parallel_loop3A_835, %parallel_loop3A_836], %parallel_loop3A_827 {strides = array<i32>} : memref<8x16x196xf32, #tpu.memory_space<vmem>>, vector<16xf32>,
        %parallel_loop3A_838 = arith.constant 1280 : i32
        %parallel_loop3A_839 = vector.broadcast %parallel_loop3A_838 : i32 to vector<16xi32>
        %parallel_loop3A_840 = arith.addi %parallel_loop3A_767, %parallel_loop3A_839 : vector<16xi32>
        %parallel_loop3A_841 = tpu.vector_load_idx %arg5[%parallel_loop3A_840] : memref<2048xf32, #tpu.memory_space<vmem>>[vector<16xi32>], vector<16xf32>,
        %parallel_loop3A_842 = arith.constant 5 : i32
        %parallel_loop3A_843 = arith.constant 0 : i32
        %parallel_loop3A_844 = arith.constant 0 : i32
        %parallel_loop3A_845 = arith.constant 0 : i32
        %parallel_loop3A_846 = tpu.memref_slice %arg7[%select_n3A_141, %parallel_loop3A_843, %parallel_loop3A_844, %parallel_loop3A_845] : memref<2x8x16x196xf32, #tpu.memory_space<vmem>> -> memref<1x8x16x196xf32, #tpu.memory_space<vmem>>
        %parallel_loop3A_847 = tpu.memref_squeeze %parallel_loop3A_846 : memref<1x8x16x196xf32, #tpu.memory_space<vmem>> -> memref<8x16x196xf32, #tpu.memory_space<vmem>>
        %parallel_loop3A_848 = arith.index_cast %parallel_loop3A_842 : i32 to index
        %parallel_loop3A_849 = arith.index_cast %parallel_loop3A_174 : i32 to index
        %parallel_loop3A_850 = arith.constant 80 : index
        %parallel_loop3A_851 = tpu.vector_load %parallel_loop3A_847[%parallel_loop3A_848, %parallel_loop3A_849, %parallel_loop3A_850] {strides = array<i32>} : memref<8x16x196xf32, #tpu.memory_space<vmem>>, vector<16xf32>,
        tpu.vector_store %parallel_loop3A_847[%parallel_loop3A_848, %parallel_loop3A_849, %parallel_loop3A_850], %parallel_loop3A_841 {strides = array<i32>} : memref<8x16x196xf32, #tpu.memory_space<vmem>>, vector<16xf32>,
        %parallel_loop3A_852 = arith.constant 1536 : i32
        %parallel_loop3A_853 = vector.broadcast %parallel_loop3A_852 : i32 to vector<16xi32>
        %parallel_loop3A_854 = arith.addi %parallel_loop3A_767, %parallel_loop3A_853 : vector<16xi32>
        %parallel_loop3A_855 = tpu.vector_load_idx %arg5[%parallel_loop3A_854] : memref<2048xf32, #tpu.memory_space<vmem>>[vector<16xi32>], vector<16xf32>,
        %parallel_loop3A_856 = arith.constant 6 : i32
        %parallel_loop3A_857 = arith.constant 0 : i32
        %parallel_loop3A_858 = arith.constant 0 : i32
        %parallel_loop3A_859 = arith.constant 0 : i32
        %parallel_loop3A_860 = tpu.memref_slice %arg7[%select_n3A_141, %parallel_loop3A_857, %parallel_loop3A_858, %parallel_loop3A_859] : memref<2x8x16x196xf32, #tpu.memory_space<vmem>> -> memref<1x8x16x196xf32, #tpu.memory_space<vmem>>
        %parallel_loop3A_861 = tpu.memref_squeeze %parallel_loop3A_860 : memref<1x8x16x196xf32, #tpu.memory_space<vmem>> -> memref<8x16x196xf32, #tpu.memory_space<vmem>>
        %parallel_loop3A_862 = arith.index_cast %parallel_loop3A_856 : i32 to index
        %parallel_loop3A_863 = arith.index_cast %parallel_loop3A_174 : i32 to index
        %parallel_loop3A_864 = arith.constant 80 : index
        %parallel_loop3A_865 = tpu.vector_load %parallel_loop3A_861[%parallel_loop3A_862, %parallel_loop3A_863, %parallel_loop3A_864] {strides = array<i32>} : memref<8x16x196xf32, #tpu.memory_space<vmem>>, vector<16xf32>,
        tpu.vector_store %parallel_loop3A_861[%parallel_loop3A_862, %parallel_loop3A_863, %parallel_loop3A_864], %parallel_loop3A_855 {strides = array<i32>} : memref<8x16x196xf32, #tpu.memory_space<vmem>>, vector<16xf32>,
        %parallel_loop3A_866 = arith.constant 1792 : i32
        %parallel_loop3A_867 = vector.broadcast %parallel_loop3A_866 : i32 to vector<16xi32>
        %parallel_loop3A_868 = arith.addi %parallel_loop3A_767, %parallel_loop3A_867 : vector<16xi32>
        %parallel_loop3A_869 = tpu.vector_load_idx %arg5[%parallel_loop3A_868] : memref<2048xf32, #tpu.memory_space<vmem>>[vector<16xi32>], vector<16xf32>,
        %parallel_loop3A_870 = arith.constant 7 : i32
        %parallel_loop3A_871 = arith.constant 0 : i32
        %parallel_loop3A_872 = arith.constant 0 : i32
        %parallel_loop3A_873 = arith.constant 0 : i32
        %parallel_loop3A_874 = tpu.memref_slice %arg7[%select_n3A_141, %parallel_loop3A_871, %parallel_loop3A_872, %parallel_loop3A_873] : memref<2x8x16x196xf32, #tpu.memory_space<vmem>> -> memref<1x8x16x196xf32, #tpu.memory_space<vmem>>
        %parallel_loop3A_875 = tpu.memref_squeeze %parallel_loop3A_874 : memref<1x8x16x196xf32, #tpu.memory_space<vmem>> -> memref<8x16x196xf32, #tpu.memory_space<vmem>>
        %parallel_loop3A_876 = arith.index_cast %parallel_loop3A_870 : i32 to index
        %parallel_loop3A_877 = arith.index_cast %parallel_loop3A_174 : i32 to index
        %parallel_loop3A_878 = arith.constant 80 : index
        %parallel_loop3A_879 = tpu.vector_load %parallel_loop3A_875[%parallel_loop3A_876, %parallel_loop3A_877, %parallel_loop3A_878] {strides = array<i32>} : memref<8x16x196xf32, #tpu.memory_space<vmem>>, vector<16xf32>,
        tpu.vector_store %parallel_loop3A_875[%parallel_loop3A_876, %parallel_loop3A_877, %parallel_loop3A_878], %parallel_loop3A_869 {strides = array<i32>} : memref<8x16x196xf32, #tpu.memory_space<vmem>>, vector<16xf32>,
        %parallel_loop3A_880 = arith.constant 6144 : i32
        %parallel_loop3A_881 = arith.addi %parallel_loop3A_880, %parallel_loop3A_177 : i32
        %parallel_loop3A_882 = vector.broadcast %parallel_loop3A_881 : i32 to vector<16xi32>
        %parallel_loop3A_883 = arith.addi %mul3A_40, %parallel_loop3A_882 : vector<16xi32>
        %parallel_loop3A_884 = tpu.vector_load_idx %arg6[%parallel_loop3A_883] : memref<12544xi32, #tpu.memory_space<vmem>>[vector<16xi32>], vector<16xi32>,
        %parallel_loop3A_885 = arith.constant 0 : i32
        %parallel_loop3A_886 = vector.broadcast %parallel_loop3A_885 : i32 to vector<16xi32>
        %parallel_loop3A_887 = arith.addi %parallel_loop3A_884, %parallel_loop3A_886 : vector<16xi32>
        %parallel_loop3A_888 = tpu.vector_load_idx %arg5[%parallel_loop3A_887] : memref<2048xf32, #tpu.memory_space<vmem>>[vector<16xi32>], vector<16xf32>,
        %parallel_loop3A_889 = arith.constant 0 : i32
        %parallel_loop3A_890 = arith.constant 0 : i32
        %parallel_loop3A_891 = arith.constant 0 : i32
        %parallel_loop3A_892 = arith.constant 0 : i32
        %parallel_loop3A_893 = tpu.memref_slice %arg7[%select_n3A_141, %parallel_loop3A_890, %parallel_loop3A_891, %parallel_loop3A_892] : memref<2x8x16x196xf32, #tpu.memory_space<vmem>> -> memref<1x8x16x196xf32, #tpu.memory_space<vmem>>
        %parallel_loop3A_894 = tpu.memref_squeeze %parallel_loop3A_893 : memref<1x8x16x196xf32, #tpu.memory_space<vmem>> -> memref<8x16x196xf32, #tpu.memory_space<vmem>>
        %parallel_loop3A_895 = arith.index_cast %parallel_loop3A_889 : i32 to index
        %parallel_loop3A_896 = arith.index_cast %parallel_loop3A_174 : i32 to index
        %parallel_loop3A_897 = arith.constant 96 : index
        %parallel_loop3A_898 = tpu.vector_load %parallel_loop3A_894[%parallel_loop3A_895, %parallel_loop3A_896, %parallel_loop3A_897] {strides = array<i32>} : memref<8x16x196xf32, #tpu.memory_space<vmem>>, vector<16xf32>,
        tpu.vector_store %parallel_loop3A_894[%parallel_loop3A_895, %parallel_loop3A_896, %parallel_loop3A_897], %parallel_loop3A_888 {strides = array<i32>} : memref<8x16x196xf32, #tpu.memory_space<vmem>>, vector<16xf32>,
        %parallel_loop3A_899 = arith.constant 256 : i32
        %parallel_loop3A_900 = vector.broadcast %parallel_loop3A_899 : i32 to vector<16xi32>
        %parallel_loop3A_901 = arith.addi %parallel_loop3A_884, %parallel_loop3A_900 : vector<16xi32>
        %parallel_loop3A_902 = tpu.vector_load_idx %arg5[%parallel_loop3A_901] : memref<2048xf32, #tpu.memory_space<vmem>>[vector<16xi32>], vector<16xf32>,
        %parallel_loop3A_903 = arith.constant 1 : i32
        %parallel_loop3A_904 = arith.constant 0 : i32
        %parallel_loop3A_905 = arith.constant 0 : i32
        %parallel_loop3A_906 = arith.constant 0 : i32
        %parallel_loop3A_907 = tpu.memref_slice %arg7[%select_n3A_141, %parallel_loop3A_904, %parallel_loop3A_905, %parallel_loop3A_906] : memref<2x8x16x196xf32, #tpu.memory_space<vmem>> -> memref<1x8x16x196xf32, #tpu.memory_space<vmem>>
        %parallel_loop3A_908 = tpu.memref_squeeze %parallel_loop3A_907 : memref<1x8x16x196xf32, #tpu.memory_space<vmem>> -> memref<8x16x196xf32, #tpu.memory_space<vmem>>
        %parallel_loop3A_909 = arith.index_cast %parallel_loop3A_903 : i32 to index
        %parallel_loop3A_910 = arith.index_cast %parallel_loop3A_174 : i32 to index
        %parallel_loop3A_911 = arith.constant 96 : index
        %parallel_loop3A_912 = tpu.vector_load %parallel_loop3A_908[%parallel_loop3A_909, %parallel_loop3A_910, %parallel_loop3A_911] {strides = array<i32>} : memref<8x16x196xf32, #tpu.memory_space<vmem>>, vector<16xf32>,
        tpu.vector_store %parallel_loop3A_908[%parallel_loop3A_909, %parallel_loop3A_910, %parallel_loop3A_911], %parallel_loop3A_902 {strides = array<i32>} : memref<8x16x196xf32, #tpu.memory_space<vmem>>, vector<16xf32>,
        %parallel_loop3A_913 = arith.constant 512 : i32
        %parallel_loop3A_914 = vector.broadcast %parallel_loop3A_913 : i32 to vector<16xi32>
        %parallel_loop3A_915 = arith.addi %parallel_loop3A_884, %parallel_loop3A_914 : vector<16xi32>
        %parallel_loop3A_916 = tpu.vector_load_idx %arg5[%parallel_loop3A_915] : memref<2048xf32, #tpu.memory_space<vmem>>[vector<16xi32>], vector<16xf32>,
        %parallel_loop3A_917 = arith.constant 2 : i32
        %parallel_loop3A_918 = arith.constant 0 : i32
        %parallel_loop3A_919 = arith.constant 0 : i32
        %parallel_loop3A_920 = arith.constant 0 : i32
        %parallel_loop3A_921 = tpu.memref_slice %arg7[%select_n3A_141, %parallel_loop3A_918, %parallel_loop3A_919, %parallel_loop3A_920] : memref<2x8x16x196xf32, #tpu.memory_space<vmem>> -> memref<1x8x16x196xf32, #tpu.memory_space<vmem>>
        %parallel_loop3A_922 = tpu.memref_squeeze %parallel_loop3A_921 : memref<1x8x16x196xf32, #tpu.memory_space<vmem>> -> memref<8x16x196xf32, #tpu.memory_space<vmem>>
        %parallel_loop3A_923 = arith.index_cast %parallel_loop3A_917 : i32 to index
        %parallel_loop3A_924 = arith.index_cast %parallel_loop3A_174 : i32 to index
        %parallel_loop3A_925 = arith.constant 96 : index
        %parallel_loop3A_926 = tpu.vector_load %parallel_loop3A_922[%parallel_loop3A_923, %parallel_loop3A_924, %parallel_loop3A_925] {strides = array<i32>} : memref<8x16x196xf32, #tpu.memory_space<vmem>>, vector<16xf32>,
        tpu.vector_store %parallel_loop3A_922[%parallel_loop3A_923, %parallel_loop3A_924, %parallel_loop3A_925], %parallel_loop3A_916 {strides = array<i32>} : memref<8x16x196xf32, #tpu.memory_space<vmem>>, vector<16xf32>,
        %parallel_loop3A_927 = arith.constant 768 : i32
        %parallel_loop3A_928 = vector.broadcast %parallel_loop3A_927 : i32 to vector<16xi32>
        %parallel_loop3A_929 = arith.addi %parallel_loop3A_884, %parallel_loop3A_928 : vector<16xi32>
        %parallel_loop3A_930 = tpu.vector_load_idx %arg5[%parallel_loop3A_929] : memref<2048xf32, #tpu.memory_space<vmem>>[vector<16xi32>], vector<16xf32>,
        %parallel_loop3A_931 = arith.constant 3 : i32
        %parallel_loop3A_932 = arith.constant 0 : i32
        %parallel_loop3A_933 = arith.constant 0 : i32
        %parallel_loop3A_934 = arith.constant 0 : i32
        %parallel_loop3A_935 = tpu.memref_slice %arg7[%select_n3A_141, %parallel_loop3A_932, %parallel_loop3A_933, %parallel_loop3A_934] : memref<2x8x16x196xf32, #tpu.memory_space<vmem>> -> memref<1x8x16x196xf32, #tpu.memory_space<vmem>>
        %parallel_loop3A_936 = tpu.memref_squeeze %parallel_loop3A_935 : memref<1x8x16x196xf32, #tpu.memory_space<vmem>> -> memref<8x16x196xf32, #tpu.memory_space<vmem>>
        %parallel_loop3A_937 = arith.index_cast %parallel_loop3A_931 : i32 to index
        %parallel_loop3A_938 = arith.index_cast %parallel_loop3A_174 : i32 to index
        %parallel_loop3A_939 = arith.constant 96 : index
        %parallel_loop3A_940 = tpu.vector_load %parallel_loop3A_936[%parallel_loop3A_937, %parallel_loop3A_938, %parallel_loop3A_939] {strides = array<i32>} : memref<8x16x196xf32, #tpu.memory_space<vmem>>, vector<16xf32>,
        tpu.vector_store %parallel_loop3A_936[%parallel_loop3A_937, %parallel_loop3A_938, %parallel_loop3A_939], %parallel_loop3A_930 {strides = array<i32>} : memref<8x16x196xf32, #tpu.memory_space<vmem>>, vector<16xf32>,
        %parallel_loop3A_941 = arith.constant 1024 : i32
        %parallel_loop3A_942 = vector.broadcast %parallel_loop3A_941 : i32 to vector<16xi32>
        %parallel_loop3A_943 = arith.addi %parallel_loop3A_884, %parallel_loop3A_942 : vector<16xi32>
        %parallel_loop3A_944 = tpu.vector_load_idx %arg5[%parallel_loop3A_943] : memref<2048xf32, #tpu.memory_space<vmem>>[vector<16xi32>], vector<16xf32>,
        %parallel_loop3A_945 = arith.constant 4 : i32
        %parallel_loop3A_946 = arith.constant 0 : i32
        %parallel_loop3A_947 = arith.constant 0 : i32
        %parallel_loop3A_948 = arith.constant 0 : i32
        %parallel_loop3A_949 = tpu.memref_slice %arg7[%select_n3A_141, %parallel_loop3A_946, %parallel_loop3A_947, %parallel_loop3A_948] : memref<2x8x16x196xf32, #tpu.memory_space<vmem>> -> memref<1x8x16x196xf32, #tpu.memory_space<vmem>>
        %parallel_loop3A_950 = tpu.memref_squeeze %parallel_loop3A_949 : memref<1x8x16x196xf32, #tpu.memory_space<vmem>> -> memref<8x16x196xf32, #tpu.memory_space<vmem>>
        %parallel_loop3A_951 = arith.index_cast %parallel_loop3A_945 : i32 to index
        %parallel_loop3A_952 = arith.index_cast %parallel_loop3A_174 : i32 to index
        %parallel_loop3A_953 = arith.constant 96 : index
        %parallel_loop3A_954 = tpu.vector_load %parallel_loop3A_950[%parallel_loop3A_951, %parallel_loop3A_952, %parallel_loop3A_953] {strides = array<i32>} : memref<8x16x196xf32, #tpu.memory_space<vmem>>, vector<16xf32>,
        tpu.vector_store %parallel_loop3A_950[%parallel_loop3A_951, %parallel_loop3A_952, %parallel_loop3A_953], %parallel_loop3A_944 {strides = array<i32>} : memref<8x16x196xf32, #tpu.memory_space<vmem>>, vector<16xf32>,
        %parallel_loop3A_955 = arith.constant 1280 : i32
        %parallel_loop3A_956 = vector.broadcast %parallel_loop3A_955 : i32 to vector<16xi32>
        %parallel_loop3A_957 = arith.addi %parallel_loop3A_884, %parallel_loop3A_956 : vector<16xi32>
        %parallel_loop3A_958 = tpu.vector_load_idx %arg5[%parallel_loop3A_957] : memref<2048xf32, #tpu.memory_space<vmem>>[vector<16xi32>], vector<16xf32>,
        %parallel_loop3A_959 = arith.constant 5 : i32
        %parallel_loop3A_960 = arith.constant 0 : i32
        %parallel_loop3A_961 = arith.constant 0 : i32
        %parallel_loop3A_962 = arith.constant 0 : i32
        %parallel_loop3A_963 = tpu.memref_slice %arg7[%select_n3A_141, %parallel_loop3A_960, %parallel_loop3A_961, %parallel_loop3A_962] : memref<2x8x16x196xf32, #tpu.memory_space<vmem>> -> memref<1x8x16x196xf32, #tpu.memory_space<vmem>>
        %parallel_loop3A_964 = tpu.memref_squeeze %parallel_loop3A_963 : memref<1x8x16x196xf32, #tpu.memory_space<vmem>> -> memref<8x16x196xf32, #tpu.memory_space<vmem>>
        %parallel_loop3A_965 = arith.index_cast %parallel_loop3A_959 : i32 to index
        %parallel_loop3A_966 = arith.index_cast %parallel_loop3A_174 : i32 to index
        %parallel_loop3A_967 = arith.constant 96 : index
        %parallel_loop3A_968 = tpu.vector_load %parallel_loop3A_964[%parallel_loop3A_965, %parallel_loop3A_966, %parallel_loop3A_967] {strides = array<i32>} : memref<8x16x196xf32, #tpu.memory_space<vmem>>, vector<16xf32>,
        tpu.vector_store %parallel_loop3A_964[%parallel_loop3A_965, %parallel_loop3A_966, %parallel_loop3A_967], %parallel_loop3A_958 {strides = array<i32>} : memref<8x16x196xf32, #tpu.memory_space<vmem>>, vector<16xf32>,
        %parallel_loop3A_969 = arith.constant 1536 : i32
        %parallel_loop3A_970 = vector.broadcast %parallel_loop3A_969 : i32 to vector<16xi32>
        %parallel_loop3A_971 = arith.addi %parallel_loop3A_884, %parallel_loop3A_970 : vector<16xi32>
        %parallel_loop3A_972 = tpu.vector_load_idx %arg5[%parallel_loop3A_971] : memref<2048xf32, #tpu.memory_space<vmem>>[vector<16xi32>], vector<16xf32>,
        %parallel_loop3A_973 = arith.constant 6 : i32
        %parallel_loop3A_974 = arith.constant 0 : i32
        %parallel_loop3A_975 = arith.constant 0 : i32
        %parallel_loop3A_976 = arith.constant 0 : i32
        %parallel_loop3A_977 = tpu.memref_slice %arg7[%select_n3A_141, %parallel_loop3A_974, %parallel_loop3A_975, %parallel_loop3A_976] : memref<2x8x16x196xf32, #tpu.memory_space<vmem>> -> memref<1x8x16x196xf32, #tpu.memory_space<vmem>>
        %parallel_loop3A_978 = tpu.memref_squeeze %parallel_loop3A_977 : memref<1x8x16x196xf32, #tpu.memory_space<vmem>> -> memref<8x16x196xf32, #tpu.memory_space<vmem>>
        %parallel_loop3A_979 = arith.index_cast %parallel_loop3A_973 : i32 to index
        %parallel_loop3A_980 = arith.index_cast %parallel_loop3A_174 : i32 to index
        %parallel_loop3A_981 = arith.constant 96 : index
        %parallel_loop3A_982 = tpu.vector_load %parallel_loop3A_978[%parallel_loop3A_979, %parallel_loop3A_980, %parallel_loop3A_981] {strides = array<i32>} : memref<8x16x196xf32, #tpu.memory_space<vmem>>, vector<16xf32>,
        tpu.vector_store %parallel_loop3A_978[%parallel_loop3A_979, %parallel_loop3A_980, %parallel_loop3A_981], %parallel_loop3A_972 {strides = array<i32>} : memref<8x16x196xf32, #tpu.memory_space<vmem>>, vector<16xf32>,
        %parallel_loop3A_983 = arith.constant 1792 : i32
        %parallel_loop3A_984 = vector.broadcast %parallel_loop3A_983 : i32 to vector<16xi32>
        %parallel_loop3A_985 = arith.addi %parallel_loop3A_884, %parallel_loop3A_984 : vector<16xi32>
        %parallel_loop3A_986 = tpu.vector_load_idx %arg5[%parallel_loop3A_985] : memref<2048xf32, #tpu.memory_space<vmem>>[vector<16xi32>], vector<16xf32>,
        %parallel_loop3A_987 = arith.constant 7 : i32
        %parallel_loop3A_988 = arith.constant 0 : i32
        %parallel_loop3A_989 = arith.constant 0 : i32
        %parallel_loop3A_990 = arith.constant 0 : i32
        %parallel_loop3A_991 = tpu.memref_slice %arg7[%select_n3A_141, %parallel_loop3A_988, %parallel_loop3A_989, %parallel_loop3A_990] : memref<2x8x16x196xf32, #tpu.memory_space<vmem>> -> memref<1x8x16x196xf32, #tpu.memory_space<vmem>>
        %parallel_loop3A_992 = tpu.memref_squeeze %parallel_loop3A_991 : memref<1x8x16x196xf32, #tpu.memory_space<vmem>> -> memref<8x16x196xf32, #tpu.memory_space<vmem>>
        %parallel_loop3A_993 = arith.index_cast %parallel_loop3A_987 : i32 to index
        %parallel_loop3A_994 = arith.index_cast %parallel_loop3A_174 : i32 to index
        %parallel_loop3A_995 = arith.constant 96 : index
        %parallel_loop3A_996 = tpu.vector_load %parallel_loop3A_992[%parallel_loop3A_993, %parallel_loop3A_994, %parallel_loop3A_995] {strides = array<i32>} : memref<8x16x196xf32, #tpu.memory_space<vmem>>, vector<16xf32>,
        tpu.vector_store %parallel_loop3A_992[%parallel_loop3A_993, %parallel_loop3A_994, %parallel_loop3A_995], %parallel_loop3A_986 {strides = array<i32>} : memref<8x16x196xf32, #tpu.memory_space<vmem>>, vector<16xf32>,
        %parallel_loop3A_997 = arith.constant 7168 : i32
        %parallel_loop3A_998 = arith.addi %parallel_loop3A_997, %parallel_loop3A_177 : i32
        %parallel_loop3A_999 = vector.broadcast %parallel_loop3A_998 : i32 to vector<16xi32>
        %parallel_loop3A_1000 = arith.addi %mul3A_40, %parallel_loop3A_999 : vector<16xi32>
        %parallel_loop3A_1001 = tpu.vector_load_idx %arg6[%parallel_loop3A_1000] : memref<12544xi32, #tpu.memory_space<vmem>>[vector<16xi32>], vector<16xi32>,
        %parallel_loop3A_1002 = arith.constant 0 : i32
        %parallel_loop3A_1003 = vector.broadcast %parallel_loop3A_1002 : i32 to vector<16xi32>
        %parallel_loop3A_1004 = arith.addi %parallel_loop3A_1001, %parallel_loop3A_1003 : vector<16xi32>
        %parallel_loop3A_1005 = tpu.vector_load_idx %arg5[%parallel_loop3A_1004] : memref<2048xf32, #tpu.memory_space<vmem>>[vector<16xi32>], vector<16xf32>,
        %parallel_loop3A_1006 = arith.constant 0 : i32
        %parallel_loop3A_1007 = arith.constant 0 : i32
        %parallel_loop3A_1008 = arith.constant 0 : i32
        %parallel_loop3A_1009 = arith.constant 0 : i32
        %parallel_loop3A_1010 = tpu.memref_slice %arg7[%select_n3A_141, %parallel_loop3A_1007, %parallel_loop3A_1008, %parallel_loop3A_1009] : memref<2x8x16x196xf32, #tpu.memory_space<vmem>> -> memref<1x8x16x196xf32, #tpu.memory_space<vmem>>
        %parallel_loop3A_1011 = tpu.memref_squeeze %parallel_loop3A_1010 : memref<1x8x16x196xf32, #tpu.memory_space<vmem>> -> memref<8x16x196xf32, #tpu.memory_space<vmem>>
        %parallel_loop3A_1012 = arith.index_cast %parallel_loop3A_1006 : i32 to index
        %parallel_loop3A_1013 = arith.index_cast %parallel_loop3A_174 : i32 to index
        %parallel_loop3A_1014 = arith.constant 112 : index
        %parallel_loop3A_1015 = tpu.vector_load %parallel_loop3A_1011[%parallel_loop3A_1012, %parallel_loop3A_1013, %parallel_loop3A_1014] {strides = array<i32>} : memref<8x16x196xf32, #tpu.memory_space<vmem>>, vector<16xf32>,
        tpu.vector_store %parallel_loop3A_1011[%parallel_loop3A_1012, %parallel_loop3A_1013, %parallel_loop3A_1014], %parallel_loop3A_1005 {strides = array<i32>} : memref<8x16x196xf32, #tpu.memory_space<vmem>>, vector<16xf32>,
        %parallel_loop3A_1016 = arith.constant 256 : i32
        %parallel_loop3A_1017 = vector.broadcast %parallel_loop3A_1016 : i32 to vector<16xi32>
        %parallel_loop3A_1018 = arith.addi %parallel_loop3A_1001, %parallel_loop3A_1017 : vector<16xi32>
        %parallel_loop3A_1019 = tpu.vector_load_idx %arg5[%parallel_loop3A_1018] : memref<2048xf32, #tpu.memory_space<vmem>>[vector<16xi32>], vector<16xf32>,
        %parallel_loop3A_1020 = arith.constant 1 : i32
        %parallel_loop3A_1021 = arith.constant 0 : i32
        %parallel_loop3A_1022 = arith.constant 0 : i32
        %parallel_loop3A_1023 = arith.constant 0 : i32
        %parallel_loop3A_1024 = tpu.memref_slice %arg7[%select_n3A_141, %parallel_loop3A_1021, %parallel_loop3A_1022, %parallel_loop3A_1023] : memref<2x8x16x196xf32, #tpu.memory_space<vmem>> -> memref<1x8x16x196xf32, #tpu.memory_space<vmem>>
        %parallel_loop3A_1025 = tpu.memref_squeeze %parallel_loop3A_1024 : memref<1x8x16x196xf32, #tpu.memory_space<vmem>> -> memref<8x16x196xf32, #tpu.memory_space<vmem>>
        %parallel_loop3A_1026 = arith.index_cast %parallel_loop3A_1020 : i32 to index
        %parallel_loop3A_1027 = arith.index_cast %parallel_loop3A_174 : i32 to index
        %parallel_loop3A_1028 = arith.constant 112 : index
        %parallel_loop3A_1029 = tpu.vector_load %parallel_loop3A_1025[%parallel_loop3A_1026, %parallel_loop3A_1027, %parallel_loop3A_1028] {strides = array<i32>} : memref<8x16x196xf32, #tpu.memory_space<vmem>>, vector<16xf32>,
        tpu.vector_store %parallel_loop3A_1025[%parallel_loop3A_1026, %parallel_loop3A_1027, %parallel_loop3A_1028], %parallel_loop3A_1019 {strides = array<i32>} : memref<8x16x196xf32, #tpu.memory_space<vmem>>, vector<16xf32>,
        %parallel_loop3A_1030 = arith.constant 512 : i32
        %parallel_loop3A_1031 = vector.broadcast %parallel_loop3A_1030 : i32 to vector<16xi32>
        %parallel_loop3A_1032 = arith.addi %parallel_loop3A_1001, %parallel_loop3A_1031 : vector<16xi32>
        %parallel_loop3A_1033 = tpu.vector_load_idx %arg5[%parallel_loop3A_1032] : memref<2048xf32, #tpu.memory_space<vmem>>[vector<16xi32>], vector<16xf32>,
        %parallel_loop3A_1034 = arith.constant 2 : i32
        %parallel_loop3A_1035 = arith.constant 0 : i32
        %parallel_loop3A_1036 = arith.constant 0 : i32
        %parallel_loop3A_1037 = arith.constant 0 : i32
        %parallel_loop3A_1038 = tpu.memref_slice %arg7[%select_n3A_141, %parallel_loop3A_1035, %parallel_loop3A_1036, %parallel_loop3A_1037] : memref<2x8x16x196xf32, #tpu.memory_space<vmem>> -> memref<1x8x16x196xf32, #tpu.memory_space<vmem>>
        %parallel_loop3A_1039 = tpu.memref_squeeze %parallel_loop3A_1038 : memref<1x8x16x196xf32, #tpu.memory_space<vmem>> -> memref<8x16x196xf32, #tpu.memory_space<vmem>>
        %parallel_loop3A_1040 = arith.index_cast %parallel_loop3A_1034 : i32 to index
        %parallel_loop3A_1041 = arith.index_cast %parallel_loop3A_174 : i32 to index
        %parallel_loop3A_1042 = arith.constant 112 : index
        %parallel_loop3A_1043 = tpu.vector_load %parallel_loop3A_1039[%parallel_loop3A_1040, %parallel_loop3A_1041, %parallel_loop3A_1042] {strides = array<i32>} : memref<8x16x196xf32, #tpu.memory_space<vmem>>, vector<16xf32>,
        tpu.vector_store %parallel_loop3A_1039[%parallel_loop3A_1040, %parallel_loop3A_1041, %parallel_loop3A_1042], %parallel_loop3A_1033 {strides = array<i32>} : memref<8x16x196xf32, #tpu.memory_space<vmem>>, vector<16xf32>,
        %parallel_loop3A_1044 = arith.constant 768 : i32
        %parallel_loop3A_1045 = vector.broadcast %parallel_loop3A_1044 : i32 to vector<16xi32>
        %parallel_loop3A_1046 = arith.addi %parallel_loop3A_1001, %parallel_loop3A_1045 : vector<16xi32>
        %parallel_loop3A_1047 = tpu.vector_load_idx %arg5[%parallel_loop3A_1046] : memref<2048xf32, #tpu.memory_space<vmem>>[vector<16xi32>], vector<16xf32>,
        %parallel_loop3A_1048 = arith.constant 3 : i32
        %parallel_loop3A_1049 = arith.constant 0 : i32
        %parallel_loop3A_1050 = arith.constant 0 : i32
        %parallel_loop3A_1051 = arith.constant 0 : i32
        %parallel_loop3A_1052 = tpu.memref_slice %arg7[%select_n3A_141, %parallel_loop3A_1049, %parallel_loop3A_1050, %parallel_loop3A_1051] : memref<2x8x16x196xf32, #tpu.memory_space<vmem>> -> memref<1x8x16x196xf32, #tpu.memory_space<vmem>>
        %parallel_loop3A_1053 = tpu.memref_squeeze %parallel_loop3A_1052 : memref<1x8x16x196xf32, #tpu.memory_space<vmem>> -> memref<8x16x196xf32, #tpu.memory_space<vmem>>
        %parallel_loop3A_1054 = arith.index_cast %parallel_loop3A_1048 : i32 to index
        %parallel_loop3A_1055 = arith.index_cast %parallel_loop3A_174 : i32 to index
        %parallel_loop3A_1056 = arith.constant 112 : index
        %parallel_loop3A_1057 = tpu.vector_load %parallel_loop3A_1053[%parallel_loop3A_1054, %parallel_loop3A_1055, %parallel_loop3A_1056] {strides = array<i32>} : memref<8x16x196xf32, #tpu.memory_space<vmem>>, vector<16xf32>,
        tpu.vector_store %parallel_loop3A_1053[%parallel_loop3A_1054, %parallel_loop3A_1055, %parallel_loop3A_1056], %parallel_loop3A_1047 {strides = array<i32>} : memref<8x16x196xf32, #tpu.memory_space<vmem>>, vector<16xf32>,
        %parallel_loop3A_1058 = arith.constant 1024 : i32
        %parallel_loop3A_1059 = vector.broadcast %parallel_loop3A_1058 : i32 to vector<16xi32>
        %parallel_loop3A_1060 = arith.addi %parallel_loop3A_1001, %parallel_loop3A_1059 : vector<16xi32>
        %parallel_loop3A_1061 = tpu.vector_load_idx %arg5[%parallel_loop3A_1060] : memref<2048xf32, #tpu.memory_space<vmem>>[vector<16xi32>], vector<16xf32>,
        %parallel_loop3A_1062 = arith.constant 4 : i32
        %parallel_loop3A_1063 = arith.constant 0 : i32
        %parallel_loop3A_1064 = arith.constant 0 : i32
        %parallel_loop3A_1065 = arith.constant 0 : i32
        %parallel_loop3A_1066 = tpu.memref_slice %arg7[%select_n3A_141, %parallel_loop3A_1063, %parallel_loop3A_1064, %parallel_loop3A_1065] : memref<2x8x16x196xf32, #tpu.memory_space<vmem>> -> memref<1x8x16x196xf32, #tpu.memory_space<vmem>>
        %parallel_loop3A_1067 = tpu.memref_squeeze %parallel_loop3A_1066 : memref<1x8x16x196xf32, #tpu.memory_space<vmem>> -> memref<8x16x196xf32, #tpu.memory_space<vmem>>
        %parallel_loop3A_1068 = arith.index_cast %parallel_loop3A_1062 : i32 to index
        %parallel_loop3A_1069 = arith.index_cast %parallel_loop3A_174 : i32 to index
        %parallel_loop3A_1070 = arith.constant 112 : index
        %parallel_loop3A_1071 = tpu.vector_load %parallel_loop3A_1067[%parallel_loop3A_1068, %parallel_loop3A_1069, %parallel_loop3A_1070] {strides = array<i32>} : memref<8x16x196xf32, #tpu.memory_space<vmem>>, vector<16xf32>,
        tpu.vector_store %parallel_loop3A_1067[%parallel_loop3A_1068, %parallel_loop3A_1069, %parallel_loop3A_1070], %parallel_loop3A_1061 {strides = array<i32>} : memref<8x16x196xf32, #tpu.memory_space<vmem>>, vector<16xf32>,
        %parallel_loop3A_1072 = arith.constant 1280 : i32
        %parallel_loop3A_1073 = vector.broadcast %parallel_loop3A_1072 : i32 to vector<16xi32>
        %parallel_loop3A_1074 = arith.addi %parallel_loop3A_1001, %parallel_loop3A_1073 : vector<16xi32>
        %parallel_loop3A_1075 = tpu.vector_load_idx %arg5[%parallel_loop3A_1074] : memref<2048xf32, #tpu.memory_space<vmem>>[vector<16xi32>], vector<16xf32>,
        %parallel_loop3A_1076 = arith.constant 5 : i32
        %parallel_loop3A_1077 = arith.constant 0 : i32
        %parallel_loop3A_1078 = arith.constant 0 : i32
        %parallel_loop3A_1079 = arith.constant 0 : i32
        %parallel_loop3A_1080 = tpu.memref_slice %arg7[%select_n3A_141, %parallel_loop3A_1077, %parallel_loop3A_1078, %parallel_loop3A_1079] : memref<2x8x16x196xf32, #tpu.memory_space<vmem>> -> memref<1x8x16x196xf32, #tpu.memory_space<vmem>>
        %parallel_loop3A_1081 = tpu.memref_squeeze %parallel_loop3A_1080 : memref<1x8x16x196xf32, #tpu.memory_space<vmem>> -> memref<8x16x196xf32, #tpu.memory_space<vmem>>
        %parallel_loop3A_1082 = arith.index_cast %parallel_loop3A_1076 : i32 to index
        %parallel_loop3A_1083 = arith.index_cast %parallel_loop3A_174 : i32 to index
        %parallel_loop3A_1084 = arith.constant 112 : index
        %parallel_loop3A_1085 = tpu.vector_load %parallel_loop3A_1081[%parallel_loop3A_1082, %parallel_loop3A_1083, %parallel_loop3A_1084] {strides = array<i32>} : memref<8x16x196xf32, #tpu.memory_space<vmem>>, vector<16xf32>,
        tpu.vector_store %parallel_loop3A_1081[%parallel_loop3A_1082, %parallel_loop3A_1083, %parallel_loop3A_1084], %parallel_loop3A_1075 {strides = array<i32>} : memref<8x16x196xf32, #tpu.memory_space<vmem>>, vector<16xf32>,
        %parallel_loop3A_1086 = arith.constant 1536 : i32
        %parallel_loop3A_1087 = vector.broadcast %parallel_loop3A_1086 : i32 to vector<16xi32>
        %parallel_loop3A_1088 = arith.addi %parallel_loop3A_1001, %parallel_loop3A_1087 : vector<16xi32>
        %parallel_loop3A_1089 = tpu.vector_load_idx %arg5[%parallel_loop3A_1088] : memref<2048xf32, #tpu.memory_space<vmem>>[vector<16xi32>], vector<16xf32>,
        %parallel_loop3A_1090 = arith.constant 6 : i32
        %parallel_loop3A_1091 = arith.constant 0 : i32
        %parallel_loop3A_1092 = arith.constant 0 : i32
        %parallel_loop3A_1093 = arith.constant 0 : i32
        %parallel_loop3A_1094 = tpu.memref_slice %arg7[%select_n3A_141, %parallel_loop3A_1091, %parallel_loop3A_1092, %parallel_loop3A_1093] : memref<2x8x16x196xf32, #tpu.memory_space<vmem>> -> memref<1x8x16x196xf32, #tpu.memory_space<vmem>>
        %parallel_loop3A_1095 = tpu.memref_squeeze %parallel_loop3A_1094 : memref<1x8x16x196xf32, #tpu.memory_space<vmem>> -> memref<8x16x196xf32, #tpu.memory_space<vmem>>
        %parallel_loop3A_1096 = arith.index_cast %parallel_loop3A_1090 : i32 to index
        %parallel_loop3A_1097 = arith.index_cast %parallel_loop3A_174 : i32 to index
        %parallel_loop3A_1098 = arith.constant 112 : index
        %parallel_loop3A_1099 = tpu.vector_load %parallel_loop3A_1095[%parallel_loop3A_1096, %parallel_loop3A_1097, %parallel_loop3A_1098] {strides = array<i32>} : memref<8x16x196xf32, #tpu.memory_space<vmem>>, vector<16xf32>,
        tpu.vector_store %parallel_loop3A_1095[%parallel_loop3A_1096, %parallel_loop3A_1097, %parallel_loop3A_1098], %parallel_loop3A_1089 {strides = array<i32>} : memref<8x16x196xf32, #tpu.memory_space<vmem>>, vector<16xf32>,
        %parallel_loop3A_1100 = arith.constant 1792 : i32
        %parallel_loop3A_1101 = vector.broadcast %parallel_loop3A_1100 : i32 to vector<16xi32>
        %parallel_loop3A_1102 = arith.addi %parallel_loop3A_1001, %parallel_loop3A_1101 : vector<16xi32>
        %parallel_loop3A_1103 = tpu.vector_load_idx %arg5[%parallel_loop3A_1102] : memref<2048xf32, #tpu.memory_space<vmem>>[vector<16xi32>], vector<16xf32>,
        %parallel_loop3A_1104 = arith.constant 7 : i32
        %parallel_loop3A_1105 = arith.constant 0 : i32
        %parallel_loop3A_1106 = arith.constant 0 : i32
        %parallel_loop3A_1107 = arith.constant 0 : i32
        %parallel_loop3A_1108 = tpu.memref_slice %arg7[%select_n3A_141, %parallel_loop3A_1105, %parallel_loop3A_1106, %parallel_loop3A_1107] : memref<2x8x16x196xf32, #tpu.memory_space<vmem>> -> memref<1x8x16x196xf32, #tpu.memory_space<vmem>>
        %parallel_loop3A_1109 = tpu.memref_squeeze %parallel_loop3A_1108 : memref<1x8x16x196xf32, #tpu.memory_space<vmem>> -> memref<8x16x196xf32, #tpu.memory_space<vmem>>
        %parallel_loop3A_1110 = arith.index_cast %parallel_loop3A_1104 : i32 to index
        %parallel_loop3A_1111 = arith.index_cast %parallel_loop3A_174 : i32 to index
        %parallel_loop3A_1112 = arith.constant 112 : index
        %parallel_loop3A_1113 = tpu.vector_load %parallel_loop3A_1109[%parallel_loop3A_1110, %parallel_loop3A_1111, %parallel_loop3A_1112] {strides = array<i32>} : memref<8x16x196xf32, #tpu.memory_space<vmem>>, vector<16xf32>,
        tpu.vector_store %parallel_loop3A_1109[%parallel_loop3A_1110, %parallel_loop3A_1111, %parallel_loop3A_1112], %parallel_loop3A_1103 {strides = array<i32>} : memref<8x16x196xf32, #tpu.memory_space<vmem>>, vector<16xf32>,
        %parallel_loop3A_1114 = arith.constant 8192 : i32
        %parallel_loop3A_1115 = arith.addi %parallel_loop3A_1114, %parallel_loop3A_177 : i32
        %parallel_loop3A_1116 = vector.broadcast %parallel_loop3A_1115 : i32 to vector<16xi32>
        %parallel_loop3A_1117 = arith.addi %mul3A_40, %parallel_loop3A_1116 : vector<16xi32>
        %parallel_loop3A_1118 = tpu.vector_load_idx %arg6[%parallel_loop3A_1117] : memref<12544xi32, #tpu.memory_space<vmem>>[vector<16xi32>], vector<16xi32>,
        %parallel_loop3A_1119 = arith.constant 0 : i32
        %parallel_loop3A_1120 = vector.broadcast %parallel_loop3A_1119 : i32 to vector<16xi32>
        %parallel_loop3A_1121 = arith.addi %parallel_loop3A_1118, %parallel_loop3A_1120 : vector<16xi32>
        %parallel_loop3A_1122 = tpu.vector_load_idx %arg5[%parallel_loop3A_1121] : memref<2048xf32, #tpu.memory_space<vmem>>[vector<16xi32>], vector<16xf32>,
        %parallel_loop3A_1123 = arith.constant 0 : i32
        %parallel_loop3A_1124 = arith.constant 0 : i32
        %parallel_loop3A_1125 = arith.constant 0 : i32
        %parallel_loop3A_1126 = arith.constant 0 : i32
        %parallel_loop3A_1127 = tpu.memref_slice %arg7[%select_n3A_141, %parallel_loop3A_1124, %parallel_loop3A_1125, %parallel_loop3A_1126] : memref<2x8x16x196xf32, #tpu.memory_space<vmem>> -> memref<1x8x16x196xf32, #tpu.memory_space<vmem>>
        %parallel_loop3A_1128 = tpu.memref_squeeze %parallel_loop3A_1127 : memref<1x8x16x196xf32, #tpu.memory_space<vmem>> -> memref<8x16x196xf32, #tpu.memory_space<vmem>>
        %parallel_loop3A_1129 = arith.index_cast %parallel_loop3A_1123 : i32 to index
        %parallel_loop3A_1130 = arith.index_cast %parallel_loop3A_174 : i32 to index
        %parallel_loop3A_1131 = arith.constant 128 : index
        %parallel_loop3A_1132 = tpu.vector_load %parallel_loop3A_1128[%parallel_loop3A_1129, %parallel_loop3A_1130, %parallel_loop3A_1131] {strides = array<i32>} : memref<8x16x196xf32, #tpu.memory_space<vmem>>, vector<16xf32>,
        tpu.vector_store %parallel_loop3A_1128[%parallel_loop3A_1129, %parallel_loop3A_1130, %parallel_loop3A_1131], %parallel_loop3A_1122 {strides = array<i32>} : memref<8x16x196xf32, #tpu.memory_space<vmem>>, vector<16xf32>,
        %parallel_loop3A_1133 = arith.constant 256 : i32
        %parallel_loop3A_1134 = vector.broadcast %parallel_loop3A_1133 : i32 to vector<16xi32>
        %parallel_loop3A_1135 = arith.addi %parallel_loop3A_1118, %parallel_loop3A_1134 : vector<16xi32>
        %parallel_loop3A_1136 = tpu.vector_load_idx %arg5[%parallel_loop3A_1135] : memref<2048xf32, #tpu.memory_space<vmem>>[vector<16xi32>], vector<16xf32>,
        %parallel_loop3A_1137 = arith.constant 1 : i32
        %parallel_loop3A_1138 = arith.constant 0 : i32
        %parallel_loop3A_1139 = arith.constant 0 : i32
        %parallel_loop3A_1140 = arith.constant 0 : i32
        %parallel_loop3A_1141 = tpu.memref_slice %arg7[%select_n3A_141, %parallel_loop3A_1138, %parallel_loop3A_1139, %parallel_loop3A_1140] : memref<2x8x16x196xf32, #tpu.memory_space<vmem>> -> memref<1x8x16x196xf32, #tpu.memory_space<vmem>>
        %parallel_loop3A_1142 = tpu.memref_squeeze %parallel_loop3A_1141 : memref<1x8x16x196xf32, #tpu.memory_space<vmem>> -> memref<8x16x196xf32, #tpu.memory_space<vmem>>
        %parallel_loop3A_1143 = arith.index_cast %parallel_loop3A_1137 : i32 to index
        %parallel_loop3A_1144 = arith.index_cast %parallel_loop3A_174 : i32 to index
        %parallel_loop3A_1145 = arith.constant 128 : index
        %parallel_loop3A_1146 = tpu.vector_load %parallel_loop3A_1142[%parallel_loop3A_1143, %parallel_loop3A_1144, %parallel_loop3A_1145] {strides = array<i32>} : memref<8x16x196xf32, #tpu.memory_space<vmem>>, vector<16xf32>,
        tpu.vector_store %parallel_loop3A_1142[%parallel_loop3A_1143, %parallel_loop3A_1144, %parallel_loop3A_1145], %parallel_loop3A_1136 {strides = array<i32>} : memref<8x16x196xf32, #tpu.memory_space<vmem>>, vector<16xf32>,
        %parallel_loop3A_1147 = arith.constant 512 : i32
        %parallel_loop3A_1148 = vector.broadcast %parallel_loop3A_1147 : i32 to vector<16xi32>
        %parallel_loop3A_1149 = arith.addi %parallel_loop3A_1118, %parallel_loop3A_1148 : vector<16xi32>
        %parallel_loop3A_1150 = tpu.vector_load_idx %arg5[%parallel_loop3A_1149] : memref<2048xf32, #tpu.memory_space<vmem>>[vector<16xi32>], vector<16xf32>,
        %parallel_loop3A_1151 = arith.constant 2 : i32
        %parallel_loop3A_1152 = arith.constant 0 : i32
        %parallel_loop3A_1153 = arith.constant 0 : i32
        %parallel_loop3A_1154 = arith.constant 0 : i32
        %parallel_loop3A_1155 = tpu.memref_slice %arg7[%select_n3A_141, %parallel_loop3A_1152, %parallel_loop3A_1153, %parallel_loop3A_1154] : memref<2x8x16x196xf32, #tpu.memory_space<vmem>> -> memref<1x8x16x196xf32, #tpu.memory_space<vmem>>
        %parallel_loop3A_1156 = tpu.memref_squeeze %parallel_loop3A_1155 : memref<1x8x16x196xf32, #tpu.memory_space<vmem>> -> memref<8x16x196xf32, #tpu.memory_space<vmem>>
        %parallel_loop3A_1157 = arith.index_cast %parallel_loop3A_1151 : i32 to index
        %parallel_loop3A_1158 = arith.index_cast %parallel_loop3A_174 : i32 to index
        %parallel_loop3A_1159 = arith.constant 128 : index
        %parallel_loop3A_1160 = tpu.vector_load %parallel_loop3A_1156[%parallel_loop3A_1157, %parallel_loop3A_1158, %parallel_loop3A_1159] {strides = array<i32>} : memref<8x16x196xf32, #tpu.memory_space<vmem>>, vector<16xf32>,
        tpu.vector_store %parallel_loop3A_1156[%parallel_loop3A_1157, %parallel_loop3A_1158, %parallel_loop3A_1159], %parallel_loop3A_1150 {strides = array<i32>} : memref<8x16x196xf32, #tpu.memory_space<vmem>>, vector<16xf32>,
        %parallel_loop3A_1161 = arith.constant 768 : i32
        %parallel_loop3A_1162 = vector.broadcast %parallel_loop3A_1161 : i32 to vector<16xi32>
        %parallel_loop3A_1163 = arith.addi %parallel_loop3A_1118, %parallel_loop3A_1162 : vector<16xi32>
        %parallel_loop3A_1164 = tpu.vector_load_idx %arg5[%parallel_loop3A_1163] : memref<2048xf32, #tpu.memory_space<vmem>>[vector<16xi32>], vector<16xf32>,
        %parallel_loop3A_1165 = arith.constant 3 : i32
        %parallel_loop3A_1166 = arith.constant 0 : i32
        %parallel_loop3A_1167 = arith.constant 0 : i32
        %parallel_loop3A_1168 = arith.constant 0 : i32
        %parallel_loop3A_1169 = tpu.memref_slice %arg7[%select_n3A_141, %parallel_loop3A_1166, %parallel_loop3A_1167, %parallel_loop3A_1168] : memref<2x8x16x196xf32, #tpu.memory_space<vmem>> -> memref<1x8x16x196xf32, #tpu.memory_space<vmem>>
        %parallel_loop3A_1170 = tpu.memref_squeeze %parallel_loop3A_1169 : memref<1x8x16x196xf32, #tpu.memory_space<vmem>> -> memref<8x16x196xf32, #tpu.memory_space<vmem>>
        %parallel_loop3A_1171 = arith.index_cast %parallel_loop3A_1165 : i32 to index
        %parallel_loop3A_1172 = arith.index_cast %parallel_loop3A_174 : i32 to index
        %parallel_loop3A_1173 = arith.constant 128 : index
        %parallel_loop3A_1174 = tpu.vector_load %parallel_loop3A_1170[%parallel_loop3A_1171, %parallel_loop3A_1172, %parallel_loop3A_1173] {strides = array<i32>} : memref<8x16x196xf32, #tpu.memory_space<vmem>>, vector<16xf32>,
        tpu.vector_store %parallel_loop3A_1170[%parallel_loop3A_1171, %parallel_loop3A_1172, %parallel_loop3A_1173], %parallel_loop3A_1164 {strides = array<i32>} : memref<8x16x196xf32, #tpu.memory_space<vmem>>, vector<16xf32>,
        %parallel_loop3A_1175 = arith.constant 1024 : i32
        %parallel_loop3A_1176 = vector.broadcast %parallel_loop3A_1175 : i32 to vector<16xi32>
        %parallel_loop3A_1177 = arith.addi %parallel_loop3A_1118, %parallel_loop3A_1176 : vector<16xi32>
        %parallel_loop3A_1178 = tpu.vector_load_idx %arg5[%parallel_loop3A_1177] : memref<2048xf32, #tpu.memory_space<vmem>>[vector<16xi32>], vector<16xf32>,
        %parallel_loop3A_1179 = arith.constant 4 : i32
        %parallel_loop3A_1180 = arith.constant 0 : i32
        %parallel_loop3A_1181 = arith.constant 0 : i32
        %parallel_loop3A_1182 = arith.constant 0 : i32
        %parallel_loop3A_1183 = tpu.memref_slice %arg7[%select_n3A_141, %parallel_loop3A_1180, %parallel_loop3A_1181, %parallel_loop3A_1182] : memref<2x8x16x196xf32, #tpu.memory_space<vmem>> -> memref<1x8x16x196xf32, #tpu.memory_space<vmem>>
        %parallel_loop3A_1184 = tpu.memref_squeeze %parallel_loop3A_1183 : memref<1x8x16x196xf32, #tpu.memory_space<vmem>> -> memref<8x16x196xf32, #tpu.memory_space<vmem>>
        %parallel_loop3A_1185 = arith.index_cast %parallel_loop3A_1179 : i32 to index
        %parallel_loop3A_1186 = arith.index_cast %parallel_loop3A_174 : i32 to index
        %parallel_loop3A_1187 = arith.constant 128 : index
        %parallel_loop3A_1188 = tpu.vector_load %parallel_loop3A_1184[%parallel_loop3A_1185, %parallel_loop3A_1186, %parallel_loop3A_1187] {strides = array<i32>} : memref<8x16x196xf32, #tpu.memory_space<vmem>>, vector<16xf32>,
        tpu.vector_store %parallel_loop3A_1184[%parallel_loop3A_1185, %parallel_loop3A_1186, %parallel_loop3A_1187], %parallel_loop3A_1178 {strides = array<i32>} : memref<8x16x196xf32, #tpu.memory_space<vmem>>, vector<16xf32>,
        %parallel_loop3A_1189 = arith.constant 1280 : i32
        %parallel_loop3A_1190 = vector.broadcast %parallel_loop3A_1189 : i32 to vector<16xi32>
        %parallel_loop3A_1191 = arith.addi %parallel_loop3A_1118, %parallel_loop3A_1190 : vector<16xi32>
        %parallel_loop3A_1192 = tpu.vector_load_idx %arg5[%parallel_loop3A_1191] : memref<2048xf32, #tpu.memory_space<vmem>>[vector<16xi32>], vector<16xf32>,
        %parallel_loop3A_1193 = arith.constant 5 : i32
        %parallel_loop3A_1194 = arith.constant 0 : i32
        %parallel_loop3A_1195 = arith.constant 0 : i32
        %parallel_loop3A_1196 = arith.constant 0 : i32
        %parallel_loop3A_1197 = tpu.memref_slice %arg7[%select_n3A_141, %parallel_loop3A_1194, %parallel_loop3A_1195, %parallel_loop3A_1196] : memref<2x8x16x196xf32, #tpu.memory_space<vmem>> -> memref<1x8x16x196xf32, #tpu.memory_space<vmem>>
        %parallel_loop3A_1198 = tpu.memref_squeeze %parallel_loop3A_1197 : memref<1x8x16x196xf32, #tpu.memory_space<vmem>> -> memref<8x16x196xf32, #tpu.memory_space<vmem>>
        %parallel_loop3A_1199 = arith.index_cast %parallel_loop3A_1193 : i32 to index
        %parallel_loop3A_1200 = arith.index_cast %parallel_loop3A_174 : i32 to index
        %parallel_loop3A_1201 = arith.constant 128 : index
        %parallel_loop3A_1202 = tpu.vector_load %parallel_loop3A_1198[%parallel_loop3A_1199, %parallel_loop3A_1200, %parallel_loop3A_1201] {strides = array<i32>} : memref<8x16x196xf32, #tpu.memory_space<vmem>>, vector<16xf32>,
        tpu.vector_store %parallel_loop3A_1198[%parallel_loop3A_1199, %parallel_loop3A_1200, %parallel_loop3A_1201], %parallel_loop3A_1192 {strides = array<i32>} : memref<8x16x196xf32, #tpu.memory_space<vmem>>, vector<16xf32>,
        %parallel_loop3A_1203 = arith.constant 1536 : i32
        %parallel_loop3A_1204 = vector.broadcast %parallel_loop3A_1203 : i32 to vector<16xi32>
        %parallel_loop3A_1205 = arith.addi %parallel_loop3A_1118, %parallel_loop3A_1204 : vector<16xi32>
        %parallel_loop3A_1206 = tpu.vector_load_idx %arg5[%parallel_loop3A_1205] : memref<2048xf32, #tpu.memory_space<vmem>>[vector<16xi32>], vector<16xf32>,
        %parallel_loop3A_1207 = arith.constant 6 : i32
        %parallel_loop3A_1208 = arith.constant 0 : i32
        %parallel_loop3A_1209 = arith.constant 0 : i32
        %parallel_loop3A_1210 = arith.constant 0 : i32
        %parallel_loop3A_1211 = tpu.memref_slice %arg7[%select_n3A_141, %parallel_loop3A_1208, %parallel_loop3A_1209, %parallel_loop3A_1210] : memref<2x8x16x196xf32, #tpu.memory_space<vmem>> -> memref<1x8x16x196xf32, #tpu.memory_space<vmem>>
        %parallel_loop3A_1212 = tpu.memref_squeeze %parallel_loop3A_1211 : memref<1x8x16x196xf32, #tpu.memory_space<vmem>> -> memref<8x16x196xf32, #tpu.memory_space<vmem>>
        %parallel_loop3A_1213 = arith.index_cast %parallel_loop3A_1207 : i32 to index
        %parallel_loop3A_1214 = arith.index_cast %parallel_loop3A_174 : i32 to index
        %parallel_loop3A_1215 = arith.constant 128 : index
        %parallel_loop3A_1216 = tpu.vector_load %parallel_loop3A_1212[%parallel_loop3A_1213, %parallel_loop3A_1214, %parallel_loop3A_1215] {strides = array<i32>} : memref<8x16x196xf32, #tpu.memory_space<vmem>>, vector<16xf32>,
        tpu.vector_store %parallel_loop3A_1212[%parallel_loop3A_1213, %parallel_loop3A_1214, %parallel_loop3A_1215], %parallel_loop3A_1206 {strides = array<i32>} : memref<8x16x196xf32, #tpu.memory_space<vmem>>, vector<16xf32>,
        %parallel_loop3A_1217 = arith.constant 1792 : i32
        %parallel_loop3A_1218 = vector.broadcast %parallel_loop3A_1217 : i32 to vector<16xi32>
        %parallel_loop3A_1219 = arith.addi %parallel_loop3A_1118, %parallel_loop3A_1218 : vector<16xi32>
        %parallel_loop3A_1220 = tpu.vector_load_idx %arg5[%parallel_loop3A_1219] : memref<2048xf32, #tpu.memory_space<vmem>>[vector<16xi32>], vector<16xf32>,
        %parallel_loop3A_1221 = arith.constant 7 : i32
        %parallel_loop3A_1222 = arith.constant 0 : i32
        %parallel_loop3A_1223 = arith.constant 0 : i32
        %parallel_loop3A_1224 = arith.constant 0 : i32
        %parallel_loop3A_1225 = tpu.memref_slice %arg7[%select_n3A_141, %parallel_loop3A_1222, %parallel_loop3A_1223, %parallel_loop3A_1224] : memref<2x8x16x196xf32, #tpu.memory_space<vmem>> -> memref<1x8x16x196xf32, #tpu.memory_space<vmem>>
        %parallel_loop3A_1226 = tpu.memref_squeeze %parallel_loop3A_1225 : memref<1x8x16x196xf32, #tpu.memory_space<vmem>> -> memref<8x16x196xf32, #tpu.memory_space<vmem>>
        %parallel_loop3A_1227 = arith.index_cast %parallel_loop3A_1221 : i32 to index
        %parallel_loop3A_1228 = arith.index_cast %parallel_loop3A_174 : i32 to index
        %parallel_loop3A_1229 = arith.constant 128 : index
        %parallel_loop3A_1230 = tpu.vector_load %parallel_loop3A_1226[%parallel_loop3A_1227, %parallel_loop3A_1228, %parallel_loop3A_1229] {strides = array<i32>} : memref<8x16x196xf32, #tpu.memory_space<vmem>>, vector<16xf32>,
        tpu.vector_store %parallel_loop3A_1226[%parallel_loop3A_1227, %parallel_loop3A_1228, %parallel_loop3A_1229], %parallel_loop3A_1220 {strides = array<i32>} : memref<8x16x196xf32, #tpu.memory_space<vmem>>, vector<16xf32>,
        %parallel_loop3A_1231 = arith.constant 9216 : i32
        %parallel_loop3A_1232 = arith.addi %parallel_loop3A_1231, %parallel_loop3A_177 : i32
        %parallel_loop3A_1233 = vector.broadcast %parallel_loop3A_1232 : i32 to vector<16xi32>
        %parallel_loop3A_1234 = arith.addi %mul3A_40, %parallel_loop3A_1233 : vector<16xi32>
        %parallel_loop3A_1235 = tpu.vector_load_idx %arg6[%parallel_loop3A_1234] : memref<12544xi32, #tpu.memory_space<vmem>>[vector<16xi32>], vector<16xi32>,
        %parallel_loop3A_1236 = arith.constant 0 : i32
        %parallel_loop3A_1237 = vector.broadcast %parallel_loop3A_1236 : i32 to vector<16xi32>
        %parallel_loop3A_1238 = arith.addi %parallel_loop3A_1235, %parallel_loop3A_1237 : vector<16xi32>
        %parallel_loop3A_1239 = tpu.vector_load_idx %arg5[%parallel_loop3A_1238] : memref<2048xf32, #tpu.memory_space<vmem>>[vector<16xi32>], vector<16xf32>,
        %parallel_loop3A_1240 = arith.constant 0 : i32
        %parallel_loop3A_1241 = arith.constant 0 : i32
        %parallel_loop3A_1242 = arith.constant 0 : i32
        %parallel_loop3A_1243 = arith.constant 0 : i32
        %parallel_loop3A_1244 = tpu.memref_slice %arg7[%select_n3A_141, %parallel_loop3A_1241, %parallel_loop3A_1242, %parallel_loop3A_1243] : memref<2x8x16x196xf32, #tpu.memory_space<vmem>> -> memref<1x8x16x196xf32, #tpu.memory_space<vmem>>
        %parallel_loop3A_1245 = tpu.memref_squeeze %parallel_loop3A_1244 : memref<1x8x16x196xf32, #tpu.memory_space<vmem>> -> memref<8x16x196xf32, #tpu.memory_space<vmem>>
        %parallel_loop3A_1246 = arith.index_cast %parallel_loop3A_1240 : i32 to index
        %parallel_loop3A_1247 = arith.index_cast %parallel_loop3A_174 : i32 to index
        %parallel_loop3A_1248 = arith.constant 144 : index
        %parallel_loop3A_1249 = tpu.vector_load %parallel_loop3A_1245[%parallel_loop3A_1246, %parallel_loop3A_1247, %parallel_loop3A_1248] {strides = array<i32>} : memref<8x16x196xf32, #tpu.memory_space<vmem>>, vector<16xf32>,
        tpu.vector_store %parallel_loop3A_1245[%parallel_loop3A_1246, %parallel_loop3A_1247, %parallel_loop3A_1248], %parallel_loop3A_1239 {strides = array<i32>} : memref<8x16x196xf32, #tpu.memory_space<vmem>>, vector<16xf32>,
        %parallel_loop3A_1250 = arith.constant 256 : i32
        %parallel_loop3A_1251 = vector.broadcast %parallel_loop3A_1250 : i32 to vector<16xi32>
        %parallel_loop3A_1252 = arith.addi %parallel_loop3A_1235, %parallel_loop3A_1251 : vector<16xi32>
        %parallel_loop3A_1253 = tpu.vector_load_idx %arg5[%parallel_loop3A_1252] : memref<2048xf32, #tpu.memory_space<vmem>>[vector<16xi32>], vector<16xf32>,
        %parallel_loop3A_1254 = arith.constant 1 : i32
        %parallel_loop3A_1255 = arith.constant 0 : i32
        %parallel_loop3A_1256 = arith.constant 0 : i32
        %parallel_loop3A_1257 = arith.constant 0 : i32
        %parallel_loop3A_1258 = tpu.memref_slice %arg7[%select_n3A_141, %parallel_loop3A_1255, %parallel_loop3A_1256, %parallel_loop3A_1257] : memref<2x8x16x196xf32, #tpu.memory_space<vmem>> -> memref<1x8x16x196xf32, #tpu.memory_space<vmem>>
        %parallel_loop3A_1259 = tpu.memref_squeeze %parallel_loop3A_1258 : memref<1x8x16x196xf32, #tpu.memory_space<vmem>> -> memref<8x16x196xf32, #tpu.memory_space<vmem>>
        %parallel_loop3A_1260 = arith.index_cast %parallel_loop3A_1254 : i32 to index
        %parallel_loop3A_1261 = arith.index_cast %parallel_loop3A_174 : i32 to index
        %parallel_loop3A_1262 = arith.constant 144 : index
        %parallel_loop3A_1263 = tpu.vector_load %parallel_loop3A_1259[%parallel_loop3A_1260, %parallel_loop3A_1261, %parallel_loop3A_1262] {strides = array<i32>} : memref<8x16x196xf32, #tpu.memory_space<vmem>>, vector<16xf32>,
        tpu.vector_store %parallel_loop3A_1259[%parallel_loop3A_1260, %parallel_loop3A_1261, %parallel_loop3A_1262], %parallel_loop3A_1253 {strides = array<i32>} : memref<8x16x196xf32, #tpu.memory_space<vmem>>, vector<16xf32>,
        %parallel_loop3A_1264 = arith.constant 512 : i32
        %parallel_loop3A_1265 = vector.broadcast %parallel_loop3A_1264 : i32 to vector<16xi32>
        %parallel_loop3A_1266 = arith.addi %parallel_loop3A_1235, %parallel_loop3A_1265 : vector<16xi32>
        %parallel_loop3A_1267 = tpu.vector_load_idx %arg5[%parallel_loop3A_1266] : memref<2048xf32, #tpu.memory_space<vmem>>[vector<16xi32>], vector<16xf32>,
        %parallel_loop3A_1268 = arith.constant 2 : i32
        %parallel_loop3A_1269 = arith.constant 0 : i32
        %parallel_loop3A_1270 = arith.constant 0 : i32
        %parallel_loop3A_1271 = arith.constant 0 : i32
        %parallel_loop3A_1272 = tpu.memref_slice %arg7[%select_n3A_141, %parallel_loop3A_1269, %parallel_loop3A_1270, %parallel_loop3A_1271] : memref<2x8x16x196xf32, #tpu.memory_space<vmem>> -> memref<1x8x16x196xf32, #tpu.memory_space<vmem>>
        %parallel_loop3A_1273 = tpu.memref_squeeze %parallel_loop3A_1272 : memref<1x8x16x196xf32, #tpu.memory_space<vmem>> -> memref<8x16x196xf32, #tpu.memory_space<vmem>>
        %parallel_loop3A_1274 = arith.index_cast %parallel_loop3A_1268 : i32 to index
        %parallel_loop3A_1275 = arith.index_cast %parallel_loop3A_174 : i32 to index
        %parallel_loop3A_1276 = arith.constant 144 : index
        %parallel_loop3A_1277 = tpu.vector_load %parallel_loop3A_1273[%parallel_loop3A_1274, %parallel_loop3A_1275, %parallel_loop3A_1276] {strides = array<i32>} : memref<8x16x196xf32, #tpu.memory_space<vmem>>, vector<16xf32>,
        tpu.vector_store %parallel_loop3A_1273[%parallel_loop3A_1274, %parallel_loop3A_1275, %parallel_loop3A_1276], %parallel_loop3A_1267 {strides = array<i32>} : memref<8x16x196xf32, #tpu.memory_space<vmem>>, vector<16xf32>,
        %parallel_loop3A_1278 = arith.constant 768 : i32
        %parallel_loop3A_1279 = vector.broadcast %parallel_loop3A_1278 : i32 to vector<16xi32>
        %parallel_loop3A_1280 = arith.addi %parallel_loop3A_1235, %parallel_loop3A_1279 : vector<16xi32>
        %parallel_loop3A_1281 = tpu.vector_load_idx %arg5[%parallel_loop3A_1280] : memref<2048xf32, #tpu.memory_space<vmem>>[vector<16xi32>], vector<16xf32>,
        %parallel_loop3A_1282 = arith.constant 3 : i32
        %parallel_loop3A_1283 = arith.constant 0 : i32
        %parallel_loop3A_1284 = arith.constant 0 : i32
        %parallel_loop3A_1285 = arith.constant 0 : i32
        %parallel_loop3A_1286 = tpu.memref_slice %arg7[%select_n3A_141, %parallel_loop3A_1283, %parallel_loop3A_1284, %parallel_loop3A_1285] : memref<2x8x16x196xf32, #tpu.memory_space<vmem>> -> memref<1x8x16x196xf32, #tpu.memory_space<vmem>>
        %parallel_loop3A_1287 = tpu.memref_squeeze %parallel_loop3A_1286 : memref<1x8x16x196xf32, #tpu.memory_space<vmem>> -> memref<8x16x196xf32, #tpu.memory_space<vmem>>
        %parallel_loop3A_1288 = arith.index_cast %parallel_loop3A_1282 : i32 to index
        %parallel_loop3A_1289 = arith.index_cast %parallel_loop3A_174 : i32 to index
        %parallel_loop3A_1290 = arith.constant 144 : index
        %parallel_loop3A_1291 = tpu.vector_load %parallel_loop3A_1287[%parallel_loop3A_1288, %parallel_loop3A_1289, %parallel_loop3A_1290] {strides = array<i32>} : memref<8x16x196xf32, #tpu.memory_space<vmem>>, vector<16xf32>,
        tpu.vector_store %parallel_loop3A_1287[%parallel_loop3A_1288, %parallel_loop3A_1289, %parallel_loop3A_1290], %parallel_loop3A_1281 {strides = array<i32>} : memref<8x16x196xf32, #tpu.memory_space<vmem>>, vector<16xf32>,
        %parallel_loop3A_1292 = arith.constant 1024 : i32
        %parallel_loop3A_1293 = vector.broadcast %parallel_loop3A_1292 : i32 to vector<16xi32>
        %parallel_loop3A_1294 = arith.addi %parallel_loop3A_1235, %parallel_loop3A_1293 : vector<16xi32>
        %parallel_loop3A_1295 = tpu.vector_load_idx %arg5[%parallel_loop3A_1294] : memref<2048xf32, #tpu.memory_space<vmem>>[vector<16xi32>], vector<16xf32>,
        %parallel_loop3A_1296 = arith.constant 4 : i32
        %parallel_loop3A_1297 = arith.constant 0 : i32
        %parallel_loop3A_1298 = arith.constant 0 : i32
        %parallel_loop3A_1299 = arith.constant 0 : i32
        %parallel_loop3A_1300 = tpu.memref_slice %arg7[%select_n3A_141, %parallel_loop3A_1297, %parallel_loop3A_1298, %parallel_loop3A_1299] : memref<2x8x16x196xf32, #tpu.memory_space<vmem>> -> memref<1x8x16x196xf32, #tpu.memory_space<vmem>>
        %parallel_loop3A_1301 = tpu.memref_squeeze %parallel_loop3A_1300 : memref<1x8x16x196xf32, #tpu.memory_space<vmem>> -> memref<8x16x196xf32, #tpu.memory_space<vmem>>
        %parallel_loop3A_1302 = arith.index_cast %parallel_loop3A_1296 : i32 to index
        %parallel_loop3A_1303 = arith.index_cast %parallel_loop3A_174 : i32 to index
        %parallel_loop3A_1304 = arith.constant 144 : index
        %parallel_loop3A_1305 = tpu.vector_load %parallel_loop3A_1301[%parallel_loop3A_1302, %parallel_loop3A_1303, %parallel_loop3A_1304] {strides = array<i32>} : memref<8x16x196xf32, #tpu.memory_space<vmem>>, vector<16xf32>,
        tpu.vector_store %parallel_loop3A_1301[%parallel_loop3A_1302, %parallel_loop3A_1303, %parallel_loop3A_1304], %parallel_loop3A_1295 {strides = array<i32>} : memref<8x16x196xf32, #tpu.memory_space<vmem>>, vector<16xf32>,
        %parallel_loop3A_1306 = arith.constant 1280 : i32
        %parallel_loop3A_1307 = vector.broadcast %parallel_loop3A_1306 : i32 to vector<16xi32>
        %parallel_loop3A_1308 = arith.addi %parallel_loop3A_1235, %parallel_loop3A_1307 : vector<16xi32>
        %parallel_loop3A_1309 = tpu.vector_load_idx %arg5[%parallel_loop3A_1308] : memref<2048xf32, #tpu.memory_space<vmem>>[vector<16xi32>], vector<16xf32>,
        %parallel_loop3A_1310 = arith.constant 5 : i32
        %parallel_loop3A_1311 = arith.constant 0 : i32
        %parallel_loop3A_1312 = arith.constant 0 : i32
        %parallel_loop3A_1313 = arith.constant 0 : i32
        %parallel_loop3A_1314 = tpu.memref_slice %arg7[%select_n3A_141, %parallel_loop3A_1311, %parallel_loop3A_1312, %parallel_loop3A_1313] : memref<2x8x16x196xf32, #tpu.memory_space<vmem>> -> memref<1x8x16x196xf32, #tpu.memory_space<vmem>>
        %parallel_loop3A_1315 = tpu.memref_squeeze %parallel_loop3A_1314 : memref<1x8x16x196xf32, #tpu.memory_space<vmem>> -> memref<8x16x196xf32, #tpu.memory_space<vmem>>
        %parallel_loop3A_1316 = arith.index_cast %parallel_loop3A_1310 : i32 to index
        %parallel_loop3A_1317 = arith.index_cast %parallel_loop3A_174 : i32 to index
        %parallel_loop3A_1318 = arith.constant 144 : index
        %parallel_loop3A_1319 = tpu.vector_load %parallel_loop3A_1315[%parallel_loop3A_1316, %parallel_loop3A_1317, %parallel_loop3A_1318] {strides = array<i32>} : memref<8x16x196xf32, #tpu.memory_space<vmem>>, vector<16xf32>,
        tpu.vector_store %parallel_loop3A_1315[%parallel_loop3A_1316, %parallel_loop3A_1317, %parallel_loop3A_1318], %parallel_loop3A_1309 {strides = array<i32>} : memref<8x16x196xf32, #tpu.memory_space<vmem>>, vector<16xf32>,
        %parallel_loop3A_1320 = arith.constant 1536 : i32
        %parallel_loop3A_1321 = vector.broadcast %parallel_loop3A_1320 : i32 to vector<16xi32>
        %parallel_loop3A_1322 = arith.addi %parallel_loop3A_1235, %parallel_loop3A_1321 : vector<16xi32>
        %parallel_loop3A_1323 = tpu.vector_load_idx %arg5[%parallel_loop3A_1322] : memref<2048xf32, #tpu.memory_space<vmem>>[vector<16xi32>], vector<16xf32>,
        %parallel_loop3A_1324 = arith.constant 6 : i32
        %parallel_loop3A_1325 = arith.constant 0 : i32
        %parallel_loop3A_1326 = arith.constant 0 : i32
        %parallel_loop3A_1327 = arith.constant 0 : i32
        %parallel_loop3A_1328 = tpu.memref_slice %arg7[%select_n3A_141, %parallel_loop3A_1325, %parallel_loop3A_1326, %parallel_loop3A_1327] : memref<2x8x16x196xf32, #tpu.memory_space<vmem>> -> memref<1x8x16x196xf32, #tpu.memory_space<vmem>>
        %parallel_loop3A_1329 = tpu.memref_squeeze %parallel_loop3A_1328 : memref<1x8x16x196xf32, #tpu.memory_space<vmem>> -> memref<8x16x196xf32, #tpu.memory_space<vmem>>
        %parallel_loop3A_1330 = arith.index_cast %parallel_loop3A_1324 : i32 to index
        %parallel_loop3A_1331 = arith.index_cast %parallel_loop3A_174 : i32 to index
        %parallel_loop3A_1332 = arith.constant 144 : index
        %parallel_loop3A_1333 = tpu.vector_load %parallel_loop3A_1329[%parallel_loop3A_1330, %parallel_loop3A_1331, %parallel_loop3A_1332] {strides = array<i32>} : memref<8x16x196xf32, #tpu.memory_space<vmem>>, vector<16xf32>,
        tpu.vector_store %parallel_loop3A_1329[%parallel_loop3A_1330, %parallel_loop3A_1331, %parallel_loop3A_1332], %parallel_loop3A_1323 {strides = array<i32>} : memref<8x16x196xf32, #tpu.memory_space<vmem>>, vector<16xf32>,
        %parallel_loop3A_1334 = arith.constant 1792 : i32
        %parallel_loop3A_1335 = vector.broadcast %parallel_loop3A_1334 : i32 to vector<16xi32>
        %parallel_loop3A_1336 = arith.addi %parallel_loop3A_1235, %parallel_loop3A_1335 : vector<16xi32>
        %parallel_loop3A_1337 = tpu.vector_load_idx %arg5[%parallel_loop3A_1336] : memref<2048xf32, #tpu.memory_space<vmem>>[vector<16xi32>], vector<16xf32>,
        %parallel_loop3A_1338 = arith.constant 7 : i32
        %parallel_loop3A_1339 = arith.constant 0 : i32
        %parallel_loop3A_1340 = arith.constant 0 : i32
        %parallel_loop3A_1341 = arith.constant 0 : i32
        %parallel_loop3A_1342 = tpu.memref_slice %arg7[%select_n3A_141, %parallel_loop3A_1339, %parallel_loop3A_1340, %parallel_loop3A_1341] : memref<2x8x16x196xf32, #tpu.memory_space<vmem>> -> memref<1x8x16x196xf32, #tpu.memory_space<vmem>>
        %parallel_loop3A_1343 = tpu.memref_squeeze %parallel_loop3A_1342 : memref<1x8x16x196xf32, #tpu.memory_space<vmem>> -> memref<8x16x196xf32, #tpu.memory_space<vmem>>
        %parallel_loop3A_1344 = arith.index_cast %parallel_loop3A_1338 : i32 to index
        %parallel_loop3A_1345 = arith.index_cast %parallel_loop3A_174 : i32 to index
        %parallel_loop3A_1346 = arith.constant 144 : index
        %parallel_loop3A_1347 = tpu.vector_load %parallel_loop3A_1343[%parallel_loop3A_1344, %parallel_loop3A_1345, %parallel_loop3A_1346] {strides = array<i32>} : memref<8x16x196xf32, #tpu.memory_space<vmem>>, vector<16xf32>,
        tpu.vector_store %parallel_loop3A_1343[%parallel_loop3A_1344, %parallel_loop3A_1345, %parallel_loop3A_1346], %parallel_loop3A_1337 {strides = array<i32>} : memref<8x16x196xf32, #tpu.memory_space<vmem>>, vector<16xf32>,
        %parallel_loop3A_1348 = arith.constant 10240 : i32
        %parallel_loop3A_1349 = arith.addi %parallel_loop3A_1348, %parallel_loop3A_177 : i32
        %parallel_loop3A_1350 = vector.broadcast %parallel_loop3A_1349 : i32 to vector<16xi32>
        %parallel_loop3A_1351 = arith.addi %mul3A_40, %parallel_loop3A_1350 : vector<16xi32>
        %parallel_loop3A_1352 = tpu.vector_load_idx %arg6[%parallel_loop3A_1351] : memref<12544xi32, #tpu.memory_space<vmem>>[vector<16xi32>], vector<16xi32>,
        %parallel_loop3A_1353 = arith.constant 0 : i32
        %parallel_loop3A_1354 = vector.broadcast %parallel_loop3A_1353 : i32 to vector<16xi32>
        %parallel_loop3A_1355 = arith.addi %parallel_loop3A_1352, %parallel_loop3A_1354 : vector<16xi32>
        %parallel_loop3A_1356 = tpu.vector_load_idx %arg5[%parallel_loop3A_1355] : memref<2048xf32, #tpu.memory_space<vmem>>[vector<16xi32>], vector<16xf32>,
        %parallel_loop3A_1357 = arith.constant 0 : i32
        %parallel_loop3A_1358 = arith.constant 0 : i32
        %parallel_loop3A_1359 = arith.constant 0 : i32
        %parallel_loop3A_1360 = arith.constant 0 : i32
        %parallel_loop3A_1361 = tpu.memref_slice %arg7[%select_n3A_141, %parallel_loop3A_1358, %parallel_loop3A_1359, %parallel_loop3A_1360] : memref<2x8x16x196xf32, #tpu.memory_space<vmem>> -> memref<1x8x16x196xf32, #tpu.memory_space<vmem>>
        %parallel_loop3A_1362 = tpu.memref_squeeze %parallel_loop3A_1361 : memref<1x8x16x196xf32, #tpu.memory_space<vmem>> -> memref<8x16x196xf32, #tpu.memory_space<vmem>>
        %parallel_loop3A_1363 = arith.index_cast %parallel_loop3A_1357 : i32 to index
        %parallel_loop3A_1364 = arith.index_cast %parallel_loop3A_174 : i32 to index
        %parallel_loop3A_1365 = arith.constant 160 : index
        %parallel_loop3A_1366 = tpu.vector_load %parallel_loop3A_1362[%parallel_loop3A_1363, %parallel_loop3A_1364, %parallel_loop3A_1365] {strides = array<i32>} : memref<8x16x196xf32, #tpu.memory_space<vmem>>, vector<16xf32>,
        tpu.vector_store %parallel_loop3A_1362[%parallel_loop3A_1363, %parallel_loop3A_1364, %parallel_loop3A_1365], %parallel_loop3A_1356 {strides = array<i32>} : memref<8x16x196xf32, #tpu.memory_space<vmem>>, vector<16xf32>,
        %parallel_loop3A_1367 = arith.constant 256 : i32
        %parallel_loop3A_1368 = vector.broadcast %parallel_loop3A_1367 : i32 to vector<16xi32>
        %parallel_loop3A_1369 = arith.addi %parallel_loop3A_1352, %parallel_loop3A_1368 : vector<16xi32>
        %parallel_loop3A_1370 = tpu.vector_load_idx %arg5[%parallel_loop3A_1369] : memref<2048xf32, #tpu.memory_space<vmem>>[vector<16xi32>], vector<16xf32>,
        %parallel_loop3A_1371 = arith.constant 1 : i32
        %parallel_loop3A_1372 = arith.constant 0 : i32
        %parallel_loop3A_1373 = arith.constant 0 : i32
        %parallel_loop3A_1374 = arith.constant 0 : i32
        %parallel_loop3A_1375 = tpu.memref_slice %arg7[%select_n3A_141, %parallel_loop3A_1372, %parallel_loop3A_1373, %parallel_loop3A_1374] : memref<2x8x16x196xf32, #tpu.memory_space<vmem>> -> memref<1x8x16x196xf32, #tpu.memory_space<vmem>>
        %parallel_loop3A_1376 = tpu.memref_squeeze %parallel_loop3A_1375 : memref<1x8x16x196xf32, #tpu.memory_space<vmem>> -> memref<8x16x196xf32, #tpu.memory_space<vmem>>
        %parallel_loop3A_1377 = arith.index_cast %parallel_loop3A_1371 : i32 to index
        %parallel_loop3A_1378 = arith.index_cast %parallel_loop3A_174 : i32 to index
        %parallel_loop3A_1379 = arith.constant 160 : index
        %parallel_loop3A_1380 = tpu.vector_load %parallel_loop3A_1376[%parallel_loop3A_1377, %parallel_loop3A_1378, %parallel_loop3A_1379] {strides = array<i32>} : memref<8x16x196xf32, #tpu.memory_space<vmem>>, vector<16xf32>,
        tpu.vector_store %parallel_loop3A_1376[%parallel_loop3A_1377, %parallel_loop3A_1378, %parallel_loop3A_1379], %parallel_loop3A_1370 {strides = array<i32>} : memref<8x16x196xf32, #tpu.memory_space<vmem>>, vector<16xf32>,
        %parallel_loop3A_1381 = arith.constant 512 : i32
        %parallel_loop3A_1382 = vector.broadcast %parallel_loop3A_1381 : i32 to vector<16xi32>
        %parallel_loop3A_1383 = arith.addi %parallel_loop3A_1352, %parallel_loop3A_1382 : vector<16xi32>
        %parallel_loop3A_1384 = tpu.vector_load_idx %arg5[%parallel_loop3A_1383] : memref<2048xf32, #tpu.memory_space<vmem>>[vector<16xi32>], vector<16xf32>,
        %parallel_loop3A_1385 = arith.constant 2 : i32
        %parallel_loop3A_1386 = arith.constant 0 : i32
        %parallel_loop3A_1387 = arith.constant 0 : i32
        %parallel_loop3A_1388 = arith.constant 0 : i32
        %parallel_loop3A_1389 = tpu.memref_slice %arg7[%select_n3A_141, %parallel_loop3A_1386, %parallel_loop3A_1387, %parallel_loop3A_1388] : memref<2x8x16x196xf32, #tpu.memory_space<vmem>> -> memref<1x8x16x196xf32, #tpu.memory_space<vmem>>
        %parallel_loop3A_1390 = tpu.memref_squeeze %parallel_loop3A_1389 : memref<1x8x16x196xf32, #tpu.memory_space<vmem>> -> memref<8x16x196xf32, #tpu.memory_space<vmem>>
        %parallel_loop3A_1391 = arith.index_cast %parallel_loop3A_1385 : i32 to index
        %parallel_loop3A_1392 = arith.index_cast %parallel_loop3A_174 : i32 to index
        %parallel_loop3A_1393 = arith.constant 160 : index
        %parallel_loop3A_1394 = tpu.vector_load %parallel_loop3A_1390[%parallel_loop3A_1391, %parallel_loop3A_1392, %parallel_loop3A_1393] {strides = array<i32>} : memref<8x16x196xf32, #tpu.memory_space<vmem>>, vector<16xf32>,
        tpu.vector_store %parallel_loop3A_1390[%parallel_loop3A_1391, %parallel_loop3A_1392, %parallel_loop3A_1393], %parallel_loop3A_1384 {strides = array<i32>} : memref<8x16x196xf32, #tpu.memory_space<vmem>>, vector<16xf32>,
        %parallel_loop3A_1395 = arith.constant 768 : i32
        %parallel_loop3A_1396 = vector.broadcast %parallel_loop3A_1395 : i32 to vector<16xi32>
        %parallel_loop3A_1397 = arith.addi %parallel_loop3A_1352, %parallel_loop3A_1396 : vector<16xi32>
        %parallel_loop3A_1398 = tpu.vector_load_idx %arg5[%parallel_loop3A_1397] : memref<2048xf32, #tpu.memory_space<vmem>>[vector<16xi32>], vector<16xf32>,
        %parallel_loop3A_1399 = arith.constant 3 : i32
        %parallel_loop3A_1400 = arith.constant 0 : i32
        %parallel_loop3A_1401 = arith.constant 0 : i32
        %parallel_loop3A_1402 = arith.constant 0 : i32
        %parallel_loop3A_1403 = tpu.memref_slice %arg7[%select_n3A_141, %parallel_loop3A_1400, %parallel_loop3A_1401, %parallel_loop3A_1402] : memref<2x8x16x196xf32, #tpu.memory_space<vmem>> -> memref<1x8x16x196xf32, #tpu.memory_space<vmem>>
        %parallel_loop3A_1404 = tpu.memref_squeeze %parallel_loop3A_1403 : memref<1x8x16x196xf32, #tpu.memory_space<vmem>> -> memref<8x16x196xf32, #tpu.memory_space<vmem>>
        %parallel_loop3A_1405 = arith.index_cast %parallel_loop3A_1399 : i32 to index
        %parallel_loop3A_1406 = arith.index_cast %parallel_loop3A_174 : i32 to index
        %parallel_loop3A_1407 = arith.constant 160 : index
        %parallel_loop3A_1408 = tpu.vector_load %parallel_loop3A_1404[%parallel_loop3A_1405, %parallel_loop3A_1406, %parallel_loop3A_1407] {strides = array<i32>} : memref<8x16x196xf32, #tpu.memory_space<vmem>>, vector<16xf32>,
        tpu.vector_store %parallel_loop3A_1404[%parallel_loop3A_1405, %parallel_loop3A_1406, %parallel_loop3A_1407], %parallel_loop3A_1398 {strides = array<i32>} : memref<8x16x196xf32, #tpu.memory_space<vmem>>, vector<16xf32>,
        %parallel_loop3A_1409 = arith.constant 1024 : i32
        %parallel_loop3A_1410 = vector.broadcast %parallel_loop3A_1409 : i32 to vector<16xi32>
        %parallel_loop3A_1411 = arith.addi %parallel_loop3A_1352, %parallel_loop3A_1410 : vector<16xi32>
        %parallel_loop3A_1412 = tpu.vector_load_idx %arg5[%parallel_loop3A_1411] : memref<2048xf32, #tpu.memory_space<vmem>>[vector<16xi32>], vector<16xf32>,
        %parallel_loop3A_1413 = arith.constant 4 : i32
        %parallel_loop3A_1414 = arith.constant 0 : i32
        %parallel_loop3A_1415 = arith.constant 0 : i32
        %parallel_loop3A_1416 = arith.constant 0 : i32
        %parallel_loop3A_1417 = tpu.memref_slice %arg7[%select_n3A_141, %parallel_loop3A_1414, %parallel_loop3A_1415, %parallel_loop3A_1416] : memref<2x8x16x196xf32, #tpu.memory_space<vmem>> -> memref<1x8x16x196xf32, #tpu.memory_space<vmem>>
        %parallel_loop3A_1418 = tpu.memref_squeeze %parallel_loop3A_1417 : memref<1x8x16x196xf32, #tpu.memory_space<vmem>> -> memref<8x16x196xf32, #tpu.memory_space<vmem>>
        %parallel_loop3A_1419 = arith.index_cast %parallel_loop3A_1413 : i32 to index
        %parallel_loop3A_1420 = arith.index_cast %parallel_loop3A_174 : i32 to index
        %parallel_loop3A_1421 = arith.constant 160 : index
        %parallel_loop3A_1422 = tpu.vector_load %parallel_loop3A_1418[%parallel_loop3A_1419, %parallel_loop3A_1420, %parallel_loop3A_1421] {strides = array<i32>} : memref<8x16x196xf32, #tpu.memory_space<vmem>>, vector<16xf32>,
        tpu.vector_store %parallel_loop3A_1418[%parallel_loop3A_1419, %parallel_loop3A_1420, %parallel_loop3A_1421], %parallel_loop3A_1412 {strides = array<i32>} : memref<8x16x196xf32, #tpu.memory_space<vmem>>, vector<16xf32>,
        %parallel_loop3A_1423 = arith.constant 1280 : i32
        %parallel_loop3A_1424 = vector.broadcast %parallel_loop3A_1423 : i32 to vector<16xi32>
        %parallel_loop3A_1425 = arith.addi %parallel_loop3A_1352, %parallel_loop3A_1424 : vector<16xi32>
        %parallel_loop3A_1426 = tpu.vector_load_idx %arg5[%parallel_loop3A_1425] : memref<2048xf32, #tpu.memory_space<vmem>>[vector<16xi32>], vector<16xf32>,
        %parallel_loop3A_1427 = arith.constant 5 : i32
        %parallel_loop3A_1428 = arith.constant 0 : i32
        %parallel_loop3A_1429 = arith.constant 0 : i32
        %parallel_loop3A_1430 = arith.constant 0 : i32
        %parallel_loop3A_1431 = tpu.memref_slice %arg7[%select_n3A_141, %parallel_loop3A_1428, %parallel_loop3A_1429, %parallel_loop3A_1430] : memref<2x8x16x196xf32, #tpu.memory_space<vmem>> -> memref<1x8x16x196xf32, #tpu.memory_space<vmem>>
        %parallel_loop3A_1432 = tpu.memref_squeeze %parallel_loop3A_1431 : memref<1x8x16x196xf32, #tpu.memory_space<vmem>> -> memref<8x16x196xf32, #tpu.memory_space<vmem>>
        %parallel_loop3A_1433 = arith.index_cast %parallel_loop3A_1427 : i32 to index
        %parallel_loop3A_1434 = arith.index_cast %parallel_loop3A_174 : i32 to index
        %parallel_loop3A_1435 = arith.constant 160 : index
        %parallel_loop3A_1436 = tpu.vector_load %parallel_loop3A_1432[%parallel_loop3A_1433, %parallel_loop3A_1434, %parallel_loop3A_1435] {strides = array<i32>} : memref<8x16x196xf32, #tpu.memory_space<vmem>>, vector<16xf32>,
        tpu.vector_store %parallel_loop3A_1432[%parallel_loop3A_1433, %parallel_loop3A_1434, %parallel_loop3A_1435], %parallel_loop3A_1426 {strides = array<i32>} : memref<8x16x196xf32, #tpu.memory_space<vmem>>, vector<16xf32>,
        %parallel_loop3A_1437 = arith.constant 1536 : i32
        %parallel_loop3A_1438 = vector.broadcast %parallel_loop3A_1437 : i32 to vector<16xi32>
        %parallel_loop3A_1439 = arith.addi %parallel_loop3A_1352, %parallel_loop3A_1438 : vector<16xi32>
        %parallel_loop3A_1440 = tpu.vector_load_idx %arg5[%parallel_loop3A_1439] : memref<2048xf32, #tpu.memory_space<vmem>>[vector<16xi32>], vector<16xf32>,
        %parallel_loop3A_1441 = arith.constant 6 : i32
        %parallel_loop3A_1442 = arith.constant 0 : i32
        %parallel_loop3A_1443 = arith.constant 0 : i32
        %parallel_loop3A_1444 = arith.constant 0 : i32
        %parallel_loop3A_1445 = tpu.memref_slice %arg7[%select_n3A_141, %parallel_loop3A_1442, %parallel_loop3A_1443, %parallel_loop3A_1444] : memref<2x8x16x196xf32, #tpu.memory_space<vmem>> -> memref<1x8x16x196xf32, #tpu.memory_space<vmem>>
        %parallel_loop3A_1446 = tpu.memref_squeeze %parallel_loop3A_1445 : memref<1x8x16x196xf32, #tpu.memory_space<vmem>> -> memref<8x16x196xf32, #tpu.memory_space<vmem>>
        %parallel_loop3A_1447 = arith.index_cast %parallel_loop3A_1441 : i32 to index
        %parallel_loop3A_1448 = arith.index_cast %parallel_loop3A_174 : i32 to index
        %parallel_loop3A_1449 = arith.constant 160 : index
        %parallel_loop3A_1450 = tpu.vector_load %parallel_loop3A_1446[%parallel_loop3A_1447, %parallel_loop3A_1448, %parallel_loop3A_1449] {strides = array<i32>} : memref<8x16x196xf32, #tpu.memory_space<vmem>>, vector<16xf32>,
        tpu.vector_store %parallel_loop3A_1446[%parallel_loop3A_1447, %parallel_loop3A_1448, %parallel_loop3A_1449], %parallel_loop3A_1440 {strides = array<i32>} : memref<8x16x196xf32, #tpu.memory_space<vmem>>, vector<16xf32>,
        %parallel_loop3A_1451 = arith.constant 1792 : i32
        %parallel_loop3A_1452 = vector.broadcast %parallel_loop3A_1451 : i32 to vector<16xi32>
        %parallel_loop3A_1453 = arith.addi %parallel_loop3A_1352, %parallel_loop3A_1452 : vector<16xi32>
        %parallel_loop3A_1454 = tpu.vector_load_idx %arg5[%parallel_loop3A_1453] : memref<2048xf32, #tpu.memory_space<vmem>>[vector<16xi32>], vector<16xf32>,
        %parallel_loop3A_1455 = arith.constant 7 : i32
        %parallel_loop3A_1456 = arith.constant 0 : i32
        %parallel_loop3A_1457 = arith.constant 0 : i32
        %parallel_loop3A_1458 = arith.constant 0 : i32
        %parallel_loop3A_1459 = tpu.memref_slice %arg7[%select_n3A_141, %parallel_loop3A_1456, %parallel_loop3A_1457, %parallel_loop3A_1458] : memref<2x8x16x196xf32, #tpu.memory_space<vmem>> -> memref<1x8x16x196xf32, #tpu.memory_space<vmem>>
        %parallel_loop3A_1460 = tpu.memref_squeeze %parallel_loop3A_1459 : memref<1x8x16x196xf32, #tpu.memory_space<vmem>> -> memref<8x16x196xf32, #tpu.memory_space<vmem>>
        %parallel_loop3A_1461 = arith.index_cast %parallel_loop3A_1455 : i32 to index
        %parallel_loop3A_1462 = arith.index_cast %parallel_loop3A_174 : i32 to index
        %parallel_loop3A_1463 = arith.constant 160 : index
        %parallel_loop3A_1464 = tpu.vector_load %parallel_loop3A_1460[%parallel_loop3A_1461, %parallel_loop3A_1462, %parallel_loop3A_1463] {strides = array<i32>} : memref<8x16x196xf32, #tpu.memory_space<vmem>>, vector<16xf32>,
        tpu.vector_store %parallel_loop3A_1460[%parallel_loop3A_1461, %parallel_loop3A_1462, %parallel_loop3A_1463], %parallel_loop3A_1454 {strides = array<i32>} : memref<8x16x196xf32, #tpu.memory_space<vmem>>, vector<16xf32>,
        %parallel_loop3A_1465 = arith.constant 11264 : i32
        %parallel_loop3A_1466 = arith.addi %parallel_loop3A_1465, %parallel_loop3A_177 : i32
        %parallel_loop3A_1467 = vector.broadcast %parallel_loop3A_1466 : i32 to vector<16xi32>
        %parallel_loop3A_1468 = arith.addi %mul3A_40, %parallel_loop3A_1467 : vector<16xi32>
        %parallel_loop3A_1469 = tpu.vector_load_idx %arg6[%parallel_loop3A_1468] : memref<12544xi32, #tpu.memory_space<vmem>>[vector<16xi32>], vector<16xi32>,
        %parallel_loop3A_1470 = arith.constant 0 : i32
        %parallel_loop3A_1471 = vector.broadcast %parallel_loop3A_1470 : i32 to vector<16xi32>
        %parallel_loop3A_1472 = arith.addi %parallel_loop3A_1469, %parallel_loop3A_1471 : vector<16xi32>
        %parallel_loop3A_1473 = tpu.vector_load_idx %arg5[%parallel_loop3A_1472] : memref<2048xf32, #tpu.memory_space<vmem>>[vector<16xi32>], vector<16xf32>,
        %parallel_loop3A_1474 = arith.constant 0 : i32
        %parallel_loop3A_1475 = arith.constant 0 : i32
        %parallel_loop3A_1476 = arith.constant 0 : i32
        %parallel_loop3A_1477 = arith.constant 0 : i32
        %parallel_loop3A_1478 = tpu.memref_slice %arg7[%select_n3A_141, %parallel_loop3A_1475, %parallel_loop3A_1476, %parallel_loop3A_1477] : memref<2x8x16x196xf32, #tpu.memory_space<vmem>> -> memref<1x8x16x196xf32, #tpu.memory_space<vmem>>
        %parallel_loop3A_1479 = tpu.memref_squeeze %parallel_loop3A_1478 : memref<1x8x16x196xf32, #tpu.memory_space<vmem>> -> memref<8x16x196xf32, #tpu.memory_space<vmem>>
        %parallel_loop3A_1480 = arith.index_cast %parallel_loop3A_1474 : i32 to index
        %parallel_loop3A_1481 = arith.index_cast %parallel_loop3A_174 : i32 to index
        %parallel_loop3A_1482 = arith.constant 176 : index
        %parallel_loop3A_1483 = tpu.vector_load %parallel_loop3A_1479[%parallel_loop3A_1480, %parallel_loop3A_1481, %parallel_loop3A_1482] {strides = array<i32>} : memref<8x16x196xf32, #tpu.memory_space<vmem>>, vector<16xf32>,
        tpu.vector_store %parallel_loop3A_1479[%parallel_loop3A_1480, %parallel_loop3A_1481, %parallel_loop3A_1482], %parallel_loop3A_1473 {strides = array<i32>} : memref<8x16x196xf32, #tpu.memory_space<vmem>>, vector<16xf32>,
        %parallel_loop3A_1484 = arith.constant 256 : i32
        %parallel_loop3A_1485 = vector.broadcast %parallel_loop3A_1484 : i32 to vector<16xi32>
        %parallel_loop3A_1486 = arith.addi %parallel_loop3A_1469, %parallel_loop3A_1485 : vector<16xi32>
        %parallel_loop3A_1487 = tpu.vector_load_idx %arg5[%parallel_loop3A_1486] : memref<2048xf32, #tpu.memory_space<vmem>>[vector<16xi32>], vector<16xf32>,
        %parallel_loop3A_1488 = arith.constant 1 : i32
        %parallel_loop3A_1489 = arith.constant 0 : i32
        %parallel_loop3A_1490 = arith.constant 0 : i32
        %parallel_loop3A_1491 = arith.constant 0 : i32
        %parallel_loop3A_1492 = tpu.memref_slice %arg7[%select_n3A_141, %parallel_loop3A_1489, %parallel_loop3A_1490, %parallel_loop3A_1491] : memref<2x8x16x196xf32, #tpu.memory_space<vmem>> -> memref<1x8x16x196xf32, #tpu.memory_space<vmem>>
        %parallel_loop3A_1493 = tpu.memref_squeeze %parallel_loop3A_1492 : memref<1x8x16x196xf32, #tpu.memory_space<vmem>> -> memref<8x16x196xf32, #tpu.memory_space<vmem>>
        %parallel_loop3A_1494 = arith.index_cast %parallel_loop3A_1488 : i32 to index
        %parallel_loop3A_1495 = arith.index_cast %parallel_loop3A_174 : i32 to index
        %parallel_loop3A_1496 = arith.constant 176 : index
        %parallel_loop3A_1497 = tpu.vector_load %parallel_loop3A_1493[%parallel_loop3A_1494, %parallel_loop3A_1495, %parallel_loop3A_1496] {strides = array<i32>} : memref<8x16x196xf32, #tpu.memory_space<vmem>>, vector<16xf32>,
        tpu.vector_store %parallel_loop3A_1493[%parallel_loop3A_1494, %parallel_loop3A_1495, %parallel_loop3A_1496], %parallel_loop3A_1487 {strides = array<i32>} : memref<8x16x196xf32, #tpu.memory_space<vmem>>, vector<16xf32>,
        %parallel_loop3A_1498 = arith.constant 512 : i32
        %parallel_loop3A_1499 = vector.broadcast %parallel_loop3A_1498 : i32 to vector<16xi32>
        %parallel_loop3A_1500 = arith.addi %parallel_loop3A_1469, %parallel_loop3A_1499 : vector<16xi32>
        %parallel_loop3A_1501 = tpu.vector_load_idx %arg5[%parallel_loop3A_1500] : memref<2048xf32, #tpu.memory_space<vmem>>[vector<16xi32>], vector<16xf32>,
        %parallel_loop3A_1502 = arith.constant 2 : i32
        %parallel_loop3A_1503 = arith.constant 0 : i32
        %parallel_loop3A_1504 = arith.constant 0 : i32
        %parallel_loop3A_1505 = arith.constant 0 : i32
        %parallel_loop3A_1506 = tpu.memref_slice %arg7[%select_n3A_141, %parallel_loop3A_1503, %parallel_loop3A_1504, %parallel_loop3A_1505] : memref<2x8x16x196xf32, #tpu.memory_space<vmem>> -> memref<1x8x16x196xf32, #tpu.memory_space<vmem>>
        %parallel_loop3A_1507 = tpu.memref_squeeze %parallel_loop3A_1506 : memref<1x8x16x196xf32, #tpu.memory_space<vmem>> -> memref<8x16x196xf32, #tpu.memory_space<vmem>>
        %parallel_loop3A_1508 = arith.index_cast %parallel_loop3A_1502 : i32 to index
        %parallel_loop3A_1509 = arith.index_cast %parallel_loop3A_174 : i32 to index
        %parallel_loop3A_1510 = arith.constant 176 : index
        %parallel_loop3A_1511 = tpu.vector_load %parallel_loop3A_1507[%parallel_loop3A_1508, %parallel_loop3A_1509, %parallel_loop3A_1510] {strides = array<i32>} : memref<8x16x196xf32, #tpu.memory_space<vmem>>, vector<16xf32>,
        tpu.vector_store %parallel_loop3A_1507[%parallel_loop3A_1508, %parallel_loop3A_1509, %parallel_loop3A_1510], %parallel_loop3A_1501 {strides = array<i32>} : memref<8x16x196xf32, #tpu.memory_space<vmem>>, vector<16xf32>,
        %parallel_loop3A_1512 = arith.constant 768 : i32
        %parallel_loop3A_1513 = vector.broadcast %parallel_loop3A_1512 : i32 to vector<16xi32>
        %parallel_loop3A_1514 = arith.addi %parallel_loop3A_1469, %parallel_loop3A_1513 : vector<16xi32>
        %parallel_loop3A_1515 = tpu.vector_load_idx %arg5[%parallel_loop3A_1514] : memref<2048xf32, #tpu.memory_space<vmem>>[vector<16xi32>], vector<16xf32>,
        %parallel_loop3A_1516 = arith.constant 3 : i32
        %parallel_loop3A_1517 = arith.constant 0 : i32
        %parallel_loop3A_1518 = arith.constant 0 : i32
        %parallel_loop3A_1519 = arith.constant 0 : i32
        %parallel_loop3A_1520 = tpu.memref_slice %arg7[%select_n3A_141, %parallel_loop3A_1517, %parallel_loop3A_1518, %parallel_loop3A_1519] : memref<2x8x16x196xf32, #tpu.memory_space<vmem>> -> memref<1x8x16x196xf32, #tpu.memory_space<vmem>>
        %parallel_loop3A_1521 = tpu.memref_squeeze %parallel_loop3A_1520 : memref<1x8x16x196xf32, #tpu.memory_space<vmem>> -> memref<8x16x196xf32, #tpu.memory_space<vmem>>
        %parallel_loop3A_1522 = arith.index_cast %parallel_loop3A_1516 : i32 to index
        %parallel_loop3A_1523 = arith.index_cast %parallel_loop3A_174 : i32 to index
        %parallel_loop3A_1524 = arith.constant 176 : index
        %parallel_loop3A_1525 = tpu.vector_load %parallel_loop3A_1521[%parallel_loop3A_1522, %parallel_loop3A_1523, %parallel_loop3A_1524] {strides = array<i32>} : memref<8x16x196xf32, #tpu.memory_space<vmem>>, vector<16xf32>,
        tpu.vector_store %parallel_loop3A_1521[%parallel_loop3A_1522, %parallel_loop3A_1523, %parallel_loop3A_1524], %parallel_loop3A_1515 {strides = array<i32>} : memref<8x16x196xf32, #tpu.memory_space<vmem>>, vector<16xf32>,
        %parallel_loop3A_1526 = arith.constant 1024 : i32
        %parallel_loop3A_1527 = vector.broadcast %parallel_loop3A_1526 : i32 to vector<16xi32>
        %parallel_loop3A_1528 = arith.addi %parallel_loop3A_1469, %parallel_loop3A_1527 : vector<16xi32>
        %parallel_loop3A_1529 = tpu.vector_load_idx %arg5[%parallel_loop3A_1528] : memref<2048xf32, #tpu.memory_space<vmem>>[vector<16xi32>], vector<16xf32>,
        %parallel_loop3A_1530 = arith.constant 4 : i32
        %parallel_loop3A_1531 = arith.constant 0 : i32
        %parallel_loop3A_1532 = arith.constant 0 : i32
        %parallel_loop3A_1533 = arith.constant 0 : i32
        %parallel_loop3A_1534 = tpu.memref_slice %arg7[%select_n3A_141, %parallel_loop3A_1531, %parallel_loop3A_1532, %parallel_loop3A_1533] : memref<2x8x16x196xf32, #tpu.memory_space<vmem>> -> memref<1x8x16x196xf32, #tpu.memory_space<vmem>>
        %parallel_loop3A_1535 = tpu.memref_squeeze %parallel_loop3A_1534 : memref<1x8x16x196xf32, #tpu.memory_space<vmem>> -> memref<8x16x196xf32, #tpu.memory_space<vmem>>
        %parallel_loop3A_1536 = arith.index_cast %parallel_loop3A_1530 : i32 to index
        %parallel_loop3A_1537 = arith.index_cast %parallel_loop3A_174 : i32 to index
        %parallel_loop3A_1538 = arith.constant 176 : index
        %parallel_loop3A_1539 = tpu.vector_load %parallel_loop3A_1535[%parallel_loop3A_1536, %parallel_loop3A_1537, %parallel_loop3A_1538] {strides = array<i32>} : memref<8x16x196xf32, #tpu.memory_space<vmem>>, vector<16xf32>,
        tpu.vector_store %parallel_loop3A_1535[%parallel_loop3A_1536, %parallel_loop3A_1537, %parallel_loop3A_1538], %parallel_loop3A_1529 {strides = array<i32>} : memref<8x16x196xf32, #tpu.memory_space<vmem>>, vector<16xf32>,
        %parallel_loop3A_1540 = arith.constant 1280 : i32
        %parallel_loop3A_1541 = vector.broadcast %parallel_loop3A_1540 : i32 to vector<16xi32>
        %parallel_loop3A_1542 = arith.addi %parallel_loop3A_1469, %parallel_loop3A_1541 : vector<16xi32>
        %parallel_loop3A_1543 = tpu.vector_load_idx %arg5[%parallel_loop3A_1542] : memref<2048xf32, #tpu.memory_space<vmem>>[vector<16xi32>], vector<16xf32>,
        %parallel_loop3A_1544 = arith.constant 5 : i32
        %parallel_loop3A_1545 = arith.constant 0 : i32
        %parallel_loop3A_1546 = arith.constant 0 : i32
        %parallel_loop3A_1547 = arith.constant 0 : i32
        %parallel_loop3A_1548 = tpu.memref_slice %arg7[%select_n3A_141, %parallel_loop3A_1545, %parallel_loop3A_1546, %parallel_loop3A_1547] : memref<2x8x16x196xf32, #tpu.memory_space<vmem>> -> memref<1x8x16x196xf32, #tpu.memory_space<vmem>>
        %parallel_loop3A_1549 = tpu.memref_squeeze %parallel_loop3A_1548 : memref<1x8x16x196xf32, #tpu.memory_space<vmem>> -> memref<8x16x196xf32, #tpu.memory_space<vmem>>
        %parallel_loop3A_1550 = arith.index_cast %parallel_loop3A_1544 : i32 to index
        %parallel_loop3A_1551 = arith.index_cast %parallel_loop3A_174 : i32 to index
        %parallel_loop3A_1552 = arith.constant 176 : index
        %parallel_loop3A_1553 = tpu.vector_load %parallel_loop3A_1549[%parallel_loop3A_1550, %parallel_loop3A_1551, %parallel_loop3A_1552] {strides = array<i32>} : memref<8x16x196xf32, #tpu.memory_space<vmem>>, vector<16xf32>,
        tpu.vector_store %parallel_loop3A_1549[%parallel_loop3A_1550, %parallel_loop3A_1551, %parallel_loop3A_1552], %parallel_loop3A_1543 {strides = array<i32>} : memref<8x16x196xf32, #tpu.memory_space<vmem>>, vector<16xf32>,
        %parallel_loop3A_1554 = arith.constant 1536 : i32
        %parallel_loop3A_1555 = vector.broadcast %parallel_loop3A_1554 : i32 to vector<16xi32>
        %parallel_loop3A_1556 = arith.addi %parallel_loop3A_1469, %parallel_loop3A_1555 : vector<16xi32>
        %parallel_loop3A_1557 = tpu.vector_load_idx %arg5[%parallel_loop3A_1556] : memref<2048xf32, #tpu.memory_space<vmem>>[vector<16xi32>], vector<16xf32>,
        %parallel_loop3A_1558 = arith.constant 6 : i32
        %parallel_loop3A_1559 = arith.constant 0 : i32
        %parallel_loop3A_1560 = arith.constant 0 : i32
        %parallel_loop3A_1561 = arith.constant 0 : i32
        %parallel_loop3A_1562 = tpu.memref_slice %arg7[%select_n3A_141, %parallel_loop3A_1559, %parallel_loop3A_1560, %parallel_loop3A_1561] : memref<2x8x16x196xf32, #tpu.memory_space<vmem>> -> memref<1x8x16x196xf32, #tpu.memory_space<vmem>>
        %parallel_loop3A_1563 = tpu.memref_squeeze %parallel_loop3A_1562 : memref<1x8x16x196xf32, #tpu.memory_space<vmem>> -> memref<8x16x196xf32, #tpu.memory_space<vmem>>
        %parallel_loop3A_1564 = arith.index_cast %parallel_loop3A_1558 : i32 to index
        %parallel_loop3A_1565 = arith.index_cast %parallel_loop3A_174 : i32 to index
        %parallel_loop3A_1566 = arith.constant 176 : index
        %parallel_loop3A_1567 = tpu.vector_load %parallel_loop3A_1563[%parallel_loop3A_1564, %parallel_loop3A_1565, %parallel_loop3A_1566] {strides = array<i32>} : memref<8x16x196xf32, #tpu.memory_space<vmem>>, vector<16xf32>,
        tpu.vector_store %parallel_loop3A_1563[%parallel_loop3A_1564, %parallel_loop3A_1565, %parallel_loop3A_1566], %parallel_loop3A_1557 {strides = array<i32>} : memref<8x16x196xf32, #tpu.memory_space<vmem>>, vector<16xf32>,
        %parallel_loop3A_1568 = arith.constant 1792 : i32
        %parallel_loop3A_1569 = vector.broadcast %parallel_loop3A_1568 : i32 to vector<16xi32>
        %parallel_loop3A_1570 = arith.addi %parallel_loop3A_1469, %parallel_loop3A_1569 : vector<16xi32>
        %parallel_loop3A_1571 = tpu.vector_load_idx %arg5[%parallel_loop3A_1570] : memref<2048xf32, #tpu.memory_space<vmem>>[vector<16xi32>], vector<16xf32>,
        %parallel_loop3A_1572 = arith.constant 7 : i32
        %parallel_loop3A_1573 = arith.constant 0 : i32
        %parallel_loop3A_1574 = arith.constant 0 : i32
        %parallel_loop3A_1575 = arith.constant 0 : i32
        %parallel_loop3A_1576 = tpu.memref_slice %arg7[%select_n3A_141, %parallel_loop3A_1573, %parallel_loop3A_1574, %parallel_loop3A_1575] : memref<2x8x16x196xf32, #tpu.memory_space<vmem>> -> memref<1x8x16x196xf32, #tpu.memory_space<vmem>>
        %parallel_loop3A_1577 = tpu.memref_squeeze %parallel_loop3A_1576 : memref<1x8x16x196xf32, #tpu.memory_space<vmem>> -> memref<8x16x196xf32, #tpu.memory_space<vmem>>
        %parallel_loop3A_1578 = arith.index_cast %parallel_loop3A_1572 : i32 to index
        %parallel_loop3A_1579 = arith.index_cast %parallel_loop3A_174 : i32 to index
        %parallel_loop3A_1580 = arith.constant 176 : index
        %parallel_loop3A_1581 = tpu.vector_load %parallel_loop3A_1577[%parallel_loop3A_1578, %parallel_loop3A_1579, %parallel_loop3A_1580] {strides = array<i32>} : memref<8x16x196xf32, #tpu.memory_space<vmem>>, vector<16xf32>,
        tpu.vector_store %parallel_loop3A_1577[%parallel_loop3A_1578, %parallel_loop3A_1579, %parallel_loop3A_1580], %parallel_loop3A_1571 {strides = array<i32>} : memref<8x16x196xf32, #tpu.memory_space<vmem>>, vector<16xf32>,
        %parallel_loop3A_1582 = arith.constant 11520 : i32
        %parallel_loop3A_1583 = arith.addi %parallel_loop3A_1582, %parallel_loop3A_177 : i32
        %parallel_loop3A_1584 = vector.broadcast %parallel_loop3A_1583 : i32 to vector<16xi32>
        %parallel_loop3A_1585 = arith.addi %mul3A_40, %parallel_loop3A_1584 : vector<16xi32>
        %parallel_loop3A_1586 = tpu.vector_load_idx %arg6[%parallel_loop3A_1585] : memref<12544xi32, #tpu.memory_space<vmem>>[vector<16xi32>], vector<16xi32>,
        %parallel_loop3A_1587 = arith.constant 0 : i32
        %parallel_loop3A_1588 = vector.broadcast %parallel_loop3A_1587 : i32 to vector<16xi32>
        %parallel_loop3A_1589 = arith.addi %parallel_loop3A_1586, %parallel_loop3A_1588 : vector<16xi32>
        %parallel_loop3A_1590 = tpu.vector_load_idx %arg5[%parallel_loop3A_1589] : memref<2048xf32, #tpu.memory_space<vmem>>[vector<16xi32>], vector<16xf32>,
        %parallel_loop3A_1591 = arith.constant 0 : i32
        %parallel_loop3A_1592 = arith.constant 0 : i32
        %parallel_loop3A_1593 = arith.constant 0 : i32
        %parallel_loop3A_1594 = arith.constant 0 : i32
        %parallel_loop3A_1595 = tpu.memref_slice %arg7[%select_n3A_141, %parallel_loop3A_1592, %parallel_loop3A_1593, %parallel_loop3A_1594] : memref<2x8x16x196xf32, #tpu.memory_space<vmem>> -> memref<1x8x16x196xf32, #tpu.memory_space<vmem>>
        %parallel_loop3A_1596 = tpu.memref_squeeze %parallel_loop3A_1595 : memref<1x8x16x196xf32, #tpu.memory_space<vmem>> -> memref<8x16x196xf32, #tpu.memory_space<vmem>>
        %parallel_loop3A_1597 = arith.index_cast %parallel_loop3A_1591 : i32 to index
        %parallel_loop3A_1598 = arith.index_cast %parallel_loop3A_174 : i32 to index
        %parallel_loop3A_1599 = arith.constant 180 : index
        %parallel_loop3A_1600 = tpu.vector_load %parallel_loop3A_1596[%parallel_loop3A_1597, %parallel_loop3A_1598, %parallel_loop3A_1599] {strides = array<i32>} : memref<8x16x196xf32, #tpu.memory_space<vmem>>, vector<16xf32>,
        tpu.vector_store %parallel_loop3A_1596[%parallel_loop3A_1597, %parallel_loop3A_1598, %parallel_loop3A_1599], %parallel_loop3A_1590 {strides = array<i32>} : memref<8x16x196xf32, #tpu.memory_space<vmem>>, vector<16xf32>,
        %parallel_loop3A_1601 = arith.constant 256 : i32
        %parallel_loop3A_1602 = vector.broadcast %parallel_loop3A_1601 : i32 to vector<16xi32>
        %parallel_loop3A_1603 = arith.addi %parallel_loop3A_1586, %parallel_loop3A_1602 : vector<16xi32>
        %parallel_loop3A_1604 = tpu.vector_load_idx %arg5[%parallel_loop3A_1603] : memref<2048xf32, #tpu.memory_space<vmem>>[vector<16xi32>], vector<16xf32>,
        %parallel_loop3A_1605 = arith.constant 1 : i32
        %parallel_loop3A_1606 = arith.constant 0 : i32
        %parallel_loop3A_1607 = arith.constant 0 : i32
        %parallel_loop3A_1608 = arith.constant 0 : i32
        %parallel_loop3A_1609 = tpu.memref_slice %arg7[%select_n3A_141, %parallel_loop3A_1606, %parallel_loop3A_1607, %parallel_loop3A_1608] : memref<2x8x16x196xf32, #tpu.memory_space<vmem>> -> memref<1x8x16x196xf32, #tpu.memory_space<vmem>>
        %parallel_loop3A_1610 = tpu.memref_squeeze %parallel_loop3A_1609 : memref<1x8x16x196xf32, #tpu.memory_space<vmem>> -> memref<8x16x196xf32, #tpu.memory_space<vmem>>
        %parallel_loop3A_1611 = arith.index_cast %parallel_loop3A_1605 : i32 to index
        %parallel_loop3A_1612 = arith.index_cast %parallel_loop3A_174 : i32 to index
        %parallel_loop3A_1613 = arith.constant 180 : index
        %parallel_loop3A_1614 = tpu.vector_load %parallel_loop3A_1610[%parallel_loop3A_1611, %parallel_loop3A_1612, %parallel_loop3A_1613] {strides = array<i32>} : memref<8x16x196xf32, #tpu.memory_space<vmem>>, vector<16xf32>,
        tpu.vector_store %parallel_loop3A_1610[%parallel_loop3A_1611, %parallel_loop3A_1612, %parallel_loop3A_1613], %parallel_loop3A_1604 {strides = array<i32>} : memref<8x16x196xf32, #tpu.memory_space<vmem>>, vector<16xf32>,
        %parallel_loop3A_1615 = arith.constant 512 : i32
        %parallel_loop3A_1616 = vector.broadcast %parallel_loop3A_1615 : i32 to vector<16xi32>
        %parallel_loop3A_1617 = arith.addi %parallel_loop3A_1586, %parallel_loop3A_1616 : vector<16xi32>
        %parallel_loop3A_1618 = tpu.vector_load_idx %arg5[%parallel_loop3A_1617] : memref<2048xf32, #tpu.memory_space<vmem>>[vector<16xi32>], vector<16xf32>,
        %parallel_loop3A_1619 = arith.constant 2 : i32
        %parallel_loop3A_1620 = arith.constant 0 : i32
        %parallel_loop3A_1621 = arith.constant 0 : i32
        %parallel_loop3A_1622 = arith.constant 0 : i32
        %parallel_loop3A_1623 = tpu.memref_slice %arg7[%select_n3A_141, %parallel_loop3A_1620, %parallel_loop3A_1621, %parallel_loop3A_1622] : memref<2x8x16x196xf32, #tpu.memory_space<vmem>> -> memref<1x8x16x196xf32, #tpu.memory_space<vmem>>
        %parallel_loop3A_1624 = tpu.memref_squeeze %parallel_loop3A_1623 : memref<1x8x16x196xf32, #tpu.memory_space<vmem>> -> memref<8x16x196xf32, #tpu.memory_space<vmem>>
        %parallel_loop3A_1625 = arith.index_cast %parallel_loop3A_1619 : i32 to index
        %parallel_loop3A_1626 = arith.index_cast %parallel_loop3A_174 : i32 to index
        %parallel_loop3A_1627 = arith.constant 180 : index
        %parallel_loop3A_1628 = tpu.vector_load %parallel_loop3A_1624[%parallel_loop3A_1625, %parallel_loop3A_1626, %parallel_loop3A_1627] {strides = array<i32>} : memref<8x16x196xf32, #tpu.memory_space<vmem>>, vector<16xf32>,
        tpu.vector_store %parallel_loop3A_1624[%parallel_loop3A_1625, %parallel_loop3A_1626, %parallel_loop3A_1627], %parallel_loop3A_1618 {strides = array<i32>} : memref<8x16x196xf32, #tpu.memory_space<vmem>>, vector<16xf32>,
        %parallel_loop3A_1629 = arith.constant 768 : i32
        %parallel_loop3A_1630 = vector.broadcast %parallel_loop3A_1629 : i32 to vector<16xi32>
        %parallel_loop3A_1631 = arith.addi %parallel_loop3A_1586, %parallel_loop3A_1630 : vector<16xi32>
        %parallel_loop3A_1632 = tpu.vector_load_idx %arg5[%parallel_loop3A_1631] : memref<2048xf32, #tpu.memory_space<vmem>>[vector<16xi32>], vector<16xf32>,
        %parallel_loop3A_1633 = arith.constant 3 : i32
        %parallel_loop3A_1634 = arith.constant 0 : i32
        %parallel_loop3A_1635 = arith.constant 0 : i32
        %parallel_loop3A_1636 = arith.constant 0 : i32
        %parallel_loop3A_1637 = tpu.memref_slice %arg7[%select_n3A_141, %parallel_loop3A_1634, %parallel_loop3A_1635, %parallel_loop3A_1636] : memref<2x8x16x196xf32, #tpu.memory_space<vmem>> -> memref<1x8x16x196xf32, #tpu.memory_space<vmem>>
        %parallel_loop3A_1638 = tpu.memref_squeeze %parallel_loop3A_1637 : memref<1x8x16x196xf32, #tpu.memory_space<vmem>> -> memref<8x16x196xf32, #tpu.memory_space<vmem>>
        %parallel_loop3A_1639 = arith.index_cast %parallel_loop3A_1633 : i32 to index
        %parallel_loop3A_1640 = arith.index_cast %parallel_loop3A_174 : i32 to index
        %parallel_loop3A_1641 = arith.constant 180 : index
        %parallel_loop3A_1642 = tpu.vector_load %parallel_loop3A_1638[%parallel_loop3A_1639, %parallel_loop3A_1640, %parallel_loop3A_1641] {strides = array<i32>} : memref<8x16x196xf32, #tpu.memory_space<vmem>>, vector<16xf32>,
        tpu.vector_store %parallel_loop3A_1638[%parallel_loop3A_1639, %parallel_loop3A_1640, %parallel_loop3A_1641], %parallel_loop3A_1632 {strides = array<i32>} : memref<8x16x196xf32, #tpu.memory_space<vmem>>, vector<16xf32>,
        %parallel_loop3A_1643 = arith.constant 1024 : i32
        %parallel_loop3A_1644 = vector.broadcast %parallel_loop3A_1643 : i32 to vector<16xi32>
        %parallel_loop3A_1645 = arith.addi %parallel_loop3A_1586, %parallel_loop3A_1644 : vector<16xi32>
        %parallel_loop3A_1646 = tpu.vector_load_idx %arg5[%parallel_loop3A_1645] : memref<2048xf32, #tpu.memory_space<vmem>>[vector<16xi32>], vector<16xf32>,
        %parallel_loop3A_1647 = arith.constant 4 : i32
        %parallel_loop3A_1648 = arith.constant 0 : i32
        %parallel_loop3A_1649 = arith.constant 0 : i32
        %parallel_loop3A_1650 = arith.constant 0 : i32
        %parallel_loop3A_1651 = tpu.memref_slice %arg7[%select_n3A_141, %parallel_loop3A_1648, %parallel_loop3A_1649, %parallel_loop3A_1650] : memref<2x8x16x196xf32, #tpu.memory_space<vmem>> -> memref<1x8x16x196xf32, #tpu.memory_space<vmem>>
        %parallel_loop3A_1652 = tpu.memref_squeeze %parallel_loop3A_1651 : memref<1x8x16x196xf32, #tpu.memory_space<vmem>> -> memref<8x16x196xf32, #tpu.memory_space<vmem>>
        %parallel_loop3A_1653 = arith.index_cast %parallel_loop3A_1647 : i32 to index
        %parallel_loop3A_1654 = arith.index_cast %parallel_loop3A_174 : i32 to index
        %parallel_loop3A_1655 = arith.constant 180 : index
        %parallel_loop3A_1656 = tpu.vector_load %parallel_loop3A_1652[%parallel_loop3A_1653, %parallel_loop3A_1654, %parallel_loop3A_1655] {strides = array<i32>} : memref<8x16x196xf32, #tpu.memory_space<vmem>>, vector<16xf32>,
        tpu.vector_store %parallel_loop3A_1652[%parallel_loop3A_1653, %parallel_loop3A_1654, %parallel_loop3A_1655], %parallel_loop3A_1646 {strides = array<i32>} : memref<8x16x196xf32, #tpu.memory_space<vmem>>, vector<16xf32>,
        %parallel_loop3A_1657 = arith.constant 1280 : i32
        %parallel_loop3A_1658 = vector.broadcast %parallel_loop3A_1657 : i32 to vector<16xi32>
        %parallel_loop3A_1659 = arith.addi %parallel_loop3A_1586, %parallel_loop3A_1658 : vector<16xi32>
        %parallel_loop3A_1660 = tpu.vector_load_idx %arg5[%parallel_loop3A_1659] : memref<2048xf32, #tpu.memory_space<vmem>>[vector<16xi32>], vector<16xf32>,
        %parallel_loop3A_1661 = arith.constant 5 : i32
        %parallel_loop3A_1662 = arith.constant 0 : i32
        %parallel_loop3A_1663 = arith.constant 0 : i32
        %parallel_loop3A_1664 = arith.constant 0 : i32
        %parallel_loop3A_1665 = tpu.memref_slice %arg7[%select_n3A_141, %parallel_loop3A_1662, %parallel_loop3A_1663, %parallel_loop3A_1664] : memref<2x8x16x196xf32, #tpu.memory_space<vmem>> -> memref<1x8x16x196xf32, #tpu.memory_space<vmem>>
        %parallel_loop3A_1666 = tpu.memref_squeeze %parallel_loop3A_1665 : memref<1x8x16x196xf32, #tpu.memory_space<vmem>> -> memref<8x16x196xf32, #tpu.memory_space<vmem>>
        %parallel_loop3A_1667 = arith.index_cast %parallel_loop3A_1661 : i32 to index
        %parallel_loop3A_1668 = arith.index_cast %parallel_loop3A_174 : i32 to index
        %parallel_loop3A_1669 = arith.constant 180 : index
        %parallel_loop3A_1670 = tpu.vector_load %parallel_loop3A_1666[%parallel_loop3A_1667, %parallel_loop3A_1668, %parallel_loop3A_1669] {strides = array<i32>} : memref<8x16x196xf32, #tpu.memory_space<vmem>>, vector<16xf32>,
        tpu.vector_store %parallel_loop3A_1666[%parallel_loop3A_1667, %parallel_loop3A_1668, %parallel_loop3A_1669], %parallel_loop3A_1660 {strides = array<i32>} : memref<8x16x196xf32, #tpu.memory_space<vmem>>, vector<16xf32>,
        %parallel_loop3A_1671 = arith.constant 1536 : i32
        %parallel_loop3A_1672 = vector.broadcast %parallel_loop3A_1671 : i32 to vector<16xi32>
        %parallel_loop3A_1673 = arith.addi %parallel_loop3A_1586, %parallel_loop3A_1672 : vector<16xi32>
        %parallel_loop3A_1674 = tpu.vector_load_idx %arg5[%parallel_loop3A_1673] : memref<2048xf32, #tpu.memory_space<vmem>>[vector<16xi32>], vector<16xf32>,
        %parallel_loop3A_1675 = arith.constant 6 : i32
        %parallel_loop3A_1676 = arith.constant 0 : i32
        %parallel_loop3A_1677 = arith.constant 0 : i32
        %parallel_loop3A_1678 = arith.constant 0 : i32
        %parallel_loop3A_1679 = tpu.memref_slice %arg7[%select_n3A_141, %parallel_loop3A_1676, %parallel_loop3A_1677, %parallel_loop3A_1678] : memref<2x8x16x196xf32, #tpu.memory_space<vmem>> -> memref<1x8x16x196xf32, #tpu.memory_space<vmem>>
        %parallel_loop3A_1680 = tpu.memref_squeeze %parallel_loop3A_1679 : memref<1x8x16x196xf32, #tpu.memory_space<vmem>> -> memref<8x16x196xf32, #tpu.memory_space<vmem>>
        %parallel_loop3A_1681 = arith.index_cast %parallel_loop3A_1675 : i32 to index
        %parallel_loop3A_1682 = arith.index_cast %parallel_loop3A_174 : i32 to index
        %parallel_loop3A_1683 = arith.constant 180 : index
        %parallel_loop3A_1684 = tpu.vector_load %parallel_loop3A_1680[%parallel_loop3A_1681, %parallel_loop3A_1682, %parallel_loop3A_1683] {strides = array<i32>} : memref<8x16x196xf32, #tpu.memory_space<vmem>>, vector<16xf32>,
        tpu.vector_store %parallel_loop3A_1680[%parallel_loop3A_1681, %parallel_loop3A_1682, %parallel_loop3A_1683], %parallel_loop3A_1674 {strides = array<i32>} : memref<8x16x196xf32, #tpu.memory_space<vmem>>, vector<16xf32>,
        %parallel_loop3A_1685 = arith.constant 1792 : i32
        %parallel_loop3A_1686 = vector.broadcast %parallel_loop3A_1685 : i32 to vector<16xi32>
        %parallel_loop3A_1687 = arith.addi %parallel_loop3A_1586, %parallel_loop3A_1686 : vector<16xi32>
        %parallel_loop3A_1688 = tpu.vector_load_idx %arg5[%parallel_loop3A_1687] : memref<2048xf32, #tpu.memory_space<vmem>>[vector<16xi32>], vector<16xf32>,
        %parallel_loop3A_1689 = arith.constant 7 : i32
        %parallel_loop3A_1690 = arith.constant 0 : i32
        %parallel_loop3A_1691 = arith.constant 0 : i32
        %parallel_loop3A_1692 = arith.constant 0 : i32
        %parallel_loop3A_1693 = tpu.memref_slice %arg7[%select_n3A_141, %parallel_loop3A_1690, %parallel_loop3A_1691, %parallel_loop3A_1692] : memref<2x8x16x196xf32, #tpu.memory_space<vmem>> -> memref<1x8x16x196xf32, #tpu.memory_space<vmem>>
        %parallel_loop3A_1694 = tpu.memref_squeeze %parallel_loop3A_1693 : memref<1x8x16x196xf32, #tpu.memory_space<vmem>> -> memref<8x16x196xf32, #tpu.memory_space<vmem>>
        %parallel_loop3A_1695 = arith.index_cast %parallel_loop3A_1689 : i32 to index
        %parallel_loop3A_1696 = arith.index_cast %parallel_loop3A_174 : i32 to index
        %parallel_loop3A_1697 = arith.constant 180 : index
        %parallel_loop3A_1698 = tpu.vector_load %parallel_loop3A_1694[%parallel_loop3A_1695, %parallel_loop3A_1696, %parallel_loop3A_1697] {strides = array<i32>} : memref<8x16x196xf32, #tpu.memory_space<vmem>>, vector<16xf32>,
        tpu.vector_store %parallel_loop3A_1694[%parallel_loop3A_1695, %parallel_loop3A_1696, %parallel_loop3A_1697], %parallel_loop3A_1688 {strides = array<i32>} : memref<8x16x196xf32, #tpu.memory_space<vmem>>, vector<16xf32>,
      } {sc.loop_unroll_factor = 2 : i64, sc.parallel_access}
      %eq3A_164 = arith.constant 0 : i32
      %eq3A_165 = arith.cmpi eq, %select_n3A_141, %eq3A_164 : i32
      %convert_element_type3A_166 = arith.extui %eq3A_165 : i1 to i32
      %cond3A_167 = arith.constant 0 : i32
      %cond3A_168 = arith.cmpi ne, %convert_element_type3A_166, %cond3A_167 : i32
      scf.if %cond3A_168 {
        %dma_start3A = arith.constant 0 : i32
        %dma_start3A_174 = arith.constant 0 : i32
        %dma_start3A_175 = arith.constant 0 : i32
        %dma_start3A_176 = arith.constant 0 : i32
        %dma_start3A_177 = tpu.memref_slice %arg7[%dma_start3A, %dma_start3A_174, %dma_start3A_175, %dma_start3A_176] : memref<2x8x16x196xf32, #tpu.memory_space<vmem>> -> memref<1x8x16x196xf32, #tpu.memory_space<vmem>>
        %dma_start3A_178 = tpu.memref_squeeze %dma_start3A_177 : memref<1x8x16x196xf32, #tpu.memory_space<vmem>> -> memref<8x16x196xf32, #tpu.memory_space<vmem>>
        %dma_start3A_179 = arith.constant 0 : i32
        %dma_start3A_180 = tpu.memref_slice %arg4[%select_n3A_109, %add3A_35, %mul3A_146, %dma_start3A_179] : memref<4x256x64x196xf32, #tpu.memory_space<hbm>> -> memref<1x8x16x196xf32, #tpu.memory_space<hbm>>
        %dma_start3A_181 = tpu.memref_squeeze %dma_start3A_180 : memref<1x8x16x196xf32, #tpu.memory_space<hbm>> -> memref<8x16x196xf32, #tpu.memory_space<hbm>>
        %dma_start3A_182 = arith.constant 0 : i32
        %dma_start3A_183 = tpu.memref_slice %arg4[%select_n3A_109, %add3A_35, %mul3A_146, %dma_start3A_182] : memref<4x256x64x196xf32, #tpu.memory_space<hbm>> -> memref<1x8x16x196xf32, #tpu.memory_space<hbm>>
        %dma_start3A_184 = tpu.memref_squeeze %dma_start3A_183 : memref<1x8x16x196xf32, #tpu.memory_space<hbm>> -> memref<8x16x196xf32, #tpu.memory_space<hbm>>
        %dma_start3A_185 = arith.constant 0 : i32
        %dma_start3A_186 = arith.constant 0 : i32
        %dma_start3A_187 = arith.constant 0 : i32
        %dma_start3A_188 = tpu.memref_slice %arg7[%dma_start3A, %dma_start3A_185, %dma_start3A_186, %dma_start3A_187] : memref<2x8x16x196xf32, #tpu.memory_space<vmem>> -> memref<1x8x16x196xf32, #tpu.memory_space<vmem>>
        %dma_start3A_189 = tpu.memref_squeeze %dma_start3A_188 : memref<1x8x16x196xf32, #tpu.memory_space<vmem>> -> memref<8x16x196xf32, #tpu.memory_space<vmem>>
        tpu.enqueue_dma source(%dma_start3A_189 : memref<8x16x196xf32, #tpu.memory_space<vmem>>) target(%dma_start3A_184 : memref<8x16x196xf32, #tpu.memory_space<hbm>>) target_semaphore(%arg8 : memref<!tpu.dma_semaphore, #tpu.memory_space<semaphore_mem>>)
      } else {
      }
      %eq3A_169 = arith.constant 1 : i32
      %eq3A_170 = arith.cmpi eq, %select_n3A_141, %eq3A_169 : i32
      %convert_element_type3A_171 = arith.extui %eq3A_170 : i1 to i32
      %cond3A_172 = arith.constant 0 : i32
      %cond3A_173 = arith.cmpi ne, %convert_element_type3A_171, %cond3A_172 : i32
      scf.if %cond3A_173 {
        %dma_start3A = arith.constant 1 : i32
        %dma_start3A_174 = arith.constant 0 : i32
        %dma_start3A_175 = arith.constant 0 : i32
        %dma_start3A_176 = arith.constant 0 : i32
        %dma_start3A_177 = tpu.memref_slice %arg7[%dma_start3A, %dma_start3A_174, %dma_start3A_175, %dma_start3A_176] : memref<2x8x16x196xf32, #tpu.memory_space<vmem>> -> memref<1x8x16x196xf32, #tpu.memory_space<vmem>>
        %dma_start3A_178 = tpu.memref_squeeze %dma_start3A_177 : memref<1x8x16x196xf32, #tpu.memory_space<vmem>> -> memref<8x16x196xf32, #tpu.memory_space<vmem>>
        %dma_start3A_179 = arith.constant 0 : i32
        %dma_start3A_180 = tpu.memref_slice %arg4[%select_n3A_109, %add3A_35, %mul3A_146, %dma_start3A_179] : memref<4x256x64x196xf32, #tpu.memory_space<hbm>> -> memref<1x8x16x196xf32, #tpu.memory_space<hbm>>
        %dma_start3A_181 = tpu.memref_squeeze %dma_start3A_180 : memref<1x8x16x196xf32, #tpu.memory_space<hbm>> -> memref<8x16x196xf32, #tpu.memory_space<hbm>>
        %dma_start3A_182 = arith.constant 0 : i32
        %dma_start3A_183 = tpu.memref_slice %arg4[%select_n3A_109, %add3A_35, %mul3A_146, %dma_start3A_182] : memref<4x256x64x196xf32, #tpu.memory_space<hbm>> -> memref<1x8x16x196xf32, #tpu.memory_space<hbm>>
        %dma_start3A_184 = tpu.memref_squeeze %dma_start3A_183 : memref<1x8x16x196xf32, #tpu.memory_space<hbm>> -> memref<8x16x196xf32, #tpu.memory_space<hbm>>
        %dma_start3A_185 = arith.constant 0 : i32
        %dma_start3A_186 = arith.constant 0 : i32
        %dma_start3A_187 = arith.constant 0 : i32
        %dma_start3A_188 = tpu.memref_slice %arg7[%dma_start3A, %dma_start3A_185, %dma_start3A_186, %dma_start3A_187] : memref<2x8x16x196xf32, #tpu.memory_space<vmem>> -> memref<1x8x16x196xf32, #tpu.memory_space<vmem>>
        %dma_start3A_189 = tpu.memref_squeeze %dma_start3A_188 : memref<1x8x16x196xf32, #tpu.memory_space<vmem>> -> memref<8x16x196xf32, #tpu.memory_space<vmem>>
        tpu.enqueue_dma source(%dma_start3A_189 : memref<8x16x196xf32, #tpu.memory_space<vmem>>) target(%dma_start3A_184 : memref<8x16x196xf32, #tpu.memory_space<hbm>>) target_semaphore(%arg9 : memref<!tpu.dma_semaphore, #tpu.memory_space<semaphore_mem>>)
      } else {
      }
    }
    %scan3A_45 = arith.constant 16 : i32
    %dma_wait3A = arith.constant 0 : i32
    %dma_wait3A_46 = arith.constant 0 : i32
    %dma_wait3A_47 = arith.constant 0 : i32
    %dma_wait3A_48 = arith.constant 0 : i32
    %dma_wait3A_49 = arith.constant 0 : i32
    %dma_wait3A_50 = tpu.memref_slice %arg7[%dma_wait3A, %dma_wait3A_47, %dma_wait3A_48, %dma_wait3A_49] : memref<2x8x16x196xf32, #tpu.memory_space<vmem>> -> memref<1x8x16x196xf32, #tpu.memory_space<vmem>>
    %dma_wait3A_51 = tpu.memref_squeeze %dma_wait3A_50 : memref<1x8x16x196xf32, #tpu.memory_space<vmem>> -> memref<8x16x196xf32, #tpu.memory_space<vmem>>
    %dma_wait3A_52 = arith.constant 0 : i32
    %dma_wait3A_53 = arith.constant 0 : i32
    %dma_wait3A_54 = tpu.memref_slice %arg4[%dma_wait3A_46, %add3A_35, %dma_wait3A_52, %dma_wait3A_53] : memref<4x256x64x196xf32, #tpu.memory_space<hbm>> -> memref<1x8x16x196xf32, #tpu.memory_space<hbm>>
    %dma_wait3A_55 = tpu.memref_squeeze %dma_wait3A_54 : memref<1x8x16x196xf32, #tpu.memory_space<hbm>> -> memref<8x16x196xf32, #tpu.memory_space<hbm>>
    %dma_wait3A_56 = arith.constant 0 : i32
    %dma_wait3A_57 = arith.constant 0 : i32
    %dma_wait3A_58 = tpu.memref_slice %arg4[%dma_wait3A_46, %add3A_35, %dma_wait3A_56, %dma_wait3A_57] : memref<4x256x64x196xf32, #tpu.memory_space<hbm>> -> memref<1x8x16x196xf32, #tpu.memory_space<hbm>>
    %dma_wait3A_59 = tpu.memref_squeeze %dma_wait3A_58 : memref<1x8x16x196xf32, #tpu.memory_space<hbm>> -> memref<8x16x196xf32, #tpu.memory_space<hbm>>
    %dma_wait3A_60 = arith.constant 0 : i32
    %dma_wait3A_61 = arith.constant 0 : i32
    %dma_wait3A_62 = arith.constant 0 : i32
    %dma_wait3A_63 = tpu.memref_slice %arg7[%dma_wait3A, %dma_wait3A_60, %dma_wait3A_61, %dma_wait3A_62] : memref<2x8x16x196xf32, #tpu.memory_space<vmem>> -> memref<1x8x16x196xf32, #tpu.memory_space<vmem>>
    %dma_wait3A_64 = tpu.memref_squeeze %dma_wait3A_63 : memref<1x8x16x196xf32, #tpu.memory_space<vmem>> -> memref<8x16x196xf32, #tpu.memory_space<vmem>>
    tpu.wait_dma2 semaphore(%arg8 : memref<!tpu.dma_semaphore, #tpu.memory_space<semaphore_mem>>) src(%dma_wait3A_64 : memref<8x16x196xf32, #tpu.memory_space<vmem>>) dst(%dma_wait3A_59 : memref<8x16x196xf32, #tpu.memory_space<hbm>>)
    %dma_wait3A_65 = arith.constant 1 : i32
    %dma_wait3A_66 = arith.constant 0 : i32
    %dma_wait3A_67 = arith.constant 0 : i32
    %dma_wait3A_68 = arith.constant 0 : i32
    %dma_wait3A_69 = arith.constant 0 : i32
    %dma_wait3A_70 = tpu.memref_slice %arg7[%dma_wait3A_65, %dma_wait3A_67, %dma_wait3A_68, %dma_wait3A_69] : memref<2x8x16x196xf32, #tpu.memory_space<vmem>> -> memref<1x8x16x196xf32, #tpu.memory_space<vmem>>
    %dma_wait3A_71 = tpu.memref_squeeze %dma_wait3A_70 : memref<1x8x16x196xf32, #tpu.memory_space<vmem>> -> memref<8x16x196xf32, #tpu.memory_space<vmem>>
    %dma_wait3A_72 = arith.constant 0 : i32
    %dma_wait3A_73 = arith.constant 0 : i32
    %dma_wait3A_74 = tpu.memref_slice %arg4[%dma_wait3A_66, %add3A_35, %dma_wait3A_72, %dma_wait3A_73] : memref<4x256x64x196xf32, #tpu.memory_space<hbm>> -> memref<1x8x16x196xf32, #tpu.memory_space<hbm>>
    %dma_wait3A_75 = tpu.memref_squeeze %dma_wait3A_74 : memref<1x8x16x196xf32, #tpu.memory_space<hbm>> -> memref<8x16x196xf32, #tpu.memory_space<hbm>>
    %dma_wait3A_76 = arith.constant 0 : i32
    %dma_wait3A_77 = arith.constant 0 : i32
    %dma_wait3A_78 = tpu.memref_slice %arg4[%dma_wait3A_66, %add3A_35, %dma_wait3A_76, %dma_wait3A_77] : memref<4x256x64x196xf32, #tpu.memory_space<hbm>> -> memref<1x8x16x196xf32, #tpu.memory_space<hbm>>
    %dma_wait3A_79 = tpu.memref_squeeze %dma_wait3A_78 : memref<1x8x16x196xf32, #tpu.memory_space<hbm>> -> memref<8x16x196xf32, #tpu.memory_space<hbm>>
    %dma_wait3A_80 = arith.constant 0 : i32
    %dma_wait3A_81 = arith.constant 0 : i32
    %dma_wait3A_82 = arith.constant 0 : i32
    %dma_wait3A_83 = tpu.memref_slice %arg7[%dma_wait3A_65, %dma_wait3A_80, %dma_wait3A_81, %dma_wait3A_82] : memref<2x8x16x196xf32, #tpu.memory_space<vmem>> -> memref<1x8x16x196xf32, #tpu.memory_space<vmem>>
    %dma_wait3A_84 = tpu.memref_squeeze %dma_wait3A_83 : memref<1x8x16x196xf32, #tpu.memory_space<vmem>> -> memref<8x16x196xf32, #tpu.memory_space<vmem>>
    tpu.wait_dma2 semaphore(%arg9 : memref<!tpu.dma_semaphore, #tpu.memory_space<semaphore_mem>>) src(%dma_wait3A_84 : memref<8x16x196xf32, #tpu.memory_space<vmem>>) dst(%dma_wait3A_79 : memref<8x16x196xf32, #tpu.memory_space<hbm>>)
    return
  }
}

module attributes {stable_mosaic.version = 14 : i64} {
  func.func @_idx_body(%arg0: i32, %arg1: i32, %arg2: memref<1x256x64xf32, #tpu.memory_space<vmem>>, %arg3: memref<1x256x1xf32, #tpu.memory_space<vmem>>, %arg4: memref<1x1x64x12544xf32, #tpu.memory_space<vmem>>, %arg5: memref<1x1x1x12544xi32, #tpu.memory_space<vmem>>) attributes {dimension_semantics = [#tpu.dimension_semantics<parallel>, #tpu.dimension_semantics<arbitrary>], iteration_bounds = array<i64: 4, 4>, scalar_prefetch = 0 : i64, scratch_operands = 0 : i64, tpu.core_type = #tpu.core_type<tc>, window_params = [{transform_indices = @transform_0, window_bounds = array<i64: 1, 256, 64>}, {transform_indices = @transform_1, window_bounds = array<i64: 1, 256, 1>}, {transform_indices = @transform_2, window_bounds = array<i64: 1, 1, 64, 12544>}, {transform_indices = @transform_3, window_bounds = array<i64: 1, 1, 1, 12544>}]} {
    %get3A = arith.constant 0 : index
    %get3A_0 = arith.constant 0 : index
    %get3A_1 = arith.constant 0 : index
    %get3A_2 = vector.load %arg2[%get3A, %get3A_0, %get3A_1] : memref<1x256x64xf32, #tpu.memory_space<vmem>>, vector<1x256x64xf32>
    %get3A_3 = vector.shape_cast %get3A_2 : vector<1x256x64xf32> to vector<256x64xf32>
    %get3A_4 = arith.constant 0 : index
    %get3A_5 = arith.constant 0 : index
    %get3A_6 = arith.constant 0 : index
    %get3A_7 = vector.load %arg3[%get3A_4, %get3A_5, %get3A_6] : memref<1x256x1xf32, #tpu.memory_space<vmem>>, vector<1x256x1xf32>
    %get3A_8 = vector.shape_cast %get3A_7 : vector<1x256x1xf32> to vector<256x1xf32>
    %get3A_9 = arith.constant 0 : index
    %get3A_10 = arith.constant 0 : index
    %get3A_11 = arith.constant 0 : index
    %get3A_12 = arith.constant 0 : index
    %get3A_13 = vector.load %arg4[%get3A_9, %get3A_10, %get3A_11, %get3A_12] : memref<1x1x64x12544xf32, #tpu.memory_space<vmem>>, vector<1x1x64x3136xf32>
    %get3A_14 = vector.shape_cast %get3A_13 : vector<1x1x64x3136xf32> to vector<64x3136xf32>
    %dot_general3A = arith.constant dense<0.000000e+00> : vector<256x3136xf32>
    %dot_general3A_15 = tpu.matmul %get3A_3, %get3A_14, %dot_general3A {dimension_numbers = #tpu.dot_dimension_numbers<[1], [0], [0], [1], [0, 0, 1, 1], [], []>, transpose_lhs_hint = false} : vector<256x64xf32>, vector<64x3136xf32>, vector<256x3136xf32> -> vector<256x3136xf32>
    %add3A = vector.broadcast %get3A_8 : vector<256x1xf32> to vector<256x3136xf32>
    %add3A_16 = arith.addf %dot_general3A_15, %add3A : vector<256x3136xf32>
    %reduce_min3A = arith.constant dense<0x7F800000> : vector<3136xf32>
    %reduce_min3A_17 = vector.multi_reduction <minimumf>, %add3A_16, %reduce_min3A [0] : vector<256x3136xf32> to vector<3136xf32>
    %broadcast_in_dim3A = vector.shape_cast %reduce_min3A_17 : vector<3136xf32> to vector<1x3136xf32>
    %iota3A = tpu.iota {dimensions = array<i32: 0>} : vector<256x3136xi32>
    %le3A = vector.broadcast %broadcast_in_dim3A : vector<1x3136xf32> to vector<256x3136xf32>
    %le3A_18 = arith.cmpf ole, %add3A_16, %le3A : vector<256x3136xf32>
    %jit3A = arith.constant 1073741824 : i32
    %broadcast_in_dim3A_19 = vector.broadcast %jit3A : i32 to vector<256x3136xi32>
    %select_n3A = arith.select %le3A_18, %iota3A, %broadcast_in_dim3A_19 : vector<256x3136xi1>, vector<256x3136xi32>
    %reduce_min3A_20 = arith.constant dense<2147483647> : vector<3136xi32>
    %reduce_min3A_21 = vector.multi_reduction <minsi>, %select_n3A, %reduce_min3A_20 [0] : vector<256x3136xi32> to vector<3136xi32>
    %broadcast_in_dim3A_22 = vector.shape_cast %reduce_min3A_21 : vector<3136xi32> to vector<1x3136xi32>
    %swap3A = arith.constant 0 : index
    %swap3A_23 = arith.constant 0 : index
    %swap3A_24 = arith.constant 0 : index
    %swap3A_25 = arith.constant 0 : index
    %swap3A_26 = vector.load %arg5[%swap3A, %swap3A_23, %swap3A_24, %swap3A_25] : memref<1x1x1x12544xi32, #tpu.memory_space<vmem>>, vector<1x1x1x3136xi32>
    %swap3A_27 = vector.shape_cast %swap3A_26 : vector<1x1x1x3136xi32> to vector<1x3136xi32>
    %swap3A_28 = vector.shape_cast %broadcast_in_dim3A_22 : vector<1x3136xi32> to vector<1x1x1x3136xi32>
    tpu.vector_store %arg5[%swap3A, %swap3A_23, %swap3A_24, %swap3A_25], %swap3A_28 {strides = array<i32>} : memref<1x1x1x12544xi32, #tpu.memory_space<vmem>>, vector<1x1x1x3136xi32>,
    %get3A_29 = arith.constant 0 : index
    %get3A_30 = arith.constant 0 : index
    %get3A_31 = arith.constant 0 : index
    %get3A_32 = arith.constant 3136 : index
    %get3A_33 = vector.load %arg4[%get3A_29, %get3A_30, %get3A_31, %get3A_32] : memref<1x1x64x12544xf32, #tpu.memory_space<vmem>>, vector<1x1x64x3136xf32>
    %get3A_34 = vector.shape_cast %get3A_33 : vector<1x1x64x3136xf32> to vector<64x3136xf32>
    %dot_general3A_35 = arith.constant dense<0.000000e+00> : vector<256x3136xf32>
    %dot_general3A_36 = tpu.matmul %get3A_3, %get3A_34, %dot_general3A_35 {dimension_numbers = #tpu.dot_dimension_numbers<[1], [0], [0], [1], [0, 0, 1, 1], [], []>, transpose_lhs_hint = false} : vector<256x64xf32>, vector<64x3136xf32>, vector<256x3136xf32> -> vector<256x3136xf32>
    %add3A_37 = vector.broadcast %get3A_8 : vector<256x1xf32> to vector<256x3136xf32>
    %add3A_38 = arith.addf %dot_general3A_36, %add3A_37 : vector<256x3136xf32>
    %reduce_min3A_39 = arith.constant dense<0x7F800000> : vector<3136xf32>
    %reduce_min3A_40 = vector.multi_reduction <minimumf>, %add3A_38, %reduce_min3A_39 [0] : vector<256x3136xf32> to vector<3136xf32>
    %broadcast_in_dim3A_41 = vector.shape_cast %reduce_min3A_40 : vector<3136xf32> to vector<1x3136xf32>
    %iota3A_42 = tpu.iota {dimensions = array<i32: 0>} : vector<256x3136xi32>
    %le3A_43 = vector.broadcast %broadcast_in_dim3A_41 : vector<1x3136xf32> to vector<256x3136xf32>
    %le3A_44 = arith.cmpf ole, %add3A_38, %le3A_43 : vector<256x3136xf32>
    %jit3A_45 = arith.constant 1073741824 : i32
    %broadcast_in_dim3A_46 = vector.broadcast %jit3A_45 : i32 to vector<256x3136xi32>
    %select_n3A_47 = arith.select %le3A_44, %iota3A_42, %broadcast_in_dim3A_46 : vector<256x3136xi1>, vector<256x3136xi32>
    %reduce_min3A_48 = arith.constant dense<2147483647> : vector<3136xi32>
    %reduce_min3A_49 = vector.multi_reduction <minsi>, %select_n3A_47, %reduce_min3A_48 [0] : vector<256x3136xi32> to vector<3136xi32>
    %broadcast_in_dim3A_50 = vector.shape_cast %reduce_min3A_49 : vector<3136xi32> to vector<1x3136xi32>
    %swap3A_51 = arith.constant 0 : index
    %swap3A_52 = arith.constant 0 : index
    %swap3A_53 = arith.constant 0 : index
    %swap3A_54 = arith.constant 3136 : index
    %swap3A_55 = vector.load %arg5[%swap3A_51, %swap3A_52, %swap3A_53, %swap3A_54] : memref<1x1x1x12544xi32, #tpu.memory_space<vmem>>, vector<1x1x1x3136xi32>
    %swap3A_56 = vector.shape_cast %swap3A_55 : vector<1x1x1x3136xi32> to vector<1x3136xi32>
    %swap3A_57 = vector.shape_cast %broadcast_in_dim3A_50 : vector<1x3136xi32> to vector<1x1x1x3136xi32>
    tpu.vector_store %arg5[%swap3A_51, %swap3A_52, %swap3A_53, %swap3A_54], %swap3A_57 {strides = array<i32>} : memref<1x1x1x12544xi32, #tpu.memory_space<vmem>>, vector<1x1x1x3136xi32>,
    %get3A_58 = arith.constant 0 : index
    %get3A_59 = arith.constant 0 : index
    %get3A_60 = arith.constant 0 : index
    %get3A_61 = arith.constant 6272 : index
    %get3A_62 = vector.load %arg4[%get3A_58, %get3A_59, %get3A_60, %get3A_61] : memref<1x1x64x12544xf32, #tpu.memory_space<vmem>>, vector<1x1x64x3136xf32>
    %get3A_63 = vector.shape_cast %get3A_62 : vector<1x1x64x3136xf32> to vector<64x3136xf32>
    %dot_general3A_64 = arith.constant dense<0.000000e+00> : vector<256x3136xf32>
    %dot_general3A_65 = tpu.matmul %get3A_3, %get3A_63, %dot_general3A_64 {dimension_numbers = #tpu.dot_dimension_numbers<[1], [0], [0], [1], [0, 0, 1, 1], [], []>, transpose_lhs_hint = false} : vector<256x64xf32>, vector<64x3136xf32>, vector<256x3136xf32> -> vector<256x3136xf32>
    %add3A_66 = vector.broadcast %get3A_8 : vector<256x1xf32> to vector<256x3136xf32>
    %add3A_67 = arith.addf %dot_general3A_65, %add3A_66 : vector<256x3136xf32>
    %reduce_min3A_68 = arith.constant dense<0x7F800000> : vector<3136xf32>
    %reduce_min3A_69 = vector.multi_reduction <minimumf>, %add3A_67, %reduce_min3A_68 [0] : vector<256x3136xf32> to vector<3136xf32>
    %broadcast_in_dim3A_70 = vector.shape_cast %reduce_min3A_69 : vector<3136xf32> to vector<1x3136xf32>
    %iota3A_71 = tpu.iota {dimensions = array<i32: 0>} : vector<256x3136xi32>
    %le3A_72 = vector.broadcast %broadcast_in_dim3A_70 : vector<1x3136xf32> to vector<256x3136xf32>
    %le3A_73 = arith.cmpf ole, %add3A_67, %le3A_72 : vector<256x3136xf32>
    %jit3A_74 = arith.constant 1073741824 : i32
    %broadcast_in_dim3A_75 = vector.broadcast %jit3A_74 : i32 to vector<256x3136xi32>
    %select_n3A_76 = arith.select %le3A_73, %iota3A_71, %broadcast_in_dim3A_75 : vector<256x3136xi1>, vector<256x3136xi32>
    %reduce_min3A_77 = arith.constant dense<2147483647> : vector<3136xi32>
    %reduce_min3A_78 = vector.multi_reduction <minsi>, %select_n3A_76, %reduce_min3A_77 [0] : vector<256x3136xi32> to vector<3136xi32>
    %broadcast_in_dim3A_79 = vector.shape_cast %reduce_min3A_78 : vector<3136xi32> to vector<1x3136xi32>
    %swap3A_80 = arith.constant 0 : index
    %swap3A_81 = arith.constant 0 : index
    %swap3A_82 = arith.constant 0 : index
    %swap3A_83 = arith.constant 6272 : index
    %swap3A_84 = vector.load %arg5[%swap3A_80, %swap3A_81, %swap3A_82, %swap3A_83] : memref<1x1x1x12544xi32, #tpu.memory_space<vmem>>, vector<1x1x1x3136xi32>
    %swap3A_85 = vector.shape_cast %swap3A_84 : vector<1x1x1x3136xi32> to vector<1x3136xi32>
    %swap3A_86 = vector.shape_cast %broadcast_in_dim3A_79 : vector<1x3136xi32> to vector<1x1x1x3136xi32>
    tpu.vector_store %arg5[%swap3A_80, %swap3A_81, %swap3A_82, %swap3A_83], %swap3A_86 {strides = array<i32>} : memref<1x1x1x12544xi32, #tpu.memory_space<vmem>>, vector<1x1x1x3136xi32>,
    %get3A_87 = arith.constant 0 : index
    %get3A_88 = arith.constant 0 : index
    %get3A_89 = arith.constant 0 : index
    %get3A_90 = arith.constant 9408 : index
    %get3A_91 = vector.load %arg4[%get3A_87, %get3A_88, %get3A_89, %get3A_90] : memref<1x1x64x12544xf32, #tpu.memory_space<vmem>>, vector<1x1x64x3136xf32>
    %get3A_92 = vector.shape_cast %get3A_91 : vector<1x1x64x3136xf32> to vector<64x3136xf32>
    %dot_general3A_93 = arith.constant dense<0.000000e+00> : vector<256x3136xf32>
    %dot_general3A_94 = tpu.matmul %get3A_3, %get3A_92, %dot_general3A_93 {dimension_numbers = #tpu.dot_dimension_numbers<[1], [0], [0], [1], [0, 0, 1, 1], [], []>, transpose_lhs_hint = false} : vector<256x64xf32>, vector<64x3136xf32>, vector<256x3136xf32> -> vector<256x3136xf32>
    %add3A_95 = vector.broadcast %get3A_8 : vector<256x1xf32> to vector<256x3136xf32>
    %add3A_96 = arith.addf %dot_general3A_94, %add3A_95 : vector<256x3136xf32>
    %reduce_min3A_97 = arith.constant dense<0x7F800000> : vector<3136xf32>
    %reduce_min3A_98 = vector.multi_reduction <minimumf>, %add3A_96, %reduce_min3A_97 [0] : vector<256x3136xf32> to vector<3136xf32>
    %broadcast_in_dim3A_99 = vector.shape_cast %reduce_min3A_98 : vector<3136xf32> to vector<1x3136xf32>
    %iota3A_100 = tpu.iota {dimensions = array<i32: 0>} : vector<256x3136xi32>
    %le3A_101 = vector.broadcast %broadcast_in_dim3A_99 : vector<1x3136xf32> to vector<256x3136xf32>
    %le3A_102 = arith.cmpf ole, %add3A_96, %le3A_101 : vector<256x3136xf32>
    %jit3A_103 = arith.constant 1073741824 : i32
    %broadcast_in_dim3A_104 = vector.broadcast %jit3A_103 : i32 to vector<256x3136xi32>
    %select_n3A_105 = arith.select %le3A_102, %iota3A_100, %broadcast_in_dim3A_104 : vector<256x3136xi1>, vector<256x3136xi32>
    %reduce_min3A_106 = arith.constant dense<2147483647> : vector<3136xi32>
    %reduce_min3A_107 = vector.multi_reduction <minsi>, %select_n3A_105, %reduce_min3A_106 [0] : vector<256x3136xi32> to vector<3136xi32>
    %broadcast_in_dim3A_108 = vector.shape_cast %reduce_min3A_107 : vector<3136xi32> to vector<1x3136xi32>
    %swap3A_109 = arith.constant 0 : index
    %swap3A_110 = arith.constant 0 : index
    %swap3A_111 = arith.constant 0 : index
    %swap3A_112 = arith.constant 9408 : index
    %swap3A_113 = vector.load %arg5[%swap3A_109, %swap3A_110, %swap3A_111, %swap3A_112] : memref<1x1x1x12544xi32, #tpu.memory_space<vmem>>, vector<1x1x1x3136xi32>
    %swap3A_114 = vector.shape_cast %swap3A_113 : vector<1x1x1x3136xi32> to vector<1x3136xi32>
    %swap3A_115 = vector.shape_cast %broadcast_in_dim3A_108 : vector<1x3136xi32> to vector<1x1x1x3136xi32>
    tpu.vector_store %arg5[%swap3A_109, %swap3A_110, %swap3A_111, %swap3A_112], %swap3A_115 {strides = array<i32>} : memref<1x1x1x12544xi32, #tpu.memory_space<vmem>>, vector<1x1x1x3136xi32>,
    return
  }
  func.func @transform_0(%arg0: i32, %arg1: i32) -> (i32, i32, i32) {
    %c0_i32 = arith.constant 0 : i32
    %c0_i32_0 = arith.constant 0 : i32
    %c0_i32_1 = arith.constant 0 : i32
    return %arg1, %c0_i32, %c0_i32_0 : i32, i32, i32
  }
  func.func @transform_1(%arg0: i32, %arg1: i32) -> (i32, i32, i32) {
    %c0_i32 = arith.constant 0 : i32
    %c0_i32_0 = arith.constant 0 : i32
    %c0_i32_1 = arith.constant 0 : i32
    return %arg1, %c0_i32, %c0_i32_0 : i32, i32, i32
  }
  func.func @transform_2(%arg0: i32, %arg1: i32) -> (i32, i32, i32, i32) {
    %c0_i32 = arith.constant 0 : i32
    %c0_i32_0 = arith.constant 0 : i32
    %c0_i32_1 = arith.constant 0 : i32
    return %arg0, %arg1, %c0_i32, %c0_i32_0 : i32, i32, i32, i32
  }
  func.func @transform_3(%arg0: i32, %arg1: i32) -> (i32, i32, i32, i32) {
    %c0_i32 = arith.constant 0 : i32
    %c0_i32_0 = arith.constant 0 : i32
    %c0_i32_1 = arith.constant 0 : i32
    return %arg0, %arg1, %c0_i32, %c0_i32_0 : i32, i32, i32, i32
  }
}

</mosaic_0001>

<sc_bundles>
// kernel: kernel.4.cloned.1.call-start
scs
__scs_entry_jumppad:
0x0: {  	(pc) =	sbr.rel $0x88, $3  }
0x1: {  	(tag) =	ssettag $0x0;
	lr =	simm.s32 $0x1  }
0x2: {  	[smem:$0x3F9F] =	sst lr;
	_ =	strace $0xD0000000  }
0x3: {  	_ = 	snop  }
0x4: {  	_ = 	snop  }
0x5: {  	_ = 	snop  }
0x6: {  	_ = 	snop  }
0x7: {  	_ = 	snop  }
__scs_overlays_trampoline_lowered:
0x8: {  	[smem:$0x3FAE] =	sst s0  }
0x9: {  	[smem:$0x3FAF] =	sst s1  }
0xa: {  	[smem:$0x3FB0] =	sst s2  }
0xb: {  	[smem:$0x3FB1] =	sst s3  }
0xc: {  	[smem:$0x3FB2] =	sst s4  }
0xd: {  	[smem:$0x3FB3] =	sst s5  }
0xe: {  	[smem:$0x3FB4] =	sst s6  }
0xf: {  	[smem:$0x3FB5] =	sst s7  }
0x10: {  	[smem:$0x3FB6] =	sst s8  }
0x11: {  	[smem:$0x3FB7] =	sst s9;
	s0 =	simm.s32 @!p0 $0x0  }
0x12: {  	s1 =	sld [smem:$0x3F9D];
	s0 =	simm.s32 @p0 $0x1  }
0x13: {  	[smem:$0x3FB8] =	sst s0;
	s0 =	simm.s32 @!p1 $0x0  }
0x14: {  	s2 =	sld [smem:$0x3F9C];
	s0 =	simm.s32 @p1 $0x1  }
0x15: {  	[smem:$0x3FB9] =	sst s0;
	s0 =	simm.s32 @!p2 $0x0  }
0x16: {  	s3 =	sld [smem:$0x3FDB];
	s0 =	simm.s32 @p2 $0x1  }
0x17: {  	s4 =	simm.s32 $0x1BF5;
	[smem:$0x3FBB] =	sst s0  }
0x18: {  	s0 =	sld [smem:$0x3F9E];
	_ =	swait.ge [sflag:s4], $0x0  }
0x19: {  	s7 =	sld [smem:$0x3F9F]  }
0x1a: {  	s8 =	sadd.s32 $0xFFFFE003, lr  }
0x1b: {  	s9 =	sadd.s32 $0xFFFFFEF7, lr;
	s5 =	simm.s32 $0xFFFFFFFF;
	p2 =	slt.u32 s8, $0xFFFFF086  }
0x1c: {  	p1 =	slt.u32 s9, $0xF7A;
	s5 =	simm.s32 @!p2 $0x0  }
0x1d: {  	s5 =	simm.s32 @p1 $0x1;
	p0 =	seq.s32 s7, s2  }
0x1e: {  	s7 =	smul.u32 @!p0 $0xF7A, s2;
	p2 =	seq.s32 @!p0 s5, $0x0  }
0x1f: {  	s9 =	smul.u32 $0xF7A, s1;
	s8 =	simm.s32 @!p0 $0x1BF5;
	p2 =	por !p2, p0  }
0x20: {  	[sflag:s8] =	ssyncset.s32 @!p0 $0xFFFFF086;
	s6 =	sadd.s32 @!p0 s3, s7;
	s7 =	simm.s32 @!p0 $0x108  }
0x21: {  	s3 =	sadd.s32 s3, s9;
	s6 =	sadd.s32 @!p0 $0x88, s6;
	s7 =	simm.s32 @p2 $0x1082  }
0x22: {  	[simem:s7], [sflag:s8] =	dma.local @!p0 [hbm:s6], $0xF7A  }
0x23: {  	s9 =	sor.u32 $0xD0000000, s2;
	s6 =	simm.s32 $0x108;
	_ =	swait.ge @!p0 [sflag:s8], $0x0  }
0x24: {  	s3 =	sadd.s32 $0x88, s3;
	s6 =	simm.s32 @!p1 $0x1082;
	[sflag:s4] =	ssyncset.s32 $0xFFFFF086  }
0x25: {  	[simem:s6], [sflag:s4] =	dma.local [hbm:s3], $0xF7A  }
0x26: {  	[smem:$0x3F9F] =	sst s1;
	(tag) =	ssettag s2;
	_ =	strace s9  }
0x27: {  	s1 =	sld [smem:$0x3FAF]  }
0x28: {  	s2 =	sld [smem:$0x3FB0]  }
0x29: {  	s4 =	sld [smem:$0x3FB2]  }
0x2a: {  	p0 =	seq.s32 s5, $0x0;
	s5 =	sld [smem:$0x3FB3]  }
0x2b: {  	s6 =	sld [smem:$0x3FB4]  }
0x2c: {  	s7 =	sld [smem:$0x3FB5]  }
0x2d: {  	s3 =	simm.s32 $0x108;
	s8 =	sld [smem:$0x3FB6]  }
0x2e: {  	s3 =	simm.s32 @!p0 $0x1082;
	s9 =	sld [smem:$0x3FB7]  }
0x2f: {  	lr =	sadd.s32 s0, s3;
	s0 =	sld [smem:$0x3FAE]  }
0x30: {  	s3 =	sld [smem:$0x3FB1]  }
0x31: {  	[smem:$0x3FBA] =	sst s10  }
0x32: {  	s10 =	sld [smem:$0x3FB8];
	_ =	sdelay $0x3  }
0x33: {  	p0 =	seq.s32 s10, $0x1;
	s10 =	sld [smem:$0x3FBA];
	_ =	sdelay $0x3  }
0x34: {  	[smem:$0x3FBA] =	sst s10  }
0x35: {  	s10 =	sld [smem:$0x3FB9];
	_ =	sdelay $0x3  }
0x36: {  	p1 =	seq.s32 s10, $0x1;
	s10 =	sld [smem:$0x3FBA];
	_ =	sdelay $0x3  }
0x37: {  	[smem:$0x3FBA] =	sst s10  }
0x38: {  	s10 =	sld [smem:$0x3FBB]  }
0x39: {  	_ = 	snop;
	(pc) =	sbr.ind lr, $3  }
0x3a: {  	_ = 	snop  }
0x3b: {  	_ = 	snop  }
0x3c: {  	p2 =	seq.s32 s10, $0x1;
	s10 =	sld [smem:$0x3FBA]  }
0x3d: {  	_ =	shalt  }
0x3e: {  	_ =	shalt  }
0x3f: {  	_ =	shalt  }
0x40: {  	_ =	shalt  }
0x41: {  	_ =	shalt  }
0x42: {  	_ =	shalt  }
0x43: {  	_ =	shalt  }
0x44: {  	_ =	shalt  }
0x45: {  	_ =	shalt  }
0x46: {  	_ =	shalt  }
0x47: {  	_ =	shalt  }
0x48: {  	_ =	shalt  }
0x49: {  	_ =	shalt  }
0x4a: {  	_ =	shalt  }
0x4b: {  	_ =	shalt  }
0x4c: {  	_ =	shalt  }
0x4d: {  	_ =	shalt  }
0x4e: {  	_ =	shalt  }
0x4f: {  	_ =	shalt  }
0x50: {  	_ =	shalt  }
0x51: {  	_ =	shalt  }
0x52: {  	_ =	shalt  }
0x53: {  	_ =	shalt  }
0x54: {  	_ =	shalt  }
0x55: {  	_ =	shalt  }
0x56: {  	_ =	shalt  }
0x57: {  	_ =	shalt  }
0x58: {  	_ =	shalt  }
0x59: {  	_ =	shalt  }
0x5a: {  	_ =	shalt  }
0x5b: {  	_ =	shalt  }
0x5c: {  	_ =	shalt  }
0x5d: {  	_ =	shalt  }
0x5e: {  	_ =	shalt  }
0x5f: {  	_ =	shalt  }
0x60: {  	_ =	shalt  }
0x61: {  	_ =	shalt  }
0x62: {  	_ =	shalt  }
0x63: {  	_ =	shalt  }
0x64: {  	_ =	shalt  }
0x65: {  	_ =	shalt  }
0x66: {  	_ =	shalt  }
0x67: {  	_ =	shalt  }
0x68: {  	_ =	shalt  }
0x69: {  	_ =	shalt  }
0x6a: {  	_ =	shalt  }
0x6b: {  	_ =	shalt  }
0x6c: {  	_ =	shalt  }
0x6d: {  	_ =	shalt  }
0x6e: {  	_ =	shalt  }
0x6f: {  	_ =	shalt  }
0x70: {  	_ =	shalt  }
0x71: {  	_ =	shalt  }
0x72: {  	_ =	shalt  }
0x73: {  	_ =	shalt  }
0x74: {  	_ =	shalt  }
0x75: {  	_ =	shalt  }
0x76: {  	_ =	shalt  }
0x77: {  	_ =	shalt  }
0x78: {  	_ =	shalt  }
0x79: {  	_ =	shalt  }
0x7a: {  	_ =	shalt  }
0x7b: {  	_ =	shalt  }
0x7c: {  	_ =	shalt  }
0x7d: {  	_ =	shalt  }
0x7e: {  	_ =	shalt  }
0x7f: {  	_ =	shalt  }
0x80: {  	_ =	shalt  }
0x81: {  	_ =	shalt  }
0x82: {  	_ =	shalt  }
0x83: {  	_ =	shalt  }
0x84: {  	_ =	shalt  }
0x85: {  	_ =	shalt  }
0x86: {  	_ =	shalt  }
0x87: {  	_ =	shalt  }
.Lfunc_end0:
.L_simem_size_0:
called_computation_lowered:
.L_overlay_start_0:
0x88: {  	s2 =	sld [smem:$0x3FD9]  }
0x89: {  	s3 =	sld [smem:$0x3FFE];
	_ =	sdelay $0x1  }
0x8a: {  	s1 =	srdreg.scid  }
0x8b: {  	s0 =	sand.u32 $0x1, s1  }
0x8c: {  	s17 =	sshll.u32 s0, $0xA;
	s2 =	sadd.s32 s3, s2  }
0x8d: {  	s2 =	sadd.s32 s2, s17  }
0x8e: {  	[smem:$0x3FC6] =	sst s2  }
0x8f: {  	_ = 	snop  }
0x90: {  	s2 =	sld [smem:$0x3FD0];
	(tm) =	ssettm $0x1  }
0x91: {  	s18 =	sld [smem:$0x3FFB];
	_ =	sdelay $0x3  }
0x92: {  	_ =	strace s18  }
0x93: {  	s3 =	sld [smem:$0x3FFC];
	_ =	sdelay $0x3  }
0x94: {  	_ =	strace s3  }
0x95: {  	s3 =	sld [smem:$0x3FFD];
	_ =	sdelay $0x3  }
0x96: {  	_ =	strace s3  }
0x97: {  	_ =	strace $0x8FFFFFFF  }
0x98: {  	s19 =	sld [smem:$0x3FDB];
	_ =	sdelay $0x1  }
0x99: {  	s4 =	simm.s32 $_scs_section_size  }
0x9a: {  	s5 =	simm.s32 $_size__tile_overlayer_lowered;
	s6 =	simm.s32 $_tile_overlayer_lowered  }
0x9b: {  	s22 =	simm.s32 $0x1BFF;
	s21 =	sshll.u32 s6, $0x1;
	s3 =	sadd.s32 s4, s19  }
0x9c: {  	s7 =	simm.s32 $0x0;
	s20 =	sshll.u32 s5, $0x1;
	s5 =	sadd.s32 s21, s3  }
0x9d: {  	[timem:s7], [sflag:s22] =	dma.local [hbm:s5], s20  }
0x9e: {  	_ =	swait.ge [sflag:s22], s20  }
0x9f: {  	s4 =	ssub.s32 $0x0, s20;
	[sflag:s22] =	ssyncset.done $0x0  }
0xa0: {  	[sflag:s22] =	ssyncadd.s32 s4;
	_ =	sdelay $0x1  }
0xa1: {  	s23 =	simm.s32 $0x1B8B  }
0xa2: {  	_ =	swait.ge [sflag:s23], $0x1  }
0xa3: {  	[sflag:s23] =	ssyncset.done $0x0  }
0xa4: {  	s25 =	simm.s32 $0x1B8E;
	s24 =	sld [smem:$0x3FFE];
	[sflag:s23] =	ssyncadd.s32 $0xFFFFFFFF  }
0xa5: {  	s26 =	simm.s32 $execute0_lowered;
	[smem:$0x3FD2] =	sst s25  }
0xa6: {  	s5 =	sshll.u32 s26, $0x1;
	_ =	strace $0x80000046;
	[dreg:$0x1] =	wrdreg $0xFFFFFFFF  }
0xa7: {  	s28 =	simm.s32 $_size_execute0_lowered;
	s3 =	sadd.s32 s3, s5;
	[dreg:$0x0] =	wrdreg $0x0  }
0xa8: {  	s5 =	sshll.u32 s28, $0x1;
	[dreg:$0x2] =	wrdreg s3  }
0xa9: {  	[dreg:$0x3] =	wrdreg s5  }
0xaa: {  	[dreg:$0x4] =	wrdreg $0xC0  }
0xab: {  	_ =	task [dreg:s7], $0x5FFFF  }
0xac: {  	[dreg:$0x1] =	wrdreg $0xFFFFFFFF  }
0xad: {  	[dreg:$0x0] =	wrdreg $0x60  }
0xae: {  	[dreg:$0x2] =	wrdreg s24  }
0xaf: {  	[dreg:$0x3] =	wrdreg s2  }
0xb0: {  	[dreg:$0x4] =	wrdreg $0x9  }
0xb1: {  	_ =	task.clear_ibuf [dreg:s7], $0x5FFFF;
	_ =	strace $0x90000046  }
0xb2: {  	s29 =	simm.s32 $0x9;
	_ =	strace $0x80000048  }
0xb3: {  	_ =	swait.ge [sflag:s29], $0x1  }
0xb4: {  	[sflag:s29] =	ssyncadd.s32 $0xFFFFFFFF  }
0xb5: {  	_ =	strace $0x90000048  }
0xb6: {  	_ =	sfence  }
0xb7: {  	s30 =	sld [smem:$0x0];
	_ =	sdelay $0x2  }
0xb8: {  	s31 =	sshll.u32 s1, $0xD;
	s1 =	sshrl.u32 s1, $0x2  }
0xb9: {  	s3 =	sand.u32 $0x4000, s31;
	s1 =	sadd.s32 s1, s30  }
0xba: {  	s0 =	sor.u32 s3, s0;
	s1 =	sshll.u32 s1, $0x11  }
0xbb: {  	s0 =	sor.u32 s1, s0  }
0xbc: {  	s0 =	sadd.s32 $0x8F2B, s0  }
0xbd: {  	[sflag:s0] =	ssyncadd.remote.s32 $0x1  }
0xbe: {  	_ =	sfence.sel $0xFFFF  }
0xbf: {  	[dreg:$0x0] =	wrdreg $0xFFFFFFFF;
	(pc) =	sbr.abs _section_cstart, $3  }
0xc0: {  	[dreg:$0x1] =	wrdreg $0xFFFFFFFF  }
0xc1: {  	_ =	task.clear_ibuf [dreg:s7], $0x2FFFF;
	_ =	strace $0x9FFFFFFF  }
0xc2: {  	(tm) =	ssettm $0x7FFFFFFF  }
0xc3: {  	_ =	shalt  }
tec
execute0_lowered:
.L_overlay_start_1:
0x0: {  	(tag) =	ssettag $0x1  }
0x1: {  	s0 =	rddreg [dreg:$0x0];
	s3 =	simm.s32 $0x0;
	s4 =	stileid.u32  }
0x2: {  	s1 =	srdreg.scid;
	[smem:$0x7FF] =	sst s3;
	s2 =	sshll.u32 s4, $0x1  }
0x3: {  	s4 =	sshrl.u32 s4, $0x2;
	s1 =	sand.u32 $0x1, s1;
	s2 =	sand.u32 $0x6, s2  }
0x4: {  	_ =	strace $0x80000047;
	s5 =	sshll.u32 s4, $0x4;
	s7 =	sshll.u32 s4, $0x11  }
0x5: {  	s30 =	smul.u32 $0x3100, s4;
	s2 =	sor.u32 s1, s2;
	s5 =	sadd.s32 s5, s0  }
0x6: {  	s1 =	ssub.s32 $0x2, s1;
	s6 =	sshll.u32 s2, $0xE;
	s2 =	sshll.u32 s2, $0xA  }
0x7: {  	s29 =	sshrl.u32 s1, $0x1;
	[smem:$0x7FB] =	sst s30;
	s2 =	sadd.s32 s2, s5  }
0x8: {  	s6 =	sor.u32 s7, s6;
	s1 =	ssub.s32 s1, s29;
	s2 =	sadd.s32 $0x400, s2  }
0x9: {  	s0 =	sadd.s32 s6, s0;
	s31 =	smax.u32 s1, $0x1;
	[smem:$0x7FA] =	sst s2  }
0xa: {  	v0 =	vlaneseq.u32;
	s0 =	sadd.s32 $0x2400, s0;
	[smem:$0x7FD] =	sst s31  }
0xb: {  	v0 =	vmul.u32 $0x40, v0;
	s2 =	simm.s32 $0x0;
	[smem:$0x7FC] =	sst s0  }
.LBB2_1:
0xc: {  	s0 =	sld [smem:$0x7FA]  }
0xd: {  	[smem:$0x7F9] =	sst s2  }
0xe: {  	s1 =	simm.s32 $0x80;
	s30 =	simm.s32 $0x200;
	s31 =	simm.s32 $0x3  }
0xf: {  	[tilespmem:s3], [sflag:$0x3] =	stream.strided.gather [hbm4b:s0+s1], $0x800, s30, s1, $0x38;
	[tilespmem:$0x13900] =	vst v63  }
0x10: {  	_ =	swait.ge [sflag:s31], $0x800  }
0x11: {  	[sflag:s31] =	ssyncset.done $0x0  }
0x12: {  	s4 =	simm.s32 $0x0;
	s1 =	simm.s32 $0x0;
	[sflag:s31] =	ssyncadd.s32 $0xFFFFF800  }
.LBB2_2:
0x13: {  	s0 =	sand.u32 $0x3, s4  }
0x14: {  	s2 =	sshrl.u32 s4, $0x2;
	[smem:$0x7E5] =	sst s0  }
0x15: {  	p0 =	sne.s32 s0, $0x0;
	[smem:$0x7E6] =	sst s2  }
0x16: {  	s0 =	smul.u32 @!p0 $0xC400, s2;
	s2 =	sld [smem:$0x7FB]  }
0x17: {  	[smem:$0x7E7] =	sst s1;
	s5 =	sand.u32 $0x3, s1  }
0x18: {  	[smem:$0x7E8] =	sst s4;
	s1 =	sshll.u32 s5, $0x4  }
0x19: {  	[dreg:$0x3] =	wrdreg s1;
	s0 =	sadd.s32 @!p0 s2, s0  }
0x1a: {  	s1 =	rddreg [dreg:$0x1];
	s0 =	sshrl.u32 @!p0 s0, $0x3  }
0x1b: {  	s2 =	simm.s32 @!p0 $0x800;
	s0 =	sadd.s32 @!p0 s1, s0;
	s1 =	simm.s32 @!p0 $0x0  }
0x1c: {  	[tilespmem:s2], [sflag:$0x3] =	stream.linear.gather @!p0 [hbm4b:s0+s1], $0x3100, $0x38;
	[tilespmem:$0x13900] =	vst v63  }
0x1d: {  	p1 =	slt.u32 s4, $0x2;
	s5 =	sand.u32 $0x1, s4;
	s0 =	simm.s32 @!p0 $0x3  }
0x1e: {  	p2 =	sne.s32 @!p1 s5, $0x0;
	_ =	swait.ge @!p0 [sflag:s0], $0x3100  }
0x1f: {  	p2 =	por p2, p1;
	[sflag:s0] =	ssyncset.done @!p0 $0x0  }
0x20: {  	[sflag:s0] =	ssyncadd.s32 @!p0 $0xFFFFCF00;
	s0 =	simm.s32 @!p2 $0x1  }
0x21: {  	p0 =	seq.s32 s5, $0x1;
	_ =	swait.ge @!p2 [sflag:s0], $0x8000  }
0x22: {  	p1 =	por !p0, p1;
	[sflag:s0] =	ssyncset.done @!p2 $0x0  }
0x23: {  	[sflag:s0] =	ssyncadd.s32 @!p2 $0xFFFF8000;
	s0 =	simm.s32 @!p1 $0x2  }
0x24: {  	_ =	swait.ge @!p1 [sflag:s0], $0x8000  }
0x25: {  	s6 =	rddreg [dreg:$0x3]  }
0x26: {  	s1 =	sadd.s32 $0xFFFFFFFE, s6  }
0x27: {  	s7 =	sadd.s32 $0x3, s1  }
0x28: {  	v1 =	vor.u32 s7, v0;
	_ =	sdelay $0x2  }
0x29: {  	[sflag:s0] =	ssyncset.done @!p1 $0x0  }
0x2a: {  	s13 =	simm.s32 $0x800;
	[sflag:s0] =	ssyncadd.s32 @!p1 $0xFFFF8000  }
0x2b: {  	v1 =	vld.idx.msk [tilespmem:v1+s13+$0x0], $0xffff;
	_ =	sdelay $0x5  }
0x2c: {  	s8 =	sadd.s32 $0x2, s1  }
0x2d: {  	v2 =	vor.u32 s8, v0  }
0x2e: {  	v3 =	vld.idx.msk [tilespmem:v1+s3+$0x0], $0xffff  }
0x2f: {  	s9 =	sshll.u32 s5, $0xF;
	s6 =	simm.s32 $0x0;
	v4 =	vadd.s32 $0x100, v1  }
0x30: {  	s10 =	simm.s32 $0x80;
	s29 =	sor.u32 $0x3900, s9;
	s11 =	sand.u32 $0x800, s6  }
0x31: {  	s0 =	sand.u32 $0x380, s10;
	s2 =	sadd.s32 s11, s29  }
0x32: {  	s4 =	sadd.s32 s0, s2;
	v2 =	vld.idx.msk [tilespmem:v2+s13+$0x0], $0xffff;
	[smem:$0x7E9] =	sst s5  }
0x33: {  	[tilespmem:s4+$0x0] =	vst v3  }
0x34: {  	v3 =	vld.idx.msk [tilespmem:v4+s3+$0x0], $0xffff  }
0x35: {  	v35 =	vadd.s32 $0x200, v1;
	_ =	sdelay $0x3  }
0x36: {  	[tilespmem:s4+$0x1000] =	vst v3  }
0x37: {  	v3 =	vld.idx.msk [tilespmem:v35+s3+$0x0], $0xffff  }
0x38: {  	v37 =	vadd.s32 $0x300, v1;
	_ =	sdelay $0x2  }
0x39: {  	v5 =	vld.idx.msk [tilespmem:v2+s3+$0x0], $0xffff  }
0x3a: {  	v6 =	vadd.s32 $0x100, v2;
	[tilespmem:s4+$0x2000] =	vst v3  }
0x3b: {  	s12 =	simm.s32 $0x0;
	v3 =	vld.idx.msk [tilespmem:v37+s3+$0x0], $0xffff  }
0x3c: {  	s0 =	sand.u32 $0x300, s12;
	v39 =	vadd.s32 $0x400, v1  }
0x3d: {  	s10 =	sadd.s32 s0, s2  }
0x3e: {  	[tilespmem:s10+$0x0] =	vst v5  }
0x3f: {  	v5 =	vld.idx.msk [tilespmem:v6+s3+$0x0], $0xffff  }
0x40: {  	v36 =	vadd.s32 $0x200, v2;
	[tilespmem:s4+$0x3000] =	vst v3  }
0x41: {  	v3 =	vld.idx.msk [tilespmem:v39+s3+$0x0], $0xffff  }
0x42: {  	v41 =	vadd.s32 $0x500, v1;
	_ =	sdelay $0x1  }
0x43: {  	[tilespmem:s10+$0x1000] =	vst v5  }
0x44: {  	v5 =	vld.idx.msk [tilespmem:v36+s3+$0x0], $0xffff  }
0x45: {  	v38 =	vadd.s32 $0x300, v2;
	[tilespmem:s4+$0x4000] =	vst v3  }
0x46: {  	v3 =	vld.idx.msk [tilespmem:v41+s3+$0x0], $0xffff  }
0x47: {  	v43 =	vadd.s32 $0x600, v1;
	_ =	sdelay $0x1  }
0x48: {  	[tilespmem:s10+$0x2000] =	vst v5  }
0x49: {  	v5 =	vld.idx.msk [tilespmem:v38+s3+$0x0], $0xffff  }
0x4a: {  	v40 =	vadd.s32 $0x400, v2;
	[tilespmem:s4+$0x5000] =	vst v3  }
0x4b: {  	v3 =	vld.idx.msk [tilespmem:v43+s3+$0x0], $0xffff  }
0x4c: {  	v1 =	vadd.s32 $0x700, v1;
	_ =	sdelay $0x1  }
0x4d: {  	[tilespmem:s10+$0x3000] =	vst v5  }
0x4e: {  	v5 =	vld.idx.msk [tilespmem:v40+s3+$0x0], $0xffff  }
0x4f: {  	v42 =	vadd.s32 $0x500, v2;
	[tilespmem:s4+$0x6000] =	vst v3  }
0x50: {  	s14 =	sadd.s32 $0x403, s1;
	v1 =	vld.idx.msk [tilespmem:v1+s3+$0x0], $0xffff  }
0x51: {  	v3 =	vor.u32 s14, v0;
	_ =	sdelay $0x1  }
0x52: {  	[tilespmem:s10+$0x4000] =	vst v5  }
0x53: {  	v5 =	vld.idx.msk [tilespmem:v42+s3+$0x0], $0xffff  }
0x54: {  	v44 =	vadd.s32 $0x600, v2;
	[tilespmem:s4+$0x7000] =	vst v1  }
0x55: {  	v1 =	vld.idx.msk [tilespmem:v3+s13+$0x0], $0xffff;
	_ =	sdelay $0x2  }
0x56: {  	[tilespmem:s10+$0x5000] =	vst v5  }
0x57: {  	v45 =	vld.idx.msk [tilespmem:v44+s3+$0x0], $0xffff  }
0x58: {  	v2 =	vadd.s32 $0x700, v2;
	_ =	sdelay $0x2  }
0x59: {  	v3 =	vld.idx.msk [tilespmem:v1+s3+$0x0], $0xffff  }
0x5a: {  	[tilespmem:s10+$0x6000] =	vst v45;
	v47 =	vadd.s32 $0x100, v1  }
0x5b: {  	s15 =	sadd.s32 $0x402, s1;
	v2 =	vld.idx.msk [tilespmem:v2+s3+$0x0], $0xffff  }
0x5c: {  	v46 =	vor.u32 s15, v0;
	_ =	sdelay $0x1  }
0x5d: {  	[tilespmem:s4+$0x10] =	vst v3  }
0x5e: {  	v3 =	vld.idx.msk [tilespmem:v47+s3+$0x0], $0xffff  }
0x5f: {  	[tilespmem:s10+$0x7000] =	vst v2;
	v49 =	vadd.s32 $0x200, v1  }
0x60: {  	v2 =	vld.idx.msk [tilespmem:v46+s13+$0x0], $0xffff;
	_ =	sdelay $0x2  }
0x61: {  	[tilespmem:s4+$0x1010] =	vst v3  }
0x62: {  	v3 =	vld.idx.msk [tilespmem:v49+s3+$0x0], $0xffff  }
0x63: {  	v51 =	vadd.s32 $0x300, v1;
	_ =	sdelay $0x2  }
0x64: {  	v5 =	vld.idx.msk [tilespmem:v2+s3+$0x0], $0xffff  }
0x65: {  	v48 =	vadd.s32 $0x100, v2;
	[tilespmem:s4+$0x2010] =	vst v3  }
0x66: {  	v3 =	vld.idx.msk [tilespmem:v51+s3+$0x0], $0xffff  }
0x67: {  	v53 =	vadd.s32 $0x400, v1;
	_ =	sdelay $0x1  }
0x68: {  	[tilespmem:s10+$0x10] =	vst v5  }
0x69: {  	v5 =	vld.idx.msk [tilespmem:v48+s3+$0x0], $0xffff  }
0x6a: {  	v50 =	vadd.s32 $0x200, v2;
	[tilespmem:s4+$0x3010] =	vst v3  }
0x6b: {  	v3 =	vld.idx.msk [tilespmem:v53+s3+$0x0], $0xffff  }
0x6c: {  	v55 =	vadd.s32 $0x500, v1;
	_ =	sdelay $0x1  }
0x6d: {  	[tilespmem:s10+$0x1010] =	vst v5  }
0x6e: {  	v5 =	vld.idx.msk [tilespmem:v50+s3+$0x0], $0xffff  }
0x6f: {  	v52 =	vadd.s32 $0x300, v2;
	[tilespmem:s4+$0x4010] =	vst v3  }
0x70: {  	v3 =	vld.idx.msk [tilespmem:v55+s3+$0x0], $0xffff  }
0x71: {  	v57 =	vadd.s32 $0x600, v1;
	_ =	sdelay $0x1  }
0x72: {  	[tilespmem:s10+$0x2010] =	vst v5  }
0x73: {  	v5 =	vld.idx.msk [tilespmem:v52+s3+$0x0], $0xffff  }
0x74: {  	v54 =	vadd.s32 $0x400, v2;
	[tilespmem:s4+$0x5010] =	vst v3  }
0x75: {  	v3 =	vld.idx.msk [tilespmem:v57+s3+$0x0], $0xffff  }
0x76: {  	v1 =	vadd.s32 $0x700, v1;
	_ =	sdelay $0x1  }
0x77: {  	[tilespmem:s10+$0x3010] =	vst v5  }
0x78: {  	v5 =	vld.idx.msk [tilespmem:v54+s3+$0x0], $0xffff  }
0x79: {  	v56 =	vadd.s32 $0x500, v2;
	[tilespmem:s4+$0x6010] =	vst v3  }
0x7a: {  	s16 =	sadd.s32 $0x803, s1;
	v1 =	vld.idx.msk [tilespmem:v1+s3+$0x0], $0xffff  }
0x7b: {  	v3 =	vor.u32 s16, v0;
	_ =	sdelay $0x1  }
0x7c: {  	[tilespmem:s10+$0x4010] =	vst v5  }
0x7d: {  	v5 =	vld.idx.msk [tilespmem:v56+s3+$0x0], $0xffff  }
0x7e: {  	v58 =	vadd.s32 $0x600, v2;
	[tilespmem:s4+$0x7010] =	vst v1  }
0x7f: {  	v1 =	vld.idx.msk [tilespmem:v3+s13+$0x0], $0xffff;
	_ =	sdelay $0x2  }
0x80: {  	[tilespmem:s10+$0x5010] =	vst v5  }
0x81: {  	v59 =	vld.idx.msk [tilespmem:v58+s3+$0x0], $0xffff  }
0x82: {  	v2 =	vadd.s32 $0x700, v2;
	_ =	sdelay $0x2  }
0x83: {  	v3 =	vld.idx.msk [tilespmem:v1+s3+$0x0], $0xffff  }
0x84: {  	[tilespmem:s10+$0x6010] =	vst v59;
	v61 =	vadd.s32 $0x100, v1  }
0x85: {  	s17 =	sadd.s32 $0x802, s1;
	v2 =	vld.idx.msk [tilespmem:v2+s3+$0x0], $0xffff  }
0x86: {  	v60 =	vor.u32 s17, v0;
	_ =	sdelay $0x1  }
0x87: {  	[tilespmem:s4+$0x20] =	vst v3  }
0x88: {  	v3 =	vld.idx.msk [tilespmem:v61+s3+$0x0], $0xffff  }
0x89: {  	[tilespmem:s10+$0x7010] =	vst v2;
	v63 =	vadd.s32 $0x200, v1  }
0x8a: {  	v2 =	vld.idx.msk [tilespmem:v60+s13+$0x0], $0xffff;
	_ =	sdelay $0x2  }
0x8b: {  	[tilespmem:s4+$0x1020] =	vst v3  }
0x8c: {  	v3 =	vld.idx.msk [tilespmem:v63+s3+$0x0], $0xffff  }
0x8d: {  	v32 =	vadd.s32 $0x300, v1;
	_ =	sdelay $0x2  }
0x8e: {  	v5 =	vld.idx.msk [tilespmem:v2+s3+$0x0], $0xffff  }
0x8f: {  	v62 =	vadd.s32 $0x100, v2;
	[tilespmem:s4+$0x2020] =	vst v3  }
0x90: {  	v3 =	vld.idx.msk [tilespmem:v32+s3+$0x0], $0xffff  }
0x91: {  	v33 =	vadd.s32 $0x400, v1;
	_ =	sdelay $0x1  }
0x92: {  	[tilespmem:s10+$0x20] =	vst v5  }
0x93: {  	v5 =	vld.idx.msk [tilespmem:v62+s3+$0x0], $0xffff  }
0x94: {  	v34 =	vadd.s32 $0x200, v2;
	[tilespmem:s4+$0x3020] =	vst v3  }
0x95: {  	v3 =	vld.idx.msk [tilespmem:v33+s3+$0x0], $0xffff  }
0x96: {  	v35 =	vadd.s32 $0x500, v1;
	_ =	sdelay $0x1  }
0x97: {  	[tilespmem:s10+$0x1020] =	vst v5  }
0x98: {  	v5 =	vld.idx.msk [tilespmem:v34+s3+$0x0], $0xffff  }
0x99: {  	v36 =	vadd.s32 $0x300, v2;
	[tilespmem:s4+$0x4020] =	vst v3  }
0x9a: {  	v3 =	vld.idx.msk [tilespmem:v35+s3+$0x0], $0xffff  }
0x9b: {  	v37 =	vadd.s32 $0x600, v1;
	_ =	sdelay $0x1  }
0x9c: {  	[tilespmem:s10+$0x2020] =	vst v5  }
0x9d: {  	v5 =	vld.idx.msk [tilespmem:v36+s3+$0x0], $0xffff  }
0x9e: {  	v38 =	vadd.s32 $0x400, v2;
	[tilespmem:s4+$0x5020] =	vst v3  }
0x9f: {  	v3 =	vld.idx.msk [tilespmem:v37+s3+$0x0], $0xffff  }
0xa0: {  	v1 =	vadd.s32 $0x700, v1;
	_ =	sdelay $0x1  }
0xa1: {  	[tilespmem:s10+$0x3020] =	vst v5  }
0xa2: {  	v39 =	vld.idx.msk [tilespmem:v38+s3+$0x0], $0xffff  }
0xa3: {  	v40 =	vadd.s32 $0x500, v2;
	[tilespmem:s4+$0x6020] =	vst v3  }
0xa4: {  	s18 =	sadd.s32 $0xC03, s1;
	v1 =	vld.idx.msk [tilespmem:v1+s3+$0x0], $0xffff  }
0xa5: {  	v3 =	vor.u32 s18, v0;
	_ =	sdelay $0x1  }
0xa6: {  	[tilespmem:s10+$0x4020] =	vst v39  }
0xa7: {  	v4 =	vld.idx.msk [tilespmem:v40+s3+$0x0], $0xffff  }
0xa8: {  	v41 =	vadd.s32 $0x600, v2;
	[tilespmem:s4+$0x7020] =	vst v1  }
0xa9: {  	v1 =	vld.idx.msk [tilespmem:v3+s13+$0x0], $0xffff;
	_ =	sdelay $0x2  }
0xaa: {  	[tilespmem:s10+$0x5020] =	vst v4  }
0xab: {  	v3 =	vld.idx.msk [tilespmem:v41+s3+$0x0], $0xffff  }
0xac: {  	v2 =	vadd.s32 $0x700, v2;
	_ =	sdelay $0x2  }
0xad: {  	v42 =	vld.idx.msk [tilespmem:v1+s3+$0x0], $0xffff  }
0xae: {  	[tilespmem:s10+$0x6020] =	vst v3;
	v3 =	vadd.s32 $0x100, v1  }
0xaf: {  	s19 =	sadd.s32 $0xC02, s1;
	v2 =	vld.idx.msk [tilespmem:v2+s3+$0x0], $0xffff  }
0xb0: {  	v43 =	vor.u32 s19, v0;
	_ =	sdelay $0x1  }
0xb1: {  	[tilespmem:s4+$0x30] =	vst v42  }
0xb2: {  	v3 =	vld.idx.msk [tilespmem:v3+s3+$0x0], $0xffff  }
0xb3: {  	[tilespmem:s10+$0x7020] =	vst v2;
	v2 =	vadd.s32 $0x200, v1  }
0xb4: {  	v44 =	vld.idx.msk [tilespmem:v43+s13+$0x0], $0xffff;
	_ =	sdelay $0x2  }
0xb5: {  	[tilespmem:s4+$0x1030] =	vst v3  }
0xb6: {  	v2 =	vld.idx.msk [tilespmem:v2+s3+$0x0], $0xffff  }
0xb7: {  	v3 =	vadd.s32 $0x300, v1;
	_ =	sdelay $0x2  }
0xb8: {  	v5 =	vld.idx.msk [tilespmem:v44+s3+$0x0], $0xffff  }
0xb9: {  	v45 =	vadd.s32 $0x100, v44;
	[tilespmem:s4+$0x2030] =	vst v2  }
0xba: {  	v2 =	vld.idx.msk [tilespmem:v3+s3+$0x0], $0xffff  }
0xbb: {  	v3 =	vadd.s32 $0x400, v1;
	_ =	sdelay $0x1  }
0xbc: {  	s20 =	rddreg [dreg:$0x3];
	[tilespmem:s10+$0x30] =	vst v5  }
0xbd: {  	s9 =	sadd.s32 $0x0, s20;
	v5 =	vld.idx.msk [tilespmem:v45+s3+$0x0], $0xffff  }
0xbe: {  	s0 =	sadd.s32 $0x3, s9;
	v46 =	vadd.s32 $0x200, v44;
	[tilespmem:s4+$0x3030] =	vst v2  }
0xbf: {  	v2 =	vor.u32 s0, v0;
	v3 =	vld.idx.msk [tilespmem:v3+s3+$0x0], $0xffff  }
0xc0: {  	v7 =	vadd.s32 $0x500, v1;
	_ =	sdelay $0x1  }
0xc1: {  	s21 =	sadd.s32 $0x2, s9;
	[tilespmem:s10+$0x1030] =	vst v5  }
0xc2: {  	v47 =	vor.u32 s21, v0;
	v5 =	vld.idx.msk [tilespmem:v46+s3+$0x0], $0xffff  }
0xc3: {  	v8 =	vadd.s32 $0x300, v44;
	v2 =	vld.idx.msk [tilespmem:v2+s13+$0x0], $0xffff;
	[tilespmem:s4+$0x4030] =	vst v3  }
0xc4: {  	v3 =	vld.idx.msk [tilespmem:v7+s3+$0x0], $0xffff  }
0xc5: {  	v48 =	vadd.s32 $0x600, v1;
	_ =	sdelay $0x1  }
0xc6: {  	v49 =	vld.idx.msk [tilespmem:v47+s13+$0x0], $0xffff;
	[tilespmem:s10+$0x2030] =	vst v5  }
0xc7: {  	v50 =	vld.idx.msk [tilespmem:v8+s3+$0x0], $0xffff  }
0xc8: {  	v8 =	vadd.s32 $0x400, v44;
	[tilespmem:s4+$0x5030] =	vst v3  }
0xc9: {  	v3 =	vld.idx.msk [tilespmem:v48+s3+$0x0], $0xffff  }
0xca: {  	v1 =	vadd.s32 $0x700, v1;
	v51 =	vld.idx.msk [tilespmem:v2+s3+$0x0], $0xffff  }
0xcb: {  	s22 =	simm.s32 $0x200;
	v9 =	vadd.s32 $0x100, v2  }
0xcc: {  	s23 =	simm.s32 $0x180;
	s0 =	sand.u32 $0x800, s22;
	[tilespmem:s10+$0x3030] =	vst v50  }
0xcd: {  	s24 =	sand.u32 $0x380, s23;
	s7 =	sadd.s32 s0, s29;
	v6 =	vld.idx.msk [tilespmem:v8+s3+$0x0], $0xffff  }
0xce: {  	v10 =	vld.idx.msk [tilespmem:v49+s3+$0x0], $0xffff;
	s0 =	sadd.s32 s24, s7;
	v8 =	vadd.s32 $0x500, v44;
	[tilespmem:s4+$0x6030] =	vst v3  }
0xcf: {  	s25 =	sadd.s32 $0x1003, s1;
	v3 =	vadd.s32 $0x100, v49;
	[tilespmem:s0+$0x0] =	vst v51;
	v1 =	vld.idx.msk [tilespmem:v1+s3+$0x0], $0xffff  }
0xd0: {  	s8 =	simm.s32 $0x100;
	v7 =	vld.idx.msk [tilespmem:v9+s3+$0x0], $0xffff;
	v9 =	vor.u32 s25, v0  }
0xd1: {  	s26 =	sand.u32 $0x300, s8;
	v11 =	vadd.s32 $0x200, v2  }
0xd2: {  	s23 =	sadd.s32 s26, s7;
	[tilespmem:s10+$0x4030] =	vst v6  }
0xd3: {  	[tilespmem:s23+$0x0] =	vst v10;
	v6 =	vld.idx.msk [tilespmem:v8+s3+$0x0], $0xffff  }
0xd4: {  	v8 =	vadd.s32 $0x600, v44;
	v3 =	vld.idx.msk [tilespmem:v3+s3+$0x0], $0xffff;
	[tilespmem:s4+$0x7030] =	vst v1  }
0xd5: {  	v1 =	vadd.s32 $0x200, v49;
	[tilespmem:s0+$0x1000] =	vst v7;
	v52 =	vld.idx.msk [tilespmem:v9+s13+$0x0], $0xffff  }
0xd6: {  	v9 =	vld.idx.msk [tilespmem:v11+s3+$0x0], $0xffff  }
0xd7: {  	v10 =	vadd.s32 $0x300, v2  }
0xd8: {  	[tilespmem:s10+$0x5030] =	vst v6  }
0xd9: {  	v6 =	vld.idx.msk [tilespmem:v8+s3+$0x0], $0xffff;
	[tilespmem:s23+$0x1000] =	vst v3  }
0xda: {  	v3 =	vadd.s32 $0x700, v44;
	v1 =	vld.idx.msk [tilespmem:v1+s3+$0x0], $0xffff  }
0xdb: {  	v53 =	vadd.s32 $0x300, v49;
	[tilespmem:s0+$0x2000] =	vst v9  }
0xdc: {  	v8 =	vld.idx.msk [tilespmem:v10+s3+$0x0], $0xffff  }
0xdd: {  	v10 =	vadd.s32 $0x400, v2;
	v9 =	vld.idx.msk [tilespmem:v52+s3+$0x0], $0xffff  }
0xde: {  	v54 =	vadd.s32 $0x100, v52;
	[tilespmem:s10+$0x6030] =	vst v6  }
0xdf: {  	s5 =	sadd.s32 $0x1002, s1;
	v3 =	vld.idx.msk [tilespmem:v3+s3+$0x0], $0xffff;
	[tilespmem:s23+$0x2000] =	vst v1  }
0xe0: {  	v1 =	vor.u32 s5, v0;
	v4 =	vld.idx.msk [tilespmem:v53+s3+$0x0], $0xffff  }
0xe1: {  	v11 =	vadd.s32 $0x400, v49;
	[tilespmem:s0+$0x3000] =	vst v8  }
0xe2: {  	v8 =	vld.idx.msk [tilespmem:v10+s3+$0x0], $0xffff;
	[tilespmem:s4+$0x40] =	vst v9  }
0xe3: {  	v9 =	vadd.s32 $0x500, v2;
	v6 =	vld.idx.msk [tilespmem:v54+s3+$0x0], $0xffff  }
0xe4: {  	[tilespmem:s10+$0x7030] =	vst v3;
	v3 =	vadd.s32 $0x200, v52  }
0xe5: {  	v1 =	vld.idx.msk [tilespmem:v1+s13+$0x0], $0xffff;
	[tilespmem:s23+$0x3000] =	vst v4  }
0xe6: {  	v4 =	vld.idx.msk [tilespmem:v11+s3+$0x0], $0xffff  }
0xe7: {  	v10 =	vadd.s32 $0x500, v49;
	[tilespmem:s0+$0x4000] =	vst v8  }
0xe8: {  	v8 =	vld.idx.msk [tilespmem:v9+s3+$0x0], $0xffff;
	[tilespmem:s4+$0x1040] =	vst v6  }
0xe9: {  	v55 =	vadd.s32 $0x600, v2;
	v3 =	vld.idx.msk [tilespmem:v3+s3+$0x0], $0xffff  }
0xea: {  	v9 =	vadd.s32 $0x300, v52  }
0xeb: {  	[tilespmem:s23+$0x4000] =	vst v4  }
0xec: {  	v4 =	vld.idx.msk [tilespmem:v10+s3+$0x0], $0xffff  }
0xed: {  	v10 =	vadd.s32 $0x600, v49;
	v11 =	vld.idx.msk [tilespmem:v1+s3+$0x0], $0xffff;
	[tilespmem:s0+$0x5000] =	vst v8  }
0xee: {  	v8 =	vadd.s32 $0x100, v1;
	v6 =	vld.idx.msk [tilespmem:v55+s3+$0x0], $0xffff;
	[tilespmem:s4+$0x2040] =	vst v3  }
0xef: {  	v2 =	vadd.s32 $0x700, v2;
	v3 =	vld.idx.msk [tilespmem:v9+s3+$0x0], $0xffff  }
0xf0: {  	v9 =	vadd.s32 $0x400, v52  }
0xf1: {  	[tilespmem:s23+$0x5000] =	vst v4  }
0xf2: {  	[tilespmem:s10+$0x40] =	vst v11;
	v4 =	vld.idx.msk [tilespmem:v10+s3+$0x0], $0xffff  }
0xf3: {  	v5 =	vadd.s32 $0x700, v49;
	v8 =	vld.idx.msk [tilespmem:v8+s3+$0x0], $0xffff;
	[tilespmem:s0+$0x6000] =	vst v6  }
0xf4: {  	s7 =	sadd.s32 $0x403, s9;
	v56 =	vadd.s32 $0x200, v1;
	v2 =	vld.idx.msk [tilespmem:v2+s3+$0x0], $0xffff;
	[tilespmem:s4+$0x3040] =	vst v3  }
0xf5: {  	v3 =	vor.u32 s7, v0;
	v9 =	vld.idx.msk [tilespmem:v9+s3+$0x0], $0xffff  }
0xf6: {  	v10 =	vadd.s32 $0x500, v52  }
0xf7: {  	[tilespmem:s23+$0x6000] =	vst v4  }
0xf8: {  	s8 =	sadd.s32 $0x402, s9;
	[tilespmem:s10+$0x1040] =	vst v8;
	v4 =	vld.idx.msk [tilespmem:v5+s3+$0x0], $0xffff  }
0xf9: {  	v57 =	vor.u32 s8, v0;
	v6 =	vld.idx.msk [tilespmem:v56+s3+$0x0], $0xffff;
	[tilespmem:s0+$0x7000] =	vst v2  }
0xfa: {  	v2 =	vadd.s32 $0x300, v1;
	v3 =	vld.idx.msk [tilespmem:v3+s13+$0x0], $0xffff;
	[tilespmem:s4+$0x4040] =	vst v9  }
0xfb: {  	v8 =	vld.idx.msk [tilespmem:v10+s3+$0x0], $0xffff  }
0xfc: {  	v9 =	vadd.s32 $0x600, v52  }
0xfd: {  	[tilespmem:s23+$0x7000] =	vst v4  }
0xfe: {  	[tilespmem:s10+$0x2040] =	vst v6;
	v4 =	vld.idx.msk [tilespmem:v57+s13+$0x0], $0xffff  }
0xff: {  	v2 =	vld.idx.msk [tilespmem:v2+s3+$0x0], $0xffff  }
0x100: {  	v58 =	vadd.s32 $0x400, v1;
	[tilespmem:s4+$0x5040] =	vst v8  }
0x101: {  	v59 =	vld.idx.msk [tilespmem:v9+s3+$0x0], $0xffff  }
0x102: {  	v7 =	vadd.s32 $0x700, v52;
	v8 =	vld.idx.msk [tilespmem:v3+s3+$0x0], $0xffff  }
0x103: {  	v9 =	vadd.s32 $0x100, v3  }
0x104: {  	[tilespmem:s10+$0x3040] =	vst v2  }
0x105: {  	v2 =	vld.idx.msk [tilespmem:v58+s3+$0x0], $0xffff  }
0x106: {  	v60 =	vadd.s32 $0x500, v1;
	v10 =	vld.idx.msk [tilespmem:v4+s3+$0x0], $0xffff;
	[tilespmem:s4+$0x6040] =	vst v59  }
0x107: {  	s11 =	sadd.s32 $0x1403, s1;
	v61 =	vadd.s32 $0x100, v4;
	[tilespmem:s0+$0x10] =	vst v8;
	v7 =	vld.idx.msk [tilespmem:v7+s3+$0x0], $0xffff  }
0x108: {  	v8 =	vld.idx.msk [tilespmem:v9+s3+$0x0], $0xffff;
	v9 =	vor.u32 s11, v0  }
0x109: {  	v11 =	vadd.s32 $0x200, v3  }
0x10a: {  	[tilespmem:s10+$0x4040] =	vst v2  }
0x10b: {  	v2 =	vld.idx.msk [tilespmem:v60+s3+$0x0], $0xffff;
	[tilespmem:s23+$0x10] =	vst v10  }
0x10c: {  	v62 =	vld.idx.msk [tilespmem:v61+s3+$0x0], $0xffff;
	[tilespmem:s4+$0x7040] =	vst v7  }
0x10d: {  	v63 =	vadd.s32 $0x200, v4;
	[tilespmem:s0+$0x1010] =	vst v8;
	v7 =	vld.idx.msk [tilespmem:v9+s13+$0x0], $0xffff  }
0x10e: {  	v8 =	vadd.s32 $0x600, v1;
	v9 =	vld.idx.msk [tilespmem:v11+s3+$0x0], $0xffff  }
0x10f: {  	v10 =	vadd.s32 $0x300, v3;
	_ =	sdelay $0x1  }
0x110: {  	[tilespmem:s23+$0x1010] =	vst v62  }
0x111: {  	[tilespmem:s10+$0x5040] =	vst v2;
	v2 =	vld.idx.msk [tilespmem:v63+s3+$0x0], $0xffff  }
0x112: {  	v32 =	vadd.s32 $0x300, v4;
	v33 =	vld.idx.msk [tilespmem:v8+s3+$0x0], $0xffff;
	[tilespmem:s0+$0x2010] =	vst v9  }
0x113: {  	v1 =	vadd.s32 $0x700, v1;
	v8 =	vld.idx.msk [tilespmem:v10+s3+$0x0], $0xffff  }
0x114: {  	v10 =	vadd.s32 $0x400, v3;
	v9 =	vld.idx.msk [tilespmem:v7+s3+$0x0], $0xffff  }
0x115: {  	v11 =	vadd.s32 $0x100, v7  }
0x116: {  	[tilespmem:s23+$0x2010] =	vst v2  }
0x117: {  	[tilespmem:s10+$0x6040] =	vst v33;
	v2 =	vld.idx.msk [tilespmem:v32+s3+$0x0], $0xffff  }
0x118: {  	s12 =	sadd.s32 $0x1402, s1;
	v34 =	vadd.s32 $0x400, v4;
	v1 =	vld.idx.msk [tilespmem:v1+s3+$0x0], $0xffff;
	[tilespmem:s0+$0x3010] =	vst v8  }
0x119: {  	v35 =	vor.u32 s12, v0;
	v8 =	vld.idx.msk [tilespmem:v10+s3+$0x0], $0xffff;
	[tilespmem:s4+$0x50] =	vst v9  }
0x11a: {  	v10 =	vadd.s32 $0x500, v3;
	v9 =	vld.idx.msk [tilespmem:v11+s3+$0x0], $0xffff  }
0x11b: {  	v11 =	vadd.s32 $0x200, v7  }
0x11c: {  	[tilespmem:s23+$0x3010] =	vst v2  }
0x11d: {  	[tilespmem:s10+$0x7040] =	vst v1;
	v1 =	vld.idx.msk [tilespmem:v34+s3+$0x0], $0xffff  }
0x11e: {  	v2 =	vadd.s32 $0x500, v4;
	v36 =	vld.idx.msk [tilespmem:v35+s13+$0x0], $0xffff;
	[tilespmem:s0+$0x4010] =	vst v8  }
0x11f: {  	v37 =	vld.idx.msk [tilespmem:v10+s3+$0x0], $0xffff;
	[tilespmem:s4+$0x1050] =	vst v9  }
0x120: {  	v9 =	vadd.s32 $0x600, v3;
	v8 =	vld.idx.msk [tilespmem:v11+s3+$0x0], $0xffff  }
0x121: {  	v10 =	vadd.s32 $0x300, v7  }
0x122: {  	[tilespmem:s23+$0x4010] =	vst v1  }
0x123: {  	v1 =	vld.idx.msk [tilespmem:v2+s3+$0x0], $0xffff  }
0x124: {  	v2 =	vadd.s32 $0x600, v4;
	[tilespmem:s0+$0x5010] =	vst v37  }
0x125: {  	v6 =	vld.idx.msk [tilespmem:v9+s3+$0x0], $0xffff;
	[tilespmem:s4+$0x2050] =	vst v8  }
0x126: {  	v3 =	vadd.s32 $0x700, v3;
	v8 =	vld.idx.msk [tilespmem:v10+s3+$0x0], $0xffff  }
0x127: {  	v9 =	vadd.s32 $0x400, v7  }
0x128: {  	v10 =	vld.idx.msk [tilespmem:v36+s3+$0x0], $0xffff;
	[tilespmem:s23+$0x5010] =	vst v1  }
0x129: {  	v1 =	vadd.s32 $0x100, v36;
	v2 =	vld.idx.msk [tilespmem:v2+s3+$0x0], $0xffff  }
0x12a: {  	v4 =	vadd.s32 $0x700, v4;
	[tilespmem:s0+$0x6010] =	vst v6  }
0x12b: {  	s14 =	sadd.s32 $0x803, s9;
	v3 =	vld.idx.msk [tilespmem:v3+s3+$0x0], $0xffff;
	[tilespmem:s4+$0x3050] =	vst v8  }
0x12c: {  	v38 =	vor.u32 s14, v0;
	v8 =	vld.idx.msk [tilespmem:v9+s3+$0x0], $0xffff  }
0x12d: {  	[tilespmem:s10+$0x50] =	vst v10;
	v9 =	vadd.s32 $0x500, v7  }
0x12e: {  	v1 =	vld.idx.msk [tilespmem:v1+s3+$0x0], $0xffff;
	[tilespmem:s23+$0x6010] =	vst v2  }
0x12f: {  	s15 =	sadd.s32 $0x802, s9;
	v2 =	vadd.s32 $0x200, v36;
	v4 =	vld.idx.msk [tilespmem:v4+s3+$0x0], $0xffff  }
0x130: {  	v10 =	vor.u32 s15, v0;
	[tilespmem:s0+$0x7010] =	vst v3  }
0x131: {  	v3 =	vld.idx.msk [tilespmem:v38+s13+$0x0], $0xffff;
	[tilespmem:s4+$0x4050] =	vst v8  }
0x132: {  	v39 =	vld.idx.msk [tilespmem:v9+s3+$0x0], $0xffff  }
0x133: {  	[tilespmem:s10+$0x1050] =	vst v1;
	v1 =	vadd.s32 $0x600, v7  }
0x134: {  	v2 =	vld.idx.msk [tilespmem:v2+s3+$0x0], $0xffff;
	[tilespmem:s23+$0x7010] =	vst v4  }
0x135: {  	v4 =	vld.idx.msk [tilespmem:v10+s13+$0x0], $0xffff  }
0x136: {  	v8 =	vadd.s32 $0x300, v36  }
0x137: {  	[tilespmem:s4+$0x5050] =	vst v39  }
0x138: {  	v1 =	vld.idx.msk [tilespmem:v1+s3+$0x0], $0xffff  }
0x139: {  	v7 =	vadd.s32 $0x700, v7;
	v40 =	vld.idx.msk [tilespmem:v3+s3+$0x0], $0xffff  }
0x13a: {  	[tilespmem:s10+$0x2050] =	vst v2;
	v2 =	vadd.s32 $0x100, v3  }
0x13b: {  	v8 =	vld.idx.msk [tilespmem:v8+s3+$0x0], $0xffff  }
0x13c: {  	v9 =	vadd.s32 $0x400, v36  }
0x13d: {  	v10 =	vld.idx.msk [tilespmem:v4+s3+$0x0], $0xffff;
	[tilespmem:s4+$0x6050] =	vst v1  }
0x13e: {  	s16 =	sadd.s32 $0x1803, s1;
	v1 =	vadd.s32 $0x100, v4;
	[tilespmem:s0+$0x20] =	vst v40;
	v41 =	vld.idx.msk [tilespmem:v7+s3+$0x0], $0xffff  }
0x13f: {  	v42 =	vor.u32 s16, v0;
	v2 =	vld.idx.msk [tilespmem:v2+s3+$0x0], $0xffff  }
0x140: {  	[tilespmem:s10+$0x3050] =	vst v8;
	v8 =	vadd.s32 $0x200, v3  }
0x141: {  	v9 =	vld.idx.msk [tilespmem:v9+s3+$0x0], $0xffff  }
0x142: {  	v11 =	vadd.s32 $0x500, v36;
	[tilespmem:s23+$0x20] =	vst v10  }
0x143: {  	v1 =	vld.idx.msk [tilespmem:v1+s3+$0x0], $0xffff;
	[tilespmem:s4+$0x7050] =	vst v41  }
0x144: {  	[tilespmem:s0+$0x1020] =	vst v2;
	v2 =	vld.idx.msk [tilespmem:v42+s13+$0x0], $0xffff  }
0x145: {  	v43 =	vadd.s32 $0x200, v4;
	v44 =	vld.idx.msk [tilespmem:v8+s3+$0x0], $0xffff  }
0x146: {  	[tilespmem:s10+$0x4050] =	vst v9;
	v8 =	vadd.s32 $0x300, v3  }
0x147: {  	v9 =	vld.idx.msk [tilespmem:v11+s3+$0x0], $0xffff  }
0x148: {  	v10 =	vadd.s32 $0x600, v36  }
0x149: {  	[tilespmem:s23+$0x1020] =	vst v1  }
0x14a: {  	v1 =	vld.idx.msk [tilespmem:v43+s3+$0x0], $0xffff;
	[tilespmem:s0+$0x2020] =	vst v44  }
0x14b: {  	v45 =	vadd.s32 $0x300, v4;
	v7 =	vld.idx.msk [tilespmem:v8+s3+$0x0], $0xffff  }
0x14c: {  	[tilespmem:s10+$0x5050] =	vst v9;
	v8 =	vadd.s32 $0x400, v3;
	v9 =	vld.idx.msk [tilespmem:v2+s3+$0x0], $0xffff  }
0x14d: {  	v11 =	vadd.s32 $0x100, v2;
	v10 =	vld.idx.msk [tilespmem:v10+s3+$0x0], $0xffff  }
0x14e: {  	v5 =	vadd.s32 $0x700, v36  }
0x14f: {  	[tilespmem:s23+$0x2020] =	vst v1  }
0x150: {  	v1 =	vld.idx.msk [tilespmem:v45+s3+$0x0], $0xffff;
	[tilespmem:s0+$0x3020] =	vst v7  }
0x151: {  	v46 =	vadd.s32 $0x400, v4;
	v7 =	vld.idx.msk [tilespmem:v8+s3+$0x0], $0xffff;
	[tilespmem:s4+$0x60] =	vst v9  }
0x152: {  	[tilespmem:s10+$0x6050] =	vst v10;
	v8 =	vadd.s32 $0x500, v3;
	v9 =	vld.idx.msk [tilespmem:v11+s3+$0x0], $0xffff  }
0x153: {  	s17 =	sadd.s32 $0x1802, s1;
	v10 =	vadd.s32 $0x200, v2;
	v5 =	vld.idx.msk [tilespmem:v5+s3+$0x0], $0xffff  }
0x154: {  	v11 =	vor.u32 s17, v0  }
0x155: {  	[tilespmem:s23+$0x3020] =	vst v1  }
0x156: {  	v1 =	vld.idx.msk [tilespmem:v46+s3+$0x0], $0xffff;
	[tilespmem:s0+$0x4020] =	vst v7  }
0x157: {  	v47 =	vadd.s32 $0x500, v4;
	v7 =	vld.idx.msk [tilespmem:v8+s3+$0x0], $0xffff;
	[tilespmem:s4+$0x1060] =	vst v9  }
0x158: {  	v48 =	vadd.s32 $0x600, v3;
	[tilespmem:s10+$0x7050] =	vst v5;
	v8 =	vld.idx.msk [tilespmem:v10+s3+$0x0], $0xffff  }
0x159: {  	v9 =	vld.idx.msk [tilespmem:v11+s13+$0x0], $0xffff;
	v10 =	vadd.s32 $0x300, v2;
	_ =	sdelay $0x1  }
0x15a: {  	[tilespmem:s23+$0x4020] =	vst v1  }
0x15b: {  	v1 =	vld.idx.msk [tilespmem:v47+s3+$0x0], $0xffff;
	[tilespmem:s0+$0x5020] =	vst v7  }
0x15c: {  	v49 =	vadd.s32 $0x600, v4;
	v5 =	vld.idx.msk [tilespmem:v48+s3+$0x0], $0xffff;
	[tilespmem:s4+$0x2060] =	vst v8  }
0x15d: {  	v3 =	vadd.s32 $0x700, v3;
	v50 =	vld.idx.msk [tilespmem:v10+s3+$0x0], $0xffff  }
0x15e: {  	v8 =	vadd.s32 $0x400, v2;
	_ =	sdelay $0x1  }
0x15f: {  	v10 =	vld.idx.msk [tilespmem:v9+s3+$0x0], $0xffff;
	[tilespmem:s23+$0x5020] =	vst v1  }
0x160: {  	v1 =	vadd.s32 $0x100, v9;
	v6 =	vld.idx.msk [tilespmem:v49+s3+$0x0], $0xffff;
	[tilespmem:s0+$0x6020] =	vst v5  }
0x161: {  	s18 =	sadd.s32 $0xC03, s9;
	v4 =	vadd.s32 $0x700, v4;
	v3 =	vld.idx.msk [tilespmem:v3+s3+$0x0], $0xffff;
	[tilespmem:s4+$0x3060] =	vst v50  }
0x162: {  	v51 =	vor.u32 s18, v0;
	v7 =	vld.idx.msk [tilespmem:v8+s3+$0x0], $0xffff  }
0x163: {  	v8 =	vadd.s32 $0x500, v2  }
0x164: {  	[tilespmem:s10+$0x60] =	vst v10  }
0x165: {  	v1 =	vld.idx.msk [tilespmem:v1+s3+$0x0], $0xffff;
	[tilespmem:s23+$0x6020] =	vst v6  }
0x166: {  	v4 =	vld.idx.msk [tilespmem:v4+s3+$0x0], $0xffff;
	[tilespmem:s0+$0x7020] =	vst v3  }
0x167: {  	s19 =	sadd.s32 $0xC02, s9;
	v3 =	vadd.s32 $0x200, v9;
	v5 =	vld.idx.msk [tilespmem:v51+s13+$0x0], $0xffff;
	[tilespmem:s4+$0x4060] =	vst v7  }
0x168: {  	v52 =	vor.u32 s19, v0;
	v7 =	vld.idx.msk [tilespmem:v8+s3+$0x0], $0xffff  }
0x169: {  	v8 =	vadd.s32 $0x600, v2;
	_ =	sdelay $0x1  }
0x16a: {  	[tilespmem:s10+$0x1060] =	vst v1  }
0x16b: {  	[tilespmem:s23+$0x7020] =	vst v4;
	v1 =	vld.idx.msk [tilespmem:v3+s3+$0x0], $0xffff  }
0x16c: {  	v3 =	vld.idx.msk [tilespmem:v52+s13+$0x0], $0xffff;
	[tilespmem:s4+$0x5060] =	vst v7  }
0x16d: {  	v53 =	vadd.s32 $0x300, v9;
	v54 =	vld.idx.msk [tilespmem:v8+s3+$0x0], $0xffff  }
0x16e: {  	v2 =	vadd.s32 $0x700, v2;
	v55 =	vld.idx.msk [tilespmem:v5+s3+$0x0], $0xffff  }
0x16f: {  	v8 =	vadd.s32 $0x100, v5;
	_ =	sdelay $0x1  }
0x170: {  	[tilespmem:s10+$0x2060] =	vst v1  }
0x171: {  	v1 =	vld.idx.msk [tilespmem:v53+s3+$0x0], $0xffff;
	[tilespmem:s4+$0x6060] =	vst v54  }
0x172: {  	s20 =	sadd.s32 $0x1C03, s1;
	v56 =	vadd.s32 $0x400, v9;
	[tilespmem:s0+$0x30] =	vst v55;
	v2 =	vld.idx.msk [tilespmem:v2+s3+$0x0], $0xffff  }
0x173: {  	v58 =	vor.u32 s20, v0;
	v57 =	vld.idx.msk [tilespmem:v8+s3+$0x0], $0xffff  }
0x174: {  	v8 =	vadd.s32 $0x200, v5  }
0x175: {  	v10 =	vld.idx.msk [tilespmem:v3+s3+$0x0], $0xffff  }
0x176: {  	[tilespmem:s10+$0x3060] =	vst v1;
	v1 =	vadd.s32 $0x100, v3  }
0x177: {  	v4 =	vld.idx.msk [tilespmem:v56+s3+$0x0], $0xffff;
	[tilespmem:s4+$0x7060] =	vst v2  }
0x178: {  	v2 =	vadd.s32 $0x500, v9;
	[tilespmem:s0+$0x1030] =	vst v57;
	v59 =	vld.idx.msk [tilespmem:v58+s13+$0x0], $0xffff  }
0x179: {  	v60 =	vld.idx.msk [tilespmem:v8+s3+$0x0], $0xffff  }
0x17a: {  	[tilespmem:s23+$0x30] =	vst v10;
	v8 =	vadd.s32 $0x300, v5  }
0x17b: {  	v1 =	vld.idx.msk [tilespmem:v1+s3+$0x0], $0xffff  }
0x17c: {  	v10 =	vadd.s32 $0x200, v3;
	[tilespmem:s10+$0x4060] =	vst v4  }
0x17d: {  	v2 =	vld.idx.msk [tilespmem:v2+s3+$0x0], $0xffff  }
0x17e: {  	v61 =	vadd.s32 $0x600, v9;
	[tilespmem:s0+$0x2030] =	vst v60  }
0x17f: {  	v7 =	vld.idx.msk [tilespmem:v8+s3+$0x0], $0xffff  }
0x180: {  	s21 =	rddreg [dreg:$0x3];
	[tilespmem:s23+$0x1030] =	vst v1;
	v1 =	vadd.s32 $0x400, v5;
	v8 =	vld.idx.msk [tilespmem:v59+s3+$0x0], $0xffff  }
0x181: {  	s19 =	sadd.s32 $0x2, s21;
	v11 =	vadd.s32 $0x100, v59;
	v10 =	vld.idx.msk [tilespmem:v10+s3+$0x0], $0xffff  }
0x182: {  	s2 =	sadd.s32 $0x3, s19;
	v12 =	vadd.s32 $0x300, v3;
	[tilespmem:s10+$0x5060] =	vst v2  }
0x183: {  	v62 =	vor.u32 s2, v0;
	v2 =	vld.idx.msk [tilespmem:v61+s3+$0x0], $0xffff  }
0x184: {  	v9 =	vadd.s32 $0x700, v9;
	[tilespmem:s0+$0x3030] =	vst v7  }
0x185: {  	v1 =	vld.idx.msk [tilespmem:v1+s3+$0x0], $0xffff;
	[tilespmem:s4+$0x70] =	vst v8  }
0x186: {  	v63 =	vadd.s32 $0x500, v5;
	[tilespmem:s23+$0x2030] =	vst v10;
	v8 =	vld.idx.msk [tilespmem:v11+s3+$0x0], $0xffff  }
0x187: {  	s22 =	sadd.s32 $0x2, s19;
	v10 =	vld.idx.msk [tilespmem:v12+s3+$0x0], $0xffff;
	v11 =	vadd.s32 $0x200, v59  }
0x188: {  	v12 =	vld.idx.msk [tilespmem:v62+s13+$0x0], $0xffff;
	[tilespmem:s10+$0x6060] =	vst v2;
	v2 =	vor.u32 s22, v0  }
0x189: {  	s24 =	sadd.s32 $0x1C02, s1;
	v32 =	vadd.s32 $0x400, v3;
	v9 =	vld.idx.msk [tilespmem:v9+s3+$0x0], $0xffff  }
0x18a: {  	v13 =	vor.u32 s24, v0;
	[tilespmem:s0+$0x4030] =	vst v1  }
0x18b: {  	v1 =	vld.idx.msk [tilespmem:v63+s3+$0x0], $0xffff;
	[tilespmem:s4+$0x1070] =	vst v8  }
0x18c: {  	v33 =	vadd.s32 $0x600, v5;
	v8 =	vld.idx.msk [tilespmem:v11+s3+$0x0], $0xffff  }
0x18d: {  	[tilespmem:s23+$0x3030] =	vst v10;
	v10 =	vld.idx.msk [tilespmem:v2+s13+$0x0], $0xffff;
	v11 =	vadd.s32 $0x300, v59  }
0x18e: {  	v4 =	vld.idx.msk [tilespmem:v32+s3+$0x0], $0xffff;
	[tilespmem:s10+$0x7060] =	vst v9  }
0x18f: {  	v9 =	vadd.s32 $0x500, v3;
	v2 =	vld.idx.msk [tilespmem:v13+s13+$0x0], $0xffff  }
0x190: {  	v13 =	vld.idx.msk [tilespmem:v12+s3+$0x0], $0xffff;
	[tilespmem:s0+$0x5030] =	vst v1  }
0x191: {  	s25 =	simm.s32 $0x400;
	v34 =	vadd.s32 $0x100, v12;
	v1 =	vld.idx.msk [tilespmem:v33+s3+$0x0], $0xffff;
	[tilespmem:s4+$0x2070] =	vst v8  }
0x192: {  	s26 =	sand.u32 $0x800, s25;
	s2 =	simm.s32 $0x280;
	v5 =	vadd.s32 $0x700, v5;
	v8 =	vld.idx.msk [tilespmem:v11+s3+$0x0], $0xffff  }
0x193: {  	s7 =	sadd.s32 s26, s29;
	s8 =	sand.u32 $0x380, s2;
	v35 =	vadd.s32 $0x400, v59;
	[tilespmem:s23+$0x4030] =	vst v4  }
0x194: {  	s25 =	sadd.s32 s8, s7;
	v9 =	vld.idx.msk [tilespmem:v9+s3+$0x0], $0xffff  }
0x195: {  	v11 =	vadd.s32 $0x600, v3;
	[tilespmem:s25+$0x0] =	vst v13;
	v14 =	vld.idx.msk [tilespmem:v10+s3+$0x0], $0xffff  }
0x196: {  	v13 =	vadd.s32 $0x100, v10;
	v7 =	vld.idx.msk [tilespmem:v34+s3+$0x0], $0xffff;
	[tilespmem:s0+$0x6030] =	vst v1  }
0x197: {  	s5 =	simm.s32 $0x200;
	s2 =	smov.u32 s9;
	s9 =	sadd.s32 $0x1003, s9;
	v36 =	vadd.s32 $0x200, v12;
	v1 =	vld.idx.msk [tilespmem:v5+s3+$0x0], $0xffff;
	[tilespmem:s4+$0x3070] =	vst v8  }
0x198: {  	s8 =	sand.u32 $0x300, s5;
	v8 =	vor.u32 s9, v0;
	v4 =	vld.idx.msk [tilespmem:v35+s3+$0x0], $0xffff  }
0x199: {  	s31 =	sadd.s32 s8, s7;
	v15 =	vld.idx.msk [tilespmem:v2+s3+$0x0], $0xffff;
	[tilespmem:s23+$0x5030] =	vst v9;
	v9 =	vadd.s32 $0x500, v59  }
0x19a: {  	v11 =	vld.idx.msk [tilespmem:v11+s3+$0x0], $0xffff;
	[tilespmem:s31+$0x0] =	vst v14  }
0x19b: {  	v3 =	vadd.s32 $0x700, v3;
	[tilespmem:s25+$0x1000] =	vst v7;
	v13 =	vld.idx.msk [tilespmem:v13+s3+$0x0], $0xffff  }
0x19c: {  	v37 =	vadd.s32 $0x200, v10;
	v5 =	vld.idx.msk [tilespmem:v36+s3+$0x0], $0xffff;
	[tilespmem:s0+$0x7030] =	vst v1  }
0x19d: {  	v1 =	vadd.s32 $0x100, v2;
	v8 =	vld.idx.msk [tilespmem:v8+s13+$0x0], $0xffff;
	[tilespmem:s4+$0x4070] =	vst v4  }
0x19e: {  	v38 =	vadd.s32 $0x300, v12;
	v9 =	vld.idx.msk [tilespmem:v9+s3+$0x0], $0xffff  }
0x19f: {  	[tilespmem:s23+$0x6030] =	vst v11;
	v11 =	vadd.s32 $0x600, v59  }
0x1a0: {  	s9 =	sadd.s32 $0x1002, s2;
	v3 =	vld.idx.msk [tilespmem:v3+s3+$0x0], $0xffff;
	[tilespmem:s31+$0x1000] =	vst v13  }
0x1a1: {  	[tilespmem:s10+$0x70] =	vst v15;
	v13 =	vor.u32 s9, v0;
	v7 =	vld.idx.msk [tilespmem:v37+s3+$0x0], $0xffff  }
0x1a2: {  	v14 =	vadd.s32 $0x300, v10;
	[tilespmem:s25+$0x2000] =	vst v5;
	v1 =	vld.idx.msk [tilespmem:v1+s3+$0x0], $0xffff  }
0x1a3: {  	v4 =	vld.idx.msk [tilespmem:v38+s3+$0x0], $0xffff;
	[tilespmem:s4+$0x5070] =	vst v9  }
0x1a4: {  	v39 =	vadd.s32 $0x400, v12;
	v9 =	vld.idx.msk [tilespmem:v11+s3+$0x0], $0xffff  }
0x1a5: {  	v6 =	vadd.s32 $0x700, v59;
	[tilespmem:s23+$0x7030] =	vst v3;
	v11 =	vld.idx.msk [tilespmem:v8+s3+$0x0], $0xffff  }
0x1a6: {  	v40 =	vadd.s32 $0x100, v8;
	v3 =	vld.idx.msk [tilespmem:v13+s13+$0x0], $0xffff;
	[tilespmem:s31+$0x2000] =	vst v7  }
0x1a7: {  	v13 =	vadd.s32 $0x200, v2;
	v14 =	vld.idx.msk [tilespmem:v14+s3+$0x0], $0xffff  }
0x1a8: {  	v15 =	vadd.s32 $0x400, v10;
	[tilespmem:s25+$0x3000] =	vst v4  }
0x1a9: {  	v4 =	vld.idx.msk [tilespmem:v39+s3+$0x0], $0xffff;
	[tilespmem:s4+$0x6070] =	vst v9  }
0x1aa: {  	s11 =	sadd.s32 $0x2003, s1;
	v41 =	vadd.s32 $0x500, v12;
	[tilespmem:s0+$0x40] =	vst v11;
	v6 =	vld.idx.msk [tilespmem:v6+s3+$0x0], $0xffff  }
0x1ab: {  	v42 =	vor.u32 s11, v0;
	[tilespmem:s10+$0x1070] =	vst v1;
	v1 =	vld.idx.msk [tilespmem:v40+s3+$0x0], $0xffff  }
0x1ac: {  	v9 =	vld.idx.msk [tilespmem:v13+s3+$0x0], $0xffff;
	v11 =	vadd.s32 $0x200, v8;
	[tilespmem:s31+$0x3000] =	vst v14  }
0x1ad: {  	v13 =	vld.idx.msk [tilespmem:v15+s3+$0x0], $0xffff  }
0x1ae: {  	v14 =	vadd.s32 $0x500, v10;
	[tilespmem:s25+$0x4000] =	vst v4;
	v15 =	vld.idx.msk [tilespmem:v3+s3+$0x0], $0xffff  }
0x1af: {  	v16 =	vadd.s32 $0x300, v2;
	v5 =	vld.idx.msk [tilespmem:v41+s3+$0x0], $0xffff;
	[tilespmem:s4+$0x7070] =	vst v6  }
0x1b0: {  	v44 =	vadd.s32 $0x100, v3;
	[tilespmem:s0+$0x1040] =	vst v1;
	v43 =	vld.idx.msk [tilespmem:v42+s13+$0x0], $0xffff  }
0x1b1: {  	v1 =	vadd.s32 $0x600, v12;
	v45 =	vld.idx.msk [tilespmem:v11+s3+$0x0], $0xffff  }
0x1b2: {  	v11 =	vadd.s32 $0x300, v8;
	[tilespmem:s31+$0x4000] =	vst v13  }
0x1b3: {  	[tilespmem:s10+$0x2070] =	vst v9;
	v9 =	vld.idx.msk [tilespmem:v14+s3+$0x0], $0xffff  }
0x1b4: {  	[tilespmem:s23+$0x40] =	vst v15;
	v14 =	vld.idx.msk [tilespmem:v16+s3+$0x0], $0xffff  }
0x1b5: {  	v13 =	vadd.s32 $0x600, v10;
	[tilespmem:s25+$0x5000] =	vst v5;
	v6 =	vld.idx.msk [tilespmem:v44+s3+$0x0], $0xffff  }
0x1b6: {  	v46 =	vadd.s32 $0x400, v2;
	v1 =	vld.idx.msk [tilespmem:v1+s3+$0x0], $0xffff;
	[tilespmem:s0+$0x2040] =	vst v45  }
0x1b7: {  	v47 =	vadd.s32 $0x700, v12;
	v11 =	vld.idx.msk [tilespmem:v11+s3+$0x0], $0xffff  }
0x1b8: {  	v12 =	vadd.s32 $0x200, v3;
	[tilespmem:s31+$0x5000] =	vst v9;
	v9 =	vld.idx.msk [tilespmem:v43+s3+$0x0], $0xffff  }
0x1b9: {  	v15 =	vadd.s32 $0x400, v8;
	[tilespmem:s10+$0x3070] =	vst v14  }
0x1ba: {  	v14 =	vadd.s32 $0x100, v43;
	[tilespmem:s23+$0x1040] =	vst v6;
	v13 =	vld.idx.msk [tilespmem:v13+s3+$0x0], $0xffff  }
0x1bb: {  	v10 =	vadd.s32 $0x700, v10;
	v5 =	vld.idx.msk [tilespmem:v46+s3+$0x0], $0xffff;
	[tilespmem:s25+$0x6000] =	vst v1  }
0x1bc: {  	s12 =	sadd.s32 $0x403, s19;
	v16 =	vadd.s32 $0x500, v2;
	v48 =	vld.idx.msk [tilespmem:v47+s3+$0x0], $0xffff;
	[tilespmem:s0+$0x3040] =	vst v11  }
0x1bd: {  	v49 =	vld.idx.msk [tilespmem:v12+s3+$0x0], $0xffff;
	v11 =	vor.u32 s12, v0;
	[tilespmem:s4+$0x400] =	vst v9  }
0x1be: {  	v12 =	vadd.s32 $0x300, v3;
	v15 =	vld.idx.msk [tilespmem:v15+s3+$0x0], $0xffff;
	[dreg:$0x4] =	wrdreg s29  }
0x1bf: {  	v9 =	vld.idx.msk [tilespmem:v14+s3+$0x0], $0xffff;
	[tilespmem:s31+$0x6000] =	vst v13  }
0x1c0: {  	v1 =	vmov s29;
	v13 =	vadd.s32 $0x500, v8;
	[tilespmem:s10+$0x4070] =	vst v5;
	v50 =	vld.idx.msk [tilespmem:v10+s3+$0x0], $0xffff  }
0x1c1: {  	s6 =	sand.u32 $0xFFFFF800, s6;
	s14 =	sadd.s32 $0x402, s19;
	[tilespmem:s25+$0x7000] =	vst v48;
	v10 =	vadd.s32 $0x200, v43;
	v16 =	vld.idx.msk [tilespmem:v16+s3+$0x0], $0xffff  }
0x1c2: {  	s11 =	sadd.s32 $0x0, s6;
	v14 =	vor.u32 s14, v0;
	[tilespmem:s23+$0x2040] =	vst v49;
	v52 =	vld.idx.msk [tilespmem:v11+s13+$0x0], $0xffff  }
0x1c3: {  	s6 =	sadd.s32 $0x80, s11;
	v51 =	vadd.s32 $0x600, v2;
	v11 =	vld.idx.msk [tilespmem:v12+s3+$0x0], $0xffff  }
0x1c4: {  	s18 =	sor.u32 $0x1400, s6;
	v12 =	vadd.s32 $0x400, v3;
	[tilespmem:s0+$0x4040] =	vst v15  }
0x1c5: {  	v13 =	vld.idx.msk [tilespmem:v13+s3+$0x0], $0xffff;
	[tilespmem:v1+s18+$0x0 ss:$0x1] =	vst.idx.msk $0xffff, v9  }
0x1c6: {  	v9 =	vld.idx.msk [tilespmem:v10+s3+$0x0], $0xffff;
	[tilespmem:s31+$0x7000] =	vst v50  }
0x1c7: {  	v53 =	vadd.s32 $0x600, v8;
	[tilespmem:s10+$0x5070] =	vst v16;
	v10 =	vld.idx.msk [tilespmem:v14+s13+$0x0], $0xffff  }
0x1c8: {  	[tilespmem:s23+$0x3040] =	vst v11;
	v6 =	vld.idx.msk [tilespmem:v51+s3+$0x0], $0xffff;
	v14 =	vadd.s32 $0x300, v43  }
0x1c9: {  	v2 =	vadd.s32 $0x700, v2;
	v11 =	vld.idx.msk [tilespmem:v12+s3+$0x0], $0xffff  }
0x1ca: {  	v12 =	vadd.s32 $0x500, v3  }
0x1cb: {  	s17 =	sor.u32 $0x2400, s6;
	v15 =	vld.idx.msk [tilespmem:v52+s3+$0x0], $0xffff;
	[tilespmem:s0+$0x5040] =	vst v13  }
0x1cc: {  	v13 =	vadd.s32 $0x100, v52;
	v5 =	vld.idx.msk [tilespmem:v53+s3+$0x0], $0xffff;
	[tilespmem:v1+s17+$0x0 ss:$0x1] =	vst.idx.msk $0xffff, v9  }
0x1cd: {  	v54 =	vadd.s32 $0x700, v8;
	[tilespmem:s10+$0x6070] =	vst v6;
	v8 =	vld.idx.msk [tilespmem:v14+s3+$0x0], $0xffff  }
0x1ce: {  	[tilespmem:s23+$0x4040] =	vst v11;
	v2 =	vld.idx.msk [tilespmem:v2+s3+$0x0], $0xffff  }
0x1cf: {  	s15 =	sadd.s32 $0x2002, s1;
	v9 =	vadd.s32 $0x400, v43;
	v12 =	vld.idx.msk [tilespmem:v12+s3+$0x0], $0xffff  }
0x1d0: {  	v14 =	vor.u32 s15, v0;
	[tilespmem:s25+$0x10] =	vst v15;
	v11 =	vld.idx.msk [tilespmem:v10+s3+$0x0], $0xffff  }
0x1d1: {  	s12 =	sor.u32 $0x3400, s6;
	v15 =	vadd.s32 $0x600, v3;
	v13 =	vld.idx.msk [tilespmem:v13+s3+$0x0], $0xffff;
	[tilespmem:s0+$0x6040] =	vst v5  }
0x1d2: {  	v16 =	vadd.s32 $0x100, v10;
	[tilespmem:v1+s12+$0x0 ss:$0x1] =	vst.idx.msk $0xffff, v8  }
0x1d3: {  	v5 =	vld.idx.msk [tilespmem:v54+s3+$0x0], $0xffff;
	[tilespmem:s10+$0x7070] =	vst v2  }
0x1d4: {  	s16 =	sadd.s32 $0x1403, s2;
	v55 =	vadd.s32 $0x200, v52;
	v9 =	vld.idx.msk [tilespmem:v9+s3+$0x0], $0xffff;
	[tilespmem:s23+$0x5040] =	vst v12  }
0x1d5: {  	v8 =	vor.u32 s16, v0;
	v2 =	vld.idx.msk [tilespmem:v14+s13+$0x0], $0xffff;
	[tilespmem:s31+$0x10] =	vst v11  }
0x1d6: {  	v11 =	vadd.s32 $0x500, v43;
	[tilespmem:s25+$0x1010] =	vst v13;
	v13 =	vld.idx.msk [tilespmem:v15+s3+$0x0], $0xffff  }
0x1d7: {  	v3 =	vadd.s32 $0x700, v3;
	v14 =	vld.idx.msk [tilespmem:v16+s3+$0x0], $0xffff  }
0x1d8: {  	v12 =	vadd.s32 $0x200, v10  }
0x1d9: {  	s8 =	sor.u32 $0x4400, s6;
	v6 =	vld.idx.msk [tilespmem:v55+s3+$0x0], $0xffff;
	[tilespmem:s0+$0x7040] =	vst v5  }
0x1da: {  	v5 =	vld.idx.msk [tilespmem:v8+s13+$0x0], $0xffff;
	[tilespmem:v1+s8+$0x0 ss:$0x1] =	vst.idx.msk $0xffff, v9  }
0x1db: {  	v8 =	vadd.s32 $0x300, v52;
	v9 =	vld.idx.msk [tilespmem:v11+s3+$0x0], $0xffff;
	[tilespmem:s23+$0x6040] =	vst v13  }
0x1dc: {  	v11 =	vadd.s32 $0x600, v43;
	[tilespmem:s31+$0x1010] =	vst v14;
	v3 =	vld.idx.msk [tilespmem:v3+s3+$0x0], $0xffff  }
0x1dd: {  	s20 =	sadd.s32 $0x1402, s2;
	v12 =	vld.idx.msk [tilespmem:v12+s3+$0x0], $0xffff  }
0x1de: {  	v56 =	vor.u32 s20, v0  }
0x1df: {  	s9 =	sor.u32 $0x5400, s6;
	v13 =	vadd.s32 $0x300, v10;
	[tilespmem:s25+$0x2010] =	vst v6  }
0x1e0: {  	v8 =	vld.idx.msk [tilespmem:v8+s3+$0x0], $0xffff;
	[tilespmem:v1+s9+$0x0 ss:$0x1] =	vst.idx.msk $0xffff, v9  }
0x1e1: {  	v9 =	vadd.s32 $0x400, v52;
	v11 =	vld.idx.msk [tilespmem:v11+s3+$0x0], $0xffff;
	[tilespmem:s23+$0x7040] =	vst v3  }
0x1e2: {  	v15 =	vld.idx.msk [tilespmem:v5+s3+$0x0], $0xffff;
	[tilespmem:s31+$0x2010] =	vst v12;
	v12 =	vadd.s32 $0x700, v43  }
0x1e3: {  	v16 =	vadd.s32 $0x100, v5;
	v57 =	vld.idx.msk [tilespmem:v56+s13+$0x0], $0xffff  }
0x1e4: {  	v13 =	vld.idx.msk [tilespmem:v13+s3+$0x0], $0xffff  }
0x1e5: {  	s7 =	sor.u32 $0x6400, s6;
	v58 =	vadd.s32 $0x400, v10;
	v14 =	vld.idx.msk [tilespmem:v2+s3+$0x0], $0xffff;
	[tilespmem:s25+$0x3010] =	vst v8  }
0x1e6: {  	v8 =	vld.idx.msk [tilespmem:v9+s3+$0x0], $0xffff;
	[tilespmem:v1+s7+$0x0 ss:$0x1] =	vst.idx.msk $0xffff, v11  }
0x1e7: {  	v9 =	vadd.s32 $0x500, v52;
	[tilespmem:s0+$0x50] =	vst v15;
	v11 =	vld.idx.msk [tilespmem:v12+s3+$0x0], $0xffff  }
0x1e8: {  	v3 =	vadd.s32 $0x100, v2;
	v12 =	vld.idx.msk [tilespmem:v16+s3+$0x0], $0xffff  }
0x1e9: {  	s14 =	sadd.s32 $0x2403, s1;
	[tilespmem:s31+$0x3010] =	vst v13;
	v13 =	vadd.s32 $0x200, v5  }
0x1ea: {  	[tilespmem:s10+$0x400] =	vst v14;
	v14 =	vor.u32 s14, v0;
	v6 =	vld.idx.msk [tilespmem:v58+s3+$0x0], $0xffff  }
0x1eb: {  	s5 =	sor.u32 $0x7400, s6;
	[tilespmem:s25+$0x4010] =	vst v8;
	v8 =	vadd.s32 $0x500, v10;
	v16 =	vld.idx.msk [tilespmem:v57+s3+$0x0], $0xffff  }
0x1ec: {  	v17 =	vadd.s32 $0x100, v57;
	v9 =	vld.idx.msk [tilespmem:v9+s3+$0x0], $0xffff;
	[tilespmem:v1+s5+$0x0 ss:$0x1] =	vst.idx.msk $0xffff, v11  }
0x1ed: {  	v15 =	vld.idx.msk [tilespmem:v3+s3+$0x0], $0xffff;
	v11 =	vadd.s32 $0x600, v52;
	[tilespmem:s0+$0x1050] =	vst v12  }
0x1ee: {  	v12 =	vadd.s32 $0x200, v2;
	v13 =	vld.idx.msk [tilespmem:v13+s3+$0x0], $0xffff  }
0x1ef: {  	v59 =	vadd.s32 $0x300, v5;
	v3 =	vld.idx.msk [tilespmem:v14+s13+$0x0], $0xffff;
	[tilespmem:s31+$0x4010] =	vst v6  }
0x1f0: {  	v8 =	vld.idx.msk [tilespmem:v8+s3+$0x0], $0xffff;
	[tilespmem:s23+$0x50] =	vst v16  }
0x1f1: {  	s26 =	sor.u32 $0x1400, s11;
	[tilespmem:s25+$0x5010] =	vst v9;
	v9 =	vadd.s32 $0x600, v10;
	v14 =	vld.idx.msk [tilespmem:v17+s3+$0x0], $0xffff  }
0x1f2: {  	[tilespmem:v1+s26+$0x0 ss:$0x1] =	vst.idx.msk $0xffff, v15;
	v11 =	vld.idx.msk [tilespmem:v11+s3+$0x0], $0xffff  }
0x1f3: {  	v7 =	vadd.s32 $0x700, v52;
	v12 =	vld.idx.msk [tilespmem:v12+s3+$0x0], $0xffff;
	[tilespmem:s0+$0x2050] =	vst v13  }
0x1f4: {  	v15 =	vadd.s32 $0x200, v57;
	v6 =	vld.idx.msk [tilespmem:v59+s3+$0x0], $0xffff  }
0x1f5: {  	[tilespmem:s31+$0x5010] =	vst v8;
	v8 =	vadd.s32 $0x400, v5  }
0x1f6: {  	v13 =	vadd.s32 $0x300, v2;
	v9 =	vld.idx.msk [tilespmem:v9+s3+$0x0], $0xffff;
	[tilespmem:s23+$0x1050] =	vst v14  }
0x1f7: {  	s24 =	sor.u32 $0x2400, s11;
	v10 =	vadd.s32 $0x700, v10;
	v16 =	vld.idx.msk [tilespmem:v3+s3+$0x0], $0xffff;
	[tilespmem:s25+$0x6010] =	vst v11  }
0x1f8: {  	s21 =	sadd.s32 $0x803, s19;
	v11 =	vadd.s32 $0x100, v3;
	[tilespmem:v1+s24+$0x0 ss:$0x1] =	vst.idx.msk $0xffff, v12;
	v7 =	vld.idx.msk [tilespmem:v7+s3+$0x0], $0xffff  }
0x1f9: {  	v14 =	vor.u32 s21, v0;
	v12 =	vld.idx.msk [tilespmem:v15+s3+$0x0], $0xffff;
	[tilespmem:s0+$0x3050] =	vst v6  }
0x1fa: {  	v15 =	vadd.s32 $0x300, v57;
	v8 =	vld.idx.msk [tilespmem:v8+s3+$0x0], $0xffff  }
0x1fb: {  	v60 =	vld.idx.msk [tilespmem:v13+s3+$0x0], $0xffff;
	[tilespmem:s31+$0x6010] =	vst v9;
	v9 =	vadd.s32 $0x500, v5  }
0x1fc: {  	s6 =	sadd.s32 $0x802, s19;
	v13 =	vadd.s32 $0x400, v2;
	[tilespmem:s4+$0x410] =	vst v16;
	v10 =	vld.idx.msk [tilespmem:v10+s3+$0x0], $0xffff  }
0x1fd: {  	v16 =	vor.u32 s6, v0;
	v11 =	vld.idx.msk [tilespmem:v11+s3+$0x0], $0xffff;
	[tilespmem:s25+$0x7010] =	vst v7  }
0x1fe: {  	v61 =	vadd.s32 $0x200, v3;
	[tilespmem:s23+$0x2050] =	vst v12;
	v12 =	vld.idx.msk [tilespmem:v14+s13+$0x0], $0xffff  }
0x1ff: {  	s21 =	sor.u32 $0x3400, s11;
	v14 =	vld.idx.msk [tilespmem:v15+s3+$0x0], $0xffff;
	[tilespmem:s0+$0x4050] =	vst v8  }
0x200: {  	v62 =	vadd.s32 $0x400, v57;
	[tilespmem:v1+s21+$0x0 ss:$0x1] =	vst.idx.msk $0xffff, v60;
	v9 =	vld.idx.msk [tilespmem:v9+s3+$0x0], $0xffff  }
0x201: {  	v8 =	vld.idx.msk [tilespmem:v13+s3+$0x0], $0xffff;
	[tilespmem:s31+$0x7010] =	vst v10;
	v10 =	vadd.s32 $0x600, v5  }
0x202: {  	[tilespmem:v1+s18+$0x10 ss:$0x1] =	vst.idx.msk $0xffff, v11;
	v13 =	vld.idx.msk [tilespmem:v16+s13+$0x0], $0xffff  }
0x203: {  	v11 =	vadd.s32 $0x500, v2;
	v7 =	vld.idx.msk [tilespmem:v61+s3+$0x0], $0xffff  }
0x204: {  	[tilespmem:s23+$0x3050] =	vst v14;
	v14 =	vadd.s32 $0x300, v3  }
0x205: {  	s20 =	sor.u32 $0x4400, s11;
	v6 =	vld.idx.msk [tilespmem:v62+s3+$0x0], $0xffff;
	[tilespmem:s0+$0x5050] =	vst v9  }
0x206: {  	[tilespmem:v1+s20+$0x0 ss:$0x1] =	vst.idx.msk $0xffff, v8;
	v9 =	vadd.s32 $0x500, v57;
	v8 =	vld.idx.msk [tilespmem:v10+s3+$0x0], $0xffff  }
0x207: {  	v5 =	vadd.s32 $0x700, v5;
	v15 =	vld.idx.msk [tilespmem:v12+s3+$0x0], $0xffff  }
0x208: {  	v63 =	vadd.s32 $0x100, v12;
	v10 =	vld.idx.msk [tilespmem:v11+s3+$0x0], $0xffff;
	[tilespmem:v1+s17+$0x10 ss:$0x1] =	vst.idx.msk $0xffff, v7  }
0x209: {  	v11 =	vld.idx.msk [tilespmem:v14+s3+$0x0], $0xffff;
	v14 =	vadd.s32 $0x600, v2  }
0x20a: {  	v16 =	vadd.s32 $0x400, v3;
	[tilespmem:s23+$0x4050] =	vst v6;
	v32 =	vld.idx.msk [tilespmem:v13+s3+$0x0], $0xffff  }
0x20b: {  	v9 =	vld.idx.msk [tilespmem:v9+s3+$0x0], $0xffff;
	[tilespmem:s0+$0x6050] =	vst v8  }
0x20c: {  	s16 =	sor.u32 $0x5400, s11;
	[tilespmem:s25+$0x20] =	vst v15;
	v5 =	vld.idx.msk [tilespmem:v5+s3+$0x0], $0xffff  }
0x20d: {  	v17 =	vadd.s32 $0x100, v13;
	[tilespmem:v1+s16+$0x0 ss:$0x1] =	vst.idx.msk $0xffff, v10;
	v7 =	vld.idx.msk [tilespmem:v63+s3+$0x0], $0xffff  }
0x20e: {  	s15 =	sadd.s32 $0x1803, s2;
	v8 =	vadd.s32 $0x600, v57;
	v14 =	vld.idx.msk [tilespmem:v14+s3+$0x0], $0xffff;
	[tilespmem:v1+s12+$0x10 ss:$0x1] =	vst.idx.msk $0xffff, v11  }
0x20f: {  	v15 =	vor.u32 s15, v0;
	v11 =	vld.idx.msk [tilespmem:v16+s3+$0x0], $0xffff;
	[tilespmem:s31+$0x20] =	vst v32  }
0x210: {  	v10 =	vadd.s32 $0x200, v12;
	[tilespmem:s23+$0x5050] =	vst v9  }
0x211: {  	v9 =	vadd.s32 $0x500, v3;
	[tilespmem:s0+$0x7050] =	vst v5  }
0x212: {  	v2 =	vadd.s32 $0x700, v2;
	s15 =	sor.u32 $0x6400, s11;
	v6 =	vld.idx.msk [tilespmem:v17+s3+$0x0], $0xffff;
	[tilespmem:s25+$0x1020] =	vst v7  }
0x213: {  	v8 =	vld.idx.msk [tilespmem:v8+s3+$0x0], $0xffff;
	[tilespmem:v1+s15+$0x0 ss:$0x1] =	vst.idx.msk $0xffff, v14  }
0x214: {  	v34 =	vld.idx.msk [tilespmem:v15+s13+$0x0], $0xffff;
	[tilespmem:v1+s8+$0x10 ss:$0x1] =	vst.idx.msk $0xffff, v11  }
0x215: {  	v33 =	vadd.s32 $0x200, v13;
	v10 =	vld.idx.msk [tilespmem:v10+s3+$0x0], $0xffff;
	[smem:$0x7F8] =	sst s15  }
0x216: {  	v4 =	vadd.s32 $0x700, v57;
	v9 =	vld.idx.msk [tilespmem:v9+s3+$0x0], $0xffff  }
0x217: {  	v15 =	vadd.s32 $0x300, v12;
	v2 =	vld.idx.msk [tilespmem:v2+s3+$0x0], $0xffff  }
0x218: {  	[tilespmem:s31+$0x1020] =	vst v6  }
0x219: {  	v35 =	vadd.s32 $0x600, v3;
	s6 =	sadd.s32 $0x2402, s1;
	[tilespmem:s23+$0x6050] =	vst v8  }
0x21a: {  	v11 =	vor.u32 s6, v0;
	v5 =	vld.idx.msk [tilespmem:v33+s3+$0x0], $0xffff;
	[tilespmem:s25+$0x2020] =	vst v10  }
0x21b: {  	s22 =	smov.u32 s2;
	s2 =	sadd.s32 $0x1802, s2;
	s14 =	sor.u32 $0x7400, s11;
	v8 =	vadd.s32 $0x300, v13;
	v4 =	vld.idx.msk [tilespmem:v4+s3+$0x0], $0xffff;
	[tilespmem:v1+s9+$0x10 ss:$0x1] =	vst.idx.msk $0xffff, v9  }
0x21c: {  	v10 =	vor.u32 s2, v0;
	v14 =	vld.idx.msk [tilespmem:v15+s3+$0x0], $0xffff;
	[tilespmem:v1+s14+$0x0 ss:$0x1] =	vst.idx.msk $0xffff, v2  }
0x21d: {  	v15 =	vadd.s32 $0x400, v12;
	v16 =	vld.idx.msk [tilespmem:v34+s3+$0x0], $0xffff;
	[dreg:$0x5] =	wrdreg s14  }
0x21e: {  	v6 =	vld.idx.msk [tilespmem:v35+s3+$0x0], $0xffff  }
0x21f: {  	v36 =	vadd.s32 $0x100, v34;
	[tilespmem:s31+$0x2020] =	vst v5;
	v9 =	vld.idx.msk [tilespmem:v11+s13+$0x0], $0xffff  }
0x220: {  	v3 =	vadd.s32 $0x700, v3;
	[tilespmem:s23+$0x7050] =	vst v4;
	v8 =	vld.idx.msk [tilespmem:v8+s3+$0x0], $0xffff  }
0x221: {  	v37 =	vadd.s32 $0x400, v13;
	[tilespmem:s25+$0x3020] =	vst v14;
	v2 =	vld.idx.msk [tilespmem:v10+s13+$0x0], $0xffff  }
0x222: {  	v10 =	vld.idx.msk [tilespmem:v15+s3+$0x0], $0xffff  }
0x223: {  	v11 =	vadd.s32 $0x500, v12;
	[tilespmem:s0+$0x60] =	vst v16  }
0x224: {  	v5 =	vld.idx.msk [tilespmem:v36+s3+$0x0], $0xffff;
	[tilespmem:v1+s7+$0x10 ss:$0x1] =	vst.idx.msk $0xffff, v6  }
0x225: {  	s6 =	sadd.s32 $0x2803, s1;
	v38 =	vadd.s32 $0x200, v34;
	v3 =	vld.idx.msk [tilespmem:v3+s3+$0x0], $0xffff;
	[tilespmem:s31+$0x3020] =	vst v8  }
0x226: {  	v8 =	vor.u32 s6, v0;
	v4 =	vld.idx.msk [tilespmem:v37+s3+$0x0], $0xffff  }
0x227: {  	v14 =	vadd.s32 $0x500, v13;
	[tilespmem:s25+$0x4020] =	vst v10;
	v10 =	vld.idx.msk [tilespmem:v9+s3+$0x0], $0xffff  }
0x228: {  	v15 =	vadd.s32 $0x100, v9;
	v11 =	vld.idx.msk [tilespmem:v11+s3+$0x0], $0xffff  }
0x229: {  	v16 =	vld.idx.msk [tilespmem:v2+s3+$0x0], $0xffff;
	[tilespmem:s0+$0x1060] =	vst v5  }
0x22a: {  	v39 =	vadd.s32 $0x600, v12;
	v6 =	vld.idx.msk [tilespmem:v38+s3+$0x0], $0xffff;
	[tilespmem:v1+s5+$0x10 ss:$0x1] =	vst.idx.msk $0xffff, v3  }
0x22b: {  	v40 =	vadd.s32 $0x300, v34;
	v3 =	vld.idx.msk [tilespmem:v8+s13+$0x0], $0xffff;
	[tilespmem:s31+$0x4020] =	vst v4  }
0x22c: {  	v8 =	vadd.s32 $0x100, v2;
	v14 =	vld.idx.msk [tilespmem:v14+s3+$0x0], $0xffff;
	[tilespmem:s10+$0x410] =	vst v10  }
0x22d: {  	v17 =	vadd.s32 $0x600, v13;
	v10 =	vld.idx.msk [tilespmem:v15+s3+$0x0], $0xffff  }
0x22e: {  	[tilespmem:s25+$0x5020] =	vst v11  }
0x22f: {  	v11 =	vadd.s32 $0x200, v9;
	v5 =	vld.idx.msk [tilespmem:v39+s3+$0x0], $0xffff;
	[tilespmem:s0+$0x2060] =	vst v6  }
0x230: {  	[tilespmem:s23+$0x60] =	vst v16;
	v4 =	vld.idx.msk [tilespmem:v40+s3+$0x0], $0xffff  }
0x231: {  	v41 =	vadd.s32 $0x700, v12;
	v8 =	vld.idx.msk [tilespmem:v8+s3+$0x0], $0xffff;
	[tilespmem:s31+$0x5020] =	vst v14  }
0x232: {  	v12 =	vadd.s32 $0x400, v34;
	v15 =	vld.idx.msk [tilespmem:v17+s3+$0x0], $0xffff;
	[tilespmem:v1+s26+$0x10 ss:$0x1] =	vst.idx.msk $0xffff, v10  }
0x233: {  	v14 =	vadd.s32 $0x200, v2;
	v16 =	vld.idx.msk [tilespmem:v3+s3+$0x0], $0xffff;
	[smem:$0x7EE] =	sst s26  }
0x234: {  	v13 =	vadd.s32 $0x700, v13;
	[tilespmem:s25+$0x6020] =	vst v5;
	v42 =	vld.idx.msk [tilespmem:v11+s3+$0x0], $0xffff  }
0x235: {  	v10 =	vadd.s32 $0x100, v3;
	[tilespmem:s0+$0x3060] =	vst v4  }
0x236: {  	s2 =	smov.u32 s26;
	s26 =	sadd.s32 $0xC03, s19;
	v11 =	vadd.s32 $0x300, v9;
	v6 =	vld.idx.msk [tilespmem:v41+s3+$0x0], $0xffff;
	[tilespmem:s23+$0x1060] =	vst v8  }
0x237: {  	v43 =	vor.u32 s26, v0;
	v8 =	vld.idx.msk [tilespmem:v12+s3+$0x0], $0xffff;
	[tilespmem:s31+$0x6020] =	vst v15  }
0x238: {  	v12 =	vld.idx.msk [tilespmem:v14+s3+$0x0], $0xffff;
	v14 =	vadd.s32 $0x500, v34;
	[tilespmem:s4+$0x420] =	vst v16  }
0x239: {  	s6 =	smov.u32 s5;
	s5 =	sadd.s32 $0xC02, s19;
	v15 =	vadd.s32 $0x300, v2;
	v13 =	vld.idx.msk [tilespmem:v13+s3+$0x0], $0xffff;
	[tilespmem:v1+s24+$0x10 ss:$0x1] =	vst.idx.msk $0xffff, v42  }
0x23a: {  	v16 =	vor.u32 s5, v0;
	v10 =	vld.idx.msk [tilespmem:v10+s3+$0x0], $0xffff;
	[smem:$0x7EF] =	sst s24  }
0x23b: {  	[tilespmem:s25+$0x7020] =	vst v6;
	v44 =	vld.idx.msk [tilespmem:v11+s3+$0x0], $0xffff;
	v11 =	vadd.s32 $0x200, v3  }
0x23c: {  	v45 =	vadd.s32 $0x400, v9;
	[tilespmem:s0+$0x4060] =	vst v8;
	v17 =	vld.idx.msk [tilespmem:v43+s13+$0x0], $0xffff  }
0x23d: {  	[tilespmem:s23+$0x2060] =	vst v12;
	v8 =	vld.idx.msk [tilespmem:v14+s3+$0x0], $0xffff  }
0x23e: {  	v12 =	vld.idx.msk [tilespmem:v15+s3+$0x0], $0xffff;
	[tilespmem:s31+$0x7020] =	vst v13  }
0x23f: {  	v13 =	vadd.s32 $0x600, v34;
	[tilespmem:v1+s18+$0x20 ss:$0x1] =	vst.idx.msk $0xffff, v10;
	v46 =	vld.idx.msk [tilespmem:v16+s13+$0x0], $0xffff  }
0x240: {  	v10 =	vadd.s32 $0x400, v2;
	v11 =	vld.idx.msk [tilespmem:v11+s3+$0x0], $0xffff;
	[tilespmem:v1+s21+$0x10 ss:$0x1] =	vst.idx.msk $0xffff, v44  }
0x241: {  	v4 =	vld.idx.msk [tilespmem:v45+s3+$0x0], $0xffff  }
0x242: {  	v47 =	vadd.s32 $0x300, v3  }
0x243: {  	[tilespmem:s0+$0x5060] =	vst v8  }
0x244: {  	v8 =	vadd.s32 $0x500, v9;
	[tilespmem:s23+$0x3060] =	vst v12;
	v13 =	vld.idx.msk [tilespmem:v13+s3+$0x0], $0xffff  }
0x245: {  	v10 =	vld.idx.msk [tilespmem:v10+s3+$0x0], $0xffff;
	[tilespmem:v1+s17+$0x20 ss:$0x1] =	vst.idx.msk $0xffff, v11  }
0x246: {  	v7 =	vadd.s32 $0x700, v34;
	v12 =	vld.idx.msk [tilespmem:v17+s3+$0x0], $0xffff;
	[tilespmem:v1+s20+$0x10 ss:$0x1] =	vst.idx.msk $0xffff, v4  }
0x247: {  	v14 =	vadd.s32 $0x100, v17;
	v6 =	vld.idx.msk [tilespmem:v47+s3+$0x0], $0xffff;
	[smem:$0x7F1] =	sst s20  }
0x248: {  	v15 =	vadd.s32 $0x400, v3;
	v48 =	vld.idx.msk [tilespmem:v46+s3+$0x0], $0xffff  }
0x249: {  	v11 =	vadd.s32 $0x500, v2;
	v8 =	vld.idx.msk [tilespmem:v8+s3+$0x0], $0xffff;
	[tilespmem:s0+$0x6060] =	vst v13  }
0x24a: {  	v16 =	vadd.s32 $0x100, v46;
	[tilespmem:s23+$0x4060] =	vst v10  }
0x24b: {  	s30 =	smov.u32 s20;
	s20 =	sadd.s32 $0x1C03, s22;
	v13 =	vadd.s32 $0x600, v9;
	[tilespmem:s25+$0x30] =	vst v12;
	v7 =	vld.idx.msk [tilespmem:v7+s3+$0x0], $0xffff  }
0x24c: {  	v12 =	vor.u32 s20, v0;
	v14 =	vld.idx.msk [tilespmem:v14+s3+$0x0], $0xffff;
	[tilespmem:v1+s12+$0x20 ss:$0x1] =	vst.idx.msk $0xffff, v6  }
0x24d: {  	v10 =	vadd.s32 $0x200, v17;
	v6 =	vld.idx.msk [tilespmem:v15+s3+$0x0], $0xffff;
	[tilespmem:s31+$0x30] =	vst v48  }
0x24e: {  	v11 =	vld.idx.msk [tilespmem:v11+s3+$0x0], $0xffff;
	[tilespmem:v1+s16+$0x10 ss:$0x1] =	vst.idx.msk $0xffff, v8;
	v8 =	vadd.s32 $0x500, v3  }
0x24f: {  	v15 =	vadd.s32 $0x600, v2;
	v4 =	vld.idx.msk [tilespmem:v16+s3+$0x0], $0xffff  }
0x250: {  	v13 =	vld.idx.msk [tilespmem:v13+s3+$0x0], $0xffff;
	[tilespmem:s0+$0x7060] =	vst v7;
	v16 =	vadd.s32 $0x200, v46  }
0x251: {  	v9 =	vadd.s32 $0x700, v9;
	[tilespmem:s25+$0x1030] =	vst v14;
	v7 =	vld.idx.msk [tilespmem:v12+s13+$0x0], $0xffff  }
0x252: {  	v10 =	vld.idx.msk [tilespmem:v10+s3+$0x0], $0xffff;
	[tilespmem:v1+s8+$0x20 ss:$0x1] =	vst.idx.msk $0xffff, v6  }
0x253: {  	v12 =	vadd.s32 $0x300, v17;
	[tilespmem:s23+$0x5060] =	vst v11;
	v6 =	vld.idx.msk [tilespmem:v8+s3+$0x0], $0xffff  }
0x254: {  	v8 =	vld.idx.msk [tilespmem:v15+s3+$0x0], $0xffff;
	[tilespmem:s31+$0x1030] =	vst v4  }
0x255: {  	v49 =	vadd.s32 $0x600, v3;
	[tilespmem:v1+s15+$0x10 ss:$0x1] =	vst.idx.msk $0xffff, v13;
	v11 =	vld.idx.msk [tilespmem:v16+s3+$0x0], $0xffff  }
0x256: {  	v2 =	vadd.s32 $0x700, v2;
	v9 =	vld.idx.msk [tilespmem:v9+s3+$0x0], $0xffff  }
0x257: {  	s26 =	sadd.s32 $0x2802, s1;
	v13 =	vadd.s32 $0x300, v46;
	[tilespmem:s25+$0x2030] =	vst v10  }
0x258: {  	s15 =	rddreg [dreg:$0x3];
	v10 =	vor.u32 s26, v0;
	v12 =	vld.idx.msk [tilespmem:v12+s3+$0x0], $0xffff;
	[tilespmem:v1+s9+$0x20 ss:$0x1] =	vst.idx.msk $0xffff, v6  }
0x259: {  	v14 =	vadd.s32 $0x400, v17;
	s26 =	sadd.s32 $0x4, s15;
	v15 =	vld.idx.msk [tilespmem:v7+s3+$0x0], $0xffff;
	[tilespmem:s23+$0x6060] =	vst v8  }
0x25a: {  	v50 =	vadd.s32 $0x100, v7;
	s15 =	sadd.s32 $0x3, s26;
	v4 =	vld.idx.msk [tilespmem:v49+s3+$0x0], $0xffff;
	[tilespmem:s31+$0x2030] =	vst v11  }
0x25b: {  	v8 =	vld.idx.msk [tilespmem:v2+s3+$0x0], $0xffff;
	[tilespmem:v1+s14+$0x10 ss:$0x1] =	vst.idx.msk $0xffff, v9;
	v9 =	vor.u32 s15, v0  }
0x25c: {  	s20 =	smov.u32 s12;
	s12 =	smov.u32 s16;
	v3 =	vadd.s32 $0x700, v3;
	s16 =	sadd.s32 $0x1C02, s22;
	v13 =	vld.idx.msk [tilespmem:v13+s3+$0x0], $0xffff  }
0x25d: {  	v11 =	vor.u32 s16, v0;
	v2 =	vld.idx.msk [tilespmem:v10+s13+$0x0], $0xffff;
	[tilespmem:s25+$0x3030] =	vst v12  }
0x25e: {  	s16 =	sadd.s32 $0x2, s26;
	v12 =	vld.idx.msk [tilespmem:v14+s3+$0x0], $0xffff;
	[tilespmem:s0+$0x70] =	vst v15  }
0x25f: {  	v10 =	vor.u32 s16, v0;
	v6 =	vld.idx.msk [tilespmem:v50+s3+$0x0], $0xffff;
	[smem:$0x7EA] =	sst s7  }
0x260: {  	v15 =	vadd.s32 $0x400, v46;
	[tilespmem:v1+s7+$0x20 ss:$0x1] =	vst.idx.msk $0xffff, v4;
	v9 =	vld.idx.msk [tilespmem:v9+s13+$0x0], $0xffff  }
0x261: {  	v14 =	vadd.s32 $0x500, v17;
	[tilespmem:s23+$0x7060] =	vst v8;
	v8 =	vld.idx.msk [tilespmem:v3+s3+$0x0], $0xffff  }
0x262: {  	s14 =	sadd.s32 $0x2C03, s1;
	v3 =	vld.idx.msk [tilespmem:v11+s13+$0x0], $0xffff;
	v11 =	vadd.s32 $0x200, v7  }
0x263: {  	v16 =	vor.u32 s14, v0;
	[tilespmem:s31+$0x3030] =	vst v13  }
0x264: {  	v51 =	vld.idx.msk [tilespmem:v10+s13+$0x0], $0xffff;
	[tilespmem:s25+$0x4030] =	vst v12  }
0x265: {  	v12 =	vld.idx.msk [tilespmem:v15+s3+$0x0], $0xffff;
	[tilespmem:s0+$0x1070] =	vst v6  }
0x266: {  	v10 =	vld.idx.msk [tilespmem:v14+s3+$0x0], $0xffff;
	[tilespmem:v1+s6+$0x20 ss:$0x1] =	vst.idx.msk $0xffff, v8  }
0x267: {  	v52 =	vadd.s32 $0x600, v17;
	v11 =	vld.idx.msk [tilespmem:v11+s3+$0x0], $0xffff;
	[smem:$0x7EB] =	sst s6  }
0x268: {  	v8 =	vld.idx.msk [tilespmem:v16+s13+$0x0], $0xffff  }
0x269: {  	v13 =	vadd.s32 $0x300, v7;
	v14 =	vld.idx.msk [tilespmem:v2+s3+$0x0], $0xffff  }
0x26a: {  	v15 =	vadd.s32 $0x500, v46;
	v18 =	vld.idx.msk [tilespmem:v9+s3+$0x0], $0xffff  }
0x26b: {  	s15 =	simm.s32 $0x600;
	v20 =	vadd.s32 $0x100, v9;
	v16 =	vld.idx.msk [tilespmem:v3+s3+$0x0], $0xffff;
	[tilespmem:s25+$0x5030] =	vst v10  }
0x26c: {  	s14 =	sand.u32 $0x800, s15;
	s15 =	simm.s32 $0x380;
	[tilespmem:s31+$0x4030] =	vst v12;
	v10 =	vadd.s32 $0x100, v3;
	v6 =	vld.idx.msk [tilespmem:v52+s3+$0x0], $0xffff  }
0x26d: {  	s16 =	simm.s32 $0x600;
	s11 =	sadd.s32 s14, s29;
	s14 =	sand.u32 $0x380, s15;
	v19 =	vld.idx.msk [tilespmem:v51+s3+$0x0], $0xffff;
	[tilespmem:s0+$0x2070] =	vst v11  }
0x26e: {  	s29 =	sadd.s32 s14, s11;
	v11 =	vadd.s32 $0x700, v17;
	v12 =	vld.idx.msk [tilespmem:v13+s3+$0x0], $0xffff;
	[dreg:$0x6] =	wrdreg s16  }
0x26f: {  	v13 =	vadd.s32 $0x100, v51;
	s16 =	simm.s32 $0x300;
	v15 =	vld.idx.msk [tilespmem:v15+s3+$0x0], $0xffff;
	[tilespmem:s29+$0x0] =	vst v18  }
0x270: {  	s14 =	sand.u32 $0x300, s16;
	[tilespmem:s23+$0x70] =	vst v16;
	v16 =	vadd.s32 $0x400, v7;
	v18 =	vld.idx.msk [tilespmem:v20+s3+$0x0], $0xffff  }
0x271: {  	v21 =	vadd.s32 $0x600, v46;
	s28 =	sadd.s32 s14, s11;
	v10 =	vld.idx.msk [tilespmem:v10+s3+$0x0], $0xffff;
	[tilespmem:s25+$0x6030] =	vst v6  }
0x272: {  	[tilespmem:s28+$0x0] =	vst v19;
	v19 =	vadd.s32 $0x200, v9;
	v17 =	vld.idx.msk [tilespmem:v8+s3+$0x0], $0xffff  }
0x273: {  	v20 =	vadd.s32 $0x200, v3;
	v11 =	vld.idx.msk [tilespmem:v11+s3+$0x0], $0xffff  }
0x274: {  	s15 =	sadd.s32 $0x1003, s19;
	v53 =	vadd.s32 $0x100, v8;
	v13 =	vld.idx.msk [tilespmem:v13+s3+$0x0], $0xffff;
	[tilespmem:s0+$0x3070] =	vst v12  }
0x275: {  	v12 =	vor.u32 s15, v0;
	[tilespmem:s31+$0x5030] =	vst v15;
	v15 =	vld.idx.msk [tilespmem:v16+s3+$0x0], $0xffff  }
0x276: {  	v16 =	vadd.s32 $0x200, v51;
	v21 =	vld.idx.msk [tilespmem:v21+s3+$0x0], $0xffff;
	[tilespmem:s29+$0x1000] =	vst v18  }
0x277: {  	[tilespmem:s23+$0x1070] =	vst v10;
	v10 =	vadd.s32 $0x500, v7;
	v19 =	vld.idx.msk [tilespmem:v19+s3+$0x0], $0xffff  }
0x278: {  	v5 =	vadd.s32 $0x700, v46;
	[tilespmem:s4+$0x430] =	vst v17;
	v18 =	vld.idx.msk [tilespmem:v20+s3+$0x0], $0xffff  }
0x279: {  	[tilespmem:s25+$0x7030] =	vst v11;
	v20 =	vadd.s32 $0x300, v3;
	v17 =	vld.idx.msk [tilespmem:v53+s3+$0x0], $0xffff  }
0x27a: {  	[tilespmem:s28+$0x1000] =	vst v13;
	v54 =	vld.idx.msk [tilespmem:v12+s13+$0x0], $0xffff;
	v12 =	vadd.s32 $0x100, v2  }
0x27b: {  	v11 =	vadd.s32 $0x200, v8;
	v13 =	vld.idx.msk [tilespmem:v16+s3+$0x0], $0xffff;
	[tilespmem:s0+$0x4070] =	vst v15  }
0x27c: {  	v15 =	vadd.s32 $0x300, v9;
	[tilespmem:s31+$0x6030] =	vst v21;
	v10 =	vld.idx.msk [tilespmem:v10+s3+$0x0], $0xffff  }
0x27d: {  	v5 =	vld.idx.msk [tilespmem:v5+s3+$0x0], $0xffff;
	[tilespmem:s23+$0x2070] =	vst v18  }
0x27e: {  	[tilespmem:s10+$0x420] =	vst v14;
	v16 =	vadd.s32 $0x600, v7;
	v14 =	vld.idx.msk [tilespmem:v20+s3+$0x0], $0xffff  }
0x27f: {  	s16 =	sadd.s32 $0x1002, s19;
	[tilespmem:v1+s18+$0x30 ss:$0x1] =	vst.idx.msk $0xffff, v17;
	v17 =	vadd.s32 $0x300, v51;
	v12 =	vld.idx.msk [tilespmem:v12+s3+$0x0], $0xffff  }
0x280: {  	[tilespmem:s29+$0x2000] =	vst v19;
	v19 =	vor.u32 s16, v0;
	v11 =	vld.idx.msk [tilespmem:v11+s3+$0x0], $0xffff  }
0x281: {  	v18 =	vadd.s32 $0x300, v8;
	v15 =	vld.idx.msk [tilespmem:v15+s3+$0x0], $0xffff  }
0x282: {  	v20 =	vadd.s32 $0x400, v3;
	v21 =	vld.idx.msk [tilespmem:v54+s3+$0x0], $0xffff;
	[tilespmem:s0+$0x5070] =	vst v10  }
0x283: {  	[tilespmem:s28+$0x2000] =	vst v13;
	v10 =	vadd.s32 $0x400, v9;
	v13 =	vld.idx.msk [tilespmem:v16+s3+$0x0], $0xffff  }
0x284: {  	[tilespmem:s31+$0x7030] =	vst v5;
	v16 =	vld.idx.msk [tilespmem:v17+s3+$0x0], $0xffff;
	v17 =	vadd.s32 $0x100, v54  }
0x285: {  	v55 =	vadd.s32 $0x700, v7;
	v56 =	vld.idx.msk [tilespmem:v19+s13+$0x0], $0xffff;
	[tilespmem:v1+s17+$0x30 ss:$0x1] =	vst.idx.msk $0xffff, v11  }
0x286: {  	[tilespmem:s23+$0x3070] =	vst v14;
	v11 =	vld.idx.msk [tilespmem:v18+s3+$0x0], $0xffff;
	v18 =	vadd.s32 $0x400, v51  }
0x287: {  	v19 =	vadd.s32 $0x200, v2;
	v14 =	vld.idx.msk [tilespmem:v20+s3+$0x0], $0xffff;
	[tilespmem:s29+$0x3000] =	vst v15  }
0x288: {  	v15 =	vadd.s32 $0x400, v8;
	v10 =	vld.idx.msk [tilespmem:v10+s3+$0x0], $0xffff;
	[tilespmem:s25+$0x40] =	vst v21  }
0x289: {  	[tilespmem:s0+$0x6070] =	vst v13;
	v17 =	vld.idx.msk [tilespmem:v17+s3+$0x0], $0xffff  }
0x28a: {  	v13 =	vadd.s32 $0x500, v9;
	[tilespmem:s28+$0x3000] =	vst v16;
	v5 =	vld.idx.msk [tilespmem:v55+s3+$0x0], $0xffff  }
0x28b: {  	s5 =	smov.u32 s24;
	s24 =	smov.u32 s17;
	[tilespmem:v1+s2+$0x20 ss:$0x1] =	vst.idx.msk $0xffff, v12;
	s17 =	sadd.s32 $0x2003, s22;
	v16 =	vld.idx.msk [tilespmem:v18+s3+$0x0], $0xffff;
	v18 =	vadd.s32 $0x200, v54  }
0x28c: {  	v19 =	vld.idx.msk [tilespmem:v19+s3+$0x0], $0xffff;
	[tilespmem:v1+s20+$0x30 ss:$0x1] =	vst.idx.msk $0xffff, v11;
	v11 =	vor.u32 s17, v0  }
0x28d: {  	[tilespmem:s23+$0x4070] =	vst v14;
	v12 =	vld.idx.msk [tilespmem:v15+s3+$0x0], $0xffff;
	v15 =	vadd.s32 $0x500, v51  }
0x28e: {  	v21 =	vadd.s32 $0x500, v3;
	[tilespmem:s29+$0x4000] =	vst v10;
	v10 =	vld.idx.msk [tilespmem:v56+s3+$0x0], $0xffff  }
0x28f: {  	v20 =	vadd.s32 $0x500, v8;
	v13 =	vld.idx.msk [tilespmem:v13+s3+$0x0], $0xffff;
	[tilespmem:s25+$0x1040] =	vst v17  }
0x290: {  	v17 =	vadd.s32 $0x100, v56;
	[tilespmem:s0+$0x7070] =	vst v5;
	v18 =	vld.idx.msk [tilespmem:v18+s3+$0x0], $0xffff  }
0x291: {  	[tilespmem:s28+$0x4000] =	vst v16;
	v16 =	vadd.s32 $0x600, v9;
	v5 =	vld.idx.msk [tilespmem:v11+s13+$0x0], $0xffff  }
0x292: {  	v11 =	vadd.s32 $0x300, v2;
	v15 =	vld.idx.msk [tilespmem:v15+s3+$0x0], $0xffff;
	[tilespmem:v1+s8+$0x30 ss:$0x1] =	vst.idx.msk $0xffff, v12  }
0x293: {  	v12 =	vadd.s32 $0x300, v54;
	[tilespmem:s31+$0x40] =	vst v10;
	v10 =	vld.idx.msk [tilespmem:v21+s3+$0x0], $0xffff  }
0x294: {  	[tilespmem:v1+s5+$0x20 ss:$0x1] =	vst.idx.msk $0xffff, v19;
	v14 =	vld.idx.msk [tilespmem:v20+s3+$0x0], $0xffff  }
0x295: {  	[tilespmem:s29+$0x5000] =	vst v13;
	v13 =	vld.idx.msk [tilespmem:v17+s3+$0x0], $0xffff;
	v17 =	vadd.s32 $0x600, v8  }
0x296: {  	v20 =	vadd.s32 $0x600, v51;
	v16 =	vld.idx.msk [tilespmem:v16+s3+$0x0], $0xffff;
	[tilespmem:s25+$0x2040] =	vst v18  }
0x297: {  	v19 =	vadd.s32 $0x200, v56;
	v11 =	vld.idx.msk [tilespmem:v11+s3+$0x0], $0xffff;
	[tilespmem:s28+$0x5000] =	vst v15  }
0x298: {  	v9 =	vadd.s32 $0x700, v9;
	v12 =	vld.idx.msk [tilespmem:v12+s3+$0x0], $0xffff;
	[tilespmem:s23+$0x5070] =	vst v10  }
0x299: {  	v18 =	vadd.s32 $0x600, v3;
	[tilespmem:v1+s9+$0x30 ss:$0x1] =	vst.idx.msk $0xffff, v14;
	v21 =	vld.idx.msk [tilespmem:v5+s3+$0x0], $0xffff  }
0x29a: {  	v14 =	vadd.s32 $0x400, v54;
	v15 =	vld.idx.msk [tilespmem:v17+s3+$0x0], $0xffff;
	[tilespmem:s31+$0x1040] =	vst v13  }
0x29b: {  	v17 =	vld.idx.msk [tilespmem:v20+s3+$0x0], $0xffff;
	v13 =	vadd.s32 $0x100, v5;
	[tilespmem:s29+$0x6000] =	vst v16  }
0x29c: {  	v8 =	vadd.s32 $0x700, v8;
	v16 =	vld.idx.msk [tilespmem:v19+s3+$0x0], $0xffff;
	[tilespmem:v1+s21+$0x20 ss:$0x1] =	vst.idx.msk $0xffff, v11  }
0x29d: {  	v4 =	vadd.s32 $0x700, v51;
	v9 =	vld.idx.msk [tilespmem:v9+s3+$0x0], $0xffff;
	[tilespmem:s25+$0x3040] =	vst v12  }
0x29e: {  	s14 =	smov.u32 s9;
	v10 =	vadd.s32 $0x300, v56;
	s9 =	sadd.s32 $0x403, s26;
	v12 =	vld.idx.msk [tilespmem:v18+s3+$0x0], $0xffff;
	[tilespmem:s0+$0x400] =	vst v21  }
0x29f: {  	v18 =	vor.u32 s9, v0;
	v14 =	vld.idx.msk [tilespmem:v14+s3+$0x0], $0xffff;
	[tilespmem:v1+s7+$0x30 ss:$0x1] =	vst.idx.msk $0xffff, v15  }
0x2a0: {  	s11 =	simm.s32 $0x200;
	v3 =	vadd.s32 $0x700, v3;
	[tilespmem:s28+$0x6000] =	vst v17;
	v13 =	vld.idx.msk [tilespmem:v13+s3+$0x0], $0xffff  }
0x2a1: {  	s15 =	sand.u32 $0xFFFFF800, s11;
	v15 =	vadd.s32 $0x500, v54;
	v8 =	vld.idx.msk [tilespmem:v8+s3+$0x0], $0xffff;
	[tilespmem:s31+$0x2040] =	vst v16  }
0x2a2: {  	s16 =	sadd.s32 $0x2D03, s1;
	s5 =	sadd.s32 $0x100, s15;
	v17 =	vld.idx.msk [tilespmem:v4+s3+$0x0], $0xffff;
	v16 =	vadd.s32 $0x200, v5;
	[tilespmem:s29+$0x7000] =	vst v9  }
0x2a3: {  	s17 =	sadd.s32 $0x402, s26;
	s11 =	sadd.s32 $0x80, s5;
	v19 =	vadd.s32 s16, v0;
	v10 =	vld.idx.msk [tilespmem:v10+s3+$0x0], $0xffff;
	[tilespmem:s23+$0x6070] =	vst v12  }
0x2a4: {  	v20 =	vor.u32 s17, v0;
	s9 =	sor.u32 $0x1400, s11;
	v57 =	vld.idx.msk [tilespmem:v18+s13+$0x0], $0xffff;
	[tilespmem:s25+$0x4040] =	vst v14  }
0x2a5: {  	v12 =	vadd.s32 $0x400, v56;
	v3 =	vld.idx.msk [tilespmem:v3+s3+$0x0], $0xffff;
	[tilespmem:v1+s9+$0x0 ss:$0x1] =	vst.idx.msk $0xffff, v13  }
0x2a6: {  	s2 =	sadd.s32 $0x2002, s22;
	v14 =	vadd.s32 $0x400, v2;
	v15 =	vld.idx.msk [tilespmem:v15+s3+$0x0], $0xffff;
	[tilespmem:v1+s6+$0x30 ss:$0x1] =	vst.idx.msk $0xffff, v8  }
0x2a7: {  	[tilespmem:s28+$0x7000] =	vst v17;
	v17 =	vor.u32 s2, v0;
	v13 =	vld.idx.msk [tilespmem:v16+s3+$0x0], $0xffff  }
0x2a8: {  	v9 =	vld.idx.msk [tilespmem:v19+s13+$0x0], $0xffff;
	[tilespmem:s31+$0x3040] =	vst v10  }
0x2a9: {  	v16 =	vadd.s32 $0x600, v54;
	v8 =	vld.idx.msk [tilespmem:v20+s13+$0x0], $0xffff;
	[smem:$0x7F0] =	sst s21  }
0x2aa: {  	v11 =	vadd.s32 $0x300, v5;
	v10 =	vld.idx.msk [tilespmem:v12+s3+$0x0], $0xffff  }
0x2ab: {  	v12 =	vld.idx.msk [tilespmem:v14+s3+$0x0], $0xffff;
	[tilespmem:s23+$0x7070] =	vst v3  }
0x2ac: {  	v3 =	vld.idx.msk [tilespmem:v17+s13+$0x0], $0xffff  }
0x2ad: {  	s15 =	sor.u32 $0x2400, s11;
	[tilespmem:s25+$0x5040] =	vst v15;
	v15 =	vadd.s32 $0x500, v56;
	v14 =	vld.idx.msk [tilespmem:v57+s3+$0x0], $0xffff  }
0x2ae: {  	v18 =	vadd.s32 $0x100, v57;
	v16 =	vld.idx.msk [tilespmem:v16+s3+$0x0], $0xffff;
	[tilespmem:v1+s15+$0x0 ss:$0x1] =	vst.idx.msk $0xffff, v13  }
0x2af: {  	v6 =	vadd.s32 $0x700, v54;
	v11 =	vld.idx.msk [tilespmem:v11+s3+$0x0], $0xffff  }
0x2b0: {  	v13 =	vadd.s32 $0x500, v2;
	v17 =	vld.idx.msk [tilespmem:v9+s3+$0x0], $0xffff  }
0x2b1: {  	v19 =	vadd.s32 $0x400, v5;
	[tilespmem:s31+$0x4040] =	vst v10;
	v10 =	vld.idx.msk [tilespmem:v8+s3+$0x0], $0xffff  }
0x2b2: {  	[tilespmem:s29+$0x10] =	vst v14;
	v14 =	vld.idx.msk [tilespmem:v15+s3+$0x0], $0xffff;
	v15 =	vadd.s32 $0x100, v9  }
0x2b3: {  	v20 =	vadd.s32 $0x100, v8;
	[tilespmem:s25+$0x6040] =	vst v16;
	v18 =	vld.idx.msk [tilespmem:v18+s3+$0x0], $0xffff  }
0x2b4: {  	s7 =	sor.u32 $0x3400, s11;
	[tilespmem:v1+s30+$0x20 ss:$0x1] =	vst.idx.msk $0xffff, v12;
	v16 =	vadd.s32 $0x600, v56;
	v6 =	vld.idx.msk [tilespmem:v6+s3+$0x0], $0xffff  }
0x2b5: {  	[tilespmem:v1+s7+$0x0 ss:$0x1] =	vst.idx.msk $0xffff, v11;
	v11 =	vld.idx.msk [tilespmem:v13+s3+$0x0], $0xffff  }
0x2b6: {  	s6 =	sadd.s32 $0x1403, s19;
	v12 =	vadd.s32 $0x200, v57;
	[tilespmem:s4+$0x434] =	vst v17;
	v17 =	vld.idx.msk [tilespmem:v19+s3+$0x0], $0xffff  }
0x2b7: {  	v13 =	vor.u32 s6, v0;
	[tilespmem:s28+$0x10] =	vst v10;
	v10 =	vld.idx.msk [tilespmem:v15+s3+$0x0], $0xffff  }
0x2b8: {  	v15 =	vld.idx.msk [tilespmem:v20+s3+$0x0], $0xffff;
	[tilespmem:s31+$0x5040] =	vst v14;
	v14 =	vadd.s32 $0x500, v5  }
0x2b9: {  	[tilespmem:s29+$0x1010] =	vst v18;
	v16 =	vld.idx.msk [tilespmem:v16+s3+$0x0], $0xffff;
	v18 =	vadd.s32 $0x200, v9  }
0x2ba: {  	s6 =	sor.u32 $0x4400, s11;
	v19 =	vadd.s32 $0x200, v8;
	v20 =	vld.idx.msk [tilespmem:v3+s3+$0x0], $0xffff;
	[tilespmem:s25+$0x7040] =	vst v6  }
0x2bb: {  	v7 =	vadd.s32 $0x700, v56;
	v12 =	vld.idx.msk [tilespmem:v12+s3+$0x0], $0xffff;
	[tilespmem:v1+s6+$0x0 ss:$0x1] =	vst.idx.msk $0xffff, v17  }
0x2bc: {  	v6 =	vld.idx.msk [tilespmem:v13+s13+$0x0], $0xffff;
	v13 =	vadd.s32 $0x600, v2;
	[tilespmem:v1+s18+$0x34 ss:$0x1] =	vst.idx.msk $0xffff, v10  }
0x2bd: {  	v10 =	vadd.s32 $0x300, v57;
	v14 =	vld.idx.msk [tilespmem:v14+s3+$0x0], $0xffff;
	[tilespmem:s28+$0x1010] =	vst v15  }
0x2be: {  	v15 =	vld.idx.msk [tilespmem:v18+s3+$0x0], $0xffff;
	[tilespmem:s31+$0x6040] =	vst v16  }
0x2bf: {  	v17 =	vld.idx.msk [tilespmem:v19+s3+$0x0], $0xffff;
	[smem:$0x7F5] =	sst s12  }
0x2c0: {  	v16 =	vadd.s32 $0x600, v5;
	[tilespmem:v1+s12+$0x20 ss:$0x1] =	vst.idx.msk $0xffff, v11;
	v7 =	vld.idx.msk [tilespmem:v7+s3+$0x0], $0xffff  }
0x2c1: {  	s17 =	smov.u32 s21;
	s21 =	sor.u32 $0x5400, s11;
	v18 =	vadd.s32 $0x300, v8;
	[tilespmem:s29+$0x2010] =	vst v12;
	v12 =	vld.idx.msk [tilespmem:v13+s3+$0x0], $0xffff  }
0x2c2: {  	s16 =	sadd.s32 $0x1402, s19;
	v11 =	vadd.s32 $0x300, v9;
	v10 =	vld.idx.msk [tilespmem:v10+s3+$0x0], $0xffff;
	[smem:$0x7EC] =	sst s21  }
0x2c3: {  	v13 =	vor.u32 s16, v0;
	[tilespmem:v1+s21+$0x0 ss:$0x1] =	vst.idx.msk $0xffff, v14  }
0x2c4: {  	v19 =	vadd.s32 $0x100, v3;
	v21 =	vld.idx.msk [tilespmem:v6+s3+$0x0], $0xffff;
	[tilespmem:v1+s24+$0x34 ss:$0x1] =	vst.idx.msk $0xffff, v15  }
0x2c5: {  	v14 =	vadd.s32 $0x400, v57;
	[tilespmem:s28+$0x2010] =	vst v17;
	v15 =	vld.idx.msk [tilespmem:v16+s3+$0x0], $0xffff  }
0x2c6: {  	[tilespmem:s23+$0x400] =	vst v20;
	v17 =	vld.idx.msk [tilespmem:v18+s3+$0x0], $0xffff  }
0x2c7: {  	v11 =	vld.idx.msk [tilespmem:v11+s3+$0x0], $0xffff;
	[tilespmem:s31+$0x7040] =	vst v7  }
0x2c8: {  	v59 =	vld.idx.msk [tilespmem:v13+s13+$0x0], $0xffff;
	[tilespmem:s29+$0x3010] =	vst v10  }
0x2c9: {  	s24 =	sor.u32 $0x6400, s11;
	v16 =	vadd.s32 $0x100, v6;
	v10 =	vld.idx.msk [tilespmem:v19+s3+$0x0], $0xffff;
	[tilespmem:s25+$0x50] =	vst v21  }
0x2ca: {  	v58 =	vadd.s32 $0x700, v5;
	v14 =	vld.idx.msk [tilespmem:v14+s3+$0x0], $0xffff;
	[smem:$0x7ED] =	sst s24  }
0x2cb: {  	v13 =	vadd.s32 $0x400, v9;
	[tilespmem:v1+s24+$0x0 ss:$0x1] =	vst.idx.msk $0xffff, v15  }
0x2cc: {  	v18 =	vadd.s32 $0x400, v8;
	[tilespmem:v1+s20+$0x34 ss:$0x1] =	vst.idx.msk $0xffff, v11  }
0x2cd: {  	[tilespmem:s28+$0x3010] =	vst v17  }
0x2ce: {  	v2 =	vadd.s32 $0x700, v2;
	v16 =	vld.idx.msk [tilespmem:v16+s3+$0x0], $0xffff;
	s16 =	sld [smem:$0x7F8]  }
0x2cf: {  	v11 =	vadd.s32 $0x500, v57;
	v7 =	vld.idx.msk [tilespmem:v58+s3+$0x0], $0xffff  }
0x2d0: {  	s2 =	sadd.s32 $0x2403, s22;
	v15 =	vadd.s32 $0x200, v6;
	v13 =	vld.idx.msk [tilespmem:v13+s3+$0x0], $0xffff  }
0x2d1: {  	v17 =	vor.u32 s2, v0;
	[tilespmem:v1+s16+$0x20 ss:$0x1] =	vst.idx.msk $0xffff, v12;
	v12 =	vld.idx.msk [tilespmem:v18+s3+$0x0], $0xffff  }
0x2d2: {  	[tilespmem:s29+$0x4010] =	vst v14;
	v18 =	vadd.s32 $0x500, v9;
	v14 =	vld.idx.msk [tilespmem:v59+s3+$0x0], $0xffff  }
0x2d3: {  	v19 =	vadd.s32 $0x500, v8;
	s2 =	sor.u32 $0x7400, s11;
	v2 =	vld.idx.msk [tilespmem:v2+s3+$0x0], $0xffff;
	[tilespmem:s25+$0x1050] =	vst v16  }
0x2d4: {  	v11 =	vld.idx.msk [tilespmem:v11+s3+$0x0], $0xffff;
	v16 =	vadd.s32 $0x100, v59;
	[tilespmem:v1+s2+$0x0 ss:$0x1] =	vst.idx.msk $0xffff, v7  }
0x2d5: {  	s30 =	sor.u32 $0x1400, s5;
	v15 =	vld.idx.msk [tilespmem:v15+s3+$0x0], $0xffff;
	[tilespmem:v1+s8+$0x34 ss:$0x1] =	vst.idx.msk $0xffff, v13;
	v13 =	vadd.s32 $0x600, v57  }
0x2d6: {  	v20 =	vadd.s32 $0x200, v3;
	[tilespmem:v1+s30+$0x0 ss:$0x1] =	vst.idx.msk $0xffff, v10;
	s8 =	sadd.s32 $0x2C02, s1;
	v7 =	vld.idx.msk [tilespmem:v17+s13+$0x0], $0xffff  }
0x2d7: {  	v17 =	vor.u32 s8, v0;
	[tilespmem:s28+$0x4010] =	vst v12;
	v12 =	vld.idx.msk [tilespmem:v18+s3+$0x0], $0xffff  }
0x2d8: {  	v18 =	vadd.s32 $0x300, v6;
	[tilespmem:s31+$0x50] =	vst v14;
	v10 =	vld.idx.msk [tilespmem:v19+s3+$0x0], $0xffff  }
0x2d9: {  	[tilespmem:s29+$0x5010] =	vst v11;
	v11 =	vld.idx.msk [tilespmem:v16+s3+$0x0], $0xffff  }
0x2da: {  	s20 =	smov.u32 s19;
	v16 =	vadd.s32 $0x600, v8;
	s19 =	rddreg [dreg:$0x5];
	v13 =	vld.idx.msk [tilespmem:v13+s3+$0x0], $0xffff  }
0x2db: {  	v14 =	vld.idx.msk [tilespmem:v20+s3+$0x0], $0xffff;
	v19 =	vadd.s32 $0x600, v9;
	[tilespmem:v1+s19+$0x20 ss:$0x1] =	vst.idx.msk $0xffff, v2  }
0x2dc: {  	v20 =	vadd.s32 $0x200, v59;
	[tilespmem:s25+$0x2050] =	vst v15;
	v2 =	vld.idx.msk [tilespmem:v17+s13+$0x0], $0xffff  }
0x2dd: {  	v4 =	vadd.s32 $0x700, v57;
	[tilespmem:v1+s14+$0x34 ss:$0x1] =	vst.idx.msk $0xffff, v12;
	v12 =	vld.idx.msk [tilespmem:v18+s3+$0x0], $0xffff  }
0x2de: {  	v15 =	vadd.s32 $0x300, v3;
	[tilespmem:s28+$0x5010] =	vst v10;
	v18 =	vld.idx.msk [tilespmem:v7+s3+$0x0], $0xffff  }
0x2df: {  	v16 =	vld.idx.msk [tilespmem:v16+s3+$0x0], $0xffff;
	[tilespmem:s29+$0x6010] =	vst v13;
	v13 =	vadd.s32 $0x100, v7  }
0x2e0: {  	s21 =	sor.u32 $0x2400, s5;
	v8 =	vadd.s32 $0x700, v8;
	v17 =	vld.idx.msk [tilespmem:v19+s3+$0x0], $0xffff;
	[tilespmem:s31+$0x1050] =	vst v11  }
0x2e1: {  	[tilespmem:v1+s21+$0x0 ss:$0x1] =	vst.idx.msk $0xffff, v14;
	v10 =	vadd.s32 $0x400, v6;
	v11 =	vld.idx.msk [tilespmem:v20+s3+$0x0], $0xffff  }
0x2e2: {  	s11 =	sadd.s32 $0x803, s26;
	v9 =	vadd.s32 $0x700, v9;
	v4 =	vld.idx.msk [tilespmem:v4+s3+$0x0], $0xffff;
	[tilespmem:s25+$0x3050] =	vst v12  }
0x2e3: {  	s18 =	smov.u32 s12;
	v14 =	vor.u32 s11, v0;
	v12 =	vld.idx.msk [tilespmem:v15+s3+$0x0], $0xffff;
	s12 =	sld [smem:$0x7EA];
	[tilespmem:s0+$0x410] =	vst v18  }
0x2e4: {  	v15 =	vadd.s32 $0x300, v59;
	[tilespmem:s28+$0x6010] =	vst v16;
	v13 =	vld.idx.msk [tilespmem:v13+s3+$0x0], $0xffff  }
0x2e5: {  	v19 =	vadd.s32 $0x400, v3;
	v16 =	vld.idx.msk [tilespmem:v8+s3+$0x0], $0xffff  }
0x2e6: {  	v60 =	vadd.s32 $0x200, v7;
	[tilespmem:v1+s12+$0x34 ss:$0x1] =	vst.idx.msk $0xffff, v17;
	v17 =	vld.idx.msk [tilespmem:v10+s3+$0x0], $0xffff  }
0x2e7: {  	s14 =	sadd.s32 $0x802, s26;
	[tilespmem:s29+$0x7010] =	vst v4;
	v10 =	vld.idx.msk [tilespmem:v9+s3+$0x0], $0xffff;
	v9 =	vadd.s32 $0x500, v6  }
0x2e8: {  	s11 =	sor.u32 $0x3400, s5;
	v18 =	vor.u32 s14, v0;
	[tilespmem:s31+$0x2050] =	vst v11;
	v8 =	vld.idx.msk [tilespmem:v14+s13+$0x0], $0xffff  }
0x2e9: {  	v11 =	vld.idx.msk [tilespmem:v15+s3+$0x0], $0xffff;
	[tilespmem:v1+s11+$0x0 ss:$0x1] =	vst.idx.msk $0xffff, v12  }
0x2ea: {  	v12 =	vadd.s32 $0x400, v59;
	v14 =	vld.idx.msk [tilespmem:v19+s3+$0x0], $0xffff;
	[tilespmem:v1+s9+$0x10 ss:$0x1] =	vst.idx.msk $0xffff, v13  }
0x2eb: {  	v4 =	vld.idx.msk [tilespmem:v60+s3+$0x0], $0xffff;
	[tilespmem:s25+$0x4050] =	vst v17  }
0x2ec: {  	[tilespmem:s28+$0x7010] =	vst v16;
	v16 =	vadd.s32 $0x500, v3;
	v15 =	vld.idx.msk [tilespmem:v9+s3+$0x0], $0xffff  }
0x2ed: {  	v13 =	vadd.s32 $0x600, v6;
	v9 =	vld.idx.msk [tilespmem:v18+s13+$0x0], $0xffff  }
0x2ee: {  	v17 =	vld.idx.msk [tilespmem:v2+s3+$0x0], $0xffff;
	[tilespmem:s31+$0x3050] =	vst v11;
	v11 =	vadd.s32 $0x300, v7  }
0x2ef: {  	s14 =	sor.u32 $0x4400, s5;
	v18 =	vadd.s32 $0x100, v2;
	v12 =	vld.idx.msk [tilespmem:v12+s3+$0x0], $0xffff  }
0x2f0: {  	[tilespmem:v1+s14+$0x0 ss:$0x1] =	vst.idx.msk $0xffff, v14;
	v19 =	vld.idx.msk [tilespmem:v8+s3+$0x0], $0xffff  }
0x2f1: {  	v14 =	vadd.s32 $0x100, v8;
	v16 =	vld.idx.msk [tilespmem:v16+s3+$0x0], $0xffff;
	[tilespmem:s25+$0x5050] =	vst v15  }
0x2f2: {  	[tilespmem:v1+s15+$0x10 ss:$0x1] =	vst.idx.msk $0xffff, v4;
	v15 =	vadd.s32 $0x500, v59;
	v13 =	vld.idx.msk [tilespmem:v13+s3+$0x0], $0xffff  }
0x2f3: {  	v61 =	vadd.s32 $0x700, v6;
	[tilespmem:s10+$0x430] =	vst v17;
	v62 =	vld.idx.msk [tilespmem:v11+s3+$0x0], $0xffff  }
0x2f4: {  	v17 =	vld.idx.msk [tilespmem:v18+s3+$0x0], $0xffff;
	[tilespmem:s31+$0x4050] =	vst v12  }
0x2f5: {  	s8 =	sor.u32 $0x5400, s5;
	v11 =	vadd.s32 $0x600, v3;
	[tilespmem:s29+$0x20] =	vst v19;
	v12 =	vld.idx.msk [tilespmem:v9+s3+$0x0], $0xffff  }
0x2f6: {  	v18 =	vadd.s32 $0x400, v7;
	v14 =	vld.idx.msk [tilespmem:v14+s3+$0x0], $0xffff;
	[tilespmem:v1+s8+$0x0 ss:$0x1] =	vst.idx.msk $0xffff, v16  }
0x2f7: {  	v21 =	vadd.s32 $0x200, v8;
	v15 =	vld.idx.msk [tilespmem:v15+s3+$0x0], $0xffff;
	[tilespmem:s25+$0x6050] =	vst v13  }
0x2f8: {  	v13 =	vadd.s32 $0x600, v59;
	v4 =	vld.idx.msk [tilespmem:v61+s3+$0x0], $0xffff;
	[dreg:$0x9] =	wrdreg s8  }
0x2f9: {  	v19 =	vadd.s32 $0x100, v9;
	[tilespmem:v1+s7+$0x10 ss:$0x1] =	vst.idx.msk $0xffff, v62  }
0x2fa: {  	v20 =	vadd.s32 $0x200, v2;
	v11 =	vld.idx.msk [tilespmem:v11+s3+$0x0], $0xffff;
	s12 =	sld [smem:$0x7EE];
	[tilespmem:s28+$0x20] =	vst v12  }
0x2fb: {  	s24 =	sadd.s32 $0x1803, s20;
	v18 =	vld.idx.msk [tilespmem:v18+s3+$0x0], $0xffff;
	[tilespmem:s29+$0x1020] =	vst v14  }
0x2fc: {  	v16 =	vor.u32 s24, v0;
	[tilespmem:s31+$0x5050] =	vst v15;
	v14 =	vld.idx.msk [tilespmem:v21+s3+$0x0], $0xffff  }
0x2fd: {  	v3 =	vadd.s32 $0x700, v3;
	v13 =	vld.idx.msk [tilespmem:v13+s3+$0x0], $0xffff;
	[tilespmem:v1+s12+$0x30 ss:$0x1] =	vst.idx.msk $0xffff, v17  }
0x2fe: {  	s24 =	smov.u32 s7;
	s7 =	sor.u32 $0x6400, s5;
	v15 =	vadd.s32 $0x500, v7;
	v17 =	vld.idx.msk [tilespmem:v19+s3+$0x0], $0xffff;
	[tilespmem:s25+$0x7050] =	vst v4  }
0x2ff: {  	v12 =	vld.idx.msk [tilespmem:v20+s3+$0x0], $0xffff;
	[tilespmem:v1+s7+$0x0 ss:$0x1] =	vst.idx.msk $0xffff, v11  }
0x300: {  	v63 =	vadd.s32 $0x200, v9;
	[tilespmem:v1+s6+$0x10 ss:$0x1] =	vst.idx.msk $0xffff, v18  }
0x301: {  	v5 =	vadd.s32 $0x700, v59;
	v32 =	vld.idx.msk [tilespmem:v16+s13+$0x0], $0xffff;
	s4 =	sld [smem:$0x7EF];
	[tilespmem:s29+$0x2020] =	vst v14  }
0x302: {  	v11 =	vadd.s32 $0x300, v8;
	v3 =	vld.idx.msk [tilespmem:v3+s3+$0x0], $0xffff;
	[tilespmem:s31+$0x6050] =	vst v13  }
0x303: {  	v19 =	vadd.s32 $0x300, v2;
	s12 =	smov.u32 s6;
	s6 =	sadd.s32 $0x2402, s22;
	v15 =	vld.idx.msk [tilespmem:v15+s3+$0x0], $0xffff;
	[tilespmem:s28+$0x1020] =	vst v17  }
0x304: {  	v17 =	vor.u32 s6, v0;
	s6 =	sadd.s32 $0x1802, s20;
	[tilespmem:v1+s4+$0x30 ss:$0x1] =	vst.idx.msk $0xffff, v12  }
0x305: {  	v4 =	vld.idx.msk [tilespmem:v63+s3+$0x0], $0xffff;
	v14 =	vor.u32 s6, v0;
	s6 =	sor.u32 $0x7400, s5;
	s5 =	sld [smem:$0x7EC]  }
0x306: {  	v5 =	vld.idx.msk [tilespmem:v5+s3+$0x0], $0xffff  }
0x307: {  	v16 =	vadd.s32 $0x600, v7;
	v11 =	vld.idx.msk [tilespmem:v11+s3+$0x0], $0xffff;
	[tilespmem:v1+s6+$0x0 ss:$0x1] =	vst.idx.msk $0xffff, v3  }
0x308: {  	v13 =	vadd.s32 $0x300, v9;
	v12 =	vld.idx.msk [tilespmem:v19+s3+$0x0], $0xffff;
	[tilespmem:v1+s5+$0x10 ss:$0x1] =	vst.idx.msk $0xffff, v15  }
0x309: {  	v18 =	vadd.s32 $0x400, v8;
	v19 =	vld.idx.msk [tilespmem:v32+s3+$0x0], $0xffff;
	[dreg:$0x1d] =	wrdreg s6  }
0x30a: {  	[tilespmem:s28+$0x2020] =	vst v4  }
0x30b: {  	[tilespmem:s31+$0x7050] =	vst v5  }
0x30c: {  	v16 =	vld.idx.msk [tilespmem:v16+s3+$0x0], $0xffff;
	[tilespmem:s29+$0x3020] =	vst v11  }
0x30d: {  	[tilespmem:v1+s17+$0x30 ss:$0x1] =	vst.idx.msk $0xffff, v12;
	v13 =	vld.idx.msk [tilespmem:v13+s3+$0x0], $0xffff  }
0x30e: {  	v15 =	vadd.s32 $0x400, v2;
	v11 =	vld.idx.msk [tilespmem:v18+s3+$0x0], $0xffff;
	s17 =	sld [smem:$0x7ED]  }
0x30f: {  	v7 =	vadd.s32 $0x700, v7  }
0x310: {  	v3 =	vld.idx.msk [tilespmem:v17+s13+$0x0], $0xffff;
	v17 =	vadd.s32 $0x100, v32;
	[tilespmem:s25+$0x60] =	vst v19  }
0x311: {  	[tilespmem:v1+s17+$0x10 ss:$0x1] =	vst.idx.msk $0xffff, v16  }
0x312: {  	v33 =	vadd.s32 $0x400, v9;
	v34 =	vld.idx.msk [tilespmem:v14+s13+$0x0], $0xffff;
	[tilespmem:s28+$0x3020] =	vst v13  }
0x313: {  	s4 =	sadd.s32 $0x2803, s22;
	v12 =	vld.idx.msk [tilespmem:v15+s3+$0x0], $0xffff;
	[tilespmem:s29+$0x4020] =	vst v11  }
0x314: {  	v15 =	vor.u32 s4, v0;
	v7 =	vld.idx.msk [tilespmem:v7+s3+$0x0], $0xffff;
	s4 =	sld [smem:$0x7EB]  }
0x315: {  	v14 =	vadd.s32 $0x500, v8;
	v16 =	vld.idx.msk [tilespmem:v17+s3+$0x0], $0xffff;
	_ =	sdelay $0x1  }
0x316: {  	v17 =	vld.idx.msk [tilespmem:v33+s3+$0x0], $0xffff;
	[tilespmem:v1+s4+$0x34 ss:$0x1] =	vst.idx.msk $0xffff, v10  }
0x317: {  	v11 =	vld.idx.msk [tilespmem:v3+s3+$0x0], $0xffff;
	v10 =	vadd.s32 $0x500, v9;
	[dreg:$0xa] =	wrdreg s7  }
0x318: {  	v13 =	vadd.s32 $0x200, v32;
	[tilespmem:v1+s2+$0x10 ss:$0x1] =	vst.idx.msk $0xffff, v7  }
0x319: {  	v18 =	vadd.s32 $0x500, v2;
	v14 =	vld.idx.msk [tilespmem:v14+s3+$0x0], $0xffff;
	[tilespmem:s25+$0x1060] =	vst v16  }
0x31a: {  	v19 =	vadd.s32 $0x100, v3;
	v20 =	vld.idx.msk [tilespmem:v34+s3+$0x0], $0xffff;
	s4 =	sld [smem:$0x7F1]  }
0x31b: {  	v35 =	vadd.s32 $0x600, v8;
	v36 =	vld.idx.msk [tilespmem:v15+s13+$0x0], $0xffff;
	[tilespmem:s28+$0x4020] =	vst v17  }
0x31c: {  	v15 =	vadd.s32 $0x100, v34;
	[tilespmem:s23+$0x410] =	vst v11;
	v10 =	vld.idx.msk [tilespmem:v10+s3+$0x0], $0xffff  }
0x31d: {  	v11 =	vadd.s32 $0x600, v9;
	[tilespmem:v1+s4+$0x30 ss:$0x1] =	vst.idx.msk $0xffff, v12;
	v12 =	vld.idx.msk [tilespmem:v13+s3+$0x0], $0xffff  }
0x31e: {  	v13 =	vadd.s32 $0x300, v32;
	v16 =	vld.idx.msk [tilespmem:v18+s3+$0x0], $0xffff;
	[dreg:$0x12] =	wrdreg s23  }
0x31f: {  	[tilespmem:s29+$0x5020] =	vst v14;
	v14 =	vld.idx.msk [tilespmem:v19+s3+$0x0], $0xffff  }
0x320: {  	v17 =	vadd.s32 $0x200, v3;
	[tilespmem:s31+$0x60] =	vst v20;
	v7 =	vld.idx.msk [tilespmem:v35+s3+$0x0], $0xffff  }
0x321: {  	v18 =	vadd.s32 $0x600, v2;
	v15 =	vld.idx.msk [tilespmem:v15+s3+$0x0], $0xffff;
	[tilespmem:s28+$0x5020] =	vst v10  }
0x322: {  	v8 =	vadd.s32 $0x700, v8;
	[tilespmem:s25+$0x2060] =	vst v12;
	v11 =	vld.idx.msk [tilespmem:v11+s3+$0x0], $0xffff  }
0x323: {  	v12 =	vadd.s32 $0x200, v34;
	v13 =	vld.idx.msk [tilespmem:v13+s3+$0x0], $0xffff;
	[tilespmem:v1+s18+$0x30 ss:$0x1] =	vst.idx.msk $0xffff, v16  }
0x324: {  	v9 =	vadd.s32 $0x700, v9;
	v16 =	vld.idx.msk [tilespmem:v36+s3+$0x0], $0xffff;
	[tilespmem:v1+s30+$0x10 ss:$0x1] =	vst.idx.msk $0xffff, v14  }
0x325: {  	v10 =	vadd.s32 $0x400, v32;
	v37 =	vld.idx.msk [tilespmem:v17+s3+$0x0], $0xffff  }
0x326: {  	v14 =	vadd.s32 $0x100, v36;
	[tilespmem:s29+$0x6020] =	vst v7;
	v17 =	vld.idx.msk [tilespmem:v18+s3+$0x0], $0xffff  }
0x327: {  	v2 =	vadd.s32 $0x700, v2;
	s18 =	sadd.s32 $0xC03, s26;
	[tilespmem:s31+$0x1060] =	vst v15;
	v8 =	vld.idx.msk [tilespmem:v8+s3+$0x0], $0xffff  }
0x328: {  	v15 =	vor.u32 s18, v0;
	v12 =	vld.idx.msk [tilespmem:v12+s3+$0x0], $0xffff;
	[tilespmem:s28+$0x6020] =	vst v11  }
0x329: {  	[tilespmem:s25+$0x3060] =	vst v13;
	v13 =	vadd.s32 $0x300, v3;
	v9 =	vld.idx.msk [tilespmem:v9+s3+$0x0], $0xffff  }
0x32a: {  	[tilespmem:s0+$0x420] =	vst v16;
	v16 =	vadd.s32 $0x300, v34;
	v10 =	vld.idx.msk [tilespmem:v10+s3+$0x0], $0xffff  }
0x32b: {  	v11 =	vadd.s32 $0x500, v32;
	v14 =	vld.idx.msk [tilespmem:v14+s3+$0x0], $0xffff;
	[tilespmem:v1+s16+$0x30 ss:$0x1] =	vst.idx.msk $0xffff, v17  }
0x32c: {  	s18 =	sadd.s32 $0xC02, s26;
	[tilespmem:s29+$0x7020] =	vst v8;
	v2 =	vld.idx.msk [tilespmem:v2+s3+$0x0], $0xffff  }
0x32d: {  	v19 =	vor.u32 s18, v0;
	[tilespmem:v1+s21+$0x10 ss:$0x1] =	vst.idx.msk $0xffff, v37;
	v8 =	vld.idx.msk [tilespmem:v15+s13+$0x0], $0xffff  }
0x32e: {  	s1 =	sadd.s32 $0x2D02, s1;
	v18 =	vadd.s32 $0x200, v36;
	[tilespmem:s31+$0x2060] =	vst v12;
	v13 =	vld.idx.msk [tilespmem:v13+s3+$0x0], $0xffff  }
0x32f: {  	v15 =	vld.idx.msk [tilespmem:v16+s3+$0x0], $0xffff;
	v16 =	vadd.s32 s1, v0;
	[tilespmem:s25+$0x4060] =	vst v10  }
0x330: {  	v12 =	vadd.s32 $0x400, v3;
	v10 =	vld.idx.msk [tilespmem:v11+s3+$0x0], $0xffff  }
0x331: {  	[tilespmem:s28+$0x7020] =	vst v9;
	v9 =	vadd.s32 $0x600, v32  }
0x332: {  	[tilespmem:v1+s9+$0x20 ss:$0x1] =	vst.idx.msk $0xffff, v14;
	v38 =	vld.idx.msk [tilespmem:v19+s13+$0x0], $0xffff  }
0x333: {  	v14 =	vadd.s32 $0x400, v34;
	v11 =	vld.idx.msk [tilespmem:v18+s3+$0x0], $0xffff;
	[tilespmem:v1+s19+$0x30 ss:$0x1] =	vst.idx.msk $0xffff, v2  }
0x334: {  	[tilespmem:v1+s11+$0x10 ss:$0x1] =	vst.idx.msk $0xffff, v13;
	v13 =	vadd.s32 $0x300, v36;
	v2 =	vld.idx.msk [tilespmem:v16+s13+$0x0], $0xffff  }
0x335: {  	v12 =	vld.idx.msk [tilespmem:v12+s3+$0x0], $0xffff;
	[tilespmem:s25+$0x5060] =	vst v10  }
0x336: {  	v10 =	vadd.s32 $0x500, v3;
	v9 =	vld.idx.msk [tilespmem:v9+s3+$0x0], $0xffff  }
0x337: {  	v6 =	vadd.s32 $0x700, v32;
	[tilespmem:s31+$0x3060] =	vst v15;
	v17 =	vld.idx.msk [tilespmem:v8+s3+$0x0], $0xffff  }
0x338: {  	v14 =	vld.idx.msk [tilespmem:v14+s3+$0x0], $0xffff;
	[tilespmem:v1+s15+$0x20 ss:$0x1] =	vst.idx.msk $0xffff, v11;
	v11 =	vadd.s32 $0x100, v8  }
0x339: {  	v15 =	vadd.s32 $0x500, v34;
	v13 =	vld.idx.msk [tilespmem:v13+s3+$0x0], $0xffff  }
0x33a: {  	v16 =	vadd.s32 $0x400, v36;
	[tilespmem:v1+s14+$0x10 ss:$0x1] =	vst.idx.msk $0xffff, v12;
	v12 =	vld.idx.msk [tilespmem:v38+s3+$0x0], $0xffff  }
0x33b: {  	v18 =	vadd.s32 $0x100, v38;
	v10 =	vld.idx.msk [tilespmem:v10+s3+$0x0], $0xffff;
	[tilespmem:s25+$0x6060] =	vst v9  }
0x33c: {  	s4 =	sadd.s32 $0x1C03, s20;
	[tilespmem:s29+$0x30] =	vst v17;
	v9 =	vadd.s32 $0x600, v3;
	v6 =	vld.idx.msk [tilespmem:v6+s3+$0x0], $0xffff  }
0x33d: {  	[tilespmem:s31+$0x4060] =	vst v14;
	v17 =	vor.u32 s4, v0;
	v11 =	vld.idx.msk [tilespmem:v11+s3+$0x0], $0xffff  }
0x33e: {  	v14 =	vadd.s32 $0x200, v8;
	v15 =	vld.idx.msk [tilespmem:v15+s3+$0x0], $0xffff;
	[tilespmem:v1+s24+$0x20 ss:$0x1] =	vst.idx.msk $0xffff, v13  }
0x33f: {  	v16 =	vld.idx.msk [tilespmem:v16+s3+$0x0], $0xffff;
	[tilespmem:s28+$0x30] =	vst v12  }
0x340: {  	v12 =	vld.idx.msk [tilespmem:v18+s3+$0x0], $0xffff;
	[tilespmem:v1+s8+$0x10 ss:$0x1] =	vst.idx.msk $0xffff, v10;
	v10 =	vadd.s32 $0x500, v36  }
0x341: {  	v13 =	vadd.s32 $0x600, v34;
	v18 =	vld.idx.msk [tilespmem:v9+s3+$0x0], $0xffff;
	[tilespmem:s25+$0x7060] =	vst v6  }
0x342: {  	v39 =	vadd.s32 $0x200, v38;
	[tilespmem:s29+$0x1030] =	vst v11;
	v9 =	vld.idx.msk [tilespmem:v17+s13+$0x0], $0xffff  }
0x343: {  	[tilespmem:s31+$0x5060] =	vst v15;
	v11 =	vadd.s32 $0x700, v3;
	v14 =	vld.idx.msk [tilespmem:v14+s3+$0x0], $0xffff  }
0x344: {  	v15 =	vadd.s32 $0x300, v8;
	v3 =	vld.idx.msk [tilespmem:v2+s3+$0x0], $0xffff;
	[tilespmem:v1+s12+$0x20 ss:$0x1] =	vst.idx.msk $0xffff, v16  }
0x345: {  	v10 =	vld.idx.msk [tilespmem:v10+s3+$0x0], $0xffff  }
0x346: {  	v13 =	vld.idx.msk [tilespmem:v13+s3+$0x0], $0xffff;
	[tilespmem:s28+$0x1030] =	vst v12;
	v12 =	vadd.s32 $0x600, v36  }
0x347: {  	v4 =	vadd.s32 $0x700, v34;
	v6 =	vld.idx.msk [tilespmem:v39+s3+$0x0], $0xffff;
	[tilespmem:v1+s7+$0x10 ss:$0x1] =	vst.idx.msk $0xffff, v18  }
0x348: {  	s18 =	smov.u32 s9;
	s9 =	sadd.s32 $0x2802, s22;
	v16 =	vadd.s32 $0x300, v38;
	[tilespmem:s29+$0x2030] =	vst v14;
	v11 =	vld.idx.msk [tilespmem:v11+s3+$0x0], $0xffff  }
0x349: {  	v14 =	vor.u32 s9, v0;
	v15 =	vld.idx.msk [tilespmem:v15+s3+$0x0], $0xffff  }
0x34a: {  	v17 =	vadd.s32 $0x400, v8;
	[tilespmem:v1+s5+$0x20 ss:$0x1] =	vst.idx.msk $0xffff, v10;
	v18 =	vld.idx.msk [tilespmem:v9+s3+$0x0], $0xffff  }
0x34b: {  	s19 =	rddreg [dreg:$0x3];
	[tilespmem:s31+$0x6060] =	vst v13;
	v10 =	vld.idx.msk [tilespmem:v12+s3+$0x0], $0xffff;
	v12 =	vadd.s32 $0x100, v9  }
0x34c: {  	v5 =	vadd.s32 $0x700, v36;
	s4 =	sadd.s32 $0x1C02, s20;
	s9 =	sadd.s32 $0x6, s19;
	v40 =	vld.idx.msk [tilespmem:v4+s3+$0x0], $0xffff;
	[tilespmem:s28+$0x2030] =	vst v6  }
0x34d: {  	s8 =	smov.u32 s5;
	v13 =	vor.u32 s4, v0;
	s5 =	sadd.s32 $0x3, s9;
	v16 =	vld.idx.msk [tilespmem:v16+s3+$0x0], $0xffff;
	[tilespmem:v1+s6+$0x10 ss:$0x1] =	vst.idx.msk $0xffff, v11  }
0x34e: {  	v11 =	vor.u32 s5, v0;
	s6 =	sadd.s32 $0x2, s9;
	[tilespmem:s29+$0x3030] =	vst v15;
	v41 =	vld.idx.msk [tilespmem:v14+s13+$0x0], $0xffff  }
0x34f: {  	v14 =	vor.u32 s6, v0;
	v15 =	vld.idx.msk [tilespmem:v17+s3+$0x0], $0xffff;
	[tilespmem:s25+$0x70] =	vst v18  }
0x350: {  	v17 =	vadd.s32 $0x500, v8;
	[tilespmem:v1+s17+$0x20 ss:$0x1] =	vst.idx.msk $0xffff, v10;
	v12 =	vld.idx.msk [tilespmem:v12+s3+$0x0], $0xffff  }
0x351: {  	[tilespmem:s31+$0x7060] =	vst v40;
	v10 =	vadd.s32 $0x400, v38;
	v18 =	vld.idx.msk [tilespmem:v5+s3+$0x0], $0xffff  }
0x352: {  	s7 =	sadd.s32 $0x2C03, s22;
	v42 =	vld.idx.msk [tilespmem:v13+s13+$0x0], $0xffff;
	v13 =	vadd.s32 $0x200, v9  }
0x353: {  	v19 =	vor.u32 s7, v0;
	v11 =	vld.idx.msk [tilespmem:v11+s13+$0x0], $0xffff;
	[tilespmem:s28+$0x3030] =	vst v16  }
0x354: {  	v43 =	vld.idx.msk [tilespmem:v14+s13+$0x0], $0xffff;
	[tilespmem:s29+$0x4030] =	vst v15  }
0x355: {  	v14 =	vld.idx.msk [tilespmem:v17+s3+$0x0], $0xffff;
	[tilespmem:s25+$0x1070] =	vst v12  }
0x356: {  	v15 =	vld.idx.msk [tilespmem:v10+s3+$0x0], $0xffff;
	[tilespmem:v1+s2+$0x20 ss:$0x1] =	vst.idx.msk $0xffff, v18  }
0x357: {  	v13 =	vld.idx.msk [tilespmem:v13+s3+$0x0], $0xffff;
	[smem:$0x7F7] =	sst s2  }
0x358: {  	v12 =	vadd.s32 $0x600, v8;
	v10 =	vld.idx.msk [tilespmem:v19+s13+$0x0], $0xffff  }
0x359: {  	v16 =	vadd.s32 $0x300, v9;
	v17 =	vld.idx.msk [tilespmem:v41+s3+$0x0], $0xffff  }
0x35a: {  	v19 =	vld.idx.msk [tilespmem:v42+s3+$0x0], $0xffff  }
0x35b: {  	v20 =	vld.idx.msk [tilespmem:v11+s3+$0x0], $0xffff;
	[tilespmem:s29+$0x5030] =	vst v14  }
0x35c: {  	v18 =	vadd.s32 $0x500, v38;
	v21 =	vld.idx.msk [tilespmem:v43+s3+$0x0], $0xffff;
	[tilespmem:s28+$0x4030] =	vst v15  }
0x35d: {  	s4 =	simm.s32 $0x800;
	v12 =	vld.idx.msk [tilespmem:v12+s3+$0x0], $0xffff;
	[tilespmem:s25+$0x2070] =	vst v13  }
0x35e: {  	s19 =	simm.s32 $0x800;
	v14 =	vadd.s32 $0x100, v42;
	v13 =	vld.idx.msk [tilespmem:v16+s3+$0x0], $0xffff;
	[dreg:$0x13] =	wrdreg s4  }
0x35f: {  	s7 =	simm.s32 $0x480;
	s5 =	sand.u32 $0x800, s19;
	v22 =	vadd.s32 $0x100, v11;
	s19 =	rddreg [dreg:$0x4]  }
0x360: {  	v8 =	vadd.s32 $0x700, v8;
	[dreg:$0x7] =	wrdreg s21;
	s1 =	sadd.s32 s5, s19;
	s5 =	simm.s32 $0x480  }
0x361: {  	s7 =	sand.u32 $0x380, s7;
	v15 =	vadd.s32 $0x100, v43;
	v16 =	vld.idx.msk [tilespmem:v18+s3+$0x0], $0xffff;
	[dreg:$0x14] =	wrdreg s5  }
0x362: {  	v18 =	vadd.s32 $0x400, v9;
	s19 =	simm.s32 $0x400;
	s7 =	sadd.s32 s7, s1;
	[tilespmem:s31+$0x70] =	vst v19;
	v19 =	vld.idx.msk [tilespmem:v10+s3+$0x0], $0xffff  }
0x363: {  	v23 =	vadd.s32 $0x600, v38;
	s5 =	sand.u32 $0x300, s19;
	[tilespmem:s7+$0x0] =	vst v20;
	v14 =	vld.idx.msk [tilespmem:v14+s3+$0x0], $0xffff  }
0x364: {  	s19 =	sadd.s32 s5, s1;
	[tilespmem:s29+$0x6030] =	vst v12;
	v12 =	vadd.s32 $0x100, v10;
	v20 =	vld.idx.msk [tilespmem:v22+s3+$0x0], $0xffff  }
0x365: {  	v22 =	vadd.s32 $0x200, v42;
	[tilespmem:s19+$0x0] =	vst v21;
	v8 =	vld.idx.msk [tilespmem:v8+s3+$0x0], $0xffff  }
0x366: {  	s6 =	smov.u32 s2;
	s2 =	sadd.s32 $0x1003, s26;
	v21 =	vadd.s32 $0x200, v11;
	v15 =	vld.idx.msk [tilespmem:v15+s3+$0x0], $0xffff;
	[tilespmem:s25+$0x3070] =	vst v13  }
0x367: {  	v13 =	vor.u32 s2, v0;
	[tilespmem:s28+$0x5030] =	vst v16;
	v16 =	vld.idx.msk [tilespmem:v18+s3+$0x0], $0xffff  }
0x368: {  	v18 =	vadd.s32 $0x200, v43;
	v23 =	vld.idx.msk [tilespmem:v23+s3+$0x0], $0xffff;
	[tilespmem:s0+$0x430] =	vst v19  }
0x369: {  	v7 =	vadd.s32 $0x700, v38;
	[tilespmem:s31+$0x1070] =	vst v14;
	v12 =	vld.idx.msk [tilespmem:v12+s3+$0x0], $0xffff  }
0x36a: {  	v14 =	vadd.s32 $0x500, v9;
	[tilespmem:s7+$0x1000] =	vst v20;
	v19 =	vld.idx.msk [tilespmem:v22+s3+$0x0], $0xffff  }
0x36b: {  	[tilespmem:s29+$0x7030] =	vst v8;
	v20 =	vld.idx.msk [tilespmem:v21+s3+$0x0], $0xffff;
	v21 =	vadd.s32 $0x200, v10  }
0x36c: {  	[tilespmem:s19+$0x1000] =	vst v15;
	v8 =	vld.idx.msk [tilespmem:v13+s13+$0x0], $0xffff;
	v13 =	vadd.s32 $0x100, v41  }
0x36d: {  	v22 =	vadd.s32 $0x300, v42;
	v15 =	vld.idx.msk [tilespmem:v18+s3+$0x0], $0xffff;
	[tilespmem:s28+$0x6030] =	vst v23  }
0x36e: {  	[tilespmem:s25+$0x4070] =	vst v16;
	v16 =	vadd.s32 $0x300, v11;
	v7 =	vld.idx.msk [tilespmem:v7+s3+$0x0], $0xffff  }
0x36f: {  	v14 =	vld.idx.msk [tilespmem:v14+s3+$0x0], $0xffff;
	[tilespmem:v1+s18+$0x30 ss:$0x1] =	vst.idx.msk $0xffff, v12  }
0x370: {  	[tilespmem:s23+$0x420] =	vst v17;
	v12 =	vadd.s32 $0x600, v9;
	v18 =	vld.idx.msk [tilespmem:v21+s3+$0x0], $0xffff  }
0x371: {  	s4 =	sadd.s32 $0x1002, s26;
	[tilespmem:s31+$0x2070] =	vst v19;
	v19 =	vadd.s32 $0x300, v43;
	v13 =	vld.idx.msk [tilespmem:v13+s3+$0x0], $0xffff  }
0x372: {  	[tilespmem:s7+$0x2000] =	vst v20;
	v21 =	vor.u32 s4, v0;
	v17 =	vld.idx.msk [tilespmem:v22+s3+$0x0], $0xffff  }
0x373: {  	v20 =	vadd.s32 $0x300, v10;
	v16 =	vld.idx.msk [tilespmem:v16+s3+$0x0], $0xffff  }
0x374: {  	v22 =	vadd.s32 $0x400, v42;
	v23 =	vld.idx.msk [tilespmem:v8+s3+$0x0], $0xffff;
	[tilespmem:s25+$0x5070] =	vst v14  }
0x375: {  	[tilespmem:s19+$0x2000] =	vst v15;
	v14 =	vadd.s32 $0x400, v11;
	v12 =	vld.idx.msk [tilespmem:v12+s3+$0x0], $0xffff  }
0x376: {  	s16 =	smov.u32 s15;
	[tilespmem:s28+$0x7030] =	vst v7;
	v15 =	vld.idx.msk [tilespmem:v19+s3+$0x0], $0xffff;
	v19 =	vadd.s32 $0x100, v8  }
0x377: {  	v44 =	vadd.s32 $0x700, v9;
	[tilespmem:v1+s16+$0x30 ss:$0x1] =	vst.idx.msk $0xffff, v18;
	v9 =	vld.idx.msk [tilespmem:v21+s13+$0x0], $0xffff  }
0x378: {  	v18 =	vld.idx.msk [tilespmem:v20+s3+$0x0], $0xffff;
	v20 =	vadd.s32 $0x400, v43;
	[tilespmem:s31+$0x3070] =	vst v17  }
0x379: {  	v21 =	vadd.s32 $0x200, v41;
	[tilespmem:s7+$0x3000] =	vst v16;
	v16 =	vld.idx.msk [tilespmem:v22+s3+$0x0], $0xffff  }
0x37a: {  	v17 =	vadd.s32 $0x400, v10;
	[tilespmem:s29+$0x40] =	vst v23;
	v14 =	vld.idx.msk [tilespmem:v14+s3+$0x0], $0xffff  }
0x37b: {  	v19 =	vld.idx.msk [tilespmem:v19+s3+$0x0], $0xffff;
	[tilespmem:s25+$0x6070] =	vst v12  }
0x37c: {  	[tilespmem:s19+$0x3000] =	vst v15;
	v12 =	vadd.s32 $0x500, v11;
	v7 =	vld.idx.msk [tilespmem:v44+s3+$0x0], $0xffff  }
0x37d: {  	s5 =	sadd.s32 $0x2003, s20;
	[tilespmem:v1+s30+$0x20 ss:$0x1] =	vst.idx.msk $0xffff, v13;
	v15 =	vld.idx.msk [tilespmem:v20+s3+$0x0], $0xffff;
	v20 =	vadd.s32 $0x200, v8  }
0x37e: {  	v21 =	vld.idx.msk [tilespmem:v21+s3+$0x0], $0xffff;
	[tilespmem:v1+s24+$0x30 ss:$0x1] =	vst.idx.msk $0xffff, v18;
	v18 =	vor.u32 s5, v0  }
0x37f: {  	v13 =	vld.idx.msk [tilespmem:v17+s3+$0x0], $0xffff;
	v17 =	vadd.s32 $0x500, v43  }
0x380: {  	v22 =	vadd.s32 $0x500, v10;
	[tilespmem:s7+$0x4000] =	vst v14;
	v14 =	vld.idx.msk [tilespmem:v9+s3+$0x0], $0xffff  }
0x381: {  	v23 =	vadd.s32 $0x500, v42;
	v12 =	vld.idx.msk [tilespmem:v12+s3+$0x0], $0xffff;
	[tilespmem:s29+$0x1040] =	vst v19  }
0x382: {  	v19 =	vadd.s32 $0x100, v9;
	v20 =	vld.idx.msk [tilespmem:v20+s3+$0x0], $0xffff;
	[tilespmem:s25+$0x7070] =	vst v7  }
0x383: {  	[tilespmem:s19+$0x4000] =	vst v15;
	v15 =	vadd.s32 $0x600, v11;
	v7 =	vld.idx.msk [tilespmem:v18+s13+$0x0], $0xffff  }
0x384: {  	v18 =	vadd.s32 $0x300, v41;
	v17 =	vld.idx.msk [tilespmem:v17+s3+$0x0], $0xffff;
	[tilespmem:v1+s12+$0x30 ss:$0x1] =	vst.idx.msk $0xffff, v13  }
0x385: {  	[tilespmem:s31+$0x4070] =	vst v16;
	v13 =	vadd.s32 $0x300, v8;
	v16 =	vld.idx.msk [tilespmem:v22+s3+$0x0], $0xffff  }
0x386: {  	[tilespmem:s28+$0x40] =	vst v14;
	v14 =	vld.idx.msk [tilespmem:v23+s3+$0x0], $0xffff  }
0x387: {  	[tilespmem:s7+$0x5000] =	vst v12;
	v12 =	vld.idx.msk [tilespmem:v19+s3+$0x0], $0xffff;
	v19 =	vadd.s32 $0x600, v10  }
0x388: {  	[tilespmem:v1+s21+$0x20 ss:$0x1] =	vst.idx.msk $0xffff, v21;
	v22 =	vadd.s32 $0x600, v43;
	v15 =	vld.idx.msk [tilespmem:v15+s3+$0x0], $0xffff  }
0x389: {  	v21 =	vadd.s32 $0x200, v9;
	[tilespmem:s29+$0x2040] =	vst v20;
	v18 =	vld.idx.msk [tilespmem:v18+s3+$0x0], $0xffff  }
0x38a: {  	v11 =	vadd.s32 $0x700, v11;
	v13 =	vld.idx.msk [tilespmem:v13+s3+$0x0], $0xffff;
	[tilespmem:s19+$0x5000] =	vst v17  }
0x38b: {  	v20 =	vadd.s32 $0x600, v42;
	[tilespmem:v1+s8+$0x30 ss:$0x1] =	vst.idx.msk $0xffff, v16;
	v23 =	vld.idx.msk [tilespmem:v7+s3+$0x0], $0xffff  }
0x38c: {  	v16 =	vadd.s32 $0x400, v8;
	[tilespmem:s31+$0x5070] =	vst v14;
	v17 =	vld.idx.msk [tilespmem:v19+s3+$0x0], $0xffff  }
0x38d: {  	v19 =	vld.idx.msk [tilespmem:v22+s3+$0x0], $0xffff;
	[tilespmem:s28+$0x1040] =	vst v12;
	v12 =	vadd.s32 $0x100, v7  }
0x38e: {  	v10 =	vadd.s32 $0x700, v10;
	[tilespmem:s7+$0x6000] =	vst v15;
	v15 =	vld.idx.msk [tilespmem:v21+s3+$0x0], $0xffff  }
0x38f: {  	v6 =	vadd.s32 $0x700, v43;
	v11 =	vld.idx.msk [tilespmem:v11+s3+$0x0], $0xffff;
	[tilespmem:s29+$0x3040] =	vst v13  }
0x390: {  	v13 =	vld.idx.msk [tilespmem:v20+s3+$0x0], $0xffff;
	[tilespmem:s25+$0x400] =	vst v23  }
0x391: {  	s8 =	sadd.s32 $0x403, s9;
	v14 =	vadd.s32 $0x300, v9;
	v16 =	vld.idx.msk [tilespmem:v16+s3+$0x0], $0xffff;
	[tilespmem:v1+s17+$0x30 ss:$0x1] =	vst.idx.msk $0xffff, v17  }
0x392: {  	v20 =	vor.u32 s8, v0;
	[tilespmem:s19+$0x6000] =	vst v19;
	v12 =	vld.idx.msk [tilespmem:v12+s3+$0x0], $0xffff  }
0x393: {  	v5 =	vadd.s32 $0x700, v42;
	s17 =	simm.s32 $0x400;
	v10 =	vld.idx.msk [tilespmem:v10+s3+$0x0], $0xffff;
	[tilespmem:s28+$0x2040] =	vst v15  }
0x394: {  	v17 =	vadd.s32 $0x500, v8;
	v19 =	vld.idx.msk [tilespmem:v6+s3+$0x0], $0xffff;
	s1 =	sand.u32 $0xFFFFF800, s17;
	[smem:$0x7F2] =	sst s22  }
0x395: {  	s21 =	sadd.s32 $0x2D03, s22;
	v15 =	vadd.s32 $0x200, v7;
	s1 =	sadd.s32 $0x200, s1;
	[tilespmem:s7+$0x7000] =	vst v11  }
0x396: {  	v21 =	vadd.s32 s21, v0;
	s17 =	smov.u32 s22;
	s22 =	sadd.s32 $0x402, s9;
	v14 =	vld.idx.msk [tilespmem:v14+s3+$0x0], $0xffff;
	[tilespmem:s31+$0x6070] =	vst v13;
	s2 =	sadd.s32 $0x80, s1  }
0x397: {  	s4 =	smov.u32 s16;
	s16 =	smov.u32 s30;
	v22 =	vor.u32 s22, v0;
	[tilespmem:s29+$0x4040] =	vst v16;
	v45 =	vld.idx.msk [tilespmem:v20+s13+$0x0], $0xffff;
	s30 =	sor.u32 $0x1400, s2  }
0x398: {  	v16 =	vadd.s32 $0x400, v41;
	v5 =	vld.idx.msk [tilespmem:v5+s3+$0x0], $0xffff;
	[tilespmem:v1+s30+$0x0 ss:$0x1] =	vst.idx.msk $0xffff, v12  }
0x399: {  	s23 =	sadd.s32 $0x2002, s20;
	v13 =	vadd.s32 $0x400, v9;
	v17 =	vld.idx.msk [tilespmem:v17+s3+$0x0], $0xffff;
	[tilespmem:v1+s6+$0x30 ss:$0x1] =	vst.idx.msk $0xffff, v10  }
0x39a: {  	[tilespmem:s19+$0x7000] =	vst v19;
	v19 =	vor.u32 s23, v0;
	v12 =	vld.idx.msk [tilespmem:v15+s3+$0x0], $0xffff  }
0x39b: {  	v11 =	vld.idx.msk [tilespmem:v21+s13+$0x0], $0xffff  }
0x39c: {  	[tilespmem:v1+s11+$0x20 ss:$0x1] =	vst.idx.msk $0xffff, v18;
	v15 =	vadd.s32 $0x600, v8;
	v10 =	vld.idx.msk [tilespmem:v22+s13+$0x0], $0xffff  }
0x39d: {  	[tilespmem:s28+$0x3040] =	vst v14;
	v14 =	vadd.s32 $0x300, v7;
	v16 =	vld.idx.msk [tilespmem:v16+s3+$0x0], $0xffff  }
0x39e: {  	v13 =	vld.idx.msk [tilespmem:v13+s3+$0x0], $0xffff;
	[tilespmem:s31+$0x7070] =	vst v5  }
0x39f: {  	s6 =	sor.u32 $0x2400, s2;
	[tilespmem:s29+$0x5040] =	vst v17;
	v5 =	vld.idx.msk [tilespmem:v19+s13+$0x0], $0xffff  }
0x3a0: {  	v17 =	vadd.s32 $0x500, v9;
	v18 =	vld.idx.msk [tilespmem:v45+s3+$0x0], $0xffff;
	[tilespmem:v1+s6+$0x0 ss:$0x1] =	vst.idx.msk $0xffff, v12  }
0x3a1: {  	v15 =	vld.idx.msk [tilespmem:v15+s3+$0x0], $0xffff;
	[smem:$0x7F3] =	sst s6  }
0x3a2: {  	v20 =	vadd.s32 $0x100, v45;
	v12 =	vld.idx.msk [tilespmem:v14+s3+$0x0], $0xffff  }
0x3a3: {  	v8 =	vadd.s32 $0x700, v8;
	[tilespmem:s28+$0x4040] =	vst v13  }
0x3a4: {  	v14 =	vadd.s32 $0x500, v41;
	[tilespmem:v1+s14+$0x20 ss:$0x1] =	vst.idx.msk $0xffff, v16;
	v19 =	vld.idx.msk [tilespmem:v11+s3+$0x0], $0xffff  }
0x3a5: {  	v21 =	vadd.s32 $0x400, v7;
	v17 =	vld.idx.msk [tilespmem:v17+s3+$0x0], $0xffff;
	[tilespmem:s7+$0x10] =	vst v18  }
0x3a6: {  	s8 =	sor.u32 $0x3400, s2;
	v13 =	vld.idx.msk [tilespmem:v10+s3+$0x0], $0xffff;
	v18 =	vadd.s32 $0x100, v11;
	[tilespmem:s29+$0x6040] =	vst v15  }
0x3a7: {  	v22 =	vadd.s32 $0x100, v10;
	v20 =	vld.idx.msk [tilespmem:v20+s3+$0x0], $0xffff;
	[tilespmem:v1+s8+$0x0 ss:$0x1] =	vst.idx.msk $0xffff, v12  }
0x3a8: {  	v15 =	vadd.s32 $0x600, v9;
	v8 =	vld.idx.msk [tilespmem:v8+s3+$0x0], $0xffff;
	[smem:$0x7F4] =	sst s8  }
0x3a9: {  	v12 =	vld.idx.msk [tilespmem:v14+s3+$0x0], $0xffff  }
0x3aa: {  	s15 =	smov.u32 s24;
	s24 =	sadd.s32 $0x1403, s26;
	v16 =	vadd.s32 $0x200, v45;
	[tilespmem:s0+$0x434] =	vst v19;
	v19 =	vld.idx.msk [tilespmem:v21+s3+$0x0], $0xffff  }
0x3ab: {  	v14 =	vor.u32 s24, v0;
	[tilespmem:s19+$0x10] =	vst v13;
	v13 =	vld.idx.msk [tilespmem:v18+s3+$0x0], $0xffff  }
0x3ac: {  	[tilespmem:s28+$0x5040] =	vst v17;
	v18 =	vld.idx.msk [tilespmem:v22+s3+$0x0], $0xffff  }
0x3ad: {  	v15 =	vld.idx.msk [tilespmem:v15+s3+$0x0], $0xffff;
	[tilespmem:s7+$0x1010] =	vst v20  }
0x3ae: {  	s21 =	sor.u32 $0x4400, s2;
	v17 =	vadd.s32 $0x500, v7;
	v22 =	vld.idx.msk [tilespmem:v5+s3+$0x0], $0xffff;
	[tilespmem:s29+$0x7040] =	vst v8  }
0x3af: {  	v20 =	vadd.s32 $0x200, v11;
	v16 =	vld.idx.msk [tilespmem:v16+s3+$0x0], $0xffff;
	[tilespmem:v1+s21+$0x0 ss:$0x1] =	vst.idx.msk $0xffff, v19  }
0x3b0: {  	v21 =	vadd.s32 $0x200, v10;
	v8 =	vadd.s32 $0x700, v9;
	v9 =	vld.idx.msk [tilespmem:v14+s13+$0x0], $0xffff;
	[smem:$0x7F6] =	sst s21  }
0x3b1: {  	[tilespmem:v1+s18+$0x34 ss:$0x1] =	vst.idx.msk $0xffff, v13  }
0x3b2: {  	v13 =	vadd.s32 $0x300, v45;
	[tilespmem:s19+$0x1010] =	vst v18  }
0x3b3: {  	v17 =	vld.idx.msk [tilespmem:v17+s3+$0x0], $0xffff;
	[tilespmem:s28+$0x6040] =	vst v15  }
0x3b4: {  	s23 =	smov.u32 s11;
	s11 =	smov.u32 s14;
	v15 =	vadd.s32 $0x600, v7;
	v18 =	vld.idx.msk [tilespmem:v20+s3+$0x0], $0xffff;
	s14 =	rddreg [dreg:$0x9]  }
0x3b5: {  	v19 =	vld.idx.msk [tilespmem:v21+s3+$0x0], $0xffff;
	[tilespmem:v1+s14+$0x20 ss:$0x1] =	vst.idx.msk $0xffff, v12;
	v12 =	vadd.s32 $0x300, v11  }
0x3b6: {  	s5 =	sadd.s32 $0x1402, s26;
	v8 =	vld.idx.msk [tilespmem:v8+s3+$0x0], $0xffff;
	v20 =	vadd.s32 $0x300, v10;
	[tilespmem:s7+$0x2010] =	vst v16  }
0x3b7: {  	v16 =	vor.u32 s5, v0;
	s5 =	sor.u32 $0x5400, s2;
	[tilespmem:s31+$0x400] =	vst v22;
	v13 =	vld.idx.msk [tilespmem:v13+s3+$0x0], $0xffff  }
0x3b8: {  	v14 =	vadd.s32 $0x600, v41;
	[tilespmem:v1+s5+$0x0 ss:$0x1] =	vst.idx.msk $0xffff, v17;
	v23 =	vld.idx.msk [tilespmem:v9+s3+$0x0], $0xffff  }
0x3b9: {  	v21 =	vadd.s32 $0x100, v5;
	[tilespmem:v1+s4+$0x34 ss:$0x1] =	vst.idx.msk $0xffff, v18;
	v15 =	vld.idx.msk [tilespmem:v15+s3+$0x0], $0xffff  }
0x3ba: {  	v17 =	vadd.s32 $0x400, v45;
	[tilespmem:s19+$0x2010] =	vst v19;
	v12 =	vld.idx.msk [tilespmem:v12+s3+$0x0], $0xffff  }
0x3bb: {  	v18 =	vadd.s32 $0x100, v9;
	[tilespmem:s28+$0x7040] =	vst v8;
	v19 =	vld.idx.msk [tilespmem:v20+s3+$0x0], $0xffff  }
0x3bc: {  	v8 =	vadd.s32 $0x700, v7;
	v46 =	vld.idx.msk [tilespmem:v16+s13+$0x0], $0xffff;
	[tilespmem:s7+$0x3010] =	vst v13  }
0x3bd: {  	s22 =	smov.u32 s25;
	s25 =	sor.u32 $0x6400, s2;
	v14 =	vld.idx.msk [tilespmem:v14+s3+$0x0], $0xffff;
	v16 =	vadd.s32 $0x400, v11;
	[tilespmem:s29+$0x50] =	vst v23  }
0x3be: {  	v20 =	vadd.s32 $0x400, v10;
	v13 =	vld.idx.msk [tilespmem:v21+s3+$0x0], $0xffff;
	[tilespmem:v1+s25+$0x0 ss:$0x1] =	vst.idx.msk $0xffff, v15  }
0x3bf: {  	v17 =	vld.idx.msk [tilespmem:v17+s3+$0x0], $0xffff;
	[tilespmem:v1+s15+$0x34 ss:$0x1] =	vst.idx.msk $0xffff, v12  }
0x3c0: {  	v18 =	vld.idx.msk [tilespmem:v18+s3+$0x0], $0xffff;
	v12 =	vadd.s32 $0x500, v45;
	[tilespmem:s19+$0x3010] =	vst v19  }
0x3c1: {  	s24 =	smov.u32 s16;
	v15 =	vadd.s32 $0x200, v9;
	v8 =	vld.idx.msk [tilespmem:v8+s3+$0x0], $0xffff;
	s16 =	rddreg [dreg:$0xa]  }
0x3c2: {  	v4 =	vadd.s32 $0x700, v41;
	s18 =	sadd.s32 $0x2C02, s17;
	s17 =	sor.u32 $0x1400, s1;
	v16 =	vld.idx.msk [tilespmem:v16+s3+$0x0], $0xffff;
	[tilespmem:v1+s16+$0x20 ss:$0x1] =	vst.idx.msk $0xffff, v14  }
0x3c3: {  	s15 =	sadd.s32 $0x2403, s20;
	v14 =	vld.idx.msk [tilespmem:v20+s3+$0x0], $0xffff;
	[tilespmem:v1+s17+$0x0 ss:$0x1] =	vst.idx.msk $0xffff, v13  }
0x3c4: {  	v19 =	vor.u32 s15, v0;
	[tilespmem:s7+$0x4010] =	vst v17;
	v17 =	vld.idx.msk [tilespmem:v46+s3+$0x0], $0xffff  }
0x3c5: {  	s4 =	sor.u32 $0x7400, s2;
	v20 =	vadd.s32 $0x500, v11;
	v12 =	vld.idx.msk [tilespmem:v12+s3+$0x0], $0xffff;
	[tilespmem:s29+$0x1050] =	vst v18  }
0x3c6: {  	v21 =	vadd.s32 $0x500, v10;
	[tilespmem:v1+s4+$0x0 ss:$0x1] =	vst.idx.msk $0xffff, v8;
	v15 =	vld.idx.msk [tilespmem:v15+s3+$0x0], $0xffff  }
0x3c7: {  	v22 =	vadd.s32 $0x200, v5;
	v4 =	vld.idx.msk [tilespmem:v4+s3+$0x0], $0xffff;
	[tilespmem:v1+s12+$0x34 ss:$0x1] =	vst.idx.msk $0xffff, v16  }
0x3c8: {  	v18 =	vadd.s32 $0x100, v46;
	[tilespmem:s19+$0x4010] =	vst v14  }
0x3c9: {  	v16 =	vadd.s32 $0x600, v45;
	v8 =	vld.idx.msk [tilespmem:v19+s13+$0x0], $0xffff;
	[tilespmem:s28+$0x50] =	vst v17  }
0x3ca: {  	v19 =	vor.u32 s18, v0;
	v14 =	vld.idx.msk [tilespmem:v20+s3+$0x0], $0xffff;
	[tilespmem:s7+$0x5010] =	vst v12  }
0x3cb: {  	v20 =	vadd.s32 $0x300, v9;
	v13 =	vld.idx.msk [tilespmem:v21+s3+$0x0], $0xffff;
	s12 =	rddreg [dreg:$0x1d];
	[tilespmem:s29+$0x2050] =	vst v15  }
0x3cc: {  	v17 =	vld.idx.msk [tilespmem:v22+s3+$0x0], $0xffff;
	[tilespmem:v1+s12+$0x20 ss:$0x1] =	vst.idx.msk $0xffff, v4  }
0x3cd: {  	v12 =	vld.idx.msk [tilespmem:v18+s3+$0x0], $0xffff;
	v18 =	vadd.s32 $0x600, v10;
	s2 =	sld [smem:$0x7EC]  }
0x3ce: {  	v22 =	vadd.s32 $0x200, v46;
	v16 =	vld.idx.msk [tilespmem:v16+s3+$0x0], $0xffff  }
0x3cf: {  	v6 =	vadd.s32 $0x700, v45;
	v4 =	vld.idx.msk [tilespmem:v19+s13+$0x0], $0xffff  }
0x3d0: {  	v21 =	vadd.s32 $0x600, v11;
	[tilespmem:v1+s2+$0x34 ss:$0x1] =	vst.idx.msk $0xffff, v14;
	v14 =	vld.idx.msk [tilespmem:v20+s3+$0x0], $0xffff  }
0x3d1: {  	v15 =	vadd.s32 $0x300, v5;
	[tilespmem:s19+$0x5010] =	vst v13;
	v20 =	vld.idx.msk [tilespmem:v8+s3+$0x0], $0xffff  }
0x3d2: {  	v13 =	vadd.s32 $0x400, v9;
	v18 =	vld.idx.msk [tilespmem:v18+s3+$0x0], $0xffff;
	[tilespmem:s28+$0x1050] =	vst v12  }
0x3d3: {  	s18 =	sor.u32 $0x2400, s1;
	[tilespmem:s7+$0x6010] =	vst v16;
	v12 =	vld.idx.msk [tilespmem:v22+s3+$0x0], $0xffff;
	v16 =	vadd.s32 $0x100, v8  }
0x3d4: {  	v10 =	vadd.s32 $0x700, v10;
	[tilespmem:v1+s18+$0x0 ss:$0x1] =	vst.idx.msk $0xffff, v17;
	v17 =	vld.idx.msk [tilespmem:v6+s3+$0x0], $0xffff  }
0x3d5: {  	v19 =	vld.idx.msk [tilespmem:v21+s3+$0x0], $0xffff;
	v21 =	vadd.s32 $0x300, v46;
	[tilespmem:s29+$0x3050] =	vst v14  }
0x3d6: {  	s15 =	sadd.s32 $0x803, s9;
	v11 =	vadd.s32 $0x700, v11;
	v14 =	vld.idx.msk [tilespmem:v15+s3+$0x0], $0xffff;
	s16 =	sld [smem:$0x7ED];
	[tilespmem:s22+$0x410] =	vst v20  }
0x3d7: {  	v15 =	vor.u32 s15, v0;
	v13 =	vld.idx.msk [tilespmem:v13+s3+$0x0], $0xffff;
	[tilespmem:s19+$0x6010] =	vst v18  }
0x3d8: {  	[tilespmem:s28+$0x2050] =	vst v12;
	v16 =	vld.idx.msk [tilespmem:v16+s3+$0x0], $0xffff  }
0x3d9: {  	[tilespmem:s7+$0x7010] =	vst v17;
	v17 =	vadd.s32 $0x200, v8;
	v18 =	vld.idx.msk [tilespmem:v10+s3+$0x0], $0xffff  }
0x3da: {  	v12 =	vld.idx.msk [tilespmem:v21+s3+$0x0], $0xffff;
	[tilespmem:v1+s16+$0x34 ss:$0x1] =	vst.idx.msk $0xffff, v19;
	v19 =	vadd.s32 $0x400, v5  }
0x3db: {  	s2 =	sadd.s32 $0x802, s9;
	s16 =	sor.u32 $0x3400, s1;
	v47 =	vld.idx.msk [tilespmem:v11+s3+$0x0], $0xffff;
	v11 =	vadd.s32 $0x500, v9  }
0x3dc: {  	v20 =	vor.u32 s2, v0;
	v10 =	vld.idx.msk [tilespmem:v15+s13+$0x0], $0xffff;
	[tilespmem:v1+s16+$0x0 ss:$0x1] =	vst.idx.msk $0xffff, v14  }
0x3dd: {  	v14 =	vadd.s32 $0x400, v46;
	[tilespmem:v1+s30+$0x10 ss:$0x1] =	vst.idx.msk $0xffff, v16;
	v16 =	vld.idx.msk [tilespmem:v4+s3+$0x0], $0xffff  }
0x3de: {  	v15 =	vadd.s32 $0x100, v2;
	[tilespmem:s29+$0x4050] =	vst v13;
	v17 =	vld.idx.msk [tilespmem:v17+s3+$0x0], $0xffff  }
0x3df: {  	[tilespmem:s19+$0x7010] =	vst v18;
	v13 =	vld.idx.msk [tilespmem:v19+s3+$0x0], $0xffff  }
0x3e0: {  	[tilespmem:s28+$0x3050] =	vst v12;
	v12 =	vadd.s32 $0x300, v8;
	v19 =	vld.idx.msk [tilespmem:v11+s3+$0x0], $0xffff  }
0x3e1: {  	v21 =	vadd.s32 $0x500, v5;
	v11 =	vld.idx.msk [tilespmem:v20+s13+$0x0], $0xffff  }
0x3e2: {  	[tilespmem:s10+$0x434] =	vst v3;
	v18 =	vadd.s32 $0x600, v9;
	v3 =	vld.idx.msk [tilespmem:v14+s3+$0x0], $0xffff  }
0x3e3: {  	s10 =	sor.u32 $0x4400, s1;
	v14 =	vadd.s32 $0x100, v4;
	v15 =	vld.idx.msk [tilespmem:v15+s3+$0x0], $0xffff;
	[tilespmem:v1+s6+$0x10 ss:$0x1] =	vst.idx.msk $0xffff, v17  }
0x3e4: {  	v20 =	vld.idx.msk [tilespmem:v10+s3+$0x0], $0xffff;
	[tilespmem:v1+s10+$0x0 ss:$0x1] =	vst.idx.msk $0xffff, v13  }
0x3e5: {  	v12 =	vld.idx.msk [tilespmem:v12+s3+$0x0], $0xffff;
	[tilespmem:s29+$0x5050] =	vst v19;
	v19 =	vadd.s32 $0x500, v46  }
0x3e6: {  	v17 =	vadd.s32 $0x400, v8;
	v21 =	vld.idx.msk [tilespmem:v21+s3+$0x0], $0xffff;
	s6 =	rddreg [dreg:$0x12]  }
0x3e7: {  	v13 =	vld.idx.msk [tilespmem:v18+s3+$0x0], $0xffff;
	v18 =	vadd.s32 $0x100, v10;
	[tilespmem:s6+$0x430] =	vst v16  }
0x3e8: {  	v9 =	vadd.s32 $0x700, v9;
	v14 =	vld.idx.msk [tilespmem:v14+s3+$0x0], $0xffff  }
0x3e9: {  	[tilespmem:s28+$0x4050] =	vst v3;
	v16 =	vadd.s32 $0x600, v5;
	v3 =	vld.idx.msk [tilespmem:v11+s3+$0x0], $0xffff  }
0x3ea: {  	[tilespmem:v1+s8+$0x10 ss:$0x1] =	vst.idx.msk $0xffff, v12;
	v19 =	vld.idx.msk [tilespmem:v19+s3+$0x0], $0xffff  }
0x3eb: {  	[tilespmem:s7+$0x20] =	vst v20;
	v17 =	vld.idx.msk [tilespmem:v17+s3+$0x0], $0xffff  }
0x3ec: {  	s15 =	sor.u32 $0x5400, s1;
	v18 =	vld.idx.msk [tilespmem:v18+s3+$0x0], $0xffff;
	[tilespmem:s29+$0x6050] =	vst v13  }
0x3ed: {  	v22 =	vadd.s32 $0x200, v4;
	[tilespmem:v1+s15+$0x0 ss:$0x1] =	vst.idx.msk $0xffff, v21;
	v9 =	vld.idx.msk [tilespmem:v9+s3+$0x0], $0xffff  }
0x3ee: {  	v20 =	vadd.s32 $0x100, v11;
	v16 =	vld.idx.msk [tilespmem:v16+s3+$0x0], $0xffff;
	[dreg:$0xf] =	wrdreg s24  }
0x3ef: {  	v13 =	vadd.s32 $0x600, v46;
	[tilespmem:v1+s24+$0x30 ss:$0x1] =	vst.idx.msk $0xffff, v14  }
0x3f0: {  	s8 =	sadd.s32 $0x1803, s26;
	v21 =	vadd.s32 $0x200, v10;
	[tilespmem:s19+$0x20] =	vst v3  }
0x3f1: {  	v12 =	vor.u32 s8, v0;
	[tilespmem:s28+$0x5050] =	vst v19  }
0x3f2: {  	v3 =	vld.idx.msk [tilespmem:v22+s3+$0x0], $0xffff;
	[tilespmem:v1+s21+$0x10 ss:$0x1] =	vst.idx.msk $0xffff, v17  }
0x3f3: {  	v20 =	vld.idx.msk [tilespmem:v20+s3+$0x0], $0xffff;
	v19 =	vadd.s32 $0x500, v8;
	[tilespmem:s7+$0x1020] =	vst v18  }
0x3f4: {  	s6 =	sor.u32 $0x6400, s1;
	v14 =	vadd.s32 $0x700, v5;
	v13 =	vld.idx.msk [tilespmem:v13+s3+$0x0], $0xffff;
	[tilespmem:s29+$0x7050] =	vst v9  }
0x3f5: {  	v22 =	vadd.s32 $0x300, v4;
	v21 =	vld.idx.msk [tilespmem:v21+s3+$0x0], $0xffff;
	[tilespmem:v1+s6+$0x0 ss:$0x1] =	vst.idx.msk $0xffff, v16  }
0x3f6: {  	v18 =	vadd.s32 $0x200, v11;
	v60 =	vld.idx.msk [tilespmem:v12+s13+$0x0], $0xffff;
	s21 =	rddreg [dreg:$0x7]  }
0x3f7: {  	v7 =	vadd.s32 $0x700, v46;
	[tilespmem:v1+s21+$0x30 ss:$0x1] =	vst.idx.msk $0xffff, v3  }
0x3f8: {  	v9 =	vadd.s32 $0x300, v10;
	[tilespmem:s19+$0x1020] =	vst v20;
	v16 =	vld.idx.msk [tilespmem:v19+s3+$0x0], $0xffff  }
0x3f9: {  	v12 =	vld.idx.msk [tilespmem:v14+s3+$0x0], $0xffff;
	[tilespmem:s28+$0x6050] =	vst v13  }
0x3fa: {  	v14 =	vadd.s32 $0x200, v2;
	v17 =	vld.idx.msk [tilespmem:v22+s3+$0x0], $0xffff;
	[tilespmem:s7+$0x2020] =	vst v21  }
0x3fb: {  	v3 =	vld.idx.msk [tilespmem:v18+s3+$0x0], $0xffff;
	s0 =	sld [smem:$0x7EE]  }
0x3fc: {  	s24 =	sadd.s32 $0x2402, s20;
	v13 =	vadd.s32 $0x600, v8;
	v19 =	vld.idx.msk [tilespmem:v7+s3+$0x0], $0xffff  }
0x3fd: {  	v18 =	vor.u32 s24, v0;
	v9 =	vld.idx.msk [tilespmem:v9+s3+$0x0], $0xffff;
	[tilespmem:v1+s5+$0x10 ss:$0x1] =	vst.idx.msk $0xffff, v16  }
0x3fe: {  	s1 =	sor.u32 $0x7400, s1;
	[tilespmem:v1+s0+$0x34 ss:$0x1] =	vst.idx.msk $0xffff, v15;
	v15 =	vadd.s32 $0x300, v11;
	s0 =	sadd.s32 $0x1802, s26;
	v22 =	vld.idx.msk [tilespmem:v60+s3+$0x0], $0xffff  }
0x3ff: {  	v20 =	vor.u32 s0, v0;
	v14 =	vld.idx.msk [tilespmem:v14+s3+$0x0], $0xffff;
	[dreg:$0x1c] =	wrdreg s1  }
0x400: {  	[tilespmem:v1+s1+$0x0 ss:$0x1] =	vst.idx.msk $0xffff, v12  }
0x401: {  	v12 =	vld.idx.msk [tilespmem:v13+s3+$0x0], $0xffff;
	[tilespmem:s19+$0x2020] =	vst v3  }
0x402: {  	v21 =	vadd.s32 $0x400, v10;
	[tilespmem:s28+$0x7050] =	vst v19;
	v61 =	vld.idx.msk [tilespmem:v18+s13+$0x0], $0xffff  }
0x403: {  	v16 =	vadd.s32 $0x400, v4;
	[tilespmem:s7+$0x3020] =	vst v9;
	v15 =	vld.idx.msk [tilespmem:v15+s3+$0x0], $0xffff  }
0x404: {  	v13 =	vadd.s32 $0x100, v60;
	v3 =	vld.idx.msk [tilespmem:v20+s13+$0x0], $0xffff;
	[dreg:$0xb] =	wrdreg s23  }
0x405: {  	v8 =	vadd.s32 $0x700, v8;
	[tilespmem:v1+s23+$0x30 ss:$0x1] =	vst.idx.msk $0xffff, v17  }
0x406: {  	v9 =	vadd.s32 $0x400, v11;
	[tilespmem:s29+$0x60] =	vst v22  }
0x407: {  	v18 =	vadd.s32 $0x300, v2;
	v17 =	vld.idx.msk [tilespmem:v21+s3+$0x0], $0xffff;
	[tilespmem:v1+s25+$0x10 ss:$0x1] =	vst.idx.msk $0xffff, v12  }
0x408: {  	v16 =	vld.idx.msk [tilespmem:v16+s3+$0x0], $0xffff;
	s0 =	sld [smem:$0x7EF]  }
0x409: {  	v19 =	vadd.s32 $0x500, v10;
	v13 =	vld.idx.msk [tilespmem:v13+s3+$0x0], $0xffff  }
0x40a: {  	v8 =	vld.idx.msk [tilespmem:v8+s3+$0x0], $0xffff;
	[tilespmem:s19+$0x3020] =	vst v15  }
0x40b: {  	s8 =	smov.u32 s5;
	s5 =	sadd.s32 $0x2803, s20;
	v12 =	vadd.s32 $0x200, v60;
	[tilespmem:v1+s0+$0x34 ss:$0x1] =	vst.idx.msk $0xffff, v14;
	v9 =	vld.idx.msk [tilespmem:v9+s3+$0x0], $0xffff  }
0x40c: {  	v15 =	vor.u32 s5, v0;
	v14 =	vld.idx.msk [tilespmem:v18+s3+$0x0], $0xffff  }
0x40d: {  	[tilespmem:s7+$0x4020] =	vst v17;
	v17 =	vld.idx.msk [tilespmem:v61+s3+$0x0], $0xffff  }
0x40e: {  	v18 =	vadd.s32 $0x500, v4;
	v19 =	vld.idx.msk [tilespmem:v19+s3+$0x0], $0xffff;
	[tilespmem:s29+$0x1060] =	vst v13  }
0x40f: {  	v20 =	vadd.s32 $0x500, v11;
	[tilespmem:v1+s4+$0x10 ss:$0x1] =	vst.idx.msk $0xffff, v8;
	v22 =	vld.idx.msk [tilespmem:v3+s3+$0x0], $0xffff  }
0x410: {  	v21 =	vadd.s32 $0x100, v61;
	v12 =	vld.idx.msk [tilespmem:v12+s3+$0x0], $0xffff;
	[dreg:$0x8] =	wrdreg s11  }
0x411: {  	v13 =	vadd.s32 $0x600, v10;
	[tilespmem:v1+s11+$0x30 ss:$0x1] =	vst.idx.msk $0xffff, v16;
	v29 =	vld.idx.msk [tilespmem:v15+s13+$0x0], $0xffff  }
0x412: {  	v8 =	vadd.s32 $0x100, v3;
	[tilespmem:s19+$0x4020] =	vst v9  }
0x413: {  	v9 =	vadd.s32 $0x300, v60;
	v15 =	vld.idx.msk [tilespmem:v18+s3+$0x0], $0xffff;
	[tilespmem:s31+$0x410] =	vst v17  }
0x414: {  	v18 =	vld.idx.msk [tilespmem:v20+s3+$0x0], $0xffff;
	[tilespmem:s7+$0x5020] =	vst v19  }
0x415: {  	v17 =	vld.idx.msk [tilespmem:v21+s3+$0x0], $0xffff;
	v19 =	vadd.s32 $0x600, v11;
	[tilespmem:s28+$0x60] =	vst v22  }
0x416: {  	v16 =	vadd.s32 $0x400, v2;
	v13 =	vld.idx.msk [tilespmem:v13+s3+$0x0], $0xffff;
	[tilespmem:s29+$0x2060] =	vst v12  }
0x417: {  	v8 =	vld.idx.msk [tilespmem:v8+s3+$0x0], $0xffff;
	s0 =	sld [smem:$0x7F0]  }
0x418: {  	v9 =	vld.idx.msk [tilespmem:v9+s3+$0x0], $0xffff  }
0x419: {  	v20 =	vadd.s32 $0x200, v61;
	[tilespmem:s19+$0x5020] =	vst v18;
	v18 =	vld.idx.msk [tilespmem:v29+s3+$0x0], $0xffff  }
0x41a: {  	v10 =	vadd.s32 $0x700, v10;
	[tilespmem:v1+s0+$0x34 ss:$0x1] =	vst.idx.msk $0xffff, v14;
	v19 =	vld.idx.msk [tilespmem:v19+s3+$0x0], $0xffff  }
0x41b: {  	v12 =	vadd.s32 $0x200, v3;
	v14 =	vld.idx.msk [tilespmem:v16+s3+$0x0], $0xffff;
	[dreg:$0x1b] =	wrdreg s17  }
0x41c: {  	v21 =	vadd.s32 $0x600, v4;
	[tilespmem:v1+s17+$0x10 ss:$0x1] =	vst.idx.msk $0xffff, v17  }
0x41d: {  	v16 =	vadd.s32 $0x400, v60;
	[tilespmem:s7+$0x6020] =	vst v13  }
0x41e: {  	v11 =	vadd.s32 $0x700, v11;
	[tilespmem:s28+$0x1060] =	vst v8;
	v13 =	vld.idx.msk [tilespmem:v20+s3+$0x0], $0xffff  }
0x41f: {  	v17 =	vadd.s32 $0x100, v29;
	[tilespmem:v1+s14+$0x30 ss:$0x1] =	vst.idx.msk $0xffff, v15;
	v10 =	vld.idx.msk [tilespmem:v10+s3+$0x0], $0xffff  }
0x420: {  	v12 =	vld.idx.msk [tilespmem:v12+s3+$0x0], $0xffff;
	[tilespmem:s29+$0x3060] =	vst v9  }
0x421: {  	[tilespmem:s22+$0x420] =	vst v18;
	v18 =	vld.idx.msk [tilespmem:v21+s3+$0x0], $0xffff  }
0x422: {  	v8 =	vadd.s32 $0x300, v61;
	s17 =	sadd.s32 $0xC03, s9;
	[tilespmem:s19+$0x6020] =	vst v19;
	v15 =	vld.idx.msk [tilespmem:v16+s3+$0x0], $0xffff  }
0x423: {  	v9 =	vor.u32 s17, v0;
	v11 =	vld.idx.msk [tilespmem:v11+s3+$0x0], $0xffff  }
0x424: {  	v16 =	vadd.s32 $0x300, v3;
	v17 =	vld.idx.msk [tilespmem:v17+s3+$0x0], $0xffff;
	[dreg:$0x11] =	wrdreg s18  }
0x425: {  	v19 =	vadd.s32 $0x500, v60;
	[tilespmem:v1+s18+$0x10 ss:$0x1] =	vst.idx.msk $0xffff, v13  }
0x426: {  	s24 =	smov.u32 s22;
	s22 =	sadd.s32 $0xC02, s9;
	[tilespmem:s7+$0x7020] =	vst v10;
	v10 =	vadd.s32 $0x200, v29  }
0x427: {  	v13 =	vor.u32 s22, v0;
	v8 =	vld.idx.msk [tilespmem:v8+s3+$0x0], $0xffff  }
0x428: {  	v4 =	vadd.s32 $0x700, v4;
	[tilespmem:s28+$0x2060] =	vst v12;
	v35 =	vld.idx.msk [tilespmem:v9+s13+$0x0], $0xffff  }
0x429: {  	v12 =	vld.idx.msk [tilespmem:v16+s3+$0x0], $0xffff;
	[tilespmem:s29+$0x4060] =	vst v15  }
0x42a: {  	v16 =	vld.idx.msk [tilespmem:v19+s3+$0x0], $0xffff;
	s0 =	rddreg [dreg:$0xa];
	[tilespmem:v1+s30+$0x20 ss:$0x1] =	vst.idx.msk $0xffff, v17  }
0x42b: {  	[tilespmem:s19+$0x7020] =	vst v11;
	v10 =	vld.idx.msk [tilespmem:v10+s3+$0x0], $0xffff  }
0x42c: {  	[tilespmem:v1+s0+$0x30 ss:$0x1] =	vst.idx.msk $0xffff, v18;
	v13 =	vld.idx.msk [tilespmem:v13+s13+$0x0], $0xffff  }
0x42d: {  	v4 =	vld.idx.msk [tilespmem:v4+s3+$0x0], $0xffff;
	[dreg:$0xc] =	wrdreg s16  }
0x42e: {  	[tilespmem:v1+s16+$0x10 ss:$0x1] =	vst.idx.msk $0xffff, v8  }
0x42f: {  	s0 =	sld [smem:$0x7F1];
	_ =	sdelay $0x1  }
0x430: {  	v9 =	vadd.s32 $0x400, v61  }
0x431: {  	[tilespmem:v1+s0+$0x34 ss:$0x1] =	vst.idx.msk $0xffff, v14  }
0x432: {  	v15 =	vadd.s32 $0x500, v2;
	s0 =	sld [smem:$0x7F2]  }
0x433: {  	v11 =	vadd.s32 $0x600, v60  }
0x434: {  	v17 =	vadd.s32 $0x400, v3  }
0x435: {  	v8 =	vld.idx.msk [tilespmem:v9+s3+$0x0], $0xffff;
	v9 =	vadd.s32 $0x300, v29;
	s23 =	sadd.s32 $0x2D02, s0  }
0x436: {  	s1 =	smov.u32 s25;
	v18 =	vld.idx.msk [tilespmem:v35+s3+$0x0], $0xffff;
	s25 =	sld [smem:$0x7F3];
	v14 =	vadd.s32 s23, v0  }
0x437: {  	v15 =	vld.idx.msk [tilespmem:v15+s3+$0x0], $0xffff;
	[tilespmem:s29+$0x5060] =	vst v16  }
0x438: {  	[tilespmem:s28+$0x3060] =	vst v12;
	v11 =	vld.idx.msk [tilespmem:v11+s3+$0x0], $0xffff  }
0x439: {  	v17 =	vld.idx.msk [tilespmem:v17+s3+$0x0], $0xffff;
	[tilespmem:v1+s25+$0x20 ss:$0x1] =	vst.idx.msk $0xffff, v10  }
0x43a: {  	[tilespmem:v1+s12+$0x30 ss:$0x1] =	vst.idx.msk $0xffff, v4;
	v63 =	vld.idx.msk [tilespmem:v9+s3+$0x0], $0xffff  }
0x43b: {  	v28 =	vld.idx.msk [tilespmem:v14+s13+$0x0], $0xffff;
	[dreg:$0xd] =	wrdreg s10  }
0x43c: {  	[tilespmem:v1+s10+$0x10 ss:$0x1] =	vst.idx.msk $0xffff, v8  }
0x43d: {  	v16 =	vadd.s32 $0x500, v61;
	[tilespmem:s7+$0x30] =	vst v18  }
0x43e: {  	v12 =	vadd.s32 $0x100, v35;
	[tilespmem:s29+$0x6060] =	vst v11  }
0x43f: {  	v62 =	vadd.s32 $0x700, v60;
	s0 =	sadd.s32 $0x2802, s20;
	[tilespmem:s28+$0x4060] =	vst v17  }
0x440: {  	v10 =	vadd.s32 $0x500, v3;
	v24 =	vor.u32 s0, v0;
	s0 =	sld [smem:$0x7F4]  }
0x441: {  	v14 =	vadd.s32 $0x400, v29;
	v8 =	vld.idx.msk [tilespmem:v13+s3+$0x0], $0xffff  }
0x442: {  	v18 =	vadd.s32 $0x100, v13;
	v16 =	vld.idx.msk [tilespmem:v16+s3+$0x0], $0xffff  }
0x443: {  	v19 =	vadd.s32 $0x600, v2;
	v12 =	vld.idx.msk [tilespmem:v12+s3+$0x0], $0xffff;
	[tilespmem:v1+s0+$0x20 ss:$0x1] =	vst.idx.msk $0xffff, v63  }
0x444: {  	v20 =	vld.idx.msk [tilespmem:v62+s3+$0x0], $0xffff;
	s18 =	smov.u32 s0;
	s0 =	sld [smem:$0x7F5]  }
0x445: {  	v27 =	vld.idx.msk [tilespmem:v10+s3+$0x0], $0xffff  }
0x446: {  	v30 =	vld.idx.msk [tilespmem:v14+s3+$0x0], $0xffff;
	[tilespmem:s19+$0x30] =	vst v8  }
0x447: {  	v32 =	vld.idx.msk [tilespmem:v18+s3+$0x0], $0xffff;
	[tilespmem:v1+s0+$0x34 ss:$0x1] =	vst.idx.msk $0xffff, v15  }
0x448: {  	v8 =	vld.idx.msk [tilespmem:v19+s3+$0x0], $0xffff;
	[dreg:$0xe] =	wrdreg s15  }
0x449: {  	[tilespmem:v1+s15+$0x10 ss:$0x1] =	vst.idx.msk $0xffff, v16  }
0x44a: {  	v11 =	vadd.s32 $0x600, v61;
	[tilespmem:s7+$0x1030] =	vst v12  }
0x44b: {  	v21 =	vadd.s32 $0x200, v35;
	[tilespmem:s29+$0x7060] =	vst v20  }
0x44c: {  	v31 =	vadd.s32 $0x600, v3;
	s0 =	sadd.s32 $0x1002, s9;
	[tilespmem:s28+$0x5060] =	vst v27  }
0x44d: {  	s11 =	sadd.s32 $0x1C03, s26;
	v25 =	vor.u32 s0, v0;
	s0 =	sld [smem:$0x7F6]  }
0x44e: {  	v15 =	vor.u32 s11, v0  }
0x44f: {  	s21 =	smov.u32 s4;
	s4 =	sadd.s32 $0x2C02, s20;
	v16 =	vadd.s32 $0x500, v29;
	v12 =	vld.idx.msk [tilespmem:v11+s3+$0x0], $0xffff  }
0x450: {  	v54 =	vor.u32 s4, v0;
	s4 =	sadd.s32 $0x1402, s9;
	v34 =	vadd.s32 $0x200, v13;
	v36 =	vld.idx.msk [tilespmem:v21+s3+$0x0], $0xffff;
	[tilespmem:v1+s0+$0x20 ss:$0x1] =	vst.idx.msk $0xffff, v30  }
0x451: {  	v22 =	vor.u32 s4, v0;
	v41 =	vld.idx.msk [tilespmem:v31+s3+$0x0], $0xffff;
	s4 =	smov.u32 s0;
	s0 =	sld [smem:$0x7F7]  }
0x452: {  	v31 =	vld.idx.msk [tilespmem:v28+s3+$0x0], $0xffff  }
0x453: {  	v43 =	vadd.s32 $0x700, v2;
	s14 =	smov.u32 s30;
	s17 =	sadd.s32 $0x2002, s26;
	s16 =	sadd.s32 $0x1C02, s26;
	v37 =	vld.idx.msk [tilespmem:v15+s13+$0x0], $0xffff;
	[tilespmem:s19+$0x1030] =	vst v32  }
0x454: {  	v39 =	vadd.s32 $0x700, v61;
	v23 =	vor.u32 s17, v0;
	s17 =	sadd.s32 $0x2D02, s9;
	s22 =	smov.u32 s20;
	v26 =	vor.u32 s16, v0;
	s16 =	sadd.s32 $0x2C02, s9;
	v33 =	vld.idx.msk [tilespmem:v16+s3+$0x0], $0xffff;
	[tilespmem:v1+s0+$0x34 ss:$0x1] =	vst.idx.msk $0xffff, v47  }
0x455: {  	v51 =	vadd.s32 s17, v0;
	v40 =	vadd.s32 $0x300, v35;
	v45 =	vadd.s32 $0x400, v13;
	s30 =	smov.u32 s25;
	s25 =	sadd.s32 $0x2C02, s26;
	v34 =	vld.idx.msk [tilespmem:v34+s3+$0x0], $0xffff;
	[dreg:$0x10] =	wrdreg s6  }
0x456: {  	v56 =	vor.u32 s16, v0;
	v44 =	vadd.s32 $0x500, v13;
	v42 =	vadd.s32 $0x600, v13;
	s23 =	sadd.s32 $0x2802, s26;
	s10 =	sadd.s32 $0x2D02, s20;
	s20 =	sadd.s32 $0x2402, s26;
	[tilespmem:v1+s6+$0x10 ss:$0x1] =	vst.idx.msk $0xffff, v12  }
0x457: {  	v38 =	vadd.s32 $0x700, v13;
	v48 =	vadd.s32 s10, v0;
	v53 =	vor.u32 s20, v0;
	s20 =	smov.u32 s26;
	s26 =	sadd.s32 $0x2D02, s26;
	s10 =	sadd.s32 $0x1C02, s9;
	[tilespmem:s7+$0x2030] =	vst v36  }
0x458: {  	v55 =	vor.u32 s25, v0;
	v49 =	vadd.s32 s26, v0;
	v17 =	vor.u32 s10, v0;
	s0 =	sld [smem:$0x7F8]  }
0x459: {  	v52 =	vadd.s32 $0x400, v28;
	v50 =	vadd.s32 $0x500, v28;
	v46 =	vadd.s32 $0x700, v28;
	s11 =	sadd.s32 $0x2002, s9  }
0x45a: {  	s5 =	sadd.s32 $0x1802, s9;
	v14 =	vor.u32 s23, v0;
	v20 =	vor.u32 s11, v0;
	s15 =	sadd.s32 $0x2802, s9;
	v27 =	vadd.s32 $0x300, v13;
	v32 =	vld.idx.msk [tilespmem:v39+s3+$0x0], $0xffff;
	[tilespmem:s28+$0x6060] =	vst v41  }
0x45b: {  	s25 =	simm.s32 $0x200;
	v13 =	vadd.s32 $0x200, v28;
	v21 =	vor.u32 s5, v0;
	v11 =	vor.u32 s15, v0;
	v36 =	vld.idx.msk [tilespmem:v40+s3+$0x0], $0xffff;
	[tilespmem:v1+s0+$0x34 ss:$0x1] =	vst.idx.msk $0xffff, v8  }
0x45c: {  	s26 =	simm.s32 $0x800;
	s13 =	sadd.s32 $0x2402, s9;
	v16 =	vadd.s32 $0x100, v28;
	v47 =	vadd.s32 $0x600, v28;
	v12 =	vadd.s32 $0x300, v28;
	v28 =	vld.idx.msk [tilespmem:v43+s3+$0x0], $0xffff;
	[dreg:$0x16] =	wrdreg s25  }
0x45d: {  	s16 =	simm.s32 $0x8;
	s23 =	smov.u32 s9;
	v15 =	vor.u32 s13, v0;
	v30 =	vadd.s32 $0x700, v3;
	v39 =	vadd.s32 $0x600, v29;
	[dreg:$0x15] =	wrdreg s26  }
.LBB2_3:
0x45e: {  	[tilespmem:$0x1FF70] =	vst v12  }
0x45f: {  	[tilespmem:$0x1FF80] =	vst v52  }
0x460: {  	[tilespmem:$0x1FFA0] =	vst v50  }
0x461: {  	[tilespmem:$0x1FFD0] =	vst v51  }
0x462: {  	[tilespmem:$0x1FFC0] =	vst v49  }
0x463: {  	[tilespmem:$0x1FFB0] =	vst v48  }
0x464: {  	[tilespmem:$0x1FFE0] =	vst v47;
	s2 =	rddreg [dreg:$0x3]  }
0x465: {  	[tilespmem:$0x1FFF0] =	vst v46;
	s0 =	rddreg [dreg:$0x12]  }
0x466: {  	[dreg:$0x17] =	wrdreg s8;
	[tilespmem:s0+$0x434] =	vst v31  }
0x467: {  	v41 =	vadd.s32 $0x400, v35;
	v43 =	vld.idx.msk [tilespmem:v37+s3+$0x0], $0xffff;
	s10 =	sadd.s32 s16, s2;
	[tilespmem:v1+s8+$0x20 ss:$0x1] =	vst.idx.msk $0xffff, v33;
	s8 =	smov.u32 s28;
	s28 =	smov.u32 s19  }
0x468: {  	v57 =	vadd.s32 $0x100, v37;
	s17 =	sadd.s32 $0xC02, s10;
	v39 =	vld.idx.msk [tilespmem:v39+s3+$0x0], $0xffff;
	[tilespmem:s28+$0x2030] =	vst v34  }
0x469: {  	v2 =	vor.u32 s17, v0;
	[tilespmem:s7+$0x3030] =	vst v36;
	v30 =	vld.idx.msk [tilespmem:v30+s3+$0x0], $0xffff  }
0x46a: {  	s13 =	rddreg [dreg:$0x1c];
	v59 =	vadd.s32 $0x700, v29;
	s6 =	sadd.s32 $0x3, s10;
	[tilespmem:$0x1FF90] =	vst v2  }
0x46b: {  	s26 =	smov.u32 s31;
	s15 =	simm.s32 $0x800;
	v61 =	vor.u32 s6, v0;
	v58 =	vld.idx.msk [tilespmem:v27+s3+$0x0], $0xffff;
	[tilespmem:v1+s13+$0x10 ss:$0x1] =	vst.idx.msk $0xffff, v32  }
0x46c: {  	[dreg:$0x12] =	wrdreg s26;
	s0 =	sadd.s32 $0x2, s16;
	s11 =	sadd.s32 $0x802, s10;
	v62 =	vld.idx.msk [tilespmem:v41+s3+$0x0], $0xffff;
	[tilespmem:s29+$0x70] =	vst v43  }
0x46d: {  	v63 =	vadd.s32 $0x500, v35;
	s2 =	sadd.s32 $0x2, s10;
	[dreg:$0x1a] =	wrdreg s0;
	v31 =	vor.u32 s11, v0;
	s11 =	smov.u32 s1;
	v4 =	vld.idx.msk [tilespmem:v57+s3+$0x0], $0xffff;
	[tilespmem:v1+s1+$0x20 ss:$0x1] =	vst.idx.msk $0xffff, v39  }
0x46e: {  	s9 =	sadd.s32 $0x1002, s10;
	v60 =	vor.u32 s2, v0;
	[dreg:$0x18] =	wrdreg s11;
	v48 =	vld.idx.msk [tilespmem:v24+s15+$0x0], $0xffff;
	[tilespmem:s8+$0x7060] =	vst v30  }
0x46f: {  	v47 =	vor.u32 s9, v0;
	s9 =	sadd.s32 $0x2402, s10;
	v6 =	vld.idx.msk [tilespmem:v59+s3+$0x0], $0xffff  }
0x470: {  	v7 =	vadd.s32 $0x200, v37;
	s25 =	sadd.s32 $0x1802, s10;
	v30 =	vor.u32 s9, v0;
	s9 =	smov.u32 s22;
	s22 =	sadd.s32 $0x2C03, s22;
	[tilespmem:s28+$0x3030] =	vst v58;
	v46 =	vld.idx.msk [tilespmem:v61+s15+$0x0], $0xffff  }
0x471: {  	s5 =	sadd.s32 $0x402, s10;
	v29 =	vor.u32 s25, v0;
	v58 =	vor.u32 s22, v0;
	s25 =	rddreg [dreg:$0x5];
	[tilespmem:s7+$0x4030] =	vst v62;
	v57 =	vld.idx.msk [tilespmem:v26+s15+$0x0], $0xffff  }
0x472: {  	v3 =	vadd.s32 $0x300, v37;
	s16 =	sadd.s32 $0x2802, s10;
	v40 =	vor.u32 s5, v0;
	s19 =	sadd.s32 $0x1402, s10;
	s5 =	sadd.s32 $0x1C02, s10;
	[tilespmem:v1+s25+$0x34 ss:$0x1] =	vst.idx.msk $0xffff, v28;
	v51 =	vld.idx.msk [tilespmem:v63+s3+$0x0], $0xffff  }
0x473: {  	v19 =	vmovc v53;
	s17 =	sadd.s32 $0x2C02, s10;
	v33 =	vor.u32 s19, v0;
	v5 =	vor.u32 s5, v0;
	v27 =	vor.u32 s16, v0;
	v59 =	vld.idx.msk [tilespmem:v60+s15+$0x0], $0xffff  }
0x474: {  	v32 =	vor.u32 s17, v0;
	v24 =	vmovc v14;
	v14 =	vmovc v56;
	v56 =	vadd.s32 $0x100, v48;
	v53 =	vadd.s32 $0x200, v48;
	[tilespmem:s29+$0x1070] =	vst v4;
	v45 =	vld.idx.msk [tilespmem:v45+s3+$0x0], $0xffff  }
0x475: {  	v49 =	vadd.s32 $0x300, v48;
	v43 =	vadd.s32 $0x400, v48;
	v60 =	vadd.s32 $0x600, v35;
	v61 =	vld.idx.msk [tilespmem:v7+s3+$0x0], $0xffff;
	[tilespmem:v1+s21+$0x20 ss:$0x1] =	vst.idx.msk $0xffff, v6  }
0x476: {  	v39 =	vadd.s32 $0x500, v48;
	v36 =	vadd.s32 $0x600, v48;
	v34 =	vadd.s32 $0x700, v48;
	v50 =	vld.idx.msk [tilespmem:v58+s15+$0x0], $0xffff  }
0x477: {  	v18 =	vmovc v16;
	v12 =	vmovc v54;
	v4 =	vld.idx.msk [tilespmem:v48+s3+$0x0], $0xffff;
	v62 =	vadd.s32 $0x100, v57;
	v63 =	vadd.s32 $0x200, v57;
	v2 =	vadd.s32 $0x300, v57  }
0x478: {  	v26 =	vmovc v17;
	v17 =	vmovc v5;
	v58 =	vadd.s32 $0x400, v57;
	v54 =	vadd.s32 $0x500, v57;
	v5 =	vadd.s32 $0x100, v59;
	v10 =	vld.idx.msk [tilespmem:v46+s3+$0x0], $0xffff  }
0x479: {  	v16 =	vmovc v11;
	v11 =	vmovc v15;
	p1 =	slt.u32 s0, $0xE;
	s19 =	sadd.s32 $0x2D02, s10;
	v6 =	vadd.s32 $0x200, v59;
	v7 =	vadd.s32 $0x300, v59;
	v9 =	vadd.s32 $0x400, v59;
	[tilespmem:s7+$0x5030] =	vst v51;
	v8 =	vld.idx.msk [tilespmem:v57+s3+$0x0], $0xffff  }
0x47a: {  	v15 =	vmovc v13;
	v13 =	vmovc v55;
	s5 =	smov.u32 s13;
	s13 =	smov.u32 s21;
	s17 =	rddreg [dreg:$0x13];
	v55 =	vadd.s32 $0x500, v59;
	v52 =	vadd.s32 $0x600, v59;
	v48 =	vadd.s32 $0x700, v59;
	[tilespmem:s28+$0x4030] =	vst v45;
	v60 =	vld.idx.msk [tilespmem:v60+s3+$0x0], $0xffff  }
0x47b: {  	s1 =	smov.u32 s12;
	s16 =	rddreg [dreg:$0x14];
	s17 =	sadd.s32 $0x200, s17;
	v51 =	vadd.s32 $0x600, v57;
	v45 =	vadd.s32 $0x700, v57;
	[tilespmem:s29+$0x2070] =	vst v61;
	v57 =	vld.idx.msk [tilespmem:v59+s3+$0x0], $0xffff;
	v59 =	vadd.s32 $0x100, v46  }
0x47c: {  	s0 =	sadd.s32 $0x100, s16;
	s12 =	sand.u32 $0x800, s17;
	v35 =	vadd.s32 $0x700, v35;
	s21 =	rddreg [dreg:$0x4];
	v3 =	vld.idx.msk [tilespmem:v3+s3+$0x0], $0xffff  }
0x47d: {  	[dreg:$0x5] =	wrdreg s1;
	s22 =	sand.u32 $0x380, s0;
	s1 =	sadd.s32 s12, s21;
	v44 =	vld.idx.msk [tilespmem:v44+s3+$0x0], $0xffff;
	[tilespmem:s26+$0x420] =	vst v4  }
0x47e: {  	v28 =	vadd.s32 s19, v0;
	s19 =	sadd.s32 $0xFFFFFF80, s0;
	s12 =	sadd.s32 s22, s1;
	v4 =	vadd.s32 $0x400, v37;
	[tilespmem:s8+$0x70] =	vst v8;
	v8 =	vld.idx.msk [tilespmem:v50+s3+$0x0], $0xffff  }
0x47f: {  	s2 =	sand.u32 $0x300, s19;
	[tilespmem:s12+$0x0] =	vst v10;
	v10 =	vld.idx.msk [tilespmem:v62+s3+$0x0], $0xffff  }
0x480: {  	s19 =	sadd.s32 s2, s1;
	v59 =	vld.idx.msk [tilespmem:v59+s3+$0x0], $0xffff;
	[tilespmem:s7+$0x6030] =	vst v60;
	v60 =	vadd.s32 $0x100, v50  }
0x481: {  	[tilespmem:s19+$0x0] =	vst v57;
	v35 =	vld.idx.msk [tilespmem:v35+s3+$0x0], $0xffff  }
0x482: {  	s31 =	smov.u32 s23;
	s23 =	sadd.s32 $0x1003, s23;
	v62 =	vadd.s32 $0x200, v46;
	v5 =	vld.idx.msk [tilespmem:v5+s3+$0x0], $0xffff;
	[tilespmem:s29+$0x3070] =	vst v3  }
0x483: {  	[tilespmem:s28+$0x5030] =	vst v44;
	v3 =	vor.u32 s23, v0;
	v4 =	vld.idx.msk [tilespmem:v4+s3+$0x0], $0xffff  }
0x484: {  	v42 =	vld.idx.msk [tilespmem:v42+s3+$0x0], $0xffff;
	[tilespmem:s24+$0x430] =	vst v8  }
0x485: {  	[tilespmem:s8+$0x1070] =	vst v10;
	v10 =	vld.idx.msk [tilespmem:v60+s3+$0x0], $0xffff  }
0x486: {  	v8 =	vadd.s32 $0x500, v37;
	[tilespmem:s12+$0x1000] =	vst v59;
	v44 =	vld.idx.msk [tilespmem:v63+s3+$0x0], $0xffff  }
0x487: {  	v57 =	vld.idx.msk [tilespmem:v62+s3+$0x0], $0xffff;
	[tilespmem:s7+$0x7030] =	vst v35;
	v63 =	vadd.s32 $0x200, v50  }
0x488: {  	[tilespmem:s19+$0x1000] =	vst v5;
	v35 =	vld.idx.msk [tilespmem:v3+s15+$0x0], $0xffff  }
0x489: {  	v3 =	vld.idx.msk [tilespmem:v6+s3+$0x0], $0xffff;
	[tilespmem:s28+$0x6030] =	vst v42  }
0x48a: {  	v60 =	vadd.s32 $0x300, v46;
	[tilespmem:s29+$0x4070] =	vst v4;
	v62 =	vld.idx.msk [tilespmem:v38+s3+$0x0], $0xffff  }
0x48b: {  	v61 =	vld.idx.msk [tilespmem:v8+s3+$0x0], $0xffff;
	[tilespmem:v1+s14+$0x30 ss:$0x1] =	vst.idx.msk $0xffff, v10  }
0x48c: {  	[tilespmem:s8+$0x2070] =	vst v44;
	v10 =	vld.idx.msk [tilespmem:v63+s3+$0x0], $0xffff  }
0x48d: {  	v8 =	vadd.s32 $0x600, v37;
	[tilespmem:s12+$0x2000] =	vst v57;
	v2 =	vld.idx.msk [tilespmem:v2+s3+$0x0], $0xffff  }
0x48e: {  	v63 =	vld.idx.msk [tilespmem:v56+s3+$0x0], $0xffff;
	v56 =	vadd.s32 $0x300, v50;
	[tilespmem:s19+$0x2000] =	vst v3  }
0x48f: {  	v3 =	vld.idx.msk [tilespmem:v60+s3+$0x0], $0xffff;
	[tilespmem:s28+$0x7030] =	vst v62  }
0x490: {  	v59 =	vadd.s32 $0x400, v46;
	v7 =	vld.idx.msk [tilespmem:v7+s3+$0x0], $0xffff  }
0x491: {  	v57 =	vld.idx.msk [tilespmem:v35+s3+$0x0], $0xffff;
	[tilespmem:s29+$0x5070] =	vst v61  }
0x492: {  	v60 =	vld.idx.msk [tilespmem:v8+s3+$0x0], $0xffff;
	[tilespmem:v1+s30+$0x30 ss:$0x1] =	vst.idx.msk $0xffff, v10  }
0x493: {  	v8 =	vadd.s32 $0x100, v35;
	[tilespmem:s8+$0x3070] =	vst v2;
	v10 =	vld.idx.msk [tilespmem:v56+s3+$0x0], $0xffff  }
0x494: {  	s25 =	rddreg [dreg:$0x1b];
	v2 =	vadd.s32 $0x700, v37;
	[tilespmem:s12+$0x3000] =	vst v3;
	v42 =	vld.idx.msk [tilespmem:v25+s15+$0x0], $0xffff  }
0x495: {  	v61 =	vadd.s32 $0x400, v50;
	[tilespmem:v1+s25+$0x20 ss:$0x1] =	vst.idx.msk $0xffff, v63;
	v5 =	vld.idx.msk [tilespmem:v59+s3+$0x0], $0xffff  }
0x496: {  	v6 =	vadd.s32 $0x500, v46;
	v3 =	vld.idx.msk [tilespmem:v58+s3+$0x0], $0xffff;
	[tilespmem:s19+$0x3000] =	vst v7  }
0x497: {  	[tilespmem:s7+$0x40] =	vst v57;
	v7 =	vld.idx.msk [tilespmem:v9+s3+$0x0], $0xffff  }
0x498: {  	v4 =	vld.idx.msk [tilespmem:v8+s3+$0x0], $0xffff;
	[tilespmem:s29+$0x6070] =	vst v60  }
0x499: {  	v2 =	vld.idx.msk [tilespmem:v2+s3+$0x0], $0xffff;
	[tilespmem:v1+s18+$0x30 ss:$0x1] =	vst.idx.msk $0xffff, v10  }
0x49a: {  	[dreg:$0x14] =	wrdreg s0;
	s0 =	sadd.s32 $0x2003, s20;
	v8 =	vadd.s32 $0x200, v35;
	v63 =	vld.idx.msk [tilespmem:v61+s3+$0x0], $0xffff;
	[tilespmem:s12+$0x4000] =	vst v5  }
0x49b: {  	v62 =	vor.u32 s0, v0;
	[tilespmem:s8+$0x4070] =	vst v3;
	v6 =	vld.idx.msk [tilespmem:v6+s3+$0x0], $0xffff  }
0x49c: {  	v3 =	vld.idx.msk [tilespmem:v53+s3+$0x0], $0xffff  }
0x49d: {  	v61 =	vadd.s32 $0x500, v50;
	v60 =	vld.idx.msk [tilespmem:v42+s3+$0x0], $0xffff;
	[tilespmem:s7+$0x1040] =	vst v4  }
0x49e: {  	[tilespmem:s19+$0x4000] =	vst v7  }
0x49f: {  	v9 =	vadd.s32 $0x100, v42;
	v4 =	vld.idx.msk [tilespmem:v8+s3+$0x0], $0xffff;
	[tilespmem:s29+$0x7070] =	vst v2  }
0x4a0: {  	s22 =	rddreg [dreg:$0x11];
	v2 =	vadd.s32 $0x600, v46;
	v44 =	vld.idx.msk [tilespmem:v62+s15+$0x0], $0xffff;
	[tilespmem:v1+s4+$0x30 ss:$0x1] =	vst.idx.msk $0xffff, v63  }
0x4a1: {  	v7 =	vld.idx.msk [tilespmem:v55+s3+$0x0], $0xffff;
	[tilespmem:v1+s22+$0x20 ss:$0x1] =	vst.idx.msk $0xffff, v3  }
0x4a2: {  	v8 =	vadd.s32 $0x300, v35;
	v3 =	vld.idx.msk [tilespmem:v61+s3+$0x0], $0xffff;
	[tilespmem:s28+$0x40] =	vst v60  }
0x4a3: {  	v5 =	vld.idx.msk [tilespmem:v54+s3+$0x0], $0xffff  }
0x4a4: {  	[tilespmem:s12+$0x5000] =	vst v6;
	v62 =	vld.idx.msk [tilespmem:v9+s3+$0x0], $0xffff;
	v9 =	vadd.s32 $0x600, v50  }
0x4a5: {  	v10 =	vadd.s32 $0x200, v42;
	v2 =	vld.idx.msk [tilespmem:v2+s3+$0x0], $0xffff  }
0x4a6: {  	v57 =	vadd.s32 $0x300, v42;
	v58 =	vadd.s32 $0x400, v42;
	v37 =	vadd.s32 $0x500, v42;
	[tilespmem:s7+$0x2040] =	vst v4;
	v63 =	vld.idx.msk [tilespmem:v49+s3+$0x0], $0xffff  }
0x4a7: {  	s23 =	rddreg [dreg:$0x17];
	v25 =	vmovc v47;
	v47 =	vadd.s32 $0x700, v42;
	v53 =	vadd.s32 $0x600, v42;
	v42 =	vadd.s32 $0x700, v46;
	[tilespmem:s19+$0x5000] =	vst v7;
	v8 =	vld.idx.msk [tilespmem:v8+s3+$0x0], $0xffff  }
0x4a8: {  	v38 =	vld.idx.msk [tilespmem:v44+s3+$0x0], $0xffff;
	[tilespmem:v1+s23+$0x30 ss:$0x1] =	vst.idx.msk $0xffff, v3  }
0x4a9: {  	v3 =	vadd.s32 $0x400, v35;
	[tilespmem:s8+$0x5070] =	vst v5;
	v46 =	vld.idx.msk [tilespmem:v9+s3+$0x0], $0xffff  }
0x4aa: {  	v49 =	vadd.s32 $0x100, v44;
	v9 =	vld.idx.msk [tilespmem:v52+s3+$0x0], $0xffff;
	[tilespmem:s28+$0x1040] =	vst v62  }
0x4ab: {  	s2 =	rddreg [dreg:$0xc];
	[tilespmem:s12+$0x6000] =	vst v2;
	v2 =	vld.idx.msk [tilespmem:v10+s3+$0x0], $0xffff;
	v10 =	vadd.s32 $0x700, v50  }
0x4ac: {  	v7 =	vld.idx.msk [tilespmem:v42+s3+$0x0], $0xffff;
	[tilespmem:v1+s2+$0x20 ss:$0x1] =	vst.idx.msk $0xffff, v63  }
0x4ad: {  	[dreg:$0x1d] =	wrdreg s5;
	s5 =	sadd.s32 $0x403, s10;
	[tilespmem:s7+$0x3040] =	vst v8;
	v4 =	vld.idx.msk [tilespmem:v51+s3+$0x0], $0xffff  }
0x4ae: {  	s6 =	sadd.s32 $0x2002, s10;
	v8 =	vor.u32 s5, v0;
	v3 =	vld.idx.msk [tilespmem:v3+s3+$0x0], $0xffff;
	[tilespmem:s29+$0x400] =	vst v38  }
0x4af: {  	v41 =	vor.u32 s6, v0;
	s6 =	rddreg [dreg:$0x6];
	v6 =	vld.idx.msk [tilespmem:v49+s3+$0x0], $0xffff;
	[tilespmem:v1+s11+$0x30 ss:$0x1] =	vst.idx.msk $0xffff, v46  }
0x4b0: {  	s16 =	rddreg [dreg:$0x16];
	s26 =	smov.u32 s14;
	v51 =	vadd.s32 $0x500, v35;
	[tilespmem:s19+$0x6000] =	vst v9;
	v9 =	vld.idx.msk [tilespmem:v10+s3+$0x0], $0xffff  }
0x4b1: {  	s14 =	sadd.s32 $0x2D03, s9;
	s0 =	sadd.s32 $0x100, s16;
	s11 =	sand.u32 $0xFFFFF800, s6;
	v10 =	vld.idx.msk [tilespmem:v48+s3+$0x0], $0xffff;
	[tilespmem:s28+$0x2040] =	vst v2;
	v2 =	vadd.s32 $0x200, v44  }
0x4b2: {  	v54 =	vadd.s32 s14, v0;
	s1 =	sadd.s32 s11, s0;
	[tilespmem:s12+$0x7000] =	vst v7;
	v52 =	vld.idx.msk [tilespmem:v57+s3+$0x0], $0xffff  }
0x4b3: {  	[dreg:$0xc] =	wrdreg s2;
	s2 =	sadd.s32 $0x80, s1;
	v42 =	vld.idx.msk [tilespmem:v8+s15+$0x0], $0xffff;
	[tilespmem:s8+$0x6070] =	vst v4  }
0x4b4: {  	s5 =	sor.u32 $0x1400, s2;
	[tilespmem:s7+$0x4040] =	vst v3;
	v3 =	vld.idx.msk [tilespmem:v45+s3+$0x0], $0xffff  }
0x4b5: {  	v55 =	vld.idx.msk [tilespmem:v51+s3+$0x0], $0xffff;
	[tilespmem:v1+s5+$0x0 ss:$0x1] =	vst.idx.msk $0xffff, v6  }
0x4b6: {  	v2 =	vld.idx.msk [tilespmem:v2+s3+$0x0], $0xffff;
	[tilespmem:v1+s13+$0x30 ss:$0x1] =	vst.idx.msk $0xffff, v9  }
0x4b7: {  	[tilespmem:s19+$0x7000] =	vst v10;
	v45 =	vld.idx.msk [tilespmem:v54+s15+$0x0], $0xffff  }
0x4b8: {  	[dreg:$0x1b] =	wrdreg s25;
	v56 =	vadd.s32 $0x600, v35;
	s25 =	smov.u32 s18;
	s18 =	sor.u32 $0x3400, s1;
	v57 =	vld.idx.msk [tilespmem:v40+s15+$0x0], $0xffff;
	[tilespmem:s28+$0x3040] =	vst v52  }
0x4b9: {  	s14 =	smov.u32 s24;
	s24 =	sor.u32 $0x5400, s1;
	[smem:$0x7E2] =	sst s18;
	v8 =	vadd.s32 $0x300, v44;
	v7 =	vld.idx.msk [tilespmem:v58+s3+$0x0], $0xffff;
	[tilespmem:s8+$0x7070] =	vst v3  }
0x4ba: {  	[dreg:$0x1f] =	wrdreg s24;
	v3 =	vld.idx.msk [tilespmem:v43+s3+$0x0], $0xffff  }
0x4bb: {  	s24 =	smov.u32 s10;
	s18 =	rddreg [dreg:$0x15];
	s10 =	smov.u32 s17;
	v10 =	vld.idx.msk [tilespmem:v23+s15+$0x0], $0xffff  }
0x4bc: {  	[dreg:$0x15] =	wrdreg s10;
	s10 =	sor.u32 $0x2400, s2;
	v9 =	vld.idx.msk [tilespmem:v42+s3+$0x0], $0xffff;
	[tilespmem:s7+$0x5040] =	vst v55  }
0x4bd: {  	v59 =	vadd.s32 $0x100, v42;
	v4 =	vld.idx.msk [tilespmem:v56+s3+$0x0], $0xffff;
	[tilespmem:v1+s10+$0x0 ss:$0x1] =	vst.idx.msk $0xffff, v2  }
0x4be: {  	v35 =	vadd.s32 $0x700, v35;
	v8 =	vld.idx.msk [tilespmem:v8+s3+$0x0], $0xffff  }
0x4bf: {  	s15 =	rddreg [dreg:$0xd];
	[tilespmem:s28+$0x4040] =	vst v7;
	v60 =	vld.idx.msk [tilespmem:v45+s3+$0x0], $0xffff  }
0x4c0: {  	v62 =	vadd.s32 $0x400, v44;
	v61 =	vld.idx.msk [tilespmem:v57+s3+$0x0], $0xffff;
	[tilespmem:v1+s15+$0x20 ss:$0x1] =	vst.idx.msk $0xffff, v3  }
0x4c1: {  	[tilespmem:s12+$0x10] =	vst v9;
	v9 =	vadd.s32 $0x100, v45;
	v3 =	vld.idx.msk [tilespmem:v37+s3+$0x0], $0xffff  }
0x4c2: {  	[dreg:$0x13] =	wrdreg s17;
	v2 =	vadd.s32 $0x100, v57;
	v5 =	vld.idx.msk [tilespmem:v59+s3+$0x0], $0xffff;
	[tilespmem:s7+$0x6040] =	vst v4  }
0x4c3: {  	s16 =	smov.u32 s31;
	s11 =	sor.u32 $0x6400, s1;
	s17 =	sor.u32 $0x3400, s2;
	v4 =	vld.idx.msk [tilespmem:v35+s3+$0x0], $0xffff  }
0x4c4: {  	[dreg:$0x1e] =	wrdreg s11;
	s11 =	sadd.s32 $0x1403, s16;
	v63 =	vadd.s32 $0x200, v42;
	[tilespmem:v1+s17+$0x0 ss:$0x1] =	vst.idx.msk $0xffff, v8;
	v8 =	vld.idx.msk [tilespmem:v39+s3+$0x0], $0xffff  }
0x4c5: {  	v58 =	vor.u32 s11, v0;
	v6 =	vld.idx.msk [tilespmem:v62+s3+$0x0], $0xffff;
	[tilespmem:s14+$0x434] =	vst v60  }
0x4c6: {  	s21 =	smov.u32 s20;
	s20 =	sor.u32 $0x4400, s1;
	[tilespmem:s19+$0x10] =	vst v61;
	v7 =	vld.idx.msk [tilespmem:v9+s3+$0x0], $0xffff  }
0x4c7: {  	s14 =	smov.u32 s29;
	s29 =	smov.u32 s7;
	s7 =	smov.u32 s12;
	v2 =	vld.idx.msk [tilespmem:v2+s3+$0x0], $0xffff;
	[tilespmem:s28+$0x5040] =	vst v3;
	v3 =	vadd.s32 $0x500, v44  }
0x4c8: {  	[smem:$0x7E3] =	sst s20;
	[tilespmem:s7+$0x1010] =	vst v5;
	v9 =	vadd.s32 $0x200, v45;
	v59 =	vld.idx.msk [tilespmem:v53+s3+$0x0], $0xffff  }
0x4c9: {  	s20 =	smov.u32 s18;
	s18 =	simm.s32 $0x800;
	v43 =	vadd.s32 $0x200, v57;
	s12 =	rddreg [dreg:$0xe];
	v60 =	vld.idx.msk [tilespmem:v63+s3+$0x0], $0xffff;
	[tilespmem:s29+$0x7040] =	vst v4  }
0x4ca: {  	s6 =	sor.u32 $0x4400, s2;
	[tilespmem:v1+s12+$0x20 ss:$0x1] =	vst.idx.msk $0xffff, v8;
	v39 =	vld.idx.msk [tilespmem:v58+s18+$0x0], $0xffff  }
0x4cb: {  	v61 =	vld.idx.msk [tilespmem:v10+s3+$0x0], $0xffff;
	[tilespmem:v1+s6+$0x0 ss:$0x1] =	vst.idx.msk $0xffff, v6  }
0x4cc: {  	v62 =	vadd.s32 $0x300, v42;
	v3 =	vld.idx.msk [tilespmem:v3+s3+$0x0], $0xffff;
	[tilespmem:v1+s26+$0x34 ss:$0x1] =	vst.idx.msk $0xffff, v7  }
0x4cd: {  	v51 =	vadd.s32 $0x300, v57;
	[tilespmem:s19+$0x1010] =	vst v2;
	v2 =	vld.idx.msk [tilespmem:v9+s3+$0x0], $0xffff  }
0x4ce: {  	v55 =	vadd.s32 $0x100, v10;
	v50 =	vadd.s32 $0x200, v10;
	v63 =	vld.idx.msk [tilespmem:v43+s3+$0x0], $0xffff;
	[tilespmem:s28+$0x6040] =	vst v59;
	v43 =	vadd.s32 $0x600, v44  }
0x4cf: {  	v23 =	vmovc v20;
	v20 =	vmovc v41;
	v48 =	vadd.s32 $0x300, v10;
	v41 =	vadd.s32 $0x400, v10;
	v9 =	vadd.s32 $0x300, v45;
	v8 =	vld.idx.msk [tilespmem:v47+s3+$0x0], $0xffff  }
0x4d0: {  	v38 =	vadd.s32 $0x500, v10;
	v37 =	vadd.s32 $0x600, v10;
	v35 =	vadd.s32 $0x700, v10;
	[tilespmem:s7+$0x2010] =	vst v60;
	v10 =	vld.idx.msk [tilespmem:v36+s3+$0x0], $0xffff  }
0x4d1: {  	[dreg:$0x19] =	wrdreg s13;
	s13 =	sor.u32 $0x5400, s2;
	v6 =	vld.idx.msk [tilespmem:v62+s3+$0x0], $0xffff;
	[tilespmem:s8+$0x400] =	vst v61  }
0x4d2: {  	v53 =	vld.idx.msk [tilespmem:v39+s3+$0x0], $0xffff;
	[tilespmem:v1+s13+$0x0 ss:$0x1] =	vst.idx.msk $0xffff, v3  }
0x4d3: {  	v5 =	vld.idx.msk [tilespmem:v43+s3+$0x0], $0xffff;
	[tilespmem:v1+s30+$0x34 ss:$0x1] =	vst.idx.msk $0xffff, v2  }
0x4d4: {  	v3 =	vadd.s32 $0x400, v42;
	[tilespmem:s19+$0x2010] =	vst v63;
	v54 =	vld.idx.msk [tilespmem:v9+s3+$0x0], $0xffff  }
0x4d5: {  	v2 =	vadd.s32 $0x100, v39;
	v9 =	vld.idx.msk [tilespmem:v51+s3+$0x0], $0xffff;
	[tilespmem:s28+$0x7040] =	vst v8  }
0x4d6: {  	v8 =	vadd.s32 $0x700, v44;
	v56 =	vld.idx.msk [tilespmem:v22+s18+$0x0], $0xffff;
	s18 =	rddreg [dreg:$0x10]  }
0x4d7: {  	v52 =	vadd.s32 $0x400, v57;
	v49 =	vadd.s32 $0x500, v57;
	[tilespmem:v1+s18+$0x20 ss:$0x1] =	vst.idx.msk $0xffff, v10  }
0x4d8: {  	v46 =	vadd.s32 $0x600, v57;
	v40 =	vadd.s32 $0x700, v57;
	[tilespmem:s7+$0x3010] =	vst v6;
	v10 =	vadd.s32 $0x400, v45;
	v57 =	vld.idx.msk [tilespmem:v55+s3+$0x0], $0xffff  }
0x4d9: {  	s26 =	smov.u32 s5;
	s5 =	sor.u32 $0x6400, s2;
	v3 =	vld.idx.msk [tilespmem:v3+s3+$0x0], $0xffff;
	[tilespmem:s29+$0x50] =	vst v53  }
0x4da: {  	v2 =	vld.idx.msk [tilespmem:v2+s3+$0x0], $0xffff;
	[tilespmem:v1+s5+$0x0 ss:$0x1] =	vst.idx.msk $0xffff, v5  }
0x4db: {  	v58 =	vadd.s32 $0x500, v42;
	v5 =	vld.idx.msk [tilespmem:v8+s3+$0x0], $0xffff;
	[tilespmem:s19+$0x3010] =	vst v9  }
0x4dc: {  	[dreg:$0x16] =	wrdreg s0;
	s0 =	sor.u32 $0x1400, s1;
	v59 =	vadd.s32 $0x200, v39;
	[tilespmem:v1+s25+$0x34 ss:$0x1] =	vst.idx.msk $0xffff, v54;
	v9 =	vld.idx.msk [tilespmem:v52+s3+$0x0], $0xffff  }
0x4dd: {  	s9 =	sor.u32 $0x2400, s1;
	s31 =	sor.u32 $0x7400, s1;
	s1 =	sadd.s32 $0x2403, s21;
	v8 =	vld.idx.msk [tilespmem:v10+s3+$0x0], $0xffff;
	[tilespmem:v1+s0+$0x0 ss:$0x1] =	vst.idx.msk $0xffff, v57  }
0x4de: {  	v61 =	vor.u32 s1, v0;
	v6 =	vld.idx.msk [tilespmem:v34+s3+$0x0], $0xffff  }
0x4df: {  	[tilespmem:s7+$0x4010] =	vst v3;
	v3 =	vld.idx.msk [tilespmem:v56+s3+$0x0], $0xffff  }
0x4e0: {  	s2 =	sor.u32 $0x7400, s2;
	v62 =	vadd.s32 $0x500, v45;
	v4 =	vld.idx.msk [tilespmem:v58+s3+$0x0], $0xffff;
	[tilespmem:s29+$0x1050] =	vst v2  }
0x4e1: {  	v2 =	vld.idx.msk [tilespmem:v59+s3+$0x0], $0xffff;
	[tilespmem:v1+s2+$0x0 ss:$0x1] =	vst.idx.msk $0xffff, v5  }
0x4e2: {  	s11 =	smov.u32 s17;
	s17 =	simm.s32 $0x800;
	v63 =	vadd.s32 $0x600, v42;
	[tilespmem:s19+$0x4010] =	vst v9  }
0x4e3: {  	s30 =	rddreg [dreg:$0x1d];
	v10 =	vadd.s32 $0x100, v56;
	v36 =	vld.idx.msk [tilespmem:v61+s17+$0x0], $0xffff;
	[tilespmem:v1+s4+$0x34 ss:$0x1] =	vst.idx.msk $0xffff, v8  }
0x4e4: {  	v8 =	vld.idx.msk [tilespmem:v49+s3+$0x0], $0xffff;
	[tilespmem:v1+s30+$0x20 ss:$0x1] =	vst.idx.msk $0xffff, v6  }
0x4e5: {  	v9 =	vadd.s32 $0x300, v39;
	v34 =	vld.idx.msk [tilespmem:v62+s3+$0x0], $0xffff;
	[tilespmem:s28+$0x50] =	vst v3  }
0x4e6: {  	[tilespmem:s7+$0x5010] =	vst v4;
	v3 =	vld.idx.msk [tilespmem:v50+s3+$0x0], $0xffff;
	v50 =	vadd.s32 $0x600, v45  }
0x4e7: {  	v5 =	vld.idx.msk [tilespmem:v63+s3+$0x0], $0xffff  }
0x4e8: {  	v51 =	vld.idx.msk [tilespmem:v10+s3+$0x0], $0xffff  }
0x4e9: {  	[tilespmem:s29+$0x2050] =	vst v2;
	v2 =	vld.idx.msk [tilespmem:v12+s17+$0x0], $0xffff;
	v10 =	vadd.s32 $0x700, v42  }
0x4ea: {  	v60 =	vadd.s32 $0x200, v56;
	v9 =	vld.idx.msk [tilespmem:v9+s3+$0x0], $0xffff;
	[tilespmem:v1+s23+$0x34 ss:$0x1] =	vst.idx.msk $0xffff, v34  }
0x4eb: {  	v58 =	vadd.s32 $0x400, v39;
	[tilespmem:s19+$0x5010] =	vst v8;
	v6 =	vld.idx.msk [tilespmem:v50+s3+$0x0], $0xffff  }
0x4ec: {  	[tilespmem:v1+s9+$0x0 ss:$0x1] =	vst.idx.msk $0xffff, v3;
	v3 =	vld.idx.msk [tilespmem:v36+s3+$0x0], $0xffff  }
0x4ed: {  	v59 =	vadd.s32 $0x700, v45;
	[tilespmem:s7+$0x6010] =	vst v5;
	v8 =	vld.idx.msk [tilespmem:v46+s3+$0x0], $0xffff  }
0x4ee: {  	v61 =	vadd.s32 $0x100, v36;
	[tilespmem:s28+$0x1050] =	vst v51;
	v10 =	vld.idx.msk [tilespmem:v10+s3+$0x0], $0xffff  }
0x4ef: {  	s23 =	rddreg [dreg:$0x18];
	[tilespmem:s29+$0x3050] =	vst v9;
	v60 =	vld.idx.msk [tilespmem:v60+s3+$0x0], $0xffff  }
0x4f0: {  	[dreg:$0xe] =	wrdreg s12;
	s12 =	sadd.s32 $0x803, s24;
	v52 =	vadd.s32 $0x300, v56;
	v7 =	vld.idx.msk [tilespmem:v58+s3+$0x0], $0xffff;
	[tilespmem:v1+s23+$0x34 ss:$0x1] =	vst.idx.msk $0xffff, v6  }
0x4f1: {  	v63 =	vor.u32 s12, v0;
	v9 =	vld.idx.msk [tilespmem:v48+s3+$0x0], $0xffff;
	[tilespmem:s14+$0x410] =	vst v3  }
0x4f2: {  	v3 =	vld.idx.msk [tilespmem:v59+s3+$0x0], $0xffff  }
0x4f3: {  	s25 =	sld [smem:$0x7E2];
	v51 =	vadd.s32 $0x500, v39;
	[tilespmem:s19+$0x6010] =	vst v8;
	v6 =	vld.idx.msk [tilespmem:v61+s3+$0x0], $0xffff  }
0x4f4: {  	v8 =	vld.idx.msk [tilespmem:v40+s3+$0x0], $0xffff;
	[tilespmem:s28+$0x2050] =	vst v60  }
0x4f5: {  	[tilespmem:s7+$0x7010] =	vst v10;
	v5 =	vld.idx.msk [tilespmem:v52+s3+$0x0], $0xffff  }
0x4f6: {  	[smem:$0x7E4] =	sst s24;
	v53 =	vadd.s32 $0x400, v56;
	v47 =	vadd.s32 $0x500, v56;
	v10 =	vadd.s32 $0x200, v36;
	v40 =	vld.idx.msk [tilespmem:v63+s17+$0x0], $0xffff;
	[tilespmem:v1+s25+$0x0 ss:$0x1] =	vst.idx.msk $0xffff, v9  }
0x4f7: {  	s24 =	rddreg [dreg:$0x19];
	v44 =	vadd.s32 $0x600, v56;
	v43 =	vadd.s32 $0x700, v56;
	v62 =	vadd.s32 $0x100, v2;
	[tilespmem:s29+$0x4050] =	vst v7;
	v52 =	vld.idx.msk [tilespmem:v41+s3+$0x0], $0xffff  }
0x4f8: {  	v49 =	vadd.s32 $0x200, v2;
	v50 =	vadd.s32 $0x300, v2;
	v42 =	vadd.s32 $0x400, v2;
	v4 =	vld.idx.msk [tilespmem:v51+s3+$0x0], $0xffff;
	[tilespmem:v1+s24+$0x34 ss:$0x1] =	vst.idx.msk $0xffff, v3  }
0x4f9: {  	v22 =	vmovc v33;
	v56 =	vmovc v32;
	v34 =	vadd.s32 $0x500, v2;
	v33 =	vadd.s32 $0x600, v2;
	v32 =	vadd.s32 $0x700, v2;
	v2 =	vld.idx.msk [tilespmem:v2+s3+$0x0], $0xffff;
	[tilespmem:s19+$0x7010] =	vst v8;
	s24 =	sld [smem:$0x7E3]  }
0x4fa: {  	v3 =	vadd.s32 $0x600, v39;
	[tilespmem:v1+s26+$0x10 ss:$0x1] =	vst.idx.msk $0xffff, v6;
	v8 =	vld.idx.msk [tilespmem:v31+s17+$0x0], $0xffff  }
0x4fb: {  	[tilespmem:s28+$0x3050] =	vst v5;
	v6 =	vld.idx.msk [tilespmem:v10+s3+$0x0], $0xffff  }
0x4fc: {  	v9 =	vadd.s32 $0x300, v36;
	v5 =	vld.idx.msk [tilespmem:v53+s3+$0x0], $0xffff;
	[tilespmem:v1+s24+$0x0 ss:$0x1] =	vst.idx.msk $0xffff, v52  }
0x4fd: {  	[dreg:$0x10] =	wrdreg s18;
	v7 =	vld.idx.msk [tilespmem:v18+s3+$0x0], $0xffff  }
0x4fe: {  	s18 =	rddreg [dreg:$0x12];
	v10 =	vld.idx.msk [tilespmem:v40+s3+$0x0], $0xffff;
	[tilespmem:s29+$0x5050] =	vst v4  }
0x4ff: {  	[dreg:$0x6] =	wrdreg s20;
	s20 =	smov.u32 s10;
	[tilespmem:s18+$0x430] =	vst v2;
	v3 =	vld.idx.msk [tilespmem:v3+s3+$0x0], $0xffff  }
0x500: {  	v2 =	vadd.s32 $0x100, v40;
	v57 =	vld.idx.msk [tilespmem:v38+s3+$0x0], $0xffff;
	[tilespmem:v1+s20+$0x10 ss:$0x1] =	vst.idx.msk $0xffff, v6  }
0x501: {  	[tilespmem:s28+$0x4050] =	vst v5;
	v9 =	vld.idx.msk [tilespmem:v9+s3+$0x0], $0xffff  }
0x502: {  	v55 =	vmovc v14;
	v14 =	vmovc v16;
	v16 =	vadd.s32 $0x700, v39;
	s23 =	smov.u32 s8;
	s8 =	rddreg [dreg:$0xf];
	v58 =	vadd.s32 $0x100, v8;
	v59 =	vadd.s32 $0x200, v8;
	v5 =	vld.idx.msk [tilespmem:v62+s3+$0x0], $0xffff  }
0x503: {  	v60 =	vadd.s32 $0x300, v8;
	v61 =	vadd.s32 $0x400, v8;
	v41 =	vadd.s32 $0x500, v8;
	v62 =	vld.idx.msk [tilespmem:v8+s3+$0x0], $0xffff;
	[tilespmem:v1+s8+$0x34 ss:$0x1] =	vst.idx.msk $0xffff, v7  }
0x504: {  	v38 =	vadd.s32 $0x600, v8;
	v31 =	vadd.s32 $0x700, v8;
	v8 =	vadd.s32 $0x400, v36;
	[tilespmem:s7+$0x20] =	vst v10  }
0x505: {  	s10 =	smov.u32 s6;
	s6 =	rddreg [dreg:$0x1f];
	v2 =	vld.idx.msk [tilespmem:v2+s3+$0x0], $0xffff;
	[tilespmem:s29+$0x6050] =	vst v3  }
0x506: {  	s1 =	smov.u32 s13;
	s13 =	smov.u32 s9;
	s9 =	rddreg [dreg:$0x1b];
	v7 =	vld.idx.msk [tilespmem:v47+s3+$0x0], $0xffff;
	[tilespmem:v1+s6+$0x0 ss:$0x1] =	vst.idx.msk $0xffff, v57  }
0x507: {  	s18 =	smov.u32 s9;
	v3 =	vld.idx.msk [tilespmem:v16+s3+$0x0], $0xffff;
	[tilespmem:v1+s11+$0x10 ss:$0x1] =	vst.idx.msk $0xffff, v9  }
0x508: {  	v63 =	vadd.s32 $0x200, v40;
	v10 =	vld.idx.msk [tilespmem:v37+s3+$0x0], $0xffff;
	[tilespmem:v1+s18+$0x30 ss:$0x1] =	vst.idx.msk $0xffff, v5  }
0x509: {  	s4 =	smov.u32 s5;
	s5 =	sadd.s32 $0x1803, s16;
	v8 =	vld.idx.msk [tilespmem:v8+s3+$0x0], $0xffff;
	[tilespmem:s19+$0x20] =	vst v62  }
0x50a: {  	v9 =	vor.u32 s5, v0;
	v5 =	vld.idx.msk [tilespmem:v49+s3+$0x0], $0xffff  }
0x50b: {  	v6 =	vld.idx.msk [tilespmem:v58+s3+$0x0], $0xffff;
	[tilespmem:s28+$0x5050] =	vst v7  }
0x50c: {  	v46 =	vadd.s32 $0x500, v36;
	[tilespmem:s7+$0x1020] =	vst v2  }
0x50d: {  	s5 =	rddreg [dreg:$0x1e];
	v4 =	vld.idx.msk [tilespmem:v63+s3+$0x0], $0xffff;
	[tilespmem:s29+$0x7050] =	vst v3  }
0x50e: {  	v2 =	vld.idx.msk [tilespmem:v44+s3+$0x0], $0xffff;
	[tilespmem:v1+s5+$0x0 ss:$0x1] =	vst.idx.msk $0xffff, v10  }
0x50f: {  	v3 =	vadd.s32 $0x300, v40;
	v16 =	vld.idx.msk [tilespmem:v9+s17+$0x0], $0xffff;
	[tilespmem:v1+s10+$0x10 ss:$0x1] =	vst.idx.msk $0xffff, v8  }
0x510: {  	v9 =	vld.idx.msk [tilespmem:v35+s3+$0x0], $0xffff;
	[tilespmem:v1+s22+$0x30 ss:$0x1] =	vst.idx.msk $0xffff, v5  }
0x511: {  	v7 =	vld.idx.msk [tilespmem:v46+s3+$0x0], $0xffff;
	[tilespmem:s19+$0x1020] =	vst v6  }
0x512: {  	v5 =	vld.idx.msk [tilespmem:v50+s3+$0x0], $0xffff  }
0x513: {  	[tilespmem:s7+$0x2020] =	vst v4;
	v6 =	vld.idx.msk [tilespmem:v59+s3+$0x0], $0xffff  }
0x514: {  	[tilespmem:s28+$0x6050] =	vst v2;
	v2 =	vadd.s32 $0x600, v36;
	v3 =	vld.idx.msk [tilespmem:v3+s3+$0x0], $0xffff  }
0x515: {  	v47 =	vld.idx.msk [tilespmem:v43+s3+$0x0], $0xffff;
	[tilespmem:v1+s31+$0x0 ss:$0x1] =	vst.idx.msk $0xffff, v9;
	v9 =	vadd.s32 $0x400, v40  }
0x516: {  	v53 =	vmov v11;
	v11 =	vld [tilespmem:$0x1FF70]  }
0x517: {  	s9 =	smov.u32 s0;
	s0 =	rddreg [dreg:$0xc];
	v10 =	vld.idx.msk [tilespmem:v16+s3+$0x0], $0xffff;
	[tilespmem:v1+s1+$0x10 ss:$0x1] =	vst.idx.msk $0xffff, v7  }
0x518: {  	v8 =	vld.idx.msk [tilespmem:v15+s3+$0x0], $0xffff;
	[tilespmem:v1+s0+$0x30 ss:$0x1] =	vst.idx.msk $0xffff, v5  }
0x519: {  	v2 =	vld.idx.msk [tilespmem:v2+s3+$0x0], $0xffff;
	[tilespmem:s7+$0x3020] =	vst v3  }
0x51a: {  	v49 =	vadd.s32 $0x100, v16;
	[tilespmem:s19+$0x2020] =	vst v6;
	v9 =	vld.idx.msk [tilespmem:v9+s3+$0x0], $0xffff  }
0x51b: {  	v51 =	vadd.s32 $0x700, v36;
	[dreg:$0xf] =	wrdreg s18;
	v6 =	vld.idx.msk [tilespmem:v19+s17+$0x0], $0xffff  }
0x51c: {  	s18 =	rddreg [dreg:$0x7];
	v50 =	vld.idx.msk [tilespmem:v60+s3+$0x0], $0xffff;
	[tilespmem:s28+$0x7050] =	vst v47  }
0x51d: {  	v3 =	vld.idx.msk [tilespmem:v21+s17+$0x0], $0xffff;
	[tilespmem:v1+s18+$0x34 ss:$0x1] =	vst.idx.msk $0xffff, v8  }
0x51e: {  	[tilespmem:s29+$0x60] =	vst v10;
	v8 =	vld.idx.msk [tilespmem:v42+s3+$0x0], $0xffff  }
0x51f: {  	v5 =	vld.idx.msk [tilespmem:v49+s3+$0x0], $0xffff;
	[tilespmem:v1+s4+$0x10 ss:$0x1] =	vst.idx.msk $0xffff, v2  }
0x520: {  	v10 =	vadd.s32 $0x500, v40;
	v4 =	vld.idx.msk [tilespmem:v51+s3+$0x0], $0xffff  }
0x521: {  	v52 =	vadd.s32 $0x200, v16;
	v51 =	vld [tilespmem:$0x1FF80];
	[tilespmem:s19+$0x3020] =	vst v50  }
0x522: {  	s8 =	smov.u32 s1;
	s1 =	smov.u32 s4;
	s4 =	sadd.s32 $0x2803, s21;
	v57 =	vld.idx.msk [tilespmem:v11+s3+$0x0], $0xffff  }
0x523: {  	v21 =	vmov v29;
	v29 =	vor.u32 s4, v0;
	[tilespmem:s7+$0x4020] =	vst v9;
	v58 =	vld.idx.msk [tilespmem:v61+s3+$0x0], $0xffff  }
0x524: {  	v61 =	vld.idx.msk [tilespmem:v6+s3+$0x0], $0xffff;
	[tilespmem:v1+s15+$0x30 ss:$0x1] =	vst.idx.msk $0xffff, v8  }
0x525: {  	s12 =	smov.u32 s2;
	s2 =	smov.u32 s22;
	v62 =	vadd.s32 $0x600, v40;
	v2 =	vadd.s32 $0x100, v6;
	v59 =	vadd.s32 $0x100, v3;
	v10 =	vld.idx.msk [tilespmem:v10+s3+$0x0], $0xffff;
	[tilespmem:s29+$0x1060] =	vst v5  }
0x526: {  	s22 =	smov.u32 s21;
	s21 =	smov.u32 s12;
	v60 =	vadd.s32 $0x200, v3;
	v9 =	vadd.s32 $0x300, v3;
	v48 =	vadd.s32 $0x400, v3;
	v63 =	vld.idx.msk [tilespmem:v52+s3+$0x0], $0xffff;
	[tilespmem:v1+s12+$0x10 ss:$0x1] =	vst.idx.msk $0xffff, v4;
	s12 =	rddreg [dreg:$0xb]  }
0x527: {  	v15 =	vmovc v30;
	v12 =	vadd.s32 $0x500, v3;
	v39 =	vadd.s32 $0x600, v3;
	v30 =	vadd.s32 $0x700, v3;
	v3 =	vld.idx.msk [tilespmem:v3+s3+$0x0], $0xffff;
	[tilespmem:v1+s12+$0x34 ss:$0x1] =	vst.idx.msk $0xffff, v57  }
0x528: {  	v29 =	vld.idx.msk [tilespmem:v29+s17+$0x0], $0xffff;
	[tilespmem:s19+$0x4020] =	vst v58  }
0x529: {  	v44 =	vadd.s32 $0x300, v16;
	v45 =	vld.idx.msk [tilespmem:v34+s3+$0x0], $0xffff  }
0x52a: {  	[tilespmem:s7+$0x5020] =	vst v10;
	v8 =	vld.idx.msk [tilespmem:v41+s3+$0x0], $0xffff  }
0x52b: {  	s18 =	smov.u32 s13;
	s13 =	smov.u32 s0;
	[tilespmem:s23+$0x410] =	vst v61;
	v5 =	vld.idx.msk [tilespmem:v62+s3+$0x0], $0xffff  }
0x52c: {  	v50 =	vadd.s32 $0x700, v40;
	[dreg:$0xb] =	wrdreg s13;
	v2 =	vld.idx.msk [tilespmem:v2+s3+$0x0], $0xffff;
	[tilespmem:s28+$0x60] =	vst v3  }
0x52d: {  	s13 =	rddreg [dreg:$0xe];
	[tilespmem:s29+$0x2060] =	vst v63;
	v3 =	vld.idx.msk [tilespmem:v59+s3+$0x0], $0xffff  }
0x52e: {  	[dreg:$0x7] =	wrdreg s2;
	v4 =	vld.idx.msk [tilespmem:v44+s3+$0x0], $0xffff;
	[tilespmem:v1+s13+$0x30 ss:$0x1] =	vst.idx.msk $0xffff, v45  }
0x52f: {  	s2 =	sld [smem:$0x7E4];
	v7 =	vld.idx.msk [tilespmem:v51+s3+$0x0], $0xffff;
	[tilespmem:s19+$0x5020] =	vst v8;
	v8 =	vadd.s32 $0x400, v16  }
0x530: {  	v35 =	vadd.s32 $0x200, v6;
	v42 =	vadd.s32 $0x300, v6;
	v43 =	vadd.s32 $0x400, v6;
	v10 =	vld.idx.msk [tilespmem:v29+s3+$0x0], $0xffff;
	[tilespmem:s7+$0x6020] =	vst v5  }
0x531: {  	v54 =	vmovc v13;
	v13 =	vadd.s32 $0x500, v6;
	v37 =	vadd.s32 $0x600, v6;
	v36 =	vadd.s32 $0x700, v6;
	v6 =	vld.idx.msk [tilespmem:v50+s3+$0x0], $0xffff  }
0x532: {  	[dreg:$0x1b] =	wrdreg s9;
	v57 =	vadd.s32 $0x100, v29;
	v52 =	vld.idx.msk [tilespmem:v38+s3+$0x0], $0xffff;
	[tilespmem:v1+s9+$0x10 ss:$0x1] =	vst.idx.msk $0xffff, v2;
	s9 =	sadd.s32 $0xC03, s2  }
0x533: {  	[tilespmem:s29+$0x3060] =	vst v4;
	v58 =	vor.u32 s9, v0  }
0x534: {  	v8 =	vld.idx.msk [tilespmem:v8+s3+$0x0], $0xffff  }
0x535: {  	v2 =	vld.idx.msk [tilespmem:v35+s3+$0x0], $0xffff;
	[tilespmem:s28+$0x1060] =	vst v3  }
0x536: {  	v3 =	vld.idx.msk [tilespmem:v60+s3+$0x0], $0xffff;
	[tilespmem:s14+$0x420] =	vst v10  }
0x537: {  	s12 =	rddreg [dreg:$0x8];
	v5 =	vld.idx.msk [tilespmem:v57+s3+$0x0], $0xffff;
	[tilespmem:s7+$0x7020] =	vst v6  }
0x538: {  	[tilespmem:v1+s12+$0x34 ss:$0x1] =	vst.idx.msk $0xffff, v7;
	v35 =	vld.idx.msk [tilespmem:v58+s17+$0x0], $0xffff  }
0x539: {  	[tilespmem:s29+$0x4060] =	vst v8;
	v8 =	vld [tilespmem:$0x1FF90]  }
0x53a: {  	v7 =	vld.idx.msk [tilespmem:v33+s3+$0x0], $0xffff;
	[tilespmem:s19+$0x6020] =	vst v52  }
0x53b: {  	v31 =	vld.idx.msk [tilespmem:v31+s3+$0x0], $0xffff;
	[tilespmem:v1+s18+$0x10 ss:$0x1] =	vst.idx.msk $0xffff, v2  }
0x53c: {  	v2 =	vld.idx.msk [tilespmem:v42+s3+$0x0], $0xffff  }
0x53d: {  	[tilespmem:s28+$0x2060] =	vst v3  }
0x53e: {  	s9 =	rddreg [dreg:$0x10];
	v3 =	vld.idx.msk [tilespmem:v9+s3+$0x0], $0xffff  }
0x53f: {  	[tilespmem:v1+s9+$0x30 ss:$0x1] =	vst.idx.msk $0xffff, v7  }
0x540: {  	s4 =	smov.u32 s25;
	v61 =	vld.idx.msk [tilespmem:v32+s3+$0x0], $0xffff;
	[tilespmem:s19+$0x7020] =	vst v31  }
0x541: {  	v8 =	vld.idx.msk [tilespmem:v8+s17+$0x0], $0xffff;
	[tilespmem:v1+s4+$0x10 ss:$0x1] =	vst.idx.msk $0xffff, v2  }
0x542: {  	v2 =	vld.idx.msk [tilespmem:v43+s3+$0x0], $0xffff  }
0x543: {  	[tilespmem:s28+$0x3060] =	vst v3;
	v3 =	vld [tilespmem:$0x1FFA0]  }
0x544: {  	v10 =	vadd.s32 $0x500, v16  }
0x545: {  	v59 =	vadd.s32 $0x200, v29;
	_ =	sdelay $0x3  }
0x546: {  	v60 =	vld.idx.msk [tilespmem:v10+s3+$0x0], $0xffff;
	[tilespmem:v1+s26+$0x20 ss:$0x1] =	vst.idx.msk $0xffff, v5  }
0x547: {  	v6 =	vld.idx.msk [tilespmem:v59+s3+$0x0], $0xffff  }
0x548: {  	v3 =	vld.idx.msk [tilespmem:v3+s3+$0x0], $0xffff;
	[tilespmem:v1+s30+$0x30 ss:$0x1] =	vst.idx.msk $0xffff, v61  }
0x549: {  	s0 =	smov.u32 s24;
	v62 =	vadd.s32 $0x600, v16;
	v57 =	vld.idx.msk [tilespmem:v48+s3+$0x0], $0xffff  }
0x54a: {  	v9 =	vadd.s32 $0x300, v29;
	[tilespmem:v1+s0+$0x10 ss:$0x1] =	vst.idx.msk $0xffff, v2;
	v2 =	vld [tilespmem:$0x1FFB0]  }
0x54b: {  	v18 =	vld [tilespmem:$0x1FFC0];
	_ =	sdelay $0x1  }
0x54c: {  	v10 =	vld.idx.msk [tilespmem:v35+s3+$0x0], $0xffff;
	[tilespmem:s29+$0x5060] =	vst v60  }
0x54d: {  	v4 =	vld.idx.msk [tilespmem:v62+s3+$0x0], $0xffff;
	[tilespmem:v1+s20+$0x20 ss:$0x1] =	vst.idx.msk $0xffff, v6  }
0x54e: {  	v9 =	vld.idx.msk [tilespmem:v9+s3+$0x0], $0xffff  }
0x54f: {  	v48 =	vmov v18;
	v18 =	vld [tilespmem:$0x1FFE0]  }
0x550: {  	[dreg:$0x1c] =	wrdreg s31;
	v63 =	vadd.s32 $0x100, v35;
	v31 =	vld.idx.msk [tilespmem:v8+s3+$0x0], $0xffff  }
0x551: {  	s31 =	smov.u32 s23;
	s23 =	smov.u32 s2;
	s2 =	rddreg [dreg:$0x9];
	v16 =	vadd.s32 $0x700, v16;
	v58 =	vadd.s32 $0x100, v8;
	v59 =	vadd.s32 $0x200, v8;
	v2 =	vld.idx.msk [tilespmem:v2+s17+$0x0], $0xffff  }
0x552: {  	v11 =	vmovc v27;
	v27 =	vadd.s32 $0x300, v8;
	v45 =	vadd.s32 $0x400, v8;
	v44 =	vadd.s32 $0x500, v8;
	[tilespmem:v1+s2+$0x34 ss:$0x1] =	vst.idx.msk $0xffff, v3;
	v3 =	vld [tilespmem:$0x1FFD0]  }
0x553: {  	v42 =	vadd.s32 $0x600, v8;
	v38 =	vadd.s32 $0x700, v8;
	v8 =	vadd.s32 $0x400, v29  }
0x554: {  	[tilespmem:s7+$0x30] =	vst v10  }
0x555: {  	v5 =	vld.idx.msk [tilespmem:v63+s3+$0x0], $0xffff;
	[tilespmem:s29+$0x6060] =	vst v4  }
0x556: {  	v4 =	vld.idx.msk [tilespmem:v16+s3+$0x0], $0xffff  }
0x557: {  	v60 =	vadd.s32 $0x200, v35;
	[tilespmem:v1+s11+$0x20 ss:$0x1] =	vst.idx.msk $0xffff, v9;
	v49 =	vmov v3;
	v3 =	vld.idx.msk [tilespmem:v13+s3+$0x0], $0xffff  }
0x558: {  	s25 =	smov.u32 s15;
	s15 =	sadd.s32 $0x1C03, s16;
	v8 =	vld.idx.msk [tilespmem:v8+s3+$0x0], $0xffff;
	[tilespmem:s28+$0x4060] =	vst v57  }
0x559: {  	v9 =	vor.u32 s15, v0;
	v10 =	vld.idx.msk [tilespmem:v12+s3+$0x0], $0xffff;
	[tilespmem:s19+$0x30] =	vst v31  }
0x55a: {  	v51 =	vmov v28;
	v28 =	vld.idx.msk [tilespmem:v18+s3+$0x0], $0xffff  }
0x55b: {  	[dreg:$0xc] =	wrdreg s4;
	s4 =	smov.u32 s13;
	s13 =	smov.u32 s6;
	[tilespmem:s7+$0x1030] =	vst v5;
	v6 =	vld.idx.msk [tilespmem:v58+s3+$0x0], $0xffff  }
0x55c: {  	v7 =	vld.idx.msk [tilespmem:v60+s3+$0x0], $0xffff;
	[tilespmem:v1+s13+$0x10 ss:$0x1] =	vst.idx.msk $0xffff, v3  }
0x55d: {  	[tilespmem:s29+$0x7060] =	vst v4;
	v62 =	vld.idx.msk [tilespmem:v37+s3+$0x0], $0xffff  }
0x55e: {  	[tilespmem:s28+$0x5060] =	vst v10;
	v37 =	vld.idx.msk [tilespmem:v9+s17+$0x0], $0xffff;
	s17 =	rddreg [dreg:$0xa]  }
0x55f: {  	v9 =	vld.idx.msk [tilespmem:v39+s3+$0x0], $0xffff;
	[tilespmem:v1+s17+$0x34 ss:$0x1] =	vst.idx.msk $0xffff, v28  }
0x560: {  	v16 =	vadd.s32 $0x100, v2;
	v13 =	vadd.s32 $0x200, v2;
	[tilespmem:s19+$0x1030] =	vst v6  }
0x561: {  	v52 =	vadd.s32 $0x400, v2;
	v50 =	vadd.s32 $0x500, v2;
	v47 =	vadd.s32 $0x600, v2;
	v31 =	vld.idx.msk [tilespmem:v2+s3+$0x0], $0xffff  }
0x562: {  	v61 =	vadd.s32 $0x700, v2;
	v12 =	vadd.s32 $0x300, v2;
	v3 =	vadd.s32 $0x500, v29;
	v2 =	vld [tilespmem:$0x1FFF0]  }
0x563: {  	[dreg:$0x11] =	wrdreg s18  }
0x564: {  	s24 =	smov.u32 s14;
	[dreg:$0xd] =	wrdreg s0;
	v63 =	vadd.s32 $0x300, v35  }
0x565: {  	[dreg:$0x8] =	wrdreg s25;
	s14 =	smov.u32 s26;
	s26 =	smov.u32 s5  }
.Ltmp0:
0x566: {  	[dreg:$0x10] =	wrdreg s26;
	[tilespmem:v1+s10+$0x20 ss:$0x1] =	vst.idx.msk $0xffff, v8;
	v34 =	vld.idx.msk [tilespmem:v59+s3+$0x0], $0xffff;
	(pc) =	sbr.rel @p1 .LBB2_3-.Ltmp0, $4  }
0x567: {  	[dreg:$0x9] =	wrdreg s4;
	v33 =	vld.idx.msk [tilespmem:v3+s3+$0x0], $0xffff;
	[tilespmem:v1+s26+$0x10 ss:$0x1] =	vst.idx.msk $0xffff, v62  }
0x568: {  	s25 =	smov.u32 s9;
	s12 =	smov.u32 s30;
	[dreg:$0xe] =	wrdreg s13;
	[tilespmem:s7+$0x2030] =	vst v7;
	v32 =	vld.idx.msk [tilespmem:v36+s3+$0x0], $0xffff  }
0x569: {  	s30 =	smov.u32 s20;
	s20 =	smov.u32 s16;
	s16 =	rddreg [dreg:$0x1a];
	v36 =	vld.idx.msk [tilespmem:v63+s3+$0x0], $0xffff;
	[tilespmem:s28+$0x6060] =	vst v9  }
0x56a: {  	s18 =	smov.u32 s11;
	s4 =	smov.u32 s10;
	v46 =	vmov v61;
	[dreg:$0xa] =	wrdreg s25;
	v39 =	vadd.s32 $0x600, v29;
	v28 =	vld.idx.msk [tilespmem:v2+s3+$0x0], $0xffff  }
0x56b: {  	_ =	sdelay $0x3  }
0x56c: {  	[tilespmem:v1+s8+$0x20 ss:$0x1] =	vst.idx.msk $0xffff, v33  }
0x56d: {  	v3 =	vld.idx.msk [tilespmem:v37+s3+$0x0], $0xffff;
	[dreg:$0x17] =	wrdreg s8  }
0x56e: {  	v2 =	vadd.s32 $0x400, v35;
	v4 =	vld.idx.msk [tilespmem:v39+s3+$0x0], $0xffff  }
0x56f: {  	v5 =	vadd.s32 $0x100, v37  }
0x570: {  	v6 =	vadd.s32 $0x700, v29  }
0x571: {  	[tilespmem:s7+$0x3030] =	vst v36  }
0x572: {  	[tilespmem:s29+$0x70] =	vst v3  }
0x573: {  	s11 =	smov.u32 s1;
	v2 =	vld.idx.msk [tilespmem:v2+s3+$0x0], $0xffff;
	[tilespmem:v1+s1+$0x20 ss:$0x1] =	vst.idx.msk $0xffff, v4  }
0x574: {  	v3 =	vadd.s32 $0x500, v35;
	v5 =	vld.idx.msk [tilespmem:v5+s3+$0x0], $0xffff;
	[dreg:$0x18] =	wrdreg s11  }
0x575: {  	v4 =	vld.idx.msk [tilespmem:v6+s3+$0x0], $0xffff  }
0x576: {  	v57 =	vadd.s32 $0x200, v37;
	s2 =	sadd.s32 $0x2C03, s22;
	[tilespmem:s19+$0x2030] =	vst v34  }
0x577: {  	v7 =	vor.u32 s2, v0;
	v8 =	vld.idx.msk [tilespmem:v27+s3+$0x0], $0xffff  }
0x578: {  	v9 =	vld.idx.msk [tilespmem:v30+s3+$0x0], $0xffff;
	[tilespmem:s7+$0x4030] =	vst v2  }
0x579: {  	v2 =	vld.idx.msk [tilespmem:v3+s3+$0x0], $0xffff;
	[tilespmem:s29+$0x1070] =	vst v5  }
0x57a: {  	s9 =	smov.u32 s21;
	v3 =	vadd.s32 $0x600, v35;
	[tilespmem:v1+s21+$0x20 ss:$0x1] =	vst.idx.msk $0xffff, v4  }
0x57b: {  	s5 =	simm.s32 $0x800;
	v5 =	vld.idx.msk [tilespmem:v57+s3+$0x0], $0xffff;
	[dreg:$0x19] =	wrdreg s9  }
0x57c: {  	[tilespmem:s19+$0x3030] =	vst v8;
	v4 =	vld.idx.msk [tilespmem:v7+s5+$0x0], $0xffff  }
0x57d: {  	v59 =	vadd.s32 $0x300, v37;
	[tilespmem:s28+$0x7060] =	vst v9;
	v58 =	vld.idx.msk [tilespmem:v45+s3+$0x0], $0xffff  }
0x57e: {  	[tilespmem:s7+$0x5030] =	vst v2;
	v8 =	vld.idx.msk [tilespmem:v26+s5+$0x0], $0xffff  }
0x57f: {  	v2 =	vld.idx.msk [tilespmem:v3+s3+$0x0], $0xffff  }
0x580: {  	v3 =	vadd.s32 $0x700, v35  }
0x581: {  	[tilespmem:s29+$0x2070] =	vst v5  }
0x582: {  	v5 =	vld.idx.msk [tilespmem:v59+s3+$0x0], $0xffff  }
0x583: {  	v60 =	vadd.s32 $0x400, v37;
	[tilespmem:s19+$0x4030] =	vst v58  }
0x584: {  	[tilespmem:s7+$0x6030] =	vst v2;
	v6 =	vld.idx.msk [tilespmem:v44+s3+$0x0], $0xffff  }
0x585: {  	s25 =	sadd.s32 $0x1003, s23;
	v3 =	vld.idx.msk [tilespmem:v3+s3+$0x0], $0xffff  }
0x586: {  	v10 =	vor.u32 s25, v0;
	v61 =	vld.idx.msk [tilespmem:v4+s3+$0x0], $0xffff  }
0x587: {  	v2 =	vadd.s32 $0x100, v4;
	[tilespmem:s29+$0x3070] =	vst v5;
	v26 =	vld.idx.msk [tilespmem:v8+s3+$0x0], $0xffff  }
0x588: {  	v62 =	vadd.s32 $0x100, v8;
	v5 =	vld.idx.msk [tilespmem:v60+s3+$0x0], $0xffff  }
0x589: {  	v63 =	vadd.s32 $0x500, v37;
	[tilespmem:s19+$0x5030] =	vst v6  }
0x58a: {  	[tilespmem:s7+$0x7030] =	vst v3;
	v6 =	vld.idx.msk [tilespmem:v42+s3+$0x0], $0xffff  }
0x58b: {  	[tilespmem:s24+$0x430] =	vst v61;
	v9 =	vld.idx.msk [tilespmem:v10+s5+$0x0], $0xffff  }
0x58c: {  	v2 =	vld.idx.msk [tilespmem:v2+s3+$0x0], $0xffff;
	[tilespmem:s28+$0x70] =	vst v26  }
0x58d: {  	v3 =	vadd.s32 $0x200, v4;
	[tilespmem:s29+$0x4070] =	vst v5;
	v18 =	vld.idx.msk [tilespmem:v62+s3+$0x0], $0xffff  }
0x58e: {  	v5 =	vld.idx.msk [tilespmem:v63+s3+$0x0], $0xffff  }
0x58f: {  	v19 =	vadd.s32 $0x200, v8;
	[tilespmem:s19+$0x6030] =	vst v6  }
0x590: {  	v6 =	vld.idx.msk [tilespmem:v38+s3+$0x0], $0xffff;
	[smem:$0x7D0] =	sst s14  }
0x591: {  	[tilespmem:v1+s14+$0x30 ss:$0x1] =	vst.idx.msk $0xffff, v2;
	v2 =	vadd.s32 $0x600, v37  }
0x592: {  	s26 =	rddreg [dreg:$0x1c];
	v3 =	vld.idx.msk [tilespmem:v3+s3+$0x0], $0xffff;
	[tilespmem:s28+$0x1070] =	vst v18  }
0x593: {  	v29 =	vadd.s32 $0x300, v4;
	v30 =	vld.idx.msk [tilespmem:v9+s3+$0x0], $0xffff;
	[tilespmem:s29+$0x5070] =	vst v5  }
0x594: {  	[tilespmem:v1+s26+$0x10 ss:$0x1] =	vst.idx.msk $0xffff, v32;
	v10 =	vld.idx.msk [tilespmem:v19+s3+$0x0], $0xffff  }
0x595: {  	v33 =	vadd.s32 $0x100, v9;
	v26 =	vld.idx.msk [tilespmem:v24+s5+$0x0], $0xffff;
	[tilespmem:s19+$0x7030] =	vst v6  }
0x596: {  	v32 =	vadd.s32 $0x300, v8;
	v2 =	vld.idx.msk [tilespmem:v2+s3+$0x0], $0xffff;
	[smem:$0x7F3] =	sst s30  }
0x597: {  	v34 =	vadd.s32 $0x700, v37;
	[tilespmem:v1+s30+$0x30 ss:$0x1] =	vst.idx.msk $0xffff, v3;
	v3 =	vld.idx.msk [tilespmem:v25+s5+$0x0], $0xffff  }
0x598: {  	v7 =	vld.idx.msk [tilespmem:v29+s3+$0x0], $0xffff  }
0x599: {  	[tilespmem:s7+$0x40] =	vst v30  }
0x59a: {  	v35 =	vadd.s32 $0x400, v4;
	[tilespmem:s28+$0x2070] =	vst v10;
	v6 =	vld.idx.msk [tilespmem:v33+s3+$0x0], $0xffff  }
0x59b: {  	v5 =	vld.idx.msk [tilespmem:v32+s3+$0x0], $0xffff;
	[tilespmem:s29+$0x6070] =	vst v2  }
0x59c: {  	v2 =	vld.idx.msk [tilespmem:v34+s3+$0x0], $0xffff;
	[smem:$0x7F4] =	sst s18  }
0x59d: {  	v36 =	vadd.s32 $0x400, v8;
	[tilespmem:v1+s18+$0x30 ss:$0x1] =	vst.idx.msk $0xffff, v7  }
0x59e: {  	s0 =	sadd.s32 $0x2003, s20;
	v37 =	vadd.s32 $0x200, v9;
	[smem:$0x7D4] =	sst s20  }
0x59f: {  	v38 =	vor.u32 s0, v0;
	v27 =	vld.idx.msk [tilespmem:v35+s3+$0x0], $0xffff  }
0x5a0: {  	v39 =	vld.idx.msk [tilespmem:v3+s3+$0x0], $0xffff  }
0x5a1: {  	v40 =	vadd.s32 $0x500, v4;
	v32 =	vld.idx.msk [tilespmem:v26+s3+$0x0], $0xffff;
	[tilespmem:s28+$0x3070] =	vst v5  }
0x5a2: {  	v41 =	vadd.s32 $0x100, v3;
	[tilespmem:s7+$0x1040] =	vst v6;
	v10 =	vld.idx.msk [tilespmem:v36+s3+$0x0], $0xffff  }
0x5a3: {  	v24 =	vld.idx.msk [tilespmem:v37+s3+$0x0], $0xffff;
	[tilespmem:s29+$0x7070] =	vst v2  }
0x5a4: {  	v42 =	vadd.s32 $0x100, v26;
	v25 =	vld.idx.msk [tilespmem:v38+s5+$0x0], $0xffff;
	[smem:$0x7F6] =	sst s4  }
0x5a5: {  	v2 =	vadd.s32 $0x300, v9;
	[tilespmem:v1+s4+$0x30 ss:$0x1] =	vst.idx.msk $0xffff, v27  }
0x5a6: {  	v43 =	vadd.s32 $0x500, v8;
	[tilespmem:s19+$0x40] =	vst v39;
	v27 =	vld.idx.msk [tilespmem:v40+s3+$0x0], $0xffff  }
0x5a7: {  	v5 =	vld.idx.msk [tilespmem:v41+s3+$0x0], $0xffff;
	[smem:$0x7D5] =	sst s31  }
0x5a8: {  	v44 =	vadd.s32 $0x600, v4;
	[tilespmem:s31+$0x420] =	vst v32  }
0x5a9: {  	v45 =	vadd.s32 $0x200, v3;
	[tilespmem:s7+$0x2040] =	vst v24;
	v6 =	vld.idx.msk [tilespmem:v42+s3+$0x0], $0xffff  }
0x5aa: {  	[tilespmem:s28+$0x4070] =	vst v10;
	v2 =	vld.idx.msk [tilespmem:v2+s3+$0x0], $0xffff  }
0x5ab: {  	v57 =	vadd.s32 $0x200, v26;
	v7 =	vld.idx.msk [tilespmem:v43+s3+$0x0], $0xffff;
	[tilespmem:v1+s8+$0x30 ss:$0x1] =	vst.idx.msk $0xffff, v27  }
0x5ac: {  	[tilespmem:s19+$0x1040] =	vst v5;
	v61 =	vld.idx.msk [tilespmem:v25+s3+$0x0], $0xffff  }
0x5ad: {  	v29 =	vld.idx.msk [tilespmem:v44+s3+$0x0], $0xffff;
	s6 =	rddreg [dreg:$0x1b]  }
0x5ae: {  	v58 =	vadd.s32 $0x400, v9;
	v5 =	vld.idx.msk [tilespmem:v45+s3+$0x0], $0xffff;
	[tilespmem:v1+s6+$0x20 ss:$0x1] =	vst.idx.msk $0xffff, v6  }
0x5af: {  	v59 =	vadd.s32 $0x600, v8;
	[tilespmem:s7+$0x3040] =	vst v2  }
0x5b0: {  	v4 =	vadd.s32 $0x700, v4;
	[tilespmem:s28+$0x5070] =	vst v7;
	v24 =	vld.idx.msk [tilespmem:v57+s3+$0x0], $0xffff  }
0x5b1: {  	v60 =	vadd.s32 $0x300, v3;
	[tilespmem:s29+$0x400] =	vst v61  }
0x5b2: {  	[tilespmem:v1+s1+$0x30 ss:$0x1] =	vst.idx.msk $0xffff, v29  }
0x5b3: {  	v62 =	vadd.s32 $0x100, v25;
	v63 =	vld.idx.msk [tilespmem:v58+s3+$0x0], $0xffff;
	[tilespmem:s19+$0x2040] =	vst v5  }
0x5b4: {  	v19 =	vadd.s32 $0x500, v9;
	v18 =	vld.idx.msk [tilespmem:v59+s3+$0x0], $0xffff;
	s0 =	rddreg [dreg:$0x11]  }
0x5b5: {  	v2 =	vadd.s32 $0x300, v26;
	v4 =	vld.idx.msk [tilespmem:v4+s3+$0x0], $0xffff;
	[tilespmem:v1+s0+$0x20 ss:$0x1] =	vst.idx.msk $0xffff, v24  }
0x5b6: {  	v8 =	vadd.s32 $0x700, v8;
	s8 =	sadd.s32 $0x2D03, s22;
	v6 =	vld.idx.msk [tilespmem:v60+s3+$0x0], $0xffff;
	s0 =	rddreg [dreg:$0x6]  }
0x5b7: {  	v36 =	vadd.s32 s8, v0;
	s11 =	rddreg [dreg:$0x16]  }
0x5b8: {  	v37 =	vadd.s32 $0x400, v3;
	v30 =	vld.idx.msk [tilespmem:v62+s3+$0x0], $0xffff;
	[tilespmem:s7+$0x4040] =	vst v63;
	s10 =	sand.u32 $0xFFFFF800, s0;
	s13 =	sadd.s32 $0x100, s11  }
0x5b9: {  	[tilespmem:s28+$0x6070] =	vst v18;
	v7 =	vld.idx.msk [tilespmem:v19+s3+$0x0], $0xffff;
	s10 =	sadd.s32 s10, s13  }
0x5ba: {  	v38 =	vadd.s32 $0x200, v25;
	v2 =	vld.idx.msk [tilespmem:v2+s3+$0x0], $0xffff;
	[tilespmem:v1+s9+$0x30 ss:$0x1] =	vst.idx.msk $0xffff, v4;
	s11 =	sadd.s32 $0x80, s10  }
0x5bb: {  	v39 =	vadd.s32 $0x600, v9;
	v8 =	vld.idx.msk [tilespmem:v8+s3+$0x0], $0xffff;
	[tilespmem:s19+$0x3040] =	vst v6;
	s14 =	sor.u32 $0x1400, s11  }
0x5bc: {  	v24 =	vld.idx.msk [tilespmem:v36+s5+$0x0], $0xffff;
	[smem:$0x7D6] =	sst s14  }
0x5bd: {  	[tilespmem:v1+s14+$0x0 ss:$0x1] =	vst.idx.msk $0xffff, v30;
	v41 =	vld.idx.msk [tilespmem:v37+s3+$0x0], $0xffff  }
0x5be: {  	v40 =	vadd.s32 $0x400, v26;
	[tilespmem:s7+$0x5040] =	vst v7  }
0x5bf: {  	v42 =	vadd.s32 $0x500, v3;
	v43 =	vld.idx.msk [tilespmem:v38+s3+$0x0], $0xffff;
	s0 =	rddreg [dreg:$0xc]  }
0x5c0: {  	[tilespmem:v1+s0+$0x20 ss:$0x1] =	vst.idx.msk $0xffff, v2;
	v2 =	vld.idx.msk [tilespmem:v39+s3+$0x0], $0xffff  }
0x5c1: {  	[tilespmem:s28+$0x7070] =	vst v8  }
0x5c2: {  	s15 =	sor.u32 $0x2400, s11;
	v27 =	vld.idx.msk [tilespmem:v23+s5+$0x0], $0xffff;
	[tilespmem:s19+$0x4040] =	vst v41  }
0x5c3: {  	v45 =	vld.idx.msk [tilespmem:v40+s3+$0x0], $0xffff;
	[smem:$0x7D9] =	sst s15  }
0x5c4: {  	v44 =	vadd.s32 $0x300, v25;
	[tilespmem:v1+s15+$0x0 ss:$0x1] =	vst.idx.msk $0xffff, v43;
	v5 =	vld.idx.msk [tilespmem:v42+s3+$0x0], $0xffff  }
0x5c5: {  	v57 =	vadd.s32 $0x700, v9;
	s0 =	rddreg [dreg:$0x12];
	[tilespmem:s7+$0x6040] =	vst v2  }
0x5c6: {  	v58 =	vadd.s32 $0x500, v26;
	[tilespmem:s0+$0x434] =	vst v31  }
0x5c7: {  	v59 =	vadd.s32 $0x600, v3;
	s0 =	rddreg [dreg:$0xd]  }
0x5c8: {  	v61 =	vld.idx.msk [tilespmem:v24+s3+$0x0], $0xffff;
	[tilespmem:v1+s0+$0x20 ss:$0x1] =	vst.idx.msk $0xffff, v45  }
0x5c9: {  	v60 =	vld.idx.msk [tilespmem:v44+s3+$0x0], $0xffff;
	s0 =	rddreg [dreg:$0x5];
	[tilespmem:s19+$0x5040] =	vst v5  }
0x5ca: {  	s17 =	sor.u32 $0x3400, s11;
	v63 =	vld.idx.msk [tilespmem:v57+s3+$0x0], $0xffff;
	[tilespmem:v1+s0+$0x34 ss:$0x1] =	vst.idx.msk $0xffff, v28  }
0x5cb: {  	v8 =	vld.idx.msk [tilespmem:v58+s3+$0x0], $0xffff;
	[smem:$0x7DD] =	sst s17  }
0x5cc: {  	v2 =	vadd.s32 $0x100, v24;
	v5 =	vld.idx.msk [tilespmem:v59+s3+$0x0], $0xffff  }
0x5cd: {  	s16 =	sadd.s32 $0x1403, s23;
	v3 =	vadd.s32 $0x700, v3  }
0x5ce: {  	v18 =	vor.u32 s16, v0;
	[tilespmem:v1+s17+$0x0 ss:$0x1] =	vst.idx.msk $0xffff, v60  }
0x5cf: {  	[tilespmem:s24+$0x434] =	vst v61  }
0x5d0: {  	[tilespmem:s7+$0x7040] =	vst v63  }
0x5d1: {  	v23 =	vld.idx.msk [tilespmem:v2+s3+$0x0], $0xffff;
	s0 =	rddreg [dreg:$0xe];
	[tilespmem:s19+$0x6040] =	vst v5  }
0x5d2: {  	v3 =	vld.idx.msk [tilespmem:v3+s3+$0x0], $0xffff  }
0x5d3: {  	v2 =	vld.idx.msk [tilespmem:v18+s5+$0x0], $0xffff;
	_ =	sdelay $0x3  }
0x5d4: {  	[tilespmem:s19+$0x7040] =	vst v3  }
0x5d5: {  	v3 =	vld.idx.msk [tilespmem:v22+s5+$0x0], $0xffff;
	_ =	sdelay $0x2  }
0x5d6: {  	v4 =	vld.idx.msk [tilespmem:v2+s3+$0x0], $0xffff  }
0x5d7: {  	v19 =	vadd.s32 $0x100, v2;
	_ =	sdelay $0x3  }
0x5d8: {  	[tilespmem:s7+$0x50] =	vst v4;
	v22 =	vld.idx.msk [tilespmem:v3+s3+$0x0], $0xffff  }
0x5d9: {  	v4 =	vld.idx.msk [tilespmem:v19+s3+$0x0], $0xffff;
	v30 =	vadd.s32 $0x100, v3  }
0x5da: {  	v31 =	vadd.s32 $0x200, v2;
	_ =	sdelay $0x2  }
0x5db: {  	[tilespmem:s19+$0x50] =	vst v22  }
0x5dc: {  	[tilespmem:s7+$0x1050] =	vst v4;
	v6 =	vld.idx.msk [tilespmem:v30+s3+$0x0], $0xffff  }
0x5dd: {  	v32 =	vadd.s32 $0x200, v3;
	v4 =	vld.idx.msk [tilespmem:v31+s3+$0x0], $0xffff  }
0x5de: {  	v33 =	vadd.s32 $0x300, v2;
	_ =	sdelay $0x2  }
0x5df: {  	[tilespmem:s19+$0x1050] =	vst v6  }
0x5e0: {  	[tilespmem:s7+$0x2050] =	vst v4;
	v6 =	vld.idx.msk [tilespmem:v32+s3+$0x0], $0xffff  }
0x5e1: {  	v34 =	vadd.s32 $0x300, v3;
	v4 =	vld.idx.msk [tilespmem:v33+s3+$0x0], $0xffff  }
0x5e2: {  	v35 =	vadd.s32 $0x400, v2;
	_ =	sdelay $0x2  }
0x5e3: {  	[tilespmem:s19+$0x2050] =	vst v6  }
0x5e4: {  	[tilespmem:s7+$0x3050] =	vst v4;
	v6 =	vld.idx.msk [tilespmem:v34+s3+$0x0], $0xffff  }
0x5e5: {  	v36 =	vadd.s32 $0x400, v3;
	v4 =	vld.idx.msk [tilespmem:v35+s3+$0x0], $0xffff  }
0x5e6: {  	v37 =	vadd.s32 $0x500, v2;
	_ =	sdelay $0x2  }
0x5e7: {  	[tilespmem:s19+$0x3050] =	vst v6  }
0x5e8: {  	[tilespmem:s7+$0x4050] =	vst v4;
	v6 =	vld.idx.msk [tilespmem:v36+s3+$0x0], $0xffff  }
0x5e9: {  	v38 =	vadd.s32 $0x500, v3;
	v4 =	vld.idx.msk [tilespmem:v37+s3+$0x0], $0xffff  }
0x5ea: {  	v39 =	vadd.s32 $0x600, v2;
	_ =	sdelay $0x2  }
0x5eb: {  	[tilespmem:s19+$0x4050] =	vst v6  }
0x5ec: {  	[tilespmem:s7+$0x5050] =	vst v4;
	v6 =	vld.idx.msk [tilespmem:v38+s3+$0x0], $0xffff  }
0x5ed: {  	v40 =	vadd.s32 $0x600, v3;
	v4 =	vld.idx.msk [tilespmem:v39+s3+$0x0], $0xffff  }
0x5ee: {  	v2 =	vadd.s32 $0x700, v2;
	_ =	sdelay $0x2  }
0x5ef: {  	[tilespmem:s19+$0x5050] =	vst v6  }
0x5f0: {  	[tilespmem:s7+$0x6050] =	vst v4;
	v41 =	vld.idx.msk [tilespmem:v40+s3+$0x0], $0xffff  }
0x5f1: {  	s18 =	sadd.s32 $0x1803, s23;
	v3 =	vadd.s32 $0x700, v3;
	v2 =	vld.idx.msk [tilespmem:v2+s3+$0x0], $0xffff  }
0x5f2: {  	v42 =	vor.u32 s18, v0;
	_ =	sdelay $0x2  }
0x5f3: {  	[tilespmem:s19+$0x6050] =	vst v41  }
0x5f4: {  	[tilespmem:s7+$0x7050] =	vst v2;
	v3 =	vld.idx.msk [tilespmem:v3+s3+$0x0], $0xffff  }
0x5f5: {  	v2 =	vld.idx.msk [tilespmem:v42+s5+$0x0], $0xffff;
	_ =	sdelay $0x3  }
0x5f6: {  	[tilespmem:s19+$0x7050] =	vst v3  }
0x5f7: {  	v3 =	vld.idx.msk [tilespmem:v21+s5+$0x0], $0xffff;
	_ =	sdelay $0x2  }
0x5f8: {  	v4 =	vld.idx.msk [tilespmem:v2+s3+$0x0], $0xffff  }
0x5f9: {  	v43 =	vadd.s32 $0x100, v2;
	_ =	sdelay $0x3  }
0x5fa: {  	[tilespmem:s7+$0x60] =	vst v4;
	v6 =	vld.idx.msk [tilespmem:v3+s3+$0x0], $0xffff  }
0x5fb: {  	v4 =	vld.idx.msk [tilespmem:v43+s3+$0x0], $0xffff;
	v44 =	vadd.s32 $0x100, v3  }
0x5fc: {  	v45 =	vadd.s32 $0x200, v2;
	_ =	sdelay $0x2  }
0x5fd: {  	[tilespmem:s19+$0x60] =	vst v6  }
0x5fe: {  	[tilespmem:s7+$0x1060] =	vst v4;
	v6 =	vld.idx.msk [tilespmem:v44+s3+$0x0], $0xffff  }
0x5ff: {  	v57 =	vadd.s32 $0x200, v3;
	v4 =	vld.idx.msk [tilespmem:v45+s3+$0x0], $0xffff  }
0x600: {  	v58 =	vadd.s32 $0x300, v2;
	_ =	sdelay $0x2  }
0x601: {  	[tilespmem:s19+$0x1060] =	vst v6  }
0x602: {  	[tilespmem:s7+$0x2060] =	vst v4;
	v6 =	vld.idx.msk [tilespmem:v57+s3+$0x0], $0xffff  }
0x603: {  	v59 =	vadd.s32 $0x300, v3;
	v4 =	vld.idx.msk [tilespmem:v58+s3+$0x0], $0xffff  }
0x604: {  	v60 =	vadd.s32 $0x400, v2  }
0x605: {  	v62 =	vadd.s32 $0x400, v25;
	_ =	sdelay $0x1  }
0x606: {  	[tilespmem:s19+$0x2060] =	vst v6  }
0x607: {  	[tilespmem:s7+$0x3060] =	vst v4;
	v6 =	vld.idx.msk [tilespmem:v59+s3+$0x0], $0xffff  }
0x608: {  	v61 =	vadd.s32 $0x400, v3;
	v4 =	vld.idx.msk [tilespmem:v60+s3+$0x0], $0xffff  }
0x609: {  	v28 =	vld.idx.msk [tilespmem:v62+s3+$0x0], $0xffff;
	v62 =	vadd.s32 $0x500, v2;
	_ =	sdelay $0x2  }
0x60a: {  	[tilespmem:s19+$0x3060] =	vst v6  }
0x60b: {  	[tilespmem:s7+$0x4060] =	vst v4;
	v6 =	vld.idx.msk [tilespmem:v61+s3+$0x0], $0xffff  }
0x60c: {  	v63 =	vadd.s32 $0x500, v3;
	v4 =	vld.idx.msk [tilespmem:v62+s3+$0x0], $0xffff  }
0x60d: {  	v9 =	vadd.s32 $0x600, v2;
	_ =	sdelay $0x2  }
0x60e: {  	[tilespmem:s19+$0x4060] =	vst v6  }
0x60f: {  	[tilespmem:s7+$0x5060] =	vst v4;
	v6 =	vld.idx.msk [tilespmem:v63+s3+$0x0], $0xffff  }
0x610: {  	v10 =	vadd.s32 $0x600, v3;
	v4 =	vld.idx.msk [tilespmem:v9+s3+$0x0], $0xffff  }
0x611: {  	v2 =	vadd.s32 $0x700, v2;
	_ =	sdelay $0x2  }
0x612: {  	[tilespmem:s19+$0x5060] =	vst v6  }
0x613: {  	[tilespmem:s7+$0x6060] =	vst v4;
	v18 =	vld.idx.msk [tilespmem:v10+s3+$0x0], $0xffff  }
0x614: {  	s21 =	sadd.s32 $0x1C03, s23;
	v3 =	vadd.s32 $0x700, v3;
	v2 =	vld.idx.msk [tilespmem:v2+s3+$0x0], $0xffff  }
0x615: {  	v19 =	vor.u32 s21, v0;
	_ =	sdelay $0x2  }
0x616: {  	[tilespmem:s19+$0x6060] =	vst v18  }
0x617: {  	[tilespmem:s7+$0x7060] =	vst v2;
	v3 =	vld.idx.msk [tilespmem:v3+s3+$0x0], $0xffff  }
0x618: {  	v2 =	vld.idx.msk [tilespmem:v19+s5+$0x0], $0xffff;
	_ =	sdelay $0x3  }
0x619: {  	[tilespmem:s19+$0x7060] =	vst v3  }
0x61a: {  	v3 =	vld.idx.msk [tilespmem:v17+s5+$0x0], $0xffff;
	_ =	sdelay $0x2  }
0x61b: {  	v4 =	vld.idx.msk [tilespmem:v2+s3+$0x0], $0xffff  }
0x61c: {  	v21 =	vadd.s32 $0x100, v2;
	_ =	sdelay $0x3  }
0x61d: {  	[tilespmem:s7+$0x70] =	vst v4;
	v6 =	vld.idx.msk [tilespmem:v3+s3+$0x0], $0xffff  }
0x61e: {  	v4 =	vld.idx.msk [tilespmem:v21+s3+$0x0], $0xffff;
	v22 =	vadd.s32 $0x100, v3  }
0x61f: {  	v30 =	vadd.s32 $0x200, v2;
	_ =	sdelay $0x2  }
0x620: {  	[tilespmem:s19+$0x70] =	vst v6  }
0x621: {  	[tilespmem:s7+$0x1070] =	vst v4;
	v6 =	vld.idx.msk [tilespmem:v22+s3+$0x0], $0xffff  }
0x622: {  	v31 =	vadd.s32 $0x200, v3;
	v4 =	vld.idx.msk [tilespmem:v30+s3+$0x0], $0xffff  }
0x623: {  	v32 =	vadd.s32 $0x300, v2;
	_ =	sdelay $0x2  }
0x624: {  	[tilespmem:s19+$0x1070] =	vst v6  }
0x625: {  	[tilespmem:s7+$0x2070] =	vst v4;
	v6 =	vld.idx.msk [tilespmem:v31+s3+$0x0], $0xffff  }
0x626: {  	v33 =	vadd.s32 $0x300, v3;
	v4 =	vld.idx.msk [tilespmem:v32+s3+$0x0], $0xffff  }
0x627: {  	v34 =	vadd.s32 $0x400, v2;
	_ =	sdelay $0x2  }
0x628: {  	[tilespmem:s19+$0x2070] =	vst v6  }
0x629: {  	[tilespmem:s7+$0x3070] =	vst v4;
	v6 =	vld.idx.msk [tilespmem:v33+s3+$0x0], $0xffff  }
0x62a: {  	v35 =	vadd.s32 $0x400, v3;
	v4 =	vld.idx.msk [tilespmem:v34+s3+$0x0], $0xffff  }
0x62b: {  	v36 =	vadd.s32 $0x500, v2;
	_ =	sdelay $0x1  }
0x62c: {  	[tilespmem:v1+s0+$0x20 ss:$0x1] =	vst.idx.msk $0xffff, v8  }
0x62d: {  	v29 =	vld.idx.msk [tilespmem:v27+s3+$0x0], $0xffff;
	[tilespmem:s19+$0x3070] =	vst v6  }
0x62e: {  	[tilespmem:s7+$0x4070] =	vst v4;
	v6 =	vld.idx.msk [tilespmem:v35+s3+$0x0], $0xffff  }
0x62f: {  	v37 =	vadd.s32 $0x500, v3;
	v4 =	vld.idx.msk [tilespmem:v36+s3+$0x0], $0xffff  }
0x630: {  	v38 =	vadd.s32 $0x600, v2;
	_ =	sdelay $0x2  }
0x631: {  	[tilespmem:s19+$0x4070] =	vst v6  }
0x632: {  	[tilespmem:s7+$0x5070] =	vst v4;
	v6 =	vld.idx.msk [tilespmem:v37+s3+$0x0], $0xffff  }
0x633: {  	v39 =	vadd.s32 $0x600, v3;
	v4 =	vld.idx.msk [tilespmem:v38+s3+$0x0], $0xffff  }
0x634: {  	v2 =	vadd.s32 $0x700, v2;
	_ =	sdelay $0x2  }
0x635: {  	[tilespmem:s19+$0x5070] =	vst v6  }
0x636: {  	[tilespmem:s7+$0x6070] =	vst v4;
	v40 =	vld.idx.msk [tilespmem:v39+s3+$0x0], $0xffff  }
0x637: {  	s22 =	sadd.s32 $0x2003, s23;
	v3 =	vadd.s32 $0x700, v3;
	v2 =	vld.idx.msk [tilespmem:v2+s3+$0x0], $0xffff  }
0x638: {  	v41 =	vor.u32 s22, v0;
	_ =	sdelay $0x2  }
0x639: {  	[tilespmem:s19+$0x6070] =	vst v40  }
0x63a: {  	[tilespmem:s7+$0x7070] =	vst v2;
	v3 =	vld.idx.msk [tilespmem:v3+s3+$0x0], $0xffff  }
0x63b: {  	v2 =	vld.idx.msk [tilespmem:v41+s5+$0x0], $0xffff;
	_ =	sdelay $0x3  }
0x63c: {  	[tilespmem:s19+$0x7070] =	vst v3  }
0x63d: {  	v3 =	vld.idx.msk [tilespmem:v20+s5+$0x0], $0xffff;
	_ =	sdelay $0x1  }
0x63e: {  	v43 =	vadd.s32 $0x100, v27  }
0x63f: {  	v4 =	vld.idx.msk [tilespmem:v2+s3+$0x0], $0xffff  }
0x640: {  	v42 =	vadd.s32 $0x100, v2;
	_ =	sdelay $0x1  }
0x641: {  	[tilespmem:s28+$0x400] =	vst v29  }
0x642: {  	v57 =	vld.idx.msk [tilespmem:v43+s3+$0x0], $0xffff  }
0x643: {  	[tilespmem:s7+$0x400] =	vst v4;
	v44 =	vld.idx.msk [tilespmem:v3+s3+$0x0], $0xffff  }
0x644: {  	v4 =	vld.idx.msk [tilespmem:v42+s3+$0x0], $0xffff;
	s24 =	rddreg [dreg:$0x15]  }
0x645: {  	s4 =	sadd.s32 $0x100, s13;
	v45 =	vadd.s32 $0x100, v3;
	s25 =	sand.u32 $0xFFFFF800, s24  }
0x646: {  	s13 =	sor.u32 $0x1400, s10;
	v58 =	vadd.s32 $0x200, v2;
	s2 =	sadd.s32 s25, s4  }
0x647: {  	[tilespmem:v1+s13+$0x0 ss:$0x1] =	vst.idx.msk $0xffff, v57;
	s5 =	sadd.s32 $0x80, s2  }
0x648: {  	s9 =	sor.u32 $0x1400, s5;
	[tilespmem:s19+$0x400] =	vst v44  }
0x649: {  	v59 =	vadd.s32 $0x200, v27;
	[tilespmem:v1+s9+$0x0 ss:$0x1] =	vst.idx.msk $0xffff, v4  }
0x64a: {  	v8 =	vld.idx.msk [tilespmem:v45+s3+$0x0], $0xffff;
	[smem:$0x7D8] =	sst s13  }
0x64b: {  	v60 =	vadd.s32 $0x200, v3;
	v4 =	vld.idx.msk [tilespmem:v58+s3+$0x0], $0xffff;
	_ =	sdelay $0x2  }
0x64c: {  	v61 =	vadd.s32 $0x300, v2;
	s4 =	sor.u32 $0x1400, s2;
	v5 =	vld.idx.msk [tilespmem:v59+s3+$0x0], $0xffff  }
0x64d: {  	v62 =	vadd.s32 $0x300, v27;
	s21 =	sor.u32 $0x2400, s5;
	[tilespmem:v1+s4+$0x0 ss:$0x1] =	vst.idx.msk $0xffff, v8  }
0x64e: {  	v8 =	vld.idx.msk [tilespmem:v60+s3+$0x0], $0xffff;
	[tilespmem:v1+s21+$0x0 ss:$0x1] =	vst.idx.msk $0xffff, v4  }
0x64f: {  	s26 =	sor.u32 $0x2400, s10;
	v63 =	vadd.s32 $0x300, v3;
	[smem:$0x7DA] =	sst s21  }
0x650: {  	[smem:$0x7DB] =	sst s26  }
0x651: {  	[tilespmem:v1+s26+$0x0 ss:$0x1] =	vst.idx.msk $0xffff, v5;
	v4 =	vld.idx.msk [tilespmem:v61+s3+$0x0], $0xffff  }
0x652: {  	v17 =	vadd.s32 $0x400, v2;
	s24 =	sor.u32 $0x2400, s2;
	v5 =	vld.idx.msk [tilespmem:v62+s3+$0x0], $0xffff  }
0x653: {  	v18 =	vadd.s32 $0x400, v27;
	[tilespmem:v1+s24+$0x0 ss:$0x1] =	vst.idx.msk $0xffff, v8  }
0x654: {  	s30 =	sor.u32 $0x3400, s5;
	v8 =	vld.idx.msk [tilespmem:v63+s3+$0x0], $0xffff  }
0x655: {  	v19 =	vadd.s32 $0x400, v3;
	[smem:$0x7DE] =	sst s30  }
0x656: {  	s17 =	sor.u32 $0x3400, s10;
	[tilespmem:v1+s30+$0x0 ss:$0x1] =	vst.idx.msk $0xffff, v4  }
0x657: {  	[tilespmem:v1+s17+$0x0 ss:$0x1] =	vst.idx.msk $0xffff, v5;
	v4 =	vld.idx.msk [tilespmem:v17+s3+$0x0], $0xffff  }
0x658: {  	v20 =	vadd.s32 $0x500, v25;
	s26 =	sor.u32 $0x3400, s2;
	v5 =	vld.idx.msk [tilespmem:v18+s3+$0x0], $0xffff  }
0x659: {  	v21 =	vadd.s32 $0x500, v2;
	[tilespmem:v1+s26+$0x0 ss:$0x1] =	vst.idx.msk $0xffff, v8  }
0x65a: {  	s18 =	sor.u32 $0x4400, s11;
	v22 =	vadd.s32 $0x500, v27;
	v8 =	vld.idx.msk [tilespmem:v19+s3+$0x0], $0xffff  }
0x65b: {  	v29 =	vadd.s32 $0x500, v3;
	s16 =	sor.u32 $0x4400, s5;
	[tilespmem:v1+s18+$0x0 ss:$0x1] =	vst.idx.msk $0xffff, v28  }
0x65c: {  	s15 =	sor.u32 $0x4400, s10;
	[tilespmem:v1+s16+$0x0 ss:$0x1] =	vst.idx.msk $0xffff, v4  }
0x65d: {  	s31 =	sor.u32 $0x4400, s2;
	v10 =	vld.idx.msk [tilespmem:v20+s3+$0x0], $0xffff;
	[tilespmem:v1+s15+$0x0 ss:$0x1] =	vst.idx.msk $0xffff, v5  }
0x65e: {  	v19 =	vadd.s32 $0x600, v25;
	v4 =	vld.idx.msk [tilespmem:v21+s3+$0x0], $0xffff;
	[smem:$0x7C8] =	sst s31  }
0x65f: {  	v30 =	vadd.s32 $0x600, v2;
	v5 =	vld.idx.msk [tilespmem:v22+s3+$0x0], $0xffff;
	[tilespmem:v1+s31+$0x0 ss:$0x1] =	vst.idx.msk $0xffff, v8  }
0x660: {  	s1 =	sor.u32 $0x5400, s11;
	v31 =	vadd.s32 $0x600, v27;
	v8 =	vld.idx.msk [tilespmem:v29+s3+$0x0], $0xffff  }
0x661: {  	v32 =	vadd.s32 $0x600, v3;
	[smem:$0x7E1] =	sst s1  }
0x662: {  	s30 =	sor.u32 $0x5400, s5;
	[tilespmem:v1+s1+$0x0 ss:$0x1] =	vst.idx.msk $0xffff, v10  }
0x663: {  	[tilespmem:v1+s30+$0x0 ss:$0x1] =	vst.idx.msk $0xffff, v4;
	s1 =	sor.u32 $0x5400, s10;
	v10 =	vld.idx.msk [tilespmem:v19+s3+$0x0], $0xffff  }
0x664: {  	v33 =	vadd.s32 $0x700, v25;
	s22 =	sor.u32 $0x5400, s2;
	v4 =	vld.idx.msk [tilespmem:v30+s3+$0x0], $0xffff;
	[tilespmem:v1+s1+$0x0 ss:$0x1] =	vst.idx.msk $0xffff, v5  }
0x665: {  	v5 =	vld.idx.msk [tilespmem:v31+s3+$0x0], $0xffff;
	[tilespmem:v1+s22+$0x0 ss:$0x1] =	vst.idx.msk $0xffff, v8  }
0x666: {  	s6 =	sor.u32 $0x6400, s11;
	v2 =	vadd.s32 $0x700, v2;
	v35 =	vld.idx.msk [tilespmem:v32+s3+$0x0], $0xffff  }
0x667: {  	v34 =	vadd.s32 $0x700, v27;
	[smem:$0x7C9] =	sst s6  }
0x668: {  	s31 =	sor.u32 $0x6400, s5;
	[tilespmem:v1+s6+$0x0 ss:$0x1] =	vst.idx.msk $0xffff, v10  }
0x669: {  	s14 =	sor.u32 $0x6400, s10;
	v3 =	vadd.s32 $0x700, v3;
	s6 =	sadd.s32 $0x2403, s20;
	[tilespmem:v1+s31+$0x0 ss:$0x1] =	vst.idx.msk $0xffff, v4;
	v36 =	vld.idx.msk [tilespmem:v33+s3+$0x0], $0xffff  }
0x66a: {  	s25 =	sor.u32 $0x6400, s2;
	v37 =	vor.u32 s6, v0;
	[tilespmem:v1+s14+$0x0 ss:$0x1] =	vst.idx.msk $0xffff, v5  }
0x66b: {  	v2 =	vld.idx.msk [tilespmem:v2+s3+$0x0], $0xffff;
	[tilespmem:v1+s25+$0x0 ss:$0x1] =	vst.idx.msk $0xffff, v35  }
0x66c: {  	s20 =	sor.u32 $0x7400, s11;
	v5 =	vld.idx.msk [tilespmem:v34+s3+$0x0], $0xffff;
	[smem:$0x7CC] =	sst s25  }
0x66d: {  	[smem:$0x7CA] =	sst s20  }
0x66e: {  	s8 =	sadd.s32 $0x2403, s23;
	s23 =	simm.s32 $0x800;
	s5 =	sor.u32 $0x7400, s5;
	v3 =	vld.idx.msk [tilespmem:v3+s3+$0x0], $0xffff;
	[tilespmem:v1+s20+$0x0 ss:$0x1] =	vst.idx.msk $0xffff, v36  }
0x66f: {  	v38 =	vor.u32 s8, v0;
	v6 =	vld.idx.msk [tilespmem:v37+s23+$0x0], $0xffff;
	[smem:$0x7CD] =	sst s5  }
0x670: {  	s6 =	sor.u32 $0x7400, s10;
	[tilespmem:v1+s5+$0x0 ss:$0x1] =	vst.idx.msk $0xffff, v2  }
0x671: {  	[tilespmem:v1+s6+$0x0 ss:$0x1] =	vst.idx.msk $0xffff, v5  }
0x672: {  	s5 =	sor.u32 $0x7400, s2;
	[smem:$0x7CE] =	sst s6  }
0x673: {  	[smem:$0x7CB] =	sst s5  }
0x674: {  	v2 =	vld.idx.msk [tilespmem:v38+s23+$0x0], $0xffff  }
0x675: {  	v4 =	vld.idx.msk [tilespmem:v53+s23+$0x0], $0xffff;
	[tilespmem:v1+s5+$0x0 ss:$0x1] =	vst.idx.msk $0xffff, v3  }
0x676: {  	v3 =	vld.idx.msk [tilespmem:v15+s23+$0x0], $0xffff;
	_ =	sdelay $0x4  }
0x677: {  	v39 =	vld.idx.msk [tilespmem:v6+s3+$0x0], $0xffff  }
0x678: {  	v41 =	vld.idx.msk [tilespmem:v2+s3+$0x0], $0xffff  }
0x679: {  	v40 =	vadd.s32 $0x100, v6;
	v42 =	vld.idx.msk [tilespmem:v4+s3+$0x0], $0xffff  }
0x67a: {  	v18 =	vld.idx.msk [tilespmem:v3+s3+$0x0], $0xffff  }
0x67b: {  	v43 =	vadd.s32 $0x100, v2  }
0x67c: {  	v44 =	vadd.s32 $0x100, v4;
	[tilespmem:s29+$0x410] =	vst v39  }
0x67d: {  	v45 =	vadd.s32 $0x100, v3;
	[tilespmem:s7+$0x410] =	vst v41  }
0x67e: {  	v7 =	vld.idx.msk [tilespmem:v40+s3+$0x0], $0xffff;
	[tilespmem:s28+$0x410] =	vst v42  }
0x67f: {  	v53 =	vadd.s32 $0x200, v6;
	[tilespmem:s19+$0x410] =	vst v18  }
0x680: {  	v8 =	vld.idx.msk [tilespmem:v43+s3+$0x0], $0xffff;
	s20 =	sld [smem:$0x7D6]  }
0x681: {  	v9 =	vld.idx.msk [tilespmem:v44+s3+$0x0], $0xffff  }
0x682: {  	v57 =	vadd.s32 $0x200, v2;
	v5 =	vld.idx.msk [tilespmem:v45+s3+$0x0], $0xffff  }
0x683: {  	[tilespmem:v1+s20+$0x10 ss:$0x1] =	vst.idx.msk $0xffff, v7  }
0x684: {  	v58 =	vadd.s32 $0x200, v4;
	v60 =	vld.idx.msk [tilespmem:v53+s3+$0x0], $0xffff;
	[smem:$0x7D7] =	sst s9  }
0x685: {  	v59 =	vadd.s32 $0x200, v3;
	[tilespmem:v1+s9+$0x10 ss:$0x1] =	vst.idx.msk $0xffff, v8  }
0x686: {  	[tilespmem:v1+s13+$0x10 ss:$0x1] =	vst.idx.msk $0xffff, v9  }
0x687: {  	[tilespmem:v1+s4+$0x10 ss:$0x1] =	vst.idx.msk $0xffff, v5;
	v8 =	vld.idx.msk [tilespmem:v57+s3+$0x0], $0xffff  }
0x688: {  	s0 =	sld [smem:$0x7D9]  }
0x689: {  	v9 =	vld.idx.msk [tilespmem:v58+s3+$0x0], $0xffff;
	[smem:$0x7CF] =	sst s4  }
0x68a: {  	v61 =	vadd.s32 $0x300, v6;
	v7 =	vld.idx.msk [tilespmem:v59+s3+$0x0], $0xffff  }
0x68b: {  	[tilespmem:v1+s0+$0x10 ss:$0x1] =	vst.idx.msk $0xffff, v60  }
0x68c: {  	[tilespmem:v1+s21+$0x10 ss:$0x1] =	vst.idx.msk $0xffff, v8  }
0x68d: {  	s10 =	sld [smem:$0x7DB]  }
0x68e: {  	v62 =	vadd.s32 $0x300, v2  }
0x68f: {  	v63 =	vadd.s32 $0x300, v4;
	v18 =	vld.idx.msk [tilespmem:v61+s3+$0x0], $0xffff;
	[tilespmem:v1+s24+$0x10 ss:$0x1] =	vst.idx.msk $0xffff, v7  }
0x690: {  	[tilespmem:v1+s10+$0x10 ss:$0x1] =	vst.idx.msk $0xffff, v9  }
0x691: {  	v21 =	vadd.s32 $0x300, v3;
	s13 =	sld [smem:$0x7DD]  }
0x692: {  	v22 =	vadd.s32 $0x400, v6  }
0x693: {  	v8 =	vld.idx.msk [tilespmem:v62+s3+$0x0], $0xffff  }
0x694: {  	v25 =	vadd.s32 $0x400, v2;
	v5 =	vld.idx.msk [tilespmem:v63+s3+$0x0], $0xffff;
	[tilespmem:v1+s13+$0x10 ss:$0x1] =	vst.idx.msk $0xffff, v18  }
0x695: {  	v27 =	vadd.s32 $0x400, v4;
	s21 =	smov.u32 s24;
	s24 =	sld [smem:$0x7DE]  }
0x696: {  	v28 =	vld.idx.msk [tilespmem:v21+s3+$0x0], $0xffff  }
0x697: {  	v29 =	vadd.s32 $0x400, v3;
	v18 =	vld.idx.msk [tilespmem:v22+s3+$0x0], $0xffff  }
0x698: {  	v30 =	vadd.s32 $0x500, v6;
	[tilespmem:v1+s24+$0x10 ss:$0x1] =	vst.idx.msk $0xffff, v8  }
0x699: {  	[tilespmem:v1+s17+$0x10 ss:$0x1] =	vst.idx.msk $0xffff, v5;
	v31 =	vld.idx.msk [tilespmem:v25+s3+$0x0], $0xffff  }
0x69a: {  	v7 =	vld.idx.msk [tilespmem:v27+s3+$0x0], $0xffff;
	[smem:$0x7D1] =	sst s26  }
0x69b: {  	[tilespmem:v1+s26+$0x10 ss:$0x1] =	vst.idx.msk $0xffff, v28  }
0x69c: {  	[tilespmem:v1+s18+$0x10 ss:$0x1] =	vst.idx.msk $0xffff, v18;
	v10 =	vld.idx.msk [tilespmem:v29+s3+$0x0], $0xffff  }
0x69d: {  	v32 =	vadd.s32 $0x500, v2;
	v18 =	vld.idx.msk [tilespmem:v30+s3+$0x0], $0xffff;
	[smem:$0x7D2] =	sst s16  }
0x69e: {  	[tilespmem:v1+s16+$0x10 ss:$0x1] =	vst.idx.msk $0xffff, v31  }
0x69f: {  	v33 =	vadd.s32 $0x500, v4;
	[smem:$0x7D3] =	sst s15  }
0x6a0: {  	v34 =	vadd.s32 $0x500, v3;
	[tilespmem:v1+s15+$0x10 ss:$0x1] =	vst.idx.msk $0xffff, v7  }
0x6a1: {  	s23 =	sld [smem:$0x7C8]  }
0x6a2: {  	v5 =	vld.idx.msk [tilespmem:v32+s3+$0x0], $0xffff;
	_ =	sdelay $0x1  }
0x6a3: {  	v35 =	vadd.s32 $0x600, v6;
	v7 =	vld.idx.msk [tilespmem:v33+s3+$0x0], $0xffff;
	[tilespmem:v1+s23+$0x10 ss:$0x1] =	vst.idx.msk $0xffff, v10  }
0x6a4: {  	v10 =	vld.idx.msk [tilespmem:v34+s3+$0x0], $0xffff;
	s5 =	sld [smem:$0x7E1];
	_ =	sdelay $0x1  }
0x6a5: {  	v36 =	vadd.s32 $0x600, v2;
	[tilespmem:v1+s30+$0x10 ss:$0x1] =	vst.idx.msk $0xffff, v5  }
0x6a6: {  	v37 =	vadd.s32 $0x600, v4;
	[tilespmem:v1+s5+$0x10 ss:$0x1] =	vst.idx.msk $0xffff, v18  }
0x6a7: {  	v38 =	vadd.s32 $0x600, v3;
	[tilespmem:v1+s1+$0x10 ss:$0x1] =	vst.idx.msk $0xffff, v7;
	v18 =	vld.idx.msk [tilespmem:v35+s3+$0x0], $0xffff  }
0x6a8: {  	[tilespmem:v1+s22+$0x10 ss:$0x1] =	vst.idx.msk $0xffff, v10  }
0x6a9: {  	s8 =	smov.u32 s4;
	s4 =	sld [smem:$0x7C9]  }
0x6aa: {  	v5 =	vld.idx.msk [tilespmem:v36+s3+$0x0], $0xffff  }
0x6ab: {  	v6 =	vadd.s32 $0x700, v6;
	v7 =	vld.idx.msk [tilespmem:v37+s3+$0x0], $0xffff  }
0x6ac: {  	v39 =	vld.idx.msk [tilespmem:v38+s3+$0x0], $0xffff;
	[tilespmem:v1+s4+$0x10 ss:$0x1] =	vst.idx.msk $0xffff, v18  }
0x6ad: {  	s11 =	sld [smem:$0x7D4]  }
0x6ae: {  	v4 =	vadd.s32 $0x700, v4  }
0x6af: {  	v2 =	vadd.s32 $0x700, v2;
	[tilespmem:v1+s31+$0x10 ss:$0x1] =	vst.idx.msk $0xffff, v5  }
0x6b0: {  	v6 =	vld.idx.msk [tilespmem:v6+s3+$0x0], $0xffff;
	[tilespmem:v1+s14+$0x10 ss:$0x1] =	vst.idx.msk $0xffff, v7;
	s2 =	sadd.s32 $0x2803, s11  }
0x6b1: {  	v40 =	vor.u32 s2, v0;
	s2 =	sld [smem:$0x7E4];
	[tilespmem:v1+s25+$0x10 ss:$0x1] =	vst.idx.msk $0xffff, v39  }
0x6b2: {  	s25 =	sld [smem:$0x7CA]  }
0x6b3: {  	v3 =	vadd.s32 $0x700, v3;
	v4 =	vld.idx.msk [tilespmem:v4+s3+$0x0], $0xffff  }
0x6b4: {  	v2 =	vld.idx.msk [tilespmem:v2+s3+$0x0], $0xffff;
	s2 =	sadd.s32 $0x2803, s2  }
0x6b5: {  	v41 =	vor.u32 s2, v0;
	[tilespmem:v1+s25+$0x10 ss:$0x1] =	vst.idx.msk $0xffff, v6;
	s2 =	simm.s32 $0x800  }
0x6b6: {  	v6 =	vld.idx.msk [tilespmem:v40+s2+$0x0], $0xffff;
	s2 =	sld [smem:$0x7CD];
	_ =	sdelay $0x1  }
0x6b7: {  	v3 =	vld.idx.msk [tilespmem:v3+s3+$0x0], $0xffff;
	[tilespmem:v1+s6+$0x10 ss:$0x1] =	vst.idx.msk $0xffff, v4;
	s6 =	simm.s32 $0x800  }
0x6b8: {  	v4 =	vld.idx.msk [tilespmem:v14+s6+$0x0], $0xffff;
	[tilespmem:v1+s2+$0x10 ss:$0x1] =	vst.idx.msk $0xffff, v2  }
0x6b9: {  	v2 =	vld.idx.msk [tilespmem:v41+s6+$0x0], $0xffff;
	s6 =	sld [smem:$0x7CB];
	_ =	sdelay $0x2  }
0x6ba: {  	s2 =	simm.s32 $0x800;
	[tilespmem:v1+s6+$0x10 ss:$0x1] =	vst.idx.msk $0xffff, v3  }
0x6bb: {  	v3 =	vld.idx.msk [tilespmem:v11+s2+$0x0], $0xffff  }
0x6bc: {  	v42 =	vld.idx.msk [tilespmem:v6+s3+$0x0], $0xffff  }
0x6bd: {  	v43 =	vadd.s32 $0x100, v6;
	_ =	sdelay $0x1  }
0x6be: {  	v44 =	vld.idx.msk [tilespmem:v2+s3+$0x0], $0xffff  }
0x6bf: {  	v53 =	vadd.s32 $0x100, v2  }
0x6c0: {  	[tilespmem:s29+$0x420] =	vst v42  }
0x6c1: {  	v7 =	vld.idx.msk [tilespmem:v43+s3+$0x0], $0xffff  }
0x6c2: {  	v59 =	vadd.s32 $0x200, v6;
	v45 =	vld.idx.msk [tilespmem:v4+s3+$0x0], $0xffff  }
0x6c3: {  	v14 =	vadd.s32 $0x100, v4;
	v57 =	vld.idx.msk [tilespmem:v3+s3+$0x0], $0xffff;
	[tilespmem:s7+$0x420] =	vst v44  }
0x6c4: {  	v58 =	vadd.s32 $0x100, v3;
	v8 =	vld.idx.msk [tilespmem:v53+s3+$0x0], $0xffff;
	_ =	sdelay $0x1  }
0x6c5: {  	[tilespmem:v1+s20+$0x20 ss:$0x1] =	vst.idx.msk $0xffff, v7  }
0x6c6: {  	[tilespmem:s28+$0x420] =	vst v45;
	v63 =	vld.idx.msk [tilespmem:v59+s3+$0x0], $0xffff  }
0x6c7: {  	v60 =	vadd.s32 $0x200, v2;
	v9 =	vld.idx.msk [tilespmem:v14+s3+$0x0], $0xffff;
	[tilespmem:s19+$0x420] =	vst v57  }
0x6c8: {  	v61 =	vadd.s32 $0x200, v4;
	v5 =	vld.idx.msk [tilespmem:v58+s3+$0x0], $0xffff;
	[tilespmem:v1+s9+$0x20 ss:$0x1] =	vst.idx.msk $0xffff, v8  }
0x6c9: {  	s20 =	sld [smem:$0x7D8]  }
0x6ca: {  	v62 =	vadd.s32 $0x200, v3  }
0x6cb: {  	v20 =	vadd.s32 $0x300, v6;
	[tilespmem:v1+s0+$0x20 ss:$0x1] =	vst.idx.msk $0xffff, v63  }
0x6cc: {  	v8 =	vld.idx.msk [tilespmem:v60+s3+$0x0], $0xffff;
	[tilespmem:v1+s20+$0x20 ss:$0x1] =	vst.idx.msk $0xffff, v9  }
0x6cd: {  	v21 =	vadd.s32 $0x300, v2;
	[tilespmem:v1+s8+$0x20 ss:$0x1] =	vst.idx.msk $0xffff, v5;
	v9 =	vld.idx.msk [tilespmem:v61+s3+$0x0], $0xffff  }
0x6ce: {  	v22 =	vadd.s32 $0x300, v4;
	s8 =	sld [smem:$0x7DA]  }
0x6cf: {  	v7 =	vld.idx.msk [tilespmem:v62+s3+$0x0], $0xffff  }
0x6d0: {  	v25 =	vadd.s32 $0x300, v3;
	v15 =	vld.idx.msk [tilespmem:v20+s3+$0x0], $0xffff  }
0x6d1: {  	v27 =	vadd.s32 $0x400, v6;
	[tilespmem:v1+s8+$0x20 ss:$0x1] =	vst.idx.msk $0xffff, v8  }
0x6d2: {  	v8 =	vld.idx.msk [tilespmem:v21+s3+$0x0], $0xffff;
	[tilespmem:v1+s10+$0x20 ss:$0x1] =	vst.idx.msk $0xffff, v9  }
0x6d3: {  	v5 =	vld.idx.msk [tilespmem:v22+s3+$0x0], $0xffff;
	[smem:$0x7DC] =	sst s21  }
0x6d4: {  	[tilespmem:v1+s21+$0x20 ss:$0x1] =	vst.idx.msk $0xffff, v7  }
0x6d5: {  	v28 =	vadd.s32 $0x400, v2;
	[tilespmem:v1+s13+$0x20 ss:$0x1] =	vst.idx.msk $0xffff, v15;
	v30 =	vld.idx.msk [tilespmem:v25+s3+$0x0], $0xffff  }
0x6d6: {  	v29 =	vadd.s32 $0x400, v4;
	v15 =	vld.idx.msk [tilespmem:v27+s3+$0x0], $0xffff  }
0x6d7: {  	v31 =	vadd.s32 $0x400, v3;
	[tilespmem:v1+s24+$0x20 ss:$0x1] =	vst.idx.msk $0xffff, v8  }
0x6d8: {  	v32 =	vadd.s32 $0x500, v6;
	[tilespmem:v1+s17+$0x20 ss:$0x1] =	vst.idx.msk $0xffff, v5  }
0x6d9: {  	[smem:$0x7DF] =	sst s17  }
0x6da: {  	v33 =	vld.idx.msk [tilespmem:v28+s3+$0x0], $0xffff;
	[tilespmem:v1+s26+$0x20 ss:$0x1] =	vst.idx.msk $0xffff, v30  }
0x6db: {  	v34 =	vadd.s32 $0x500, v2;
	v7 =	vld.idx.msk [tilespmem:v29+s3+$0x0], $0xffff;
	[tilespmem:v1+s18+$0x20 ss:$0x1] =	vst.idx.msk $0xffff, v15  }
0x6dc: {  	v35 =	vadd.s32 $0x500, v4;
	v10 =	vld.idx.msk [tilespmem:v31+s3+$0x0], $0xffff;
	[smem:$0x7E0] =	sst s18  }
0x6dd: {  	v36 =	vadd.s32 $0x500, v3;
	v15 =	vld.idx.msk [tilespmem:v32+s3+$0x0], $0xffff  }
0x6de: {  	v37 =	vadd.s32 $0x600, v6  }
0x6df: {  	[tilespmem:v1+s16+$0x20 ss:$0x1] =	vst.idx.msk $0xffff, v33  }
0x6e0: {  	v38 =	vadd.s32 $0x600, v26;
	[tilespmem:v1+s15+$0x20 ss:$0x1] =	vst.idx.msk $0xffff, v7;
	v39 =	vld.idx.msk [tilespmem:v34+s3+$0x0], $0xffff  }
0x6e1: {  	v41 =	vadd.s32 $0x600, v2;
	v40 =	vld.idx.msk [tilespmem:v35+s3+$0x0], $0xffff;
	[tilespmem:v1+s23+$0x20 ss:$0x1] =	vst.idx.msk $0xffff, v10  }
0x6e2: {  	v42 =	vadd.s32 $0x600, v4;
	v14 =	vld.idx.msk [tilespmem:v36+s3+$0x0], $0xffff;
	[tilespmem:v1+s5+$0x20 ss:$0x1] =	vst.idx.msk $0xffff, v15  }
0x6e3: {  	v17 =	vld.idx.msk [tilespmem:v37+s3+$0x0], $0xffff;
	_ =	sdelay $0x1  }
0x6e4: {  	v6 =	vadd.s32 $0x700, v6;
	v5 =	vld.idx.msk [tilespmem:v38+s3+$0x0], $0xffff;
	[tilespmem:v1+s30+$0x20 ss:$0x1] =	vst.idx.msk $0xffff, v39  }
0x6e5: {  	v43 =	vadd.s32 $0x600, v3;
	[tilespmem:v1+s1+$0x20 ss:$0x1] =	vst.idx.msk $0xffff, v40;
	v45 =	vld.idx.msk [tilespmem:v41+s3+$0x0], $0xffff  }
0x6e6: {  	v53 =	vld.idx.msk [tilespmem:v42+s3+$0x0], $0xffff;
	[tilespmem:v1+s22+$0x20 ss:$0x1] =	vst.idx.msk $0xffff, v14  }
0x6e7: {  	v44 =	vadd.s32 $0x700, v26;
	[tilespmem:v1+s4+$0x20 ss:$0x1] =	vst.idx.msk $0xffff, v17  }
0x6e8: {  	s0 =	rddreg [dreg:$0x10]  }
0x6e9: {  	v58 =	vld.idx.msk [tilespmem:v6+s3+$0x0], $0xffff;
	[tilespmem:v1+s0+$0x20 ss:$0x1] =	vst.idx.msk $0xffff, v5  }
0x6ea: {  	v57 =	vld.idx.msk [tilespmem:v43+s3+$0x0], $0xffff;
	[tilespmem:v1+s31+$0x20 ss:$0x1] =	vst.idx.msk $0xffff, v45  }
0x6eb: {  	v2 =	vadd.s32 $0x700, v2;
	s0 =	sadd.s32 $0x2C03, s11;
	[tilespmem:v1+s14+$0x20 ss:$0x1] =	vst.idx.msk $0xffff, v53  }
0x6ec: {  	v59 =	vor.u32 s0, v0;
	v7 =	vld.idx.msk [tilespmem:v44+s3+$0x0], $0xffff;
	s0 =	sld [smem:$0x7CC];
	_ =	sdelay $0x1  }
0x6ed: {  	v3 =	vadd.s32 $0x700, v3;
	s16 =	sld [smem:$0x7E4];
	[tilespmem:v1+s25+$0x20 ss:$0x1] =	vst.idx.msk $0xffff, v58  }
0x6ee: {  	v4 =	vadd.s32 $0x700, v4;
	[tilespmem:v1+s0+$0x20 ss:$0x1] =	vst.idx.msk $0xffff, v57  }
0x6ef: {  	s15 =	smov.u32 s4;
	v2 =	vld.idx.msk [tilespmem:v2+s3+$0x0], $0xffff;
	s4 =	rddreg [dreg:$0x1c]  }
0x6f0: {  	s2 =	simm.s32 $0x800;
	s26 =	smov.u32 s5;
	[tilespmem:v1+s4+$0x20 ss:$0x1] =	vst.idx.msk $0xffff, v7  }
0x6f1: {  	s5 =	smov.u32 s1;
	s1 =	sadd.s32 $0x2C03, s16;
	v5 =	vld.idx.msk [tilespmem:v59+s2+$0x0], $0xffff;
	s11 =	sld [smem:$0x7CD]  }
0x6f2: {  	v60 =	vor.u32 s1, v0;
	v3 =	vld.idx.msk [tilespmem:v3+s3+$0x0], $0xffff  }
0x6f3: {  	v4 =	vld.idx.msk [tilespmem:v4+s3+$0x0], $0xffff  }
0x6f4: {  	[tilespmem:v1+s11+$0x20 ss:$0x1] =	vst.idx.msk $0xffff, v2  }
0x6f5: {  	s9 =	smov.u32 s21;
	s21 =	sld [smem:$0x7CE]  }
0x6f6: {  	v6 =	vld.idx.msk [tilespmem:v54+s2+$0x0], $0xffff  }
0x6f7: {  	v2 =	vld.idx.msk [tilespmem:v60+s2+$0x0], $0xffff;
	[tilespmem:v1+s6+$0x20 ss:$0x1] =	vst.idx.msk $0xffff, v3  }
0x6f8: {  	v3 =	vld.idx.msk [tilespmem:v56+s2+$0x0], $0xffff;
	[tilespmem:v1+s21+$0x20 ss:$0x1] =	vst.idx.msk $0xffff, v4  }
0x6f9: {  	v4 =	vld.idx.msk [tilespmem:v55+s2+$0x0], $0xffff  }
0x6fa: {  	v61 =	vld.idx.msk [tilespmem:v5+s3+$0x0], $0xffff;
	_ =	sdelay $0x3  }
0x6fb: {  	v62 =	vld.idx.msk [tilespmem:v6+s3+$0x0], $0xffff  }
0x6fc: {  	[tilespmem:s29+$0x430] =	vst v61;
	v22 =	vld.idx.msk [tilespmem:v2+s3+$0x0], $0xffff  }
0x6fd: {  	v63 =	vadd.s32 $0x100, v5;
	s2 =	sld [smem:$0x7D5];
	v28 =	vld.idx.msk [tilespmem:v3+s3+$0x0], $0xffff  }
0x6fe: {  	v25 =	vld.idx.msk [tilespmem:v4+s3+$0x0], $0xffff  }
0x6ff: {  	v21 =	vadd.s32 $0x100, v6  }
0x700: {  	[tilespmem:s2+$0x430] =	vst v62  }
0x701: {  	[tilespmem:s7+$0x430] =	vst v22  }
0x702: {  	v30 =	vld.idx.msk [tilespmem:v63+s3+$0x0], $0xffff;
	v27 =	vadd.s32 $0x100, v4;
	[tilespmem:s19+$0x430] =	vst v28  }
0x703: {  	v26 =	vadd.s32 $0x100, v2;
	[tilespmem:s28+$0x430] =	vst v25  }
0x704: {  	v31 =	vld.idx.msk [tilespmem:v21+s3+$0x0], $0xffff;
	s2 =	sld [smem:$0x7D6];
	_ =	sdelay $0x2  }
0x705: {  	v29 =	vadd.s32 $0x100, v3;
	v35 =	vld.idx.msk [tilespmem:v27+s3+$0x0], $0xffff;
	[tilespmem:v1+s2+$0x30 ss:$0x1] =	vst.idx.msk $0xffff, v30  }
0x706: {  	v34 =	vld.idx.msk [tilespmem:v26+s3+$0x0], $0xffff;
	s2 =	rddreg [dreg:$0x1b]  }
0x707: {  	[tilespmem:v1+s2+$0x30 ss:$0x1] =	vst.idx.msk $0xffff, v31  }
0x708: {  	s2 =	sld [smem:$0x7D7]  }
0x709: {  	v32 =	vadd.s32 $0x200, v5  }
0x70a: {  	v36 =	vadd.s32 $0x200, v2;
	v7 =	vld.idx.msk [tilespmem:v29+s3+$0x0], $0xffff;
	[tilespmem:v1+s20+$0x30 ss:$0x1] =	vst.idx.msk $0xffff, v35  }
0x70b: {  	v37 =	vadd.s32 $0x200, v4;
	[tilespmem:v1+s2+$0x30 ss:$0x1] =	vst.idx.msk $0xffff, v34  }
0x70c: {  	v33 =	vadd.s32 $0x200, v6;
	s20 =	sld [smem:$0x7CF]  }
0x70d: {  	v38 =	vadd.s32 $0x200, v3  }
0x70e: {  	v39 =	vld.idx.msk [tilespmem:v32+s3+$0x0], $0xffff  }
0x70f: {  	v43 =	vld.idx.msk [tilespmem:v36+s3+$0x0], $0xffff;
	[tilespmem:v1+s20+$0x30 ss:$0x1] =	vst.idx.msk $0xffff, v7  }
0x710: {  	v44 =	vld.idx.msk [tilespmem:v37+s3+$0x0], $0xffff;
	s2 =	sld [smem:$0x7D9]  }
0x711: {  	v40 =	vld.idx.msk [tilespmem:v33+s3+$0x0], $0xffff  }
0x712: {  	v41 =	vadd.s32 $0x300, v5;
	v8 =	vld.idx.msk [tilespmem:v38+s3+$0x0], $0xffff  }
0x713: {  	v45 =	vadd.s32 $0x300, v2;
	[tilespmem:v1+s2+$0x30 ss:$0x1] =	vst.idx.msk $0xffff, v39  }
0x714: {  	v53 =	vadd.s32 $0x300, v4;
	s2 =	rddreg [dreg:$0x11];
	[tilespmem:v1+s8+$0x30 ss:$0x1] =	vst.idx.msk $0xffff, v43  }
0x715: {  	v42 =	vadd.s32 $0x300, v6;
	[tilespmem:v1+s10+$0x30 ss:$0x1] =	vst.idx.msk $0xffff, v44  }
0x716: {  	[tilespmem:v1+s2+$0x30 ss:$0x1] =	vst.idx.msk $0xffff, v40  }
0x717: {  	v56 =	vld.idx.msk [tilespmem:v41+s3+$0x0], $0xffff;
	[tilespmem:v1+s9+$0x30 ss:$0x1] =	vst.idx.msk $0xffff, v8  }
0x718: {  	v60 =	vld.idx.msk [tilespmem:v45+s3+$0x0], $0xffff;
	s2 =	sld [smem:$0x7D0]  }
0x719: {  	v54 =	vadd.s32 $0x300, v3;
	v7 =	vld.idx.msk [tilespmem:v53+s3+$0x0], $0xffff  }
0x71a: {  	v57 =	vld.idx.msk [tilespmem:v42+s3+$0x0], $0xffff  }
0x71b: {  	[tilespmem:v1+s2+$0x34 ss:$0x1] =	vst.idx.msk $0xffff, v23  }
0x71c: {  	v58 =	vadd.s32 $0x400, v5;
	[tilespmem:v1+s13+$0x30 ss:$0x1] =	vst.idx.msk $0xffff, v56  }
0x71d: {  	v55 =	vadd.s32 $0x200, v24;
	s2 =	rddreg [dreg:$0xc];
	[tilespmem:v1+s24+$0x30 ss:$0x1] =	vst.idx.msk $0xffff, v60  }
0x71e: {  	v9 =	vld.idx.msk [tilespmem:v54+s3+$0x0], $0xffff;
	[tilespmem:v1+s17+$0x30 ss:$0x1] =	vst.idx.msk $0xffff, v7  }
0x71f: {  	v59 =	vadd.s32 $0x400, v6;
	[tilespmem:v1+s2+$0x30 ss:$0x1] =	vst.idx.msk $0xffff, v57  }
0x720: {  	s17 =	sld [smem:$0x7D1]  }
0x721: {  	v26 =	vld.idx.msk [tilespmem:v58+s3+$0x0], $0xffff  }
0x722: {  	v19 =	vld.idx.msk [tilespmem:v55+s3+$0x0], $0xffff  }
0x723: {  	v61 =	vadd.s32 $0x400, v2;
	[tilespmem:v1+s17+$0x30 ss:$0x1] =	vst.idx.msk $0xffff, v9  }
0x724: {  	v27 =	vld.idx.msk [tilespmem:v59+s3+$0x0], $0xffff;
	s2 =	sld [smem:$0x7F3];
	_ =	sdelay $0x1  }
0x725: {  	v63 =	vadd.s32 $0x400, v3;
	[tilespmem:v1+s18+$0x30 ss:$0x1] =	vst.idx.msk $0xffff, v26  }
0x726: {  	v62 =	vadd.s32 $0x400, v4;
	[tilespmem:v1+s2+$0x34 ss:$0x1] =	vst.idx.msk $0xffff, v19  }
0x727: {  	v30 =	vld.idx.msk [tilespmem:v61+s3+$0x0], $0xffff;
	s18 =	rddreg [dreg:$0xd]  }
0x728: {  	[tilespmem:v1+s18+$0x30 ss:$0x1] =	vst.idx.msk $0xffff, v27  }
0x729: {  	v28 =	vadd.s32 $0x500, v5;
	s8 =	sld [smem:$0x7D2]  }
0x72a: {  	v25 =	vadd.s32 $0x300, v24;
	v10 =	vld.idx.msk [tilespmem:v63+s3+$0x0], $0xffff  }
0x72b: {  	v31 =	vadd.s32 $0x500, v2;
	v8 =	vld.idx.msk [tilespmem:v62+s3+$0x0], $0xffff  }
0x72c: {  	v33 =	vadd.s32 $0x500, v3;
	[tilespmem:v1+s8+$0x30 ss:$0x1] =	vst.idx.msk $0xffff, v30  }
0x72d: {  	v29 =	vadd.s32 $0x500, v6;
	s9 =	sld [smem:$0x7D3]  }
0x72e: {  	v32 =	vadd.s32 $0x500, v4;
	v35 =	vld.idx.msk [tilespmem:v28+s3+$0x0], $0xffff  }
0x72f: {  	v19 =	vld.idx.msk [tilespmem:v25+s3+$0x0], $0xffff;
	[tilespmem:v1+s23+$0x30 ss:$0x1] =	vst.idx.msk $0xffff, v10  }
0x730: {  	v39 =	vld.idx.msk [tilespmem:v31+s3+$0x0], $0xffff;
	[tilespmem:v1+s9+$0x30 ss:$0x1] =	vst.idx.msk $0xffff, v8  }
0x731: {  	v37 =	vadd.s32 $0x600, v5;
	v11 =	vld.idx.msk [tilespmem:v33+s3+$0x0], $0xffff;
	s2 =	sld [smem:$0x7F4]  }
0x732: {  	v34 =	vadd.s32 $0x400, v24;
	v36 =	vld.idx.msk [tilespmem:v29+s3+$0x0], $0xffff  }
0x733: {  	v9 =	vld.idx.msk [tilespmem:v32+s3+$0x0], $0xffff;
	[tilespmem:v1+s26+$0x30 ss:$0x1] =	vst.idx.msk $0xffff, v35  }
0x734: {  	v38 =	vadd.s32 $0x600, v6;
	[tilespmem:v1+s2+$0x34 ss:$0x1] =	vst.idx.msk $0xffff, v19  }
0x735: {  	s10 =	rddreg [dreg:$0xe];
	[tilespmem:v1+s30+$0x30 ss:$0x1] =	vst.idx.msk $0xffff, v39  }
0x736: {  	v44 =	vld.idx.msk [tilespmem:v37+s3+$0x0], $0xffff;
	[tilespmem:v1+s22+$0x30 ss:$0x1] =	vst.idx.msk $0xffff, v11  }
0x737: {  	v19 =	vld.idx.msk [tilespmem:v34+s3+$0x0], $0xffff;
	[tilespmem:v1+s10+$0x30 ss:$0x1] =	vst.idx.msk $0xffff, v36  }
0x738: {  	v40 =	vadd.s32 $0x600, v2;
	[tilespmem:v1+s5+$0x30 ss:$0x1] =	vst.idx.msk $0xffff, v9  }
0x739: {  	v41 =	vadd.s32 $0x600, v4;
	v7 =	vld.idx.msk [tilespmem:v38+s3+$0x0], $0xffff;
	s2 =	sld [smem:$0x7F6]  }
0x73a: {  	v42 =	vadd.s32 $0x600, v3  }
0x73b: {  	[tilespmem:v1+s15+$0x30 ss:$0x1] =	vst.idx.msk $0xffff, v44  }
0x73c: {  	v43 =	vadd.s32 $0x500, v24;
	[tilespmem:v1+s2+$0x34 ss:$0x1] =	vst.idx.msk $0xffff, v19  }
0x73d: {  	v5 =	vadd.s32 $0x700, v5;
	s26 =	smov.u32 s5;
	v8 =	vld.idx.msk [tilespmem:v40+s3+$0x0], $0xffff;
	s5 =	rddreg [dreg:$0x10]  }
0x73e: {  	v2 =	vadd.s32 $0x700, v2;
	v9 =	vld.idx.msk [tilespmem:v41+s3+$0x0], $0xffff;
	[tilespmem:v1+s5+$0x30 ss:$0x1] =	vst.idx.msk $0xffff, v7  }
0x73f: {  	v4 =	vadd.s32 $0x700, v4;
	v45 =	vld.idx.msk [tilespmem:v42+s3+$0x0], $0xffff;
	s2 =	sld [smem:$0x7D4]  }
0x740: {  	v3 =	vadd.s32 $0x700, v3  }
0x741: {  	v6 =	vadd.s32 $0x700, v6;
	v53 =	vld.idx.msk [tilespmem:v43+s3+$0x0], $0xffff  }
0x742: {  	v54 =	vadd.s32 $0x600, v24;
	v5 =	vld.idx.msk [tilespmem:v5+s3+$0x0], $0xffff;
	[tilespmem:v1+s31+$0x30 ss:$0x1] =	vst.idx.msk $0xffff, v8;
	s2 =	sadd.s32 $0x2D03, s2  }
0x743: {  	s13 =	sadd.s32 $0x2D03, s16;
	[tilespmem:v1+s14+$0x30 ss:$0x1] =	vst.idx.msk $0xffff, v9;
	v2 =	vld.idx.msk [tilespmem:v2+s3+$0x0], $0xffff;
	v55 =	vadd.s32 s2, v0  }
0x744: {  	v56 =	vadd.s32 s13, v0;
	[tilespmem:v1+s0+$0x30 ss:$0x1] =	vst.idx.msk $0xffff, v45;
	v4 =	vld.idx.msk [tilespmem:v4+s3+$0x0], $0xffff  }
0x745: {  	s24 =	smov.u32 s30;
	s30 =	smov.u32 s15;
	s15 =	rddreg [dreg:$0x17];
	v3 =	vld.idx.msk [tilespmem:v3+s3+$0x0], $0xffff  }
0x746: {  	v6 =	vld.idx.msk [tilespmem:v6+s3+$0x0], $0xffff;
	[tilespmem:v1+s15+$0x34 ss:$0x1] =	vst.idx.msk $0xffff, v53  }
0x747: {  	s1 =	simm.s32 $0x800;
	[tilespmem:v1+s25+$0x30 ss:$0x1] =	vst.idx.msk $0xffff, v5;
	v57 =	vld.idx.msk [tilespmem:v54+s3+$0x0], $0xffff  }
0x748: {  	[tilespmem:v1+s11+$0x30 ss:$0x1] =	vst.idx.msk $0xffff, v2;
	v5 =	vld.idx.msk [tilespmem:v55+s1+$0x0], $0xffff  }
0x749: {  	[tilespmem:v1+s21+$0x30 ss:$0x1] =	vst.idx.msk $0xffff, v4;
	v4 =	vld.idx.msk [tilespmem:v56+s1+$0x0], $0xffff  }
0x74a: {  	v2 =	vadd.s32 $0x700, v24;
	[tilespmem:v1+s6+$0x30 ss:$0x1] =	vst.idx.msk $0xffff, v3;
	v7 =	vld.idx.msk [tilespmem:v49+s1+$0x0], $0xffff  }
0x74b: {  	[tilespmem:v1+s4+$0x30 ss:$0x1] =	vst.idx.msk $0xffff, v6;
	v3 =	vld.idx.msk [tilespmem:v51+s1+$0x0], $0xffff  }
0x74c: {  	v6 =	vld.idx.msk [tilespmem:v48+s1+$0x0], $0xffff  }
0x74d: {  	s2 =	rddreg [dreg:$0x18]  }
0x74e: {  	[tilespmem:v1+s2+$0x34 ss:$0x1] =	vst.idx.msk $0xffff, v57  }
0x74f: {  	v2 =	vld.idx.msk [tilespmem:v2+s3+$0x0], $0xffff  }
0x750: {  	v58 =	vld.idx.msk [tilespmem:v5+s3+$0x0], $0xffff  }
0x751: {  	v62 =	vld.idx.msk [tilespmem:v4+s3+$0x0], $0xffff  }
0x752: {  	v63 =	vld.idx.msk [tilespmem:v7+s3+$0x0], $0xffff  }
0x753: {  	s2 =	rddreg [dreg:$0x19];
	v22 =	vld.idx.msk [tilespmem:v3+s3+$0x0], $0xffff  }
0x754: {  	v59 =	vld.idx.msk [tilespmem:v6+s3+$0x0], $0xffff;
	[tilespmem:v1+s2+$0x34 ss:$0x1] =	vst.idx.msk $0xffff, v2  }
0x755: {  	v60 =	vadd.s32 $0x100, v5;
	[tilespmem:s29+$0x434] =	vst v58  }
0x756: {  	v23 =	vld.idx.msk [tilespmem:v16+s3+$0x0], $0xffff;
	s29 =	sld [smem:$0x7D5];
	[tilespmem:s7+$0x434] =	vst v62  }
0x757: {  	v61 =	vadd.s32 $0x100, v6;
	[tilespmem:s28+$0x434] =	vst v63  }
0x758: {  	[tilespmem:s19+$0x434] =	vst v22  }
0x759: {  	[tilespmem:s29+$0x434] =	vst v59  }
0x75a: {  	v25 =	vld.idx.msk [tilespmem:v60+s3+$0x0], $0xffff;
	s2 =	rddreg [dreg:$0xf]  }
0x75b: {  	v21 =	vadd.s32 $0x100, v4;
	[tilespmem:v1+s2+$0x34 ss:$0x1] =	vst.idx.msk $0xffff, v23  }
0x75c: {  	s13 =	smov.u32 s0;
	v11 =	vld.idx.msk [tilespmem:v61+s3+$0x0], $0xffff;
	s0 =	sld [smem:$0x7D6];
	_ =	sdelay $0x1  }
0x75d: {  	v24 =	vadd.s32 $0x100, v3  }
0x75e: {  	v2 =	vadd.s32 $0x100, v7;
	[tilespmem:v1+s0+$0x34 ss:$0x1] =	vst.idx.msk $0xffff, v25  }
0x75f: {  	v28 =	vld.idx.msk [tilespmem:v21+s3+$0x0], $0xffff;
	s0 =	rddreg [dreg:$0x1b]  }
0x760: {  	[tilespmem:v1+s0+$0x34 ss:$0x1] =	vst.idx.msk $0xffff, v11  }
0x761: {  	s0 =	sld [smem:$0x7D7]  }
0x762: {  	v16 =	vld.idx.msk [tilespmem:v24+s3+$0x0], $0xffff  }
0x763: {  	v2 =	vld.idx.msk [tilespmem:v2+s3+$0x0], $0xffff  }
0x764: {  	v26 =	vadd.s32 $0x200, v5;
	[tilespmem:v1+s0+$0x34 ss:$0x1] =	vst.idx.msk $0xffff, v28  }
0x765: {  	v31 =	vld.idx.msk [tilespmem:v13+s3+$0x0], $0xffff;
	s0 =	sld [smem:$0x7D8]  }
0x766: {  	v27 =	vadd.s32 $0x200, v6  }
0x767: {  	[tilespmem:v1+s20+$0x34 ss:$0x1] =	vst.idx.msk $0xffff, v16  }
0x768: {  	[tilespmem:v1+s0+$0x34 ss:$0x1] =	vst.idx.msk $0xffff, v2  }
0x769: {  	v10 =	vld.idx.msk [tilespmem:v26+s3+$0x0], $0xffff;
	s2 =	rddreg [dreg:$0x7]  }
0x76a: {  	v29 =	vadd.s32 $0x200, v4;
	[tilespmem:v1+s2+$0x34 ss:$0x1] =	vst.idx.msk $0xffff, v31  }
0x76b: {  	v14 =	vld.idx.msk [tilespmem:v27+s3+$0x0], $0xffff;
	s0 =	sld [smem:$0x7D9];
	_ =	sdelay $0x2  }
0x76c: {  	v30 =	vadd.s32 $0x200, v7;
	[tilespmem:v1+s0+$0x34 ss:$0x1] =	vst.idx.msk $0xffff, v10  }
0x76d: {  	v15 =	vld.idx.msk [tilespmem:v29+s3+$0x0], $0xffff;
	s0 =	rddreg [dreg:$0x11]  }
0x76e: {  	[tilespmem:v1+s0+$0x34 ss:$0x1] =	vst.idx.msk $0xffff, v14  }
0x76f: {  	s0 =	sld [smem:$0x7DA]  }
0x770: {  	v32 =	vadd.s32 $0x200, v3  }
0x771: {  	v8 =	vld.idx.msk [tilespmem:v30+s3+$0x0], $0xffff  }
0x772: {  	[tilespmem:v1+s0+$0x34 ss:$0x1] =	vst.idx.msk $0xffff, v15  }
0x773: {  	s0 =	sld [smem:$0x7DB];
	_ =	sdelay $0x1  }
0x774: {  	v13 =	vld.idx.msk [tilespmem:v32+s3+$0x0], $0xffff  }
0x775: {  	v33 =	vadd.s32 $0x300, v5;
	[tilespmem:v1+s0+$0x34 ss:$0x1] =	vst.idx.msk $0xffff, v8  }
0x776: {  	v36 =	vld.idx.msk [tilespmem:v12+s3+$0x0], $0xffff;
	s0 =	sld [smem:$0x7DC]  }
0x777: {  	v2 =	vadd.s32 $0x300, v6;
	_ =	sdelay $0x1  }
0x778: {  	[tilespmem:v1+s0+$0x34 ss:$0x1] =	vst.idx.msk $0xffff, v13  }
0x779: {  	v11 =	vld.idx.msk [tilespmem:v33+s3+$0x0], $0xffff;
	s0 =	rddreg [dreg:$0xb]  }
0x77a: {  	v34 =	vadd.s32 $0x300, v4;
	[tilespmem:v1+s0+$0x34 ss:$0x1] =	vst.idx.msk $0xffff, v36  }
0x77b: {  	v2 =	vld.idx.msk [tilespmem:v2+s3+$0x0], $0xffff;
	s0 =	sld [smem:$0x7DD];
	_ =	sdelay $0x1  }
0x77c: {  	v37 =	vadd.s32 $0x300, v3  }
0x77d: {  	v35 =	vadd.s32 $0x300, v7;
	[tilespmem:v1+s0+$0x34 ss:$0x1] =	vst.idx.msk $0xffff, v11  }
0x77e: {  	v15 =	vld.idx.msk [tilespmem:v34+s3+$0x0], $0xffff;
	s0 =	rddreg [dreg:$0xc]  }
0x77f: {  	[tilespmem:v1+s0+$0x34 ss:$0x1] =	vst.idx.msk $0xffff, v2  }
0x780: {  	s0 =	sld [smem:$0x7DE]  }
0x781: {  	v12 =	vld.idx.msk [tilespmem:v37+s3+$0x0], $0xffff  }
0x782: {  	v39 =	vadd.s32 $0x400, v6;
	v9 =	vld.idx.msk [tilespmem:v35+s3+$0x0], $0xffff  }
0x783: {  	v38 =	vadd.s32 $0x400, v5;
	[tilespmem:v1+s0+$0x34 ss:$0x1] =	vst.idx.msk $0xffff, v15  }
0x784: {  	v40 =	vadd.s32 $0x400, v4;
	v42 =	vld.idx.msk [tilespmem:v52+s3+$0x0], $0xffff;
	s0 =	sld [smem:$0x7DF]  }
0x785: {  	v43 =	vadd.s32 $0x400, v3  }
0x786: {  	v41 =	vadd.s32 $0x400, v7;
	[tilespmem:v1+s17+$0x34 ss:$0x1] =	vst.idx.msk $0xffff, v12  }
0x787: {  	v8 =	vld.idx.msk [tilespmem:v39+s3+$0x0], $0xffff;
	[tilespmem:v1+s0+$0x34 ss:$0x1] =	vst.idx.msk $0xffff, v9  }
0x788: {  	v2 =	vld.idx.msk [tilespmem:v38+s3+$0x0], $0xffff;
	s0 =	rddreg [dreg:$0x8]  }
0x789: {  	v13 =	vld.idx.msk [tilespmem:v40+s3+$0x0], $0xffff;
	[tilespmem:v1+s0+$0x34 ss:$0x1] =	vst.idx.msk $0xffff, v42  }
0x78a: {  	v51 =	vld.idx.msk [tilespmem:v43+s3+$0x0], $0xffff;
	s0 =	sld [smem:$0x7E0]  }
0x78b: {  	v45 =	vadd.s32 $0x500, v6;
	v10 =	vld.idx.msk [tilespmem:v41+s3+$0x0], $0xffff  }
0x78c: {  	v44 =	vadd.s32 $0x500, v5;
	[tilespmem:v1+s18+$0x34 ss:$0x1] =	vst.idx.msk $0xffff, v8  }
0x78d: {  	v48 =	vadd.s32 $0x500, v4;
	[tilespmem:v1+s0+$0x34 ss:$0x1] =	vst.idx.msk $0xffff, v2;
	v2 =	vld.idx.msk [tilespmem:v50+s3+$0x0], $0xffff  }
0x78e: {  	v49 =	vadd.s32 $0x500, v7;
	[tilespmem:v1+s8+$0x34 ss:$0x1] =	vst.idx.msk $0xffff, v13  }
0x78f: {  	v52 =	vadd.s32 $0x500, v3;
	[tilespmem:v1+s23+$0x34 ss:$0x1] =	vst.idx.msk $0xffff, v51  }
0x790: {  	v9 =	vld.idx.msk [tilespmem:v45+s3+$0x0], $0xffff;
	[tilespmem:v1+s9+$0x34 ss:$0x1] =	vst.idx.msk $0xffff, v10  }
0x791: {  	v53 =	vld.idx.msk [tilespmem:v44+s3+$0x0], $0xffff;
	s0 =	rddreg [dreg:$0x9]  }
0x792: {  	v54 =	vadd.s32 $0x600, v5;
	v12 =	vld.idx.msk [tilespmem:v48+s3+$0x0], $0xffff;
	[tilespmem:v1+s0+$0x34 ss:$0x1] =	vst.idx.msk $0xffff, v2  }
0x793: {  	v55 =	vadd.s32 $0x600, v6;
	v11 =	vld.idx.msk [tilespmem:v49+s3+$0x0], $0xffff;
	s0 =	sld [smem:$0x7E1]  }
0x794: {  	v56 =	vadd.s32 $0x600, v4;
	v15 =	vld.idx.msk [tilespmem:v52+s3+$0x0], $0xffff  }
0x795: {  	v2 =	vadd.s32 $0x600, v7;
	[tilespmem:v1+s10+$0x34 ss:$0x1] =	vst.idx.msk $0xffff, v9  }
0x796: {  	v58 =	vadd.s32 $0x600, v3;
	v57 =	vld.idx.msk [tilespmem:v47+s3+$0x0], $0xffff;
	[tilespmem:v1+s0+$0x34 ss:$0x1] =	vst.idx.msk $0xffff, v53  }
0x797: {  	[tilespmem:v1+s24+$0x34 ss:$0x1] =	vst.idx.msk $0xffff, v12;
	v59 =	vld.idx.msk [tilespmem:v54+s3+$0x0], $0xffff  }
0x798: {  	v5 =	vadd.s32 $0x700, v5;
	[tilespmem:v1+s26+$0x34 ss:$0x1] =	vst.idx.msk $0xffff, v11;
	v10 =	vld.idx.msk [tilespmem:v55+s3+$0x0], $0xffff  }
0x799: {  	v6 =	vadd.s32 $0x700, v6;
	[tilespmem:v1+s22+$0x34 ss:$0x1] =	vst.idx.msk $0xffff, v15;
	v60 =	vld.idx.msk [tilespmem:v56+s3+$0x0], $0xffff  }
0x79a: {  	v4 =	vadd.s32 $0x700, v4;
	v2 =	vld.idx.msk [tilespmem:v2+s3+$0x0], $0xffff;
	s0 =	rddreg [dreg:$0xa]  }
0x79b: {  	v61 =	vld.idx.msk [tilespmem:v58+s3+$0x0], $0xffff;
	[tilespmem:v1+s0+$0x34 ss:$0x1] =	vst.idx.msk $0xffff, v57  }
0x79c: {  	v62 =	vld.idx.msk [tilespmem:v46+s3+$0x0], $0xffff;
	[tilespmem:v1+s30+$0x34 ss:$0x1] =	vst.idx.msk $0xffff, v59  }
0x79d: {  	[tilespmem:v1+s5+$0x34 ss:$0x1] =	vst.idx.msk $0xffff, v10;
	v5 =	vld.idx.msk [tilespmem:v5+s3+$0x0], $0xffff  }
0x79e: {  	[tilespmem:v1+s31+$0x34 ss:$0x1] =	vst.idx.msk $0xffff, v60;
	v6 =	vld.idx.msk [tilespmem:v6+s3+$0x0], $0xffff  }
0x79f: {  	v7 =	vadd.s32 $0x700, v7;
	[tilespmem:v1+s14+$0x34 ss:$0x1] =	vst.idx.msk $0xffff, v2;
	v2 =	vld.idx.msk [tilespmem:v4+s3+$0x0], $0xffff  }
0x7a0: {  	v3 =	vadd.s32 $0x700, v3;
	[tilespmem:v1+s13+$0x34 ss:$0x1] =	vst.idx.msk $0xffff, v61  }
0x7a1: {  	[tilespmem:v1+s12+$0x34 ss:$0x1] =	vst.idx.msk $0xffff, v62  }
0x7a2: {  	[tilespmem:v1+s25+$0x34 ss:$0x1] =	vst.idx.msk $0xffff, v5  }
0x7a3: {  	s0 =	sld [smem:$0x7E9];
	[tilespmem:v1+s4+$0x34 ss:$0x1] =	vst.idx.msk $0xffff, v6  }
0x7a4: {  	v63 =	vld.idx.msk [tilespmem:v7+s3+$0x0], $0xffff;
	s7 =	sld [smem:$0x7E6];
	[tilespmem:v1+s11+$0x34 ss:$0x1] =	vst.idx.msk $0xffff, v2  }
0x7a5: {  	s16 =	smov.u32 s6;
	v3 =	vld.idx.msk [tilespmem:v3+s3+$0x0], $0xffff;
	s6 =	sld [smem:$0x7E5]  }
0x7a6: {  	s5 =	sld [smem:$0x7FC]  }
0x7a7: {  	p1 =	sne.s32 s0, $0x0  }
0x7a8: {  	s0 =	sshll.u32 @!p1 s7, $0x13  }
0x7a9: {  	[tilespmem:v1+s21+$0x34 ss:$0x1] =	vst.idx.msk $0xffff, v63;
	s2 =	simm.s32 @!p1 $0x4000;
	s1 =	sshll.u32 @!p1 s6, $0x9;
	s0 =	sadd.s32 @!p1 s0, s5  }
0x7aa: {  	[tilespmem:v1+s16+$0x34 ss:$0x1] =	vst.idx.msk $0xffff, v3;
	s4 =	simm.s32 @!p1 $0x3900;
	s0 =	sadd.s32 @!p1 s1, s0;
	s1 =	simm.s32 @!p1 $0x1000  }
0x7ab: {  	[hbm4b:s0+s1] =	stream.strided.scatter @!p1 [tilespmem:s4], [sflag:$0x1], $0x8000, s2, s1, $0x38;
	[tilespmem:$0x13900] =	vst v63  }
0x7ac: {  	s30 =	sld [smem:$0x7E8];
	s0 =	sshll.u32 @p0 s7, $0x13  }
0x7ad: {  	s1 =	sshll.u32 @p0 s6, $0x9;
	s2 =	simm.s32 @p0 $0x4000;
	s0 =	sadd.s32 @p0 s0, s5  }
0x7ae: {  	s4 =	simm.s32 @p0 $0xB900;
	s0 =	sadd.s32 @p0 s1, s0;
	s1 =	simm.s32 @p0 $0x1000  }
0x7af: {  	[hbm4b:s0+s1] =	stream.strided.scatter @p0 [tilespmem:s4], [sflag:$0x2], $0x8000, s2, s1, $0x38;
	[tilespmem:$0x13900] =	vst v63  }
0x7b0: {  	s4 =	sadd.s32 $0x1, s30  }
0x7b1: {  	p0 =	sne.s32 s4, $0x10  }
.Ltmp1:
0x7b2: {  	_ = 	snop;
	(pc) =	sbr.rel @p0 .LBB2_2-.Ltmp1, $2  }
0x7b3: {  	s31 =	sld [smem:$0x7E7];
	_ =	sdelay $0x2  }
0x7b4: {  	s1 =	sadd.s32 $0x1, s31  }
0x7b5: {  	s0 =	simm.s32 $0x1  }
0x7b6: {  	_ =	swait.ge [sflag:s0], $0x8000  }
0x7b7: {  	[sflag:s0] =	ssyncset.done $0x0  }
0x7b8: {  	s1 =	simm.s32 $0x2;
	[sflag:s0] =	ssyncadd.s32 $0xFFFF8000  }
0x7b9: {  	_ =	swait.ge [sflag:s1], $0x8000  }
0x7ba: {  	s2 =	sld [smem:$0x7F9]  }
0x7bb: {  	s31 =	sld [smem:$0x7FD];
	_ =	sdelay $0x1  }
0x7bc: {  	s2 =	sadd.s32 $0x1, s2  }
0x7bd: {  	p0 =	sne.s32 s2, s31  }
.Ltmp2:
0x7be: {  	_ = 	snop;
	(pc) =	sbr.rel @p0 .LBB2_1-.Ltmp2, $3  }
0x7bf: {  	_ =	sdelay $0x1  }
0x7c0: {  	[sflag:s1] =	ssyncset.done $0x0  }
0x7c1: {  	[sflag:s1] =	ssyncadd.s32 $0xFFFF8000  }
0x7c2: {  	_ =	sfence.sel $0x180000  }
0x7c3: {  	[bflag:$0x0] =	sbarrier.arrive $0xFFFF  }
0x7c4: {  	_ =	strace $0x90000047  }
0x7c5: {  	s0 =	stileid.u32;
	[bflag:$0x2] =	sbarrier.arrive $0xFFFF  }
0x7c6: {  	p0 =	sne.s32 s0, $0x0;
	s0 =	rddreg [dreg:$0x2]  }
0x7c7: {  	s0 =	sadd.s32 @!p0 $0x100000, s0  }
0x7c8: {  	[sflag:s0] =	ssyncadd.tile.s32 @!p0 $0x1;
	_ =	shalt  }
.Lfunc_end2:
_tile_overlayer_lowered:
.L_overlay_start_2:
0x7c9: {  	(tag) =	ssettag $0x2  }
0x7ca: {  	s0 =	rddreg [dreg:$0x0];
	s2 =	stileid.u32  }
0x7cb: {  	s1 =	rddreg [dreg:$0x1];
	p0 =	sne.s32 s2, $0x0  }
0x7cc: {  	s3 =	rddreg [dreg:$0x2];
	[bflag:$0x3] =	sbarrier.arrive $0xFFFF;
	s2 =	simm.s32 @!p0 $0x1C03  }
0x7cd: {  	[timem:s3], [sflag:s2] =	dma.local @!p0 [hbm:s0], s1  }
0x7ce: {  	s0 =	simm.s32 @!p0 $0x3  }
0x7cf: {  	_ =	swait.ge @!p0 [sflag:s0], s1  }
0x7d0: {  	s1 =	ssub.s32 @!p0 $0x0, s1;
	[sflag:s0] =	ssyncset.done @!p0 $0x0  }
0x7d1: {  	[sflag:s0] =	ssyncadd.s32 @!p0 s1  }
0x7d2: {  	[bflag:$0x3] =	sbarrier.arrive $0xFFFF  }
0x7d3: {  	_ =	shalt  }

</sc_bundles>
